<compile_context>
chip_gen: v7x
topology: tpu7x:2x2x1
jax: 0.10.2.dev20260603
libtpu: 0.0.44.dev20260713+nightly
codegen_flags: <defaults>
</compile_context>

<pallas_src>
import jax
import jax.numpy as jnp
import numpy as np
from jax import lax
from jax.experimental import pallas as pl
from jax.experimental.pallas import tpu as pltpu
from jax.experimental.pallas import tpu_sc as plsc

NS = 18
NC = 6
NCORES = 2
NSUB = 16
NW = NCORES * NSUB
LANES = 16
ZCOLS = 24
WOH_LEN = 96
T1_OFF = 72
T2_OFF = 78
NPAIR = 36
PT_LEN = 256
GROWS = 112


_ROT = [np.array([13, 15, 26, 6], np.uint32), np.array([17, 29, 16, 24], np.uint32)]


def _tf2x32(k1, k2, x1, x2):
    k1 = np.uint32(k1)
    k2 = np.uint32(k2)
    ks = [k1, k2, np.uint32(k1 ^ k2 ^ np.uint32(0x1BD11BDA))]
    a = (x1 + ks[0]).astype(np.uint32)
    b = (x2 + ks[1]).astype(np.uint32)
    with np.errstate(over="ignore"):
        for i in range(5):
            for d in _ROT[i % 2]:
                a = (a + b).astype(np.uint32)
                b = (((b << d) | (b >> np.uint32(32 - d))).astype(np.uint32)) ^ a
            a = (a + ks[(i + 1) % 3]).astype(np.uint32)
            b = (b + ks[(i + 2) % 3] + np.uint32(i + 1)).astype(np.uint32)
    return a, b


def _gumbel_consts(batch):
    bpw = batch // NW
    out = []
    for op_i in range(2):
        ka, kb = _tf2x32(np.uint32(0), np.uint32(42), np.uint32(0), np.uint32(op_i))
        s1, s2 = _tf2x32(ka, kb, np.zeros(NS, np.uint32), np.arange(NS, dtype=np.uint32))
        gs = []
        n = batch * NC
        lo = np.arange(n, dtype=np.uint32)
        hi = np.zeros(n, np.uint32)
        tiny = np.float32(np.finfo(np.float32).tiny)
        for i in range(NS):
            b1, b2 = _tf2x32(s1[i], s2[i], hi, lo)
            bits = b1 ^ b2
            fb = (bits >> np.uint32(9)) | np.uint32(0x3F800000)
            f = fb.view(np.float32) - np.float32(1.0)
            u = np.maximum(tiny, f * (np.float32(1.0) - tiny) + tiny)
            gs.append((-np.log(-np.log(u))).reshape(batch, NC))
        g = np.stack(gs).reshape(NS, NW, bpw, NC).transpose(1, 0, 3, 2)
        g = g.reshape(NW, NS * NC, bpw)
        gp = np.zeros((NW, GROWS, bpw), np.float32)
        gp[:, :NS * NC, :] = g
        out.append(np.ascontiguousarray(gp.reshape(NW * GROWS, bpw)))
    return out


_G1, _G2 = _gumbel_consts(4096)




def _mm_body(x_ref, w1_ref, w2_ref, w_ref, b_ref, o_ref):
    d = x_ref.shape[1]
    wcat = jnp.concatenate(
        [
            w1_ref[...],
            w2_ref[...],
            w_ref[...][:, :d],
            jnp.zeros((NC, d), jnp.float32),
        ],
        axis=0,
    )
    o_ref[...] = (
        lax.dot_general(
            wcat, x_ref[...], (((1,), (1,)), ((), ())),
            preferred_element_type=jnp.float32,
        )
        + b_ref[...]
    )


def _tc_matmul(x, w1, w2, w, biascol):
    batch, d = x.shape
    bb = 1024
    return pl.pallas_call(
        _mm_body,
        grid=(batch // bb,),
        in_specs=[
            pl.BlockSpec((bb, d), lambda i: (i, 0)),
            pl.BlockSpec(w1.shape, lambda i: (0, 0)),
            pl.BlockSpec(w2.shape, lambda i: (0, 0)),
            pl.BlockSpec(w.shape, lambda i: (0, 0)),
            pl.BlockSpec((ZCOLS, 1), lambda i: (0, 0)),
        ],
        out_specs=pl.BlockSpec((ZCOLS, bb), lambda i: (0, i)),
        out_shape=jax.ShapeDtypeStruct((ZCOLS, batch), jnp.float32),
    )(x, w1, w2, w, biascol)




def _splat(v):
    return jnp.full((LANES,), v, jnp.int32)


def _sc_body(z_hbm, g1_hbm, g2_hbm, woh_hbm, out_hbm,
             zv, g1v, g2v, wohv, ptab, outv, z8v):
    bpw = outv.shape[0]
    vpw = bpw // LANES
    wid = lax.axis_index("s") * NCORES + lax.axis_index("c")
    base = wid * bpw

    pltpu.sync_copy(z_hbm.at[:, pl.ds(base, bpw)], zv)
    pltpu.sync_copy(g1_hbm.at[pl.ds(wid * GROWS, GROWS), :], g1v)
    pltpu.sync_copy(g2_hbm.at[pl.ds(wid * GROWS, GROWS), :], g2v)
    pltpu.sync_copy(woh_hbm, wohv)
    pltpu.sync_copy(z_hbm.at[:, pl.ds(0, LANES * 8)], z8v)

    lane = lax.iota(jnp.int32, LANES)

    rowt = jnp.minimum(lane, 7)
    for t_off, c_off in ((T1_OFF, 0), (T2_OFF, NC)):
        vk = [plsc.load_gather(z8v, [_splat(c_off + k), rowt]) for k in range(NC)]
        m = vk[0]
        for k in range(1, NC):
            m = jnp.maximum(m, vk[k])
        ek = [jnp.exp(v - m) for v in vk]
        ssum = ek[0]
        for k in range(1, NC):
            ssum = ssum + ek[k]
        plsc.store_scatter(wohv, [t_off + lane], ek[0] / ssum, mask=lane < NC)

    for c in range(3):
        pi = c * LANES + lane
        pmask = pi < NPAIR
        a1 = (pi * 43) >> 8
        a2 = pi - a1 * NC
        for k in range(NC):
            vu = (plsc.load_gather(wohv, [k * NC + a1])
                  + plsc.load_gather(wohv, [36 + k * NC + a2]))
            plsc.store_scatter(ptab, [k * NPAIR + pi], vu, mask=pmask)
        vp = (plsc.load_gather(wohv, [T1_OFF + a1])
              * plsc.load_gather(wohv, [T2_OFF + a2]))
        plsc.store_scatter(ptab, [NC * NPAIR + pi], vp, mask=pmask)

    def vbody(v, carry):
        bloc = v * LANES + lane
        zk = [plsc.load_gather(zv, [_splat(k), bloc]) for k in range(3 * NC)]
        z1, z2, zx = zk[0:NC], zk[NC:2 * NC], zk[2 * NC:3 * NC]

        acc = [jnp.zeros((LANES,), jnp.float32) for _ in range(NC)]
        accw = jnp.zeros((LANES,), jnp.float32)
        for s in range(NS):
            def sample(zo, gv):
                m = zo[0] + plsc.load_gather(gv, [_splat(s * NC), bloc])
                a = jnp.zeros((LANES,), jnp.int32)
                for k in range(1, NC):
                    uk = zo[k] + plsc.load_gather(gv, [_splat(s * NC + k), bloc])
                    upd = uk > m
                    a = jnp.where(upd, jnp.int32(k), a)
                    m = jnp.where(upd, uk, m)
                return a

            a1 = sample(z1, g1v)
            a2 = sample(z2, g2v)
            pbase = a1 * NC + a2

            eq = [
                jnp.exp(zx[k] + plsc.load_gather(ptab, [pbase + k * NPAIR]))
                for k in range(NC)
            ]
            qs = eq[0]
            for k in range(1, NC):
                qs = qs + eq[k]

            w = plsc.load_gather(ptab, [pbase + NC * NPAIR])
            r = w / qs
            acc = [acc[k] + r * eq[k] for k in range(NC)]
            accw = accw + w

        inv = 1.0 / accw
        for k in range(NC):
            plsc.store_scatter(outv, [bloc, _splat(k)], acc[k] * inv)
        return carry

    lax.fori_loop(0, vpw, vbody, 0)
    pltpu.sync_copy(outv, out_hbm.at[pl.ds(base, bpw), :])


def kernel(x, W_opp1, b_opp1, W_opp2, b_opp2, W, b):
    batch, d = x.shape
    bpw = batch // NW

    biascol = jnp.concatenate(
        [b_opp1, b_opp2, b, jnp.zeros((NC,), jnp.float32)]
    )[:, None]
    z = _tc_matmul(x, W_opp1, W_opp2, W, biascol)

    woh = jnp.concatenate([
        W[:, d:d + NC].reshape(36),
        W[:, d + NC:d + 2 * NC].reshape(36),
        jnp.zeros((WOH_LEN - 72,), jnp.float32),
    ])

    sc = pl.kernel(
        _sc_body,
        out_type=jax.ShapeDtypeStruct((batch, NC), jnp.float32),
        mesh=plsc.VectorSubcoreMesh(core_axis_name="c", subcore_axis_name="s"),
        compiler_params=pltpu.CompilerParams(needs_layout_passes=False),
        scratch_types=[
            pltpu.VMEM((ZCOLS, bpw), jnp.float32),
            pltpu.VMEM((GROWS, bpw), jnp.float32),
            pltpu.VMEM((GROWS, bpw), jnp.float32),
            pltpu.VMEM((WOH_LEN,), jnp.float32),
            pltpu.VMEM((PT_LEN,), jnp.float32),
            pltpu.VMEM((bpw, NC), jnp.float32),
            pltpu.VMEM((ZCOLS, LANES * 8), jnp.float32),
        ],
    )
    return sc(z, jnp.asarray(_G1), jnp.asarray(_G2), woh)

# --- scband reference (transcript-rebuilt; emitter-appended) ---
"""Pipeline reference for scband-agent-actor-17437567222553 (READ-ONLY COPY).

The authoritative reference and input builder live on the scoring server;
editing this copy changes nothing except your own understanding.
"""

import jax, jax.numpy as jnp
import numpy as np

NUM_SAMPLE = 18
B, D, O, OPP = 4096, 256, 6, 2


def setup_inputs(seed: int = 0) -> dict:
    key = jax.random.key(seed)
    ks = jax.random.split(key, 6)
    x = jax.random.normal(ks[0], (B, D), dtype=jnp.float32)
    W_opp1 = jax.random.normal(ks[1], (O, D), dtype=jnp.float32) * 0.01
    b_opp1 = jnp.zeros((O,), dtype=jnp.float32)
    W_opp2 = jax.random.normal(ks[2], (O, D), dtype=jnp.float32) * 0.01
    b_opp2 = jnp.zeros((O,), dtype=jnp.float32)
    W = jax.random.normal(ks[3], (O, D + OPP * 6), dtype=jnp.float32) * 0.01
    b = jnp.zeros((O,), dtype=jnp.float32)
    return {"x": x, "W_opp1": W_opp1, "b_opp1": b_opp1, "W_opp2": W_opp2, "b_opp2": b_opp2, "W": W, "b": b}


def _forward(x, W_opp1, b_opp1, W_opp2, b_opp2, W, b):
    n = x.shape[0]
    ns = NUM_SAMPLE
    opp_actions0 = []
    opp_probs0 = []
    for op_i, (Wo, bo) in enumerate([(W_opp1, b_opp1), (W_opp2, b_opp2)]):
        # OPP_Actor: linear + softmax
        dist = jax.nn.softmax(x @ Wo.T + bo, axis=-1)  # [B, 6]
        logits = jnp.log(dist)
        base = jax.random.fold_in(jax.random.key(42), op_i)
        keys = jax.random.split(base, ns)
        samples = jnp.stack([jax.random.categorical(keys[i], logits, axis=-1) for i in range(ns)], axis=0)  # [18, B]
        opp_actions = samples[:, :, None].astype(jnp.int64)  # [18, B, 1]
        # torch.gather(dist.repeat(ns,1).reshape(ns,B,6), dim=1, index=opp_actions)
        src = jnp.broadcast_to(dist[None, :, :], (ns, n, 6))
        prob = jnp.take_along_axis(src, opp_actions, axis=1)[..., :1]  # [18, B, 1]
        opp_actions0.append(samples.T)            # [B, 18]
        opp_probs0.append(prob[..., 0].T)         # [B, 18]
    probs1 = opp_probs0[0] * opp_probs0[1]                      # [B, 18]
    probs2 = probs1 / jnp.sum(probs1, axis=1)[:, None]          # [B, 18]
    probs3 = probs2.reshape(n, 1, ns)                           # [B, 1, 18]
    opp_actions2 = jnp.concatenate(opp_actions0, axis=1).reshape(n, 2, ns)  # [B, 2, 18]
    actions3 = jnp.swapaxes(opp_actions2, -1, -2)               # [B, 18, 2]
    opp_actions_num = jax.nn.one_hot(actions3, 6, dtype=x.dtype).reshape(n, ns, 12)
    x_rep = jnp.broadcast_to(x[:, None, :], (n, ns, x.shape[1]))  # x.repeat(1,ns).reshape(B,ns,D)
    a = jnp.concatenate([x_rep, opp_actions_num], axis=2)       # [B, 18, D+12]
    a = a @ W.T + b                                             # [B, 18, 6]
    agent_action_probs = jax.nn.softmax(a, axis=-1)
    actions_probs = jnp.matmul(probs3, agent_action_probs)[:, 0, :]  # [B, 6]
    return actions_probs


def reference(x, W_opp1, b_opp1, W_opp2, b_opp2, W, b):
    return _forward(x, W_opp1, b_opp1, W_opp2, b_opp2, W, b)

if __name__ == "__main__":
    import jax
    _d = setup_inputs()
    print(jax.jit(kernel)(*tuple(_d.values())))

</pallas_src>

<mosaic_0001>
#map = affine_map<(d0, d1) -> (0, 0)>
#map1 = affine_map<(d0, d1) -> (0)>
module attributes {stable_mosaic.version = 14 : i64} {
  func.func @_sc_body(%arg0: i32, %arg1: i32, %arg2: memref<24x4096xf32, #tpu.memory_space<hbm>>, %arg3: memref<3584x128xf32, #tpu.memory_space<hbm>>, %arg4: memref<3584x128xf32, #tpu.memory_space<hbm>>, %arg5: memref<96xf32, #tpu.memory_space<hbm>>, %arg6: memref<4096x6xf32, #tpu.memory_space<hbm>>, %arg7: memref<24x128xf32, #tpu.memory_space<vmem>>, %arg8: memref<112x128xf32, #tpu.memory_space<vmem>>, %arg9: memref<112x128xf32, #tpu.memory_space<vmem>>, %arg10: memref<96xf32, #tpu.memory_space<vmem>>, %arg11: memref<256xf32, #tpu.memory_space<vmem>>, %arg12: memref<128x6xf32, #tpu.memory_space<vmem>>, %arg13: memref<24x128xf32, #tpu.memory_space<vmem>>) attributes {dimension_semantics = [#tpu.dimension_semantics<core_parallel>, #tpu.dimension_semantics<subcore_parallel>], iteration_bounds = array<i64: 2, 16>, scalar_prefetch = 0 : i64, scratch_operands = 7 : i64, tpu.core_type = #tpu.core_type<sc_vector_subcore>, window_params = [{transform_indices = #map}, {transform_indices = #map}, {transform_indices = #map}, {transform_indices = #map1}, {transform_indices = #map}]} {
    %mul3A = arith.constant 2 : i32
    %mul3A_0 = arith.muli %arg1, %mul3A : i32
    %add3A = arith.addi %mul3A_0, %arg0 : i32
    %mul3A_1 = arith.constant 128 : i32
    %mul3A_2 = arith.muli %add3A, %mul3A_1 : i32
    "tpu.region"() ({
      %run_scoped3A = tpu.sem_alloc : memref<!tpu.dma_semaphore, #tpu.memory_space<semaphore_mem>>
      %dma_start3A = arith.constant 0 : i32
      %dma_start3A_400 = tpu.memref_slice %arg2[%dma_start3A, %mul3A_2] : memref<24x4096xf32, #tpu.memory_space<hbm>> -> memref<24x128xf32, #tpu.memory_space<hbm>>
      %dma_start3A_401 = arith.constant 0 : i32
      %dma_start3A_402 = tpu.memref_slice %arg2[%dma_start3A_401, %mul3A_2] : memref<24x4096xf32, #tpu.memory_space<hbm>> -> memref<24x128xf32, #tpu.memory_space<hbm>>
      tpu.enqueue_dma source(%dma_start3A_402 : memref<24x128xf32, #tpu.memory_space<hbm>>) target(%arg7 : memref<24x128xf32, #tpu.memory_space<vmem>>) target_semaphore(%run_scoped3A : memref<!tpu.dma_semaphore, #tpu.memory_space<semaphore_mem>>)
      %dma_wait3A = arith.constant 0 : i32
      %dma_wait3A_403 = tpu.memref_slice %arg2[%dma_wait3A, %mul3A_2] : memref<24x4096xf32, #tpu.memory_space<hbm>> -> memref<24x128xf32, #tpu.memory_space<hbm>>
      %dma_wait3A_404 = arith.constant 0 : i32
      %dma_wait3A_405 = tpu.memref_slice %arg2[%dma_wait3A_404, %mul3A_2] : memref<24x4096xf32, #tpu.memory_space<hbm>> -> memref<24x128xf32, #tpu.memory_space<hbm>>
      tpu.wait_dma2 semaphore(%run_scoped3A : memref<!tpu.dma_semaphore, #tpu.memory_space<semaphore_mem>>) src(%dma_wait3A_405 : memref<24x128xf32, #tpu.memory_space<hbm>>) dst(%arg7 : memref<24x128xf32, #tpu.memory_space<vmem>>)
      tpu.yield
    }) : () -> ()
    %mul3A_3 = arith.constant 112 : i32
    %mul3A_4 = arith.muli %add3A, %mul3A_3 : i32
    "tpu.region"() ({
      %run_scoped3A = tpu.sem_alloc : memref<!tpu.dma_semaphore, #tpu.memory_space<semaphore_mem>>
      %dma_start3A = arith.constant 0 : i32
      %dma_start3A_400 = tpu.memref_slice %arg3[%mul3A_4, %dma_start3A] : memref<3584x128xf32, #tpu.memory_space<hbm>> -> memref<112x128xf32, #tpu.memory_space<hbm>>
      %dma_start3A_401 = arith.constant 0 : i32
      %dma_start3A_402 = tpu.memref_slice %arg3[%mul3A_4, %dma_start3A_401] : memref<3584x128xf32, #tpu.memory_space<hbm>> -> memref<112x128xf32, #tpu.memory_space<hbm>>
      tpu.enqueue_dma source(%dma_start3A_402 : memref<112x128xf32, #tpu.memory_space<hbm>>) target(%arg8 : memref<112x128xf32, #tpu.memory_space<vmem>>) target_semaphore(%run_scoped3A : memref<!tpu.dma_semaphore, #tpu.memory_space<semaphore_mem>>)
      %dma_wait3A = arith.constant 0 : i32
      %dma_wait3A_403 = tpu.memref_slice %arg3[%mul3A_4, %dma_wait3A] : memref<3584x128xf32, #tpu.memory_space<hbm>> -> memref<112x128xf32, #tpu.memory_space<hbm>>
      %dma_wait3A_404 = arith.constant 0 : i32
      %dma_wait3A_405 = tpu.memref_slice %arg3[%mul3A_4, %dma_wait3A_404] : memref<3584x128xf32, #tpu.memory_space<hbm>> -> memref<112x128xf32, #tpu.memory_space<hbm>>
      tpu.wait_dma2 semaphore(%run_scoped3A : memref<!tpu.dma_semaphore, #tpu.memory_space<semaphore_mem>>) src(%dma_wait3A_405 : memref<112x128xf32, #tpu.memory_space<hbm>>) dst(%arg8 : memref<112x128xf32, #tpu.memory_space<vmem>>)
      tpu.yield
    }) : () -> ()
    %mul3A_5 = arith.constant 112 : i32
    %mul3A_6 = arith.muli %add3A, %mul3A_5 : i32
    "tpu.region"() ({
      %run_scoped3A = tpu.sem_alloc : memref<!tpu.dma_semaphore, #tpu.memory_space<semaphore_mem>>
      %dma_start3A = arith.constant 0 : i32
      %dma_start3A_400 = tpu.memref_slice %arg4[%mul3A_6, %dma_start3A] : memref<3584x128xf32, #tpu.memory_space<hbm>> -> memref<112x128xf32, #tpu.memory_space<hbm>>
      %dma_start3A_401 = arith.constant 0 : i32
      %dma_start3A_402 = tpu.memref_slice %arg4[%mul3A_6, %dma_start3A_401] : memref<3584x128xf32, #tpu.memory_space<hbm>> -> memref<112x128xf32, #tpu.memory_space<hbm>>
      tpu.enqueue_dma source(%dma_start3A_402 : memref<112x128xf32, #tpu.memory_space<hbm>>) target(%arg9 : memref<112x128xf32, #tpu.memory_space<vmem>>) target_semaphore(%run_scoped3A : memref<!tpu.dma_semaphore, #tpu.memory_space<semaphore_mem>>)
      %dma_wait3A = arith.constant 0 : i32
      %dma_wait3A_403 = tpu.memref_slice %arg4[%mul3A_6, %dma_wait3A] : memref<3584x128xf32, #tpu.memory_space<hbm>> -> memref<112x128xf32, #tpu.memory_space<hbm>>
      %dma_wait3A_404 = arith.constant 0 : i32
      %dma_wait3A_405 = tpu.memref_slice %arg4[%mul3A_6, %dma_wait3A_404] : memref<3584x128xf32, #tpu.memory_space<hbm>> -> memref<112x128xf32, #tpu.memory_space<hbm>>
      tpu.wait_dma2 semaphore(%run_scoped3A : memref<!tpu.dma_semaphore, #tpu.memory_space<semaphore_mem>>) src(%dma_wait3A_405 : memref<112x128xf32, #tpu.memory_space<hbm>>) dst(%arg9 : memref<112x128xf32, #tpu.memory_space<vmem>>)
      tpu.yield
    }) : () -> ()
    "tpu.region"() ({
      %run_scoped3A = tpu.sem_alloc : memref<!tpu.dma_semaphore, #tpu.memory_space<semaphore_mem>>
      tpu.enqueue_dma source(%arg5 : memref<96xf32, #tpu.memory_space<hbm>>) target(%arg10 : memref<96xf32, #tpu.memory_space<vmem>>) target_semaphore(%run_scoped3A : memref<!tpu.dma_semaphore, #tpu.memory_space<semaphore_mem>>)
      tpu.wait_dma2 semaphore(%run_scoped3A : memref<!tpu.dma_semaphore, #tpu.memory_space<semaphore_mem>>) src(%arg5 : memref<96xf32, #tpu.memory_space<hbm>>) dst(%arg10 : memref<96xf32, #tpu.memory_space<vmem>>)
      tpu.yield
    }) : () -> ()
    "tpu.region"() ({
      %run_scoped3A = tpu.sem_alloc : memref<!tpu.dma_semaphore, #tpu.memory_space<semaphore_mem>>
      %dma_start3A = arith.constant 0 : i32
      %dma_start3A_400 = arith.constant 0 : i32
      %dma_start3A_401 = tpu.memref_slice %arg2[%dma_start3A, %dma_start3A_400] : memref<24x4096xf32, #tpu.memory_space<hbm>> -> memref<24x128xf32, #tpu.memory_space<hbm>>
      %dma_start3A_402 = arith.constant 0 : i32
      %dma_start3A_403 = arith.constant 0 : i32
      %dma_start3A_404 = tpu.memref_slice %arg2[%dma_start3A_402, %dma_start3A_403] : memref<24x4096xf32, #tpu.memory_space<hbm>> -> memref<24x128xf32, #tpu.memory_space<hbm>>
      tpu.enqueue_dma source(%dma_start3A_404 : memref<24x128xf32, #tpu.memory_space<hbm>>) target(%arg13 : memref<24x128xf32, #tpu.memory_space<vmem>>) target_semaphore(%run_scoped3A : memref<!tpu.dma_semaphore, #tpu.memory_space<semaphore_mem>>)
      %dma_wait3A = arith.constant 0 : i32
      %dma_wait3A_405 = arith.constant 0 : i32
      %dma_wait3A_406 = tpu.memref_slice %arg2[%dma_wait3A, %dma_wait3A_405] : memref<24x4096xf32, #tpu.memory_space<hbm>> -> memref<24x128xf32, #tpu.memory_space<hbm>>
      %dma_wait3A_407 = arith.constant 0 : i32
      %dma_wait3A_408 = arith.constant 0 : i32
      %dma_wait3A_409 = tpu.memref_slice %arg2[%dma_wait3A_407, %dma_wait3A_408] : memref<24x4096xf32, #tpu.memory_space<hbm>> -> memref<24x128xf32, #tpu.memory_space<hbm>>
      tpu.wait_dma2 semaphore(%run_scoped3A : memref<!tpu.dma_semaphore, #tpu.memory_space<semaphore_mem>>) src(%dma_wait3A_409 : memref<24x128xf32, #tpu.memory_space<hbm>>) dst(%arg13 : memref<24x128xf32, #tpu.memory_space<vmem>>)
      tpu.yield
    }) : () -> ()
    %iota3A = tpu.iota {dimensions = array<i32: 0>} : vector<16xi32>
    %min3A = arith.constant 7 : i32
    %min3A_7 = vector.broadcast %min3A : i32 to vector<16xi32>
    %min3A_8 = arith.minsi %iota3A, %min3A_7 : vector<16xi32>
    %broadcast_in_dim3A = arith.constant 0 : i32
    %broadcast_in_dim3A_9 = vector.broadcast %broadcast_in_dim3A : i32 to vector<16xi32>
    %gather3A = tpu.vector_load_idx %arg13[%broadcast_in_dim3A_9, %min3A_8] : memref<24x128xf32, #tpu.memory_space<vmem>>[vector<16xi32>, vector<16xi32>], vector<16xf32>,
    %broadcast_in_dim3A_10 = arith.constant 1 : i32
    %broadcast_in_dim3A_11 = vector.broadcast %broadcast_in_dim3A_10 : i32 to vector<16xi32>
    %gather3A_12 = tpu.vector_load_idx %arg13[%broadcast_in_dim3A_11, %min3A_8] : memref<24x128xf32, #tpu.memory_space<vmem>>[vector<16xi32>, vector<16xi32>], vector<16xf32>,
    %broadcast_in_dim3A_13 = arith.constant 2 : i32
    %broadcast_in_dim3A_14 = vector.broadcast %broadcast_in_dim3A_13 : i32 to vector<16xi32>
    %gather3A_15 = tpu.vector_load_idx %arg13[%broadcast_in_dim3A_14, %min3A_8] : memref<24x128xf32, #tpu.memory_space<vmem>>[vector<16xi32>, vector<16xi32>], vector<16xf32>,
    %broadcast_in_dim3A_16 = arith.constant 3 : i32
    %broadcast_in_dim3A_17 = vector.broadcast %broadcast_in_dim3A_16 : i32 to vector<16xi32>
    %gather3A_18 = tpu.vector_load_idx %arg13[%broadcast_in_dim3A_17, %min3A_8] : memref<24x128xf32, #tpu.memory_space<vmem>>[vector<16xi32>, vector<16xi32>], vector<16xf32>,
    %broadcast_in_dim3A_19 = arith.constant 4 : i32
    %broadcast_in_dim3A_20 = vector.broadcast %broadcast_in_dim3A_19 : i32 to vector<16xi32>
    %gather3A_21 = tpu.vector_load_idx %arg13[%broadcast_in_dim3A_20, %min3A_8] : memref<24x128xf32, #tpu.memory_space<vmem>>[vector<16xi32>, vector<16xi32>], vector<16xf32>,
    %broadcast_in_dim3A_22 = arith.constant 5 : i32
    %broadcast_in_dim3A_23 = vector.broadcast %broadcast_in_dim3A_22 : i32 to vector<16xi32>
    %gather3A_24 = tpu.vector_load_idx %arg13[%broadcast_in_dim3A_23, %min3A_8] : memref<24x128xf32, #tpu.memory_space<vmem>>[vector<16xi32>, vector<16xi32>], vector<16xf32>,
    %max3A = arith.maximumf %gather3A, %gather3A_12 : vector<16xf32>
    %max3A_25 = arith.maximumf %max3A, %gather3A_15 : vector<16xf32>
    %max3A_26 = arith.maximumf %max3A_25, %gather3A_18 : vector<16xf32>
    %max3A_27 = arith.maximumf %max3A_26, %gather3A_21 : vector<16xf32>
    %max3A_28 = arith.maximumf %max3A_27, %gather3A_24 : vector<16xf32>
    %sub3A = arith.subf %gather3A, %max3A_28 : vector<16xf32>
    %exp3A = math.exp %sub3A : vector<16xf32>
    %sub3A_29 = arith.subf %gather3A_12, %max3A_28 : vector<16xf32>
    %exp3A_30 = math.exp %sub3A_29 : vector<16xf32>
    %sub3A_31 = arith.subf %gather3A_15, %max3A_28 : vector<16xf32>
    %exp3A_32 = math.exp %sub3A_31 : vector<16xf32>
    %sub3A_33 = arith.subf %gather3A_18, %max3A_28 : vector<16xf32>
    %exp3A_34 = math.exp %sub3A_33 : vector<16xf32>
    %sub3A_35 = arith.subf %gather3A_21, %max3A_28 : vector<16xf32>
    %exp3A_36 = math.exp %sub3A_35 : vector<16xf32>
    %sub3A_37 = arith.subf %gather3A_24, %max3A_28 : vector<16xf32>
    %exp3A_38 = math.exp %sub3A_37 : vector<16xf32>
    %add3A_39 = arith.addf %exp3A, %exp3A_30 : vector<16xf32>
    %add3A_40 = arith.addf %add3A_39, %exp3A_32 : vector<16xf32>
    %add3A_41 = arith.addf %add3A_40, %exp3A_34 : vector<16xf32>
    %add3A_42 = arith.addf %add3A_41, %exp3A_36 : vector<16xf32>
    %add3A_43 = arith.addf %add3A_42, %exp3A_38 : vector<16xf32>
    %add3A_44 = arith.constant 72 : i32
    %add3A_45 = vector.broadcast %add3A_44 : i32 to vector<16xi32>
    %add3A_46 = arith.addi %add3A_45, %iota3A : vector<16xi32>
    %div3A = arith.divf %exp3A, %add3A_43 : vector<16xf32>
    %lt3A = arith.constant 6 : i32
    %lt3A_47 = vector.broadcast %lt3A : i32 to vector<16xi32>
    %lt3A_48 = arith.cmpi slt, %iota3A, %lt3A_47 : vector<16xi32>
    tpu.vector_store_idx %arg10[%add3A_46], %div3A masked %lt3A_48 : memref<96xf32, #tpu.memory_space<vmem>>[vector<16xi32>], vector<16xf32>, vector<16xi1>
    %broadcast_in_dim3A_49 = arith.constant 6 : i32
    %broadcast_in_dim3A_50 = vector.broadcast %broadcast_in_dim3A_49 : i32 to vector<16xi32>
    %gather3A_51 = tpu.vector_load_idx %arg13[%broadcast_in_dim3A_50, %min3A_8] : memref<24x128xf32, #tpu.memory_space<vmem>>[vector<16xi32>, vector<16xi32>], vector<16xf32>,
    %broadcast_in_dim3A_52 = arith.constant 7 : i32
    %broadcast_in_dim3A_53 = vector.broadcast %broadcast_in_dim3A_52 : i32 to vector<16xi32>
    %gather3A_54 = tpu.vector_load_idx %arg13[%broadcast_in_dim3A_53, %min3A_8] : memref<24x128xf32, #tpu.memory_space<vmem>>[vector<16xi32>, vector<16xi32>], vector<16xf32>,
    %broadcast_in_dim3A_55 = arith.constant 8 : i32
    %broadcast_in_dim3A_56 = vector.broadcast %broadcast_in_dim3A_55 : i32 to vector<16xi32>
    %gather3A_57 = tpu.vector_load_idx %arg13[%broadcast_in_dim3A_56, %min3A_8] : memref<24x128xf32, #tpu.memory_space<vmem>>[vector<16xi32>, vector<16xi32>], vector<16xf32>,
    %broadcast_in_dim3A_58 = arith.constant 9 : i32
    %broadcast_in_dim3A_59 = vector.broadcast %broadcast_in_dim3A_58 : i32 to vector<16xi32>
    %gather3A_60 = tpu.vector_load_idx %arg13[%broadcast_in_dim3A_59, %min3A_8] : memref<24x128xf32, #tpu.memory_space<vmem>>[vector<16xi32>, vector<16xi32>], vector<16xf32>,
    %broadcast_in_dim3A_61 = arith.constant 10 : i32
    %broadcast_in_dim3A_62 = vector.broadcast %broadcast_in_dim3A_61 : i32 to vector<16xi32>
    %gather3A_63 = tpu.vector_load_idx %arg13[%broadcast_in_dim3A_62, %min3A_8] : memref<24x128xf32, #tpu.memory_space<vmem>>[vector<16xi32>, vector<16xi32>], vector<16xf32>,
    %broadcast_in_dim3A_64 = arith.constant 11 : i32
    %broadcast_in_dim3A_65 = vector.broadcast %broadcast_in_dim3A_64 : i32 to vector<16xi32>
    %gather3A_66 = tpu.vector_load_idx %arg13[%broadcast_in_dim3A_65, %min3A_8] : memref<24x128xf32, #tpu.memory_space<vmem>>[vector<16xi32>, vector<16xi32>], vector<16xf32>,
    %max3A_67 = arith.maximumf %gather3A_51, %gather3A_54 : vector<16xf32>
    %max3A_68 = arith.maximumf %max3A_67, %gather3A_57 : vector<16xf32>
    %max3A_69 = arith.maximumf %max3A_68, %gather3A_60 : vector<16xf32>
    %max3A_70 = arith.maximumf %max3A_69, %gather3A_63 : vector<16xf32>
    %max3A_71 = arith.maximumf %max3A_70, %gather3A_66 : vector<16xf32>
    %sub3A_72 = arith.subf %gather3A_51, %max3A_71 : vector<16xf32>
    %exp3A_73 = math.exp %sub3A_72 : vector<16xf32>
    %sub3A_74 = arith.subf %gather3A_54, %max3A_71 : vector<16xf32>
    %exp3A_75 = math.exp %sub3A_74 : vector<16xf32>
    %sub3A_76 = arith.subf %gather3A_57, %max3A_71 : vector<16xf32>
    %exp3A_77 = math.exp %sub3A_76 : vector<16xf32>
    %sub3A_78 = arith.subf %gather3A_60, %max3A_71 : vector<16xf32>
    %exp3A_79 = math.exp %sub3A_78 : vector<16xf32>
    %sub3A_80 = arith.subf %gather3A_63, %max3A_71 : vector<16xf32>
    %exp3A_81 = math.exp %sub3A_80 : vector<16xf32>
    %sub3A_82 = arith.subf %gather3A_66, %max3A_71 : vector<16xf32>
    %exp3A_83 = math.exp %sub3A_82 : vector<16xf32>
    %add3A_84 = arith.addf %exp3A_73, %exp3A_75 : vector<16xf32>
    %add3A_85 = arith.addf %add3A_84, %exp3A_77 : vector<16xf32>
    %add3A_86 = arith.addf %add3A_85, %exp3A_79 : vector<16xf32>
    %add3A_87 = arith.addf %add3A_86, %exp3A_81 : vector<16xf32>
    %add3A_88 = arith.addf %add3A_87, %exp3A_83 : vector<16xf32>
    %add3A_89 = arith.constant 78 : i32
    %add3A_90 = vector.broadcast %add3A_89 : i32 to vector<16xi32>
    %add3A_91 = arith.addi %add3A_90, %iota3A : vector<16xi32>
    %div3A_92 = arith.divf %exp3A_73, %add3A_88 : vector<16xf32>
    %lt3A_93 = arith.constant 6 : i32
    %lt3A_94 = vector.broadcast %lt3A_93 : i32 to vector<16xi32>
    %lt3A_95 = arith.cmpi slt, %iota3A, %lt3A_94 : vector<16xi32>
    tpu.vector_store_idx %arg10[%add3A_91], %div3A_92 masked %lt3A_95 : memref<96xf32, #tpu.memory_space<vmem>>[vector<16xi32>], vector<16xf32>, vector<16xi1>
    %add3A_96 = arith.constant 0 : i32
    %add3A_97 = vector.broadcast %add3A_96 : i32 to vector<16xi32>
    %add3A_98 = arith.addi %add3A_97, %iota3A : vector<16xi32>
    %lt3A_99 = arith.constant 36 : i32
    %lt3A_100 = vector.broadcast %lt3A_99 : i32 to vector<16xi32>
    %lt3A_101 = arith.cmpi slt, %add3A_98, %lt3A_100 : vector<16xi32>
    %mul3A_102 = arith.constant 43 : i32
    %mul3A_103 = vector.broadcast %mul3A_102 : i32 to vector<16xi32>
    %mul3A_104 = arith.muli %add3A_98, %mul3A_103 : vector<16xi32>
    %shift_right_arithmetic3A = arith.constant 8 : i32
    %shift_right_arithmetic3A_105 = vector.broadcast %shift_right_arithmetic3A : i32 to vector<16xi32>
    %shift_right_arithmetic3A_106 = arith.shrsi %mul3A_104, %shift_right_arithmetic3A_105 : vector<16xi32>
    %mul3A_107 = arith.constant 6 : i32
    %mul3A_108 = vector.broadcast %mul3A_107 : i32 to vector<16xi32>
    %mul3A_109 = arith.muli %shift_right_arithmetic3A_106, %mul3A_108 : vector<16xi32>
    %sub3A_110 = arith.subi %add3A_98, %mul3A_109 : vector<16xi32>
    %add3A_111 = arith.constant 0 : i32
    %add3A_112 = vector.broadcast %add3A_111 : i32 to vector<16xi32>
    %add3A_113 = arith.addi %add3A_112, %shift_right_arithmetic3A_106 : vector<16xi32>
    %gather3A_114 = tpu.vector_load_idx %arg10[%add3A_113] : memref<96xf32, #tpu.memory_space<vmem>>[vector<16xi32>], vector<16xf32>,
    %add3A_115 = arith.constant 36 : i32
    %add3A_116 = vector.broadcast %add3A_115 : i32 to vector<16xi32>
    %add3A_117 = arith.addi %add3A_116, %sub3A_110 : vector<16xi32>
    %gather3A_118 = tpu.vector_load_idx %arg10[%add3A_117] : memref<96xf32, #tpu.memory_space<vmem>>[vector<16xi32>], vector<16xf32>,
    %add3A_119 = arith.addf %gather3A_114, %gather3A_118 : vector<16xf32>
    %add3A_120 = arith.constant 0 : i32
    %add3A_121 = vector.broadcast %add3A_120 : i32 to vector<16xi32>
    %add3A_122 = arith.addi %add3A_121, %add3A_98 : vector<16xi32>
    tpu.vector_store_idx %arg11[%add3A_122], %add3A_119 masked %lt3A_101 : memref<256xf32, #tpu.memory_space<vmem>>[vector<16xi32>], vector<16xf32>, vector<16xi1>
    %add3A_123 = arith.constant 6 : i32
    %add3A_124 = vector.broadcast %add3A_123 : i32 to vector<16xi32>
    %add3A_125 = arith.addi %add3A_124, %shift_right_arithmetic3A_106 : vector<16xi32>
    %gather3A_126 = tpu.vector_load_idx %arg10[%add3A_125] : memref<96xf32, #tpu.memory_space<vmem>>[vector<16xi32>], vector<16xf32>,
    %add3A_127 = arith.constant 42 : i32
    %add3A_128 = vector.broadcast %add3A_127 : i32 to vector<16xi32>
    %add3A_129 = arith.addi %add3A_128, %sub3A_110 : vector<16xi32>
    %gather3A_130 = tpu.vector_load_idx %arg10[%add3A_129] : memref<96xf32, #tpu.memory_space<vmem>>[vector<16xi32>], vector<16xf32>,
    %add3A_131 = arith.addf %gather3A_126, %gather3A_130 : vector<16xf32>
    %add3A_132 = arith.constant 36 : i32
    %add3A_133 = vector.broadcast %add3A_132 : i32 to vector<16xi32>
    %add3A_134 = arith.addi %add3A_133, %add3A_98 : vector<16xi32>
    tpu.vector_store_idx %arg11[%add3A_134], %add3A_131 masked %lt3A_101 : memref<256xf32, #tpu.memory_space<vmem>>[vector<16xi32>], vector<16xf32>, vector<16xi1>
    %add3A_135 = arith.constant 12 : i32
    %add3A_136 = vector.broadcast %add3A_135 : i32 to vector<16xi32>
    %add3A_137 = arith.addi %add3A_136, %shift_right_arithmetic3A_106 : vector<16xi32>
    %gather3A_138 = tpu.vector_load_idx %arg10[%add3A_137] : memref<96xf32, #tpu.memory_space<vmem>>[vector<16xi32>], vector<16xf32>,
    %add3A_139 = arith.constant 48 : i32
    %add3A_140 = vector.broadcast %add3A_139 : i32 to vector<16xi32>
    %add3A_141 = arith.addi %add3A_140, %sub3A_110 : vector<16xi32>
    %gather3A_142 = tpu.vector_load_idx %arg10[%add3A_141] : memref<96xf32, #tpu.memory_space<vmem>>[vector<16xi32>], vector<16xf32>,
    %add3A_143 = arith.addf %gather3A_138, %gather3A_142 : vector<16xf32>
    %add3A_144 = arith.constant 72 : i32
    %add3A_145 = vector.broadcast %add3A_144 : i32 to vector<16xi32>
    %add3A_146 = arith.addi %add3A_145, %add3A_98 : vector<16xi32>
    tpu.vector_store_idx %arg11[%add3A_146], %add3A_143 masked %lt3A_101 : memref<256xf32, #tpu.memory_space<vmem>>[vector<16xi32>], vector<16xf32>, vector<16xi1>
    %add3A_147 = arith.constant 18 : i32
    %add3A_148 = vector.broadcast %add3A_147 : i32 to vector<16xi32>
    %add3A_149 = arith.addi %add3A_148, %shift_right_arithmetic3A_106 : vector<16xi32>
    %gather3A_150 = tpu.vector_load_idx %arg10[%add3A_149] : memref<96xf32, #tpu.memory_space<vmem>>[vector<16xi32>], vector<16xf32>,
    %add3A_151 = arith.constant 54 : i32
    %add3A_152 = vector.broadcast %add3A_151 : i32 to vector<16xi32>
    %add3A_153 = arith.addi %add3A_152, %sub3A_110 : vector<16xi32>
    %gather3A_154 = tpu.vector_load_idx %arg10[%add3A_153] : memref<96xf32, #tpu.memory_space<vmem>>[vector<16xi32>], vector<16xf32>,
    %add3A_155 = arith.addf %gather3A_150, %gather3A_154 : vector<16xf32>
    %add3A_156 = arith.constant 108 : i32
    %add3A_157 = vector.broadcast %add3A_156 : i32 to vector<16xi32>
    %add3A_158 = arith.addi %add3A_157, %add3A_98 : vector<16xi32>
    tpu.vector_store_idx %arg11[%add3A_158], %add3A_155 masked %lt3A_101 : memref<256xf32, #tpu.memory_space<vmem>>[vector<16xi32>], vector<16xf32>, vector<16xi1>
    %add3A_159 = arith.constant 24 : i32
    %add3A_160 = vector.broadcast %add3A_159 : i32 to vector<16xi32>
    %add3A_161 = arith.addi %add3A_160, %shift_right_arithmetic3A_106 : vector<16xi32>
    %gather3A_162 = tpu.vector_load_idx %arg10[%add3A_161] : memref<96xf32, #tpu.memory_space<vmem>>[vector<16xi32>], vector<16xf32>,
    %add3A_163 = arith.constant 60 : i32
    %add3A_164 = vector.broadcast %add3A_163 : i32 to vector<16xi32>
    %add3A_165 = arith.addi %add3A_164, %sub3A_110 : vector<16xi32>
    %gather3A_166 = tpu.vector_load_idx %arg10[%add3A_165] : memref<96xf32, #tpu.memory_space<vmem>>[vector<16xi32>], vector<16xf32>,
    %add3A_167 = arith.addf %gather3A_162, %gather3A_166 : vector<16xf32>
    %add3A_168 = arith.constant 144 : i32
    %add3A_169 = vector.broadcast %add3A_168 : i32 to vector<16xi32>
    %add3A_170 = arith.addi %add3A_169, %add3A_98 : vector<16xi32>
    tpu.vector_store_idx %arg11[%add3A_170], %add3A_167 masked %lt3A_101 : memref<256xf32, #tpu.memory_space<vmem>>[vector<16xi32>], vector<16xf32>, vector<16xi1>
    %add3A_171 = arith.constant 30 : i32
    %add3A_172 = vector.broadcast %add3A_171 : i32 to vector<16xi32>
    %add3A_173 = arith.addi %add3A_172, %shift_right_arithmetic3A_106 : vector<16xi32>
    %gather3A_174 = tpu.vector_load_idx %arg10[%add3A_173] : memref<96xf32, #tpu.memory_space<vmem>>[vector<16xi32>], vector<16xf32>,
    %add3A_175 = arith.constant 66 : i32
    %add3A_176 = vector.broadcast %add3A_175 : i32 to vector<16xi32>
    %add3A_177 = arith.addi %add3A_176, %sub3A_110 : vector<16xi32>
    %gather3A_178 = tpu.vector_load_idx %arg10[%add3A_177] : memref<96xf32, #tpu.memory_space<vmem>>[vector<16xi32>], vector<16xf32>,
    %add3A_179 = arith.addf %gather3A_174, %gather3A_178 : vector<16xf32>
    %add3A_180 = arith.constant 180 : i32
    %add3A_181 = vector.broadcast %add3A_180 : i32 to vector<16xi32>
    %add3A_182 = arith.addi %add3A_181, %add3A_98 : vector<16xi32>
    tpu.vector_store_idx %arg11[%add3A_182], %add3A_179 masked %lt3A_101 : memref<256xf32, #tpu.memory_space<vmem>>[vector<16xi32>], vector<16xf32>, vector<16xi1>
    %add3A_183 = arith.constant 72 : i32
    %add3A_184 = vector.broadcast %add3A_183 : i32 to vector<16xi32>
    %add3A_185 = arith.addi %add3A_184, %shift_right_arithmetic3A_106 : vector<16xi32>
    %gather3A_186 = tpu.vector_load_idx %arg10[%add3A_185] : memref<96xf32, #tpu.memory_space<vmem>>[vector<16xi32>], vector<16xf32>,
    %add3A_187 = arith.constant 78 : i32
    %add3A_188 = vector.broadcast %add3A_187 : i32 to vector<16xi32>
    %add3A_189 = arith.addi %add3A_188, %sub3A_110 : vector<16xi32>
    %gather3A_190 = tpu.vector_load_idx %arg10[%add3A_189] : memref<96xf32, #tpu.memory_space<vmem>>[vector<16xi32>], vector<16xf32>,
    %mul3A_191 = arith.mulf %gather3A_186, %gather3A_190 : vector<16xf32>
    %add3A_192 = arith.constant 216 : i32
    %add3A_193 = vector.broadcast %add3A_192 : i32 to vector<16xi32>
    %add3A_194 = arith.addi %add3A_193, %add3A_98 : vector<16xi32>
    tpu.vector_store_idx %arg11[%add3A_194], %mul3A_191 masked %lt3A_101 : memref<256xf32, #tpu.memory_space<vmem>>[vector<16xi32>], vector<16xf32>, vector<16xi1>
    %add3A_195 = arith.constant 16 : i32
    %add3A_196 = vector.broadcast %add3A_195 : i32 to vector<16xi32>
    %add3A_197 = arith.addi %add3A_196, %iota3A : vector<16xi32>
    %lt3A_198 = arith.constant 36 : i32
    %lt3A_199 = vector.broadcast %lt3A_198 : i32 to vector<16xi32>
    %lt3A_200 = arith.cmpi slt, %add3A_197, %lt3A_199 : vector<16xi32>
    %mul3A_201 = arith.constant 43 : i32
    %mul3A_202 = vector.broadcast %mul3A_201 : i32 to vector<16xi32>
    %mul3A_203 = arith.muli %add3A_197, %mul3A_202 : vector<16xi32>
    %shift_right_arithmetic3A_204 = arith.constant 8 : i32
    %shift_right_arithmetic3A_205 = vector.broadcast %shift_right_arithmetic3A_204 : i32 to vector<16xi32>
    %shift_right_arithmetic3A_206 = arith.shrsi %mul3A_203, %shift_right_arithmetic3A_205 : vector<16xi32>
    %mul3A_207 = arith.constant 6 : i32
    %mul3A_208 = vector.broadcast %mul3A_207 : i32 to vector<16xi32>
    %mul3A_209 = arith.muli %shift_right_arithmetic3A_206, %mul3A_208 : vector<16xi32>
    %sub3A_210 = arith.subi %add3A_197, %mul3A_209 : vector<16xi32>
    %add3A_211 = arith.constant 0 : i32
    %add3A_212 = vector.broadcast %add3A_211 : i32 to vector<16xi32>
    %add3A_213 = arith.addi %add3A_212, %shift_right_arithmetic3A_206 : vector<16xi32>
    %gather3A_214 = tpu.vector_load_idx %arg10[%add3A_213] : memref<96xf32, #tpu.memory_space<vmem>>[vector<16xi32>], vector<16xf32>,
    %add3A_215 = arith.constant 36 : i32
    %add3A_216 = vector.broadcast %add3A_215 : i32 to vector<16xi32>
    %add3A_217 = arith.addi %add3A_216, %sub3A_210 : vector<16xi32>
    %gather3A_218 = tpu.vector_load_idx %arg10[%add3A_217] : memref<96xf32, #tpu.memory_space<vmem>>[vector<16xi32>], vector<16xf32>,
    %add3A_219 = arith.addf %gather3A_214, %gather3A_218 : vector<16xf32>
    %add3A_220 = arith.constant 0 : i32
    %add3A_221 = vector.broadcast %add3A_220 : i32 to vector<16xi32>
    %add3A_222 = arith.addi %add3A_221, %add3A_197 : vector<16xi32>
    tpu.vector_store_idx %arg11[%add3A_222], %add3A_219 masked %lt3A_200 : memref<256xf32, #tpu.memory_space<vmem>>[vector<16xi32>], vector<16xf32>, vector<16xi1>
    %add3A_223 = arith.constant 6 : i32
    %add3A_224 = vector.broadcast %add3A_223 : i32 to vector<16xi32>
    %add3A_225 = arith.addi %add3A_224, %shift_right_arithmetic3A_206 : vector<16xi32>
    %gather3A_226 = tpu.vector_load_idx %arg10[%add3A_225] : memref<96xf32, #tpu.memory_space<vmem>>[vector<16xi32>], vector<16xf32>,
    %add3A_227 = arith.constant 42 : i32
    %add3A_228 = vector.broadcast %add3A_227 : i32 to vector<16xi32>
    %add3A_229 = arith.addi %add3A_228, %sub3A_210 : vector<16xi32>
    %gather3A_230 = tpu.vector_load_idx %arg10[%add3A_229] : memref<96xf32, #tpu.memory_space<vmem>>[vector<16xi32>], vector<16xf32>,
    %add3A_231 = arith.addf %gather3A_226, %gather3A_230 : vector<16xf32>
    %add3A_232 = arith.constant 36 : i32
    %add3A_233 = vector.broadcast %add3A_232 : i32 to vector<16xi32>
    %add3A_234 = arith.addi %add3A_233, %add3A_197 : vector<16xi32>
    tpu.vector_store_idx %arg11[%add3A_234], %add3A_231 masked %lt3A_200 : memref<256xf32, #tpu.memory_space<vmem>>[vector<16xi32>], vector<16xf32>, vector<16xi1>
    %add3A_235 = arith.constant 12 : i32
    %add3A_236 = vector.broadcast %add3A_235 : i32 to vector<16xi32>
    %add3A_237 = arith.addi %add3A_236, %shift_right_arithmetic3A_206 : vector<16xi32>
    %gather3A_238 = tpu.vector_load_idx %arg10[%add3A_237] : memref<96xf32, #tpu.memory_space<vmem>>[vector<16xi32>], vector<16xf32>,
    %add3A_239 = arith.constant 48 : i32
    %add3A_240 = vector.broadcast %add3A_239 : i32 to vector<16xi32>
    %add3A_241 = arith.addi %add3A_240, %sub3A_210 : vector<16xi32>
    %gather3A_242 = tpu.vector_load_idx %arg10[%add3A_241] : memref<96xf32, #tpu.memory_space<vmem>>[vector<16xi32>], vector<16xf32>,
    %add3A_243 = arith.addf %gather3A_238, %gather3A_242 : vector<16xf32>
    %add3A_244 = arith.constant 72 : i32
    %add3A_245 = vector.broadcast %add3A_244 : i32 to vector<16xi32>
    %add3A_246 = arith.addi %add3A_245, %add3A_197 : vector<16xi32>
    tpu.vector_store_idx %arg11[%add3A_246], %add3A_243 masked %lt3A_200 : memref<256xf32, #tpu.memory_space<vmem>>[vector<16xi32>], vector<16xf32>, vector<16xi1>
    %add3A_247 = arith.constant 18 : i32
    %add3A_248 = vector.broadcast %add3A_247 : i32 to vector<16xi32>
    %add3A_249 = arith.addi %add3A_248, %shift_right_arithmetic3A_206 : vector<16xi32>
    %gather3A_250 = tpu.vector_load_idx %arg10[%add3A_249] : memref<96xf32, #tpu.memory_space<vmem>>[vector<16xi32>], vector<16xf32>,
    %add3A_251 = arith.constant 54 : i32
    %add3A_252 = vector.broadcast %add3A_251 : i32 to vector<16xi32>
    %add3A_253 = arith.addi %add3A_252, %sub3A_210 : vector<16xi32>
    %gather3A_254 = tpu.vector_load_idx %arg10[%add3A_253] : memref<96xf32, #tpu.memory_space<vmem>>[vector<16xi32>], vector<16xf32>,
    %add3A_255 = arith.addf %gather3A_250, %gather3A_254 : vector<16xf32>
    %add3A_256 = arith.constant 108 : i32
    %add3A_257 = vector.broadcast %add3A_256 : i32 to vector<16xi32>
    %add3A_258 = arith.addi %add3A_257, %add3A_197 : vector<16xi32>
    tpu.vector_store_idx %arg11[%add3A_258], %add3A_255 masked %lt3A_200 : memref<256xf32, #tpu.memory_space<vmem>>[vector<16xi32>], vector<16xf32>, vector<16xi1>
    %add3A_259 = arith.constant 24 : i32
    %add3A_260 = vector.broadcast %add3A_259 : i32 to vector<16xi32>
    %add3A_261 = arith.addi %add3A_260, %shift_right_arithmetic3A_206 : vector<16xi32>
    %gather3A_262 = tpu.vector_load_idx %arg10[%add3A_261] : memref<96xf32, #tpu.memory_space<vmem>>[vector<16xi32>], vector<16xf32>,
    %add3A_263 = arith.constant 60 : i32
    %add3A_264 = vector.broadcast %add3A_263 : i32 to vector<16xi32>
    %add3A_265 = arith.addi %add3A_264, %sub3A_210 : vector<16xi32>
    %gather3A_266 = tpu.vector_load_idx %arg10[%add3A_265] : memref<96xf32, #tpu.memory_space<vmem>>[vector<16xi32>], vector<16xf32>,
    %add3A_267 = arith.addf %gather3A_262, %gather3A_266 : vector<16xf32>
    %add3A_268 = arith.constant 144 : i32
    %add3A_269 = vector.broadcast %add3A_268 : i32 to vector<16xi32>
    %add3A_270 = arith.addi %add3A_269, %add3A_197 : vector<16xi32>
    tpu.vector_store_idx %arg11[%add3A_270], %add3A_267 masked %lt3A_200 : memref<256xf32, #tpu.memory_space<vmem>>[vector<16xi32>], vector<16xf32>, vector<16xi1>
    %add3A_271 = arith.constant 30 : i32
    %add3A_272 = vector.broadcast %add3A_271 : i32 to vector<16xi32>
    %add3A_273 = arith.addi %add3A_272, %shift_right_arithmetic3A_206 : vector<16xi32>
    %gather3A_274 = tpu.vector_load_idx %arg10[%add3A_273] : memref<96xf32, #tpu.memory_space<vmem>>[vector<16xi32>], vector<16xf32>,
    %add3A_275 = arith.constant 66 : i32
    %add3A_276 = vector.broadcast %add3A_275 : i32 to vector<16xi32>
    %add3A_277 = arith.addi %add3A_276, %sub3A_210 : vector<16xi32>
    %gather3A_278 = tpu.vector_load_idx %arg10[%add3A_277] : memref<96xf32, #tpu.memory_space<vmem>>[vector<16xi32>], vector<16xf32>,
    %add3A_279 = arith.addf %gather3A_274, %gather3A_278 : vector<16xf32>
    %add3A_280 = arith.constant 180 : i32
    %add3A_281 = vector.broadcast %add3A_280 : i32 to vector<16xi32>
    %add3A_282 = arith.addi %add3A_281, %add3A_197 : vector<16xi32>
    tpu.vector_store_idx %arg11[%add3A_282], %add3A_279 masked %lt3A_200 : memref<256xf32, #tpu.memory_space<vmem>>[vector<16xi32>], vector<16xf32>, vector<16xi1>
    %add3A_283 = arith.constant 72 : i32
    %add3A_284 = vector.broadcast %add3A_283 : i32 to vector<16xi32>
    %add3A_285 = arith.addi %add3A_284, %shift_right_arithmetic3A_206 : vector<16xi32>
    %gather3A_286 = tpu.vector_load_idx %arg10[%add3A_285] : memref<96xf32, #tpu.memory_space<vmem>>[vector<16xi32>], vector<16xf32>,
    %add3A_287 = arith.constant 78 : i32
    %add3A_288 = vector.broadcast %add3A_287 : i32 to vector<16xi32>
    %add3A_289 = arith.addi %add3A_288, %sub3A_210 : vector<16xi32>
    %gather3A_290 = tpu.vector_load_idx %arg10[%add3A_289] : memref<96xf32, #tpu.memory_space<vmem>>[vector<16xi32>], vector<16xf32>,
    %mul3A_291 = arith.mulf %gather3A_286, %gather3A_290 : vector<16xf32>
    %add3A_292 = arith.constant 216 : i32
    %add3A_293 = vector.broadcast %add3A_292 : i32 to vector<16xi32>
    %add3A_294 = arith.addi %add3A_293, %add3A_197 : vector<16xi32>
    tpu.vector_store_idx %arg11[%add3A_294], %mul3A_291 masked %lt3A_200 : memref<256xf32, #tpu.memory_space<vmem>>[vector<16xi32>], vector<16xf32>, vector<16xi1>
    %add3A_295 = arith.constant 32 : i32
    %add3A_296 = vector.broadcast %add3A_295 : i32 to vector<16xi32>
    %add3A_297 = arith.addi %add3A_296, %iota3A : vector<16xi32>
    %lt3A_298 = arith.constant 36 : i32
    %lt3A_299 = vector.broadcast %lt3A_298 : i32 to vector<16xi32>
    %lt3A_300 = arith.cmpi slt, %add3A_297, %lt3A_299 : vector<16xi32>
    %mul3A_301 = arith.constant 43 : i32
    %mul3A_302 = vector.broadcast %mul3A_301 : i32 to vector<16xi32>
    %mul3A_303 = arith.muli %add3A_297, %mul3A_302 : vector<16xi32>
    %shift_right_arithmetic3A_304 = arith.constant 8 : i32
    %shift_right_arithmetic3A_305 = vector.broadcast %shift_right_arithmetic3A_304 : i32 to vector<16xi32>
    %shift_right_arithmetic3A_306 = arith.shrsi %mul3A_303, %shift_right_arithmetic3A_305 : vector<16xi32>
    %mul3A_307 = arith.constant 6 : i32
    %mul3A_308 = vector.broadcast %mul3A_307 : i32 to vector<16xi32>
    %mul3A_309 = arith.muli %shift_right_arithmetic3A_306, %mul3A_308 : vector<16xi32>
    %sub3A_310 = arith.subi %add3A_297, %mul3A_309 : vector<16xi32>
    %add3A_311 = arith.constant 0 : i32
    %add3A_312 = vector.broadcast %add3A_311 : i32 to vector<16xi32>
    %add3A_313 = arith.addi %add3A_312, %shift_right_arithmetic3A_306 : vector<16xi32>
    %gather3A_314 = tpu.vector_load_idx %arg10[%add3A_313] : memref<96xf32, #tpu.memory_space<vmem>>[vector<16xi32>], vector<16xf32>,
    %add3A_315 = arith.constant 36 : i32
    %add3A_316 = vector.broadcast %add3A_315 : i32 to vector<16xi32>
    %add3A_317 = arith.addi %add3A_316, %sub3A_310 : vector<16xi32>
    %gather3A_318 = tpu.vector_load_idx %arg10[%add3A_317] : memref<96xf32, #tpu.memory_space<vmem>>[vector<16xi32>], vector<16xf32>,
    %add3A_319 = arith.addf %gather3A_314, %gather3A_318 : vector<16xf32>
    %add3A_320 = arith.constant 0 : i32
    %add3A_321 = vector.broadcast %add3A_320 : i32 to vector<16xi32>
    %add3A_322 = arith.addi %add3A_321, %add3A_297 : vector<16xi32>
    tpu.vector_store_idx %arg11[%add3A_322], %add3A_319 masked %lt3A_300 : memref<256xf32, #tpu.memory_space<vmem>>[vector<16xi32>], vector<16xf32>, vector<16xi1>
    %add3A_323 = arith.constant 6 : i32
    %add3A_324 = vector.broadcast %add3A_323 : i32 to vector<16xi32>
    %add3A_325 = arith.addi %add3A_324, %shift_right_arithmetic3A_306 : vector<16xi32>
    %gather3A_326 = tpu.vector_load_idx %arg10[%add3A_325] : memref<96xf32, #tpu.memory_space<vmem>>[vector<16xi32>], vector<16xf32>,
    %add3A_327 = arith.constant 42 : i32
    %add3A_328 = vector.broadcast %add3A_327 : i32 to vector<16xi32>
    %add3A_329 = arith.addi %add3A_328, %sub3A_310 : vector<16xi32>
    %gather3A_330 = tpu.vector_load_idx %arg10[%add3A_329] : memref<96xf32, #tpu.memory_space<vmem>>[vector<16xi32>], vector<16xf32>,
    %add3A_331 = arith.addf %gather3A_326, %gather3A_330 : vector<16xf32>
    %add3A_332 = arith.constant 36 : i32
    %add3A_333 = vector.broadcast %add3A_332 : i32 to vector<16xi32>
    %add3A_334 = arith.addi %add3A_333, %add3A_297 : vector<16xi32>
    tpu.vector_store_idx %arg11[%add3A_334], %add3A_331 masked %lt3A_300 : memref<256xf32, #tpu.memory_space<vmem>>[vector<16xi32>], vector<16xf32>, vector<16xi1>
    %add3A_335 = arith.constant 12 : i32
    %add3A_336 = vector.broadcast %add3A_335 : i32 to vector<16xi32>
    %add3A_337 = arith.addi %add3A_336, %shift_right_arithmetic3A_306 : vector<16xi32>
    %gather3A_338 = tpu.vector_load_idx %arg10[%add3A_337] : memref<96xf32, #tpu.memory_space<vmem>>[vector<16xi32>], vector<16xf32>,
    %add3A_339 = arith.constant 48 : i32
    %add3A_340 = vector.broadcast %add3A_339 : i32 to vector<16xi32>
    %add3A_341 = arith.addi %add3A_340, %sub3A_310 : vector<16xi32>
    %gather3A_342 = tpu.vector_load_idx %arg10[%add3A_341] : memref<96xf32, #tpu.memory_space<vmem>>[vector<16xi32>], vector<16xf32>,
    %add3A_343 = arith.addf %gather3A_338, %gather3A_342 : vector<16xf32>
    %add3A_344 = arith.constant 72 : i32
    %add3A_345 = vector.broadcast %add3A_344 : i32 to vector<16xi32>
    %add3A_346 = arith.addi %add3A_345, %add3A_297 : vector<16xi32>
    tpu.vector_store_idx %arg11[%add3A_346], %add3A_343 masked %lt3A_300 : memref<256xf32, #tpu.memory_space<vmem>>[vector<16xi32>], vector<16xf32>, vector<16xi1>
    %add3A_347 = arith.constant 18 : i32
    %add3A_348 = vector.broadcast %add3A_347 : i32 to vector<16xi32>
    %add3A_349 = arith.addi %add3A_348, %shift_right_arithmetic3A_306 : vector<16xi32>
    %gather3A_350 = tpu.vector_load_idx %arg10[%add3A_349] : memref<96xf32, #tpu.memory_space<vmem>>[vector<16xi32>], vector<16xf32>,
    %add3A_351 = arith.constant 54 : i32
    %add3A_352 = vector.broadcast %add3A_351 : i32 to vector<16xi32>
    %add3A_353 = arith.addi %add3A_352, %sub3A_310 : vector<16xi32>
    %gather3A_354 = tpu.vector_load_idx %arg10[%add3A_353] : memref<96xf32, #tpu.memory_space<vmem>>[vector<16xi32>], vector<16xf32>,
    %add3A_355 = arith.addf %gather3A_350, %gather3A_354 : vector<16xf32>
    %add3A_356 = arith.constant 108 : i32
    %add3A_357 = vector.broadcast %add3A_356 : i32 to vector<16xi32>
    %add3A_358 = arith.addi %add3A_357, %add3A_297 : vector<16xi32>
    tpu.vector_store_idx %arg11[%add3A_358], %add3A_355 masked %lt3A_300 : memref<256xf32, #tpu.memory_space<vmem>>[vector<16xi32>], vector<16xf32>, vector<16xi1>
    %add3A_359 = arith.constant 24 : i32
    %add3A_360 = vector.broadcast %add3A_359 : i32 to vector<16xi32>
    %add3A_361 = arith.addi %add3A_360, %shift_right_arithmetic3A_306 : vector<16xi32>
    %gather3A_362 = tpu.vector_load_idx %arg10[%add3A_361] : memref<96xf32, #tpu.memory_space<vmem>>[vector<16xi32>], vector<16xf32>,
    %add3A_363 = arith.constant 60 : i32
    %add3A_364 = vector.broadcast %add3A_363 : i32 to vector<16xi32>
    %add3A_365 = arith.addi %add3A_364, %sub3A_310 : vector<16xi32>
    %gather3A_366 = tpu.vector_load_idx %arg10[%add3A_365] : memref<96xf32, #tpu.memory_space<vmem>>[vector<16xi32>], vector<16xf32>,
    %add3A_367 = arith.addf %gather3A_362, %gather3A_366 : vector<16xf32>
    %add3A_368 = arith.constant 144 : i32
    %add3A_369 = vector.broadcast %add3A_368 : i32 to vector<16xi32>
    %add3A_370 = arith.addi %add3A_369, %add3A_297 : vector<16xi32>
    tpu.vector_store_idx %arg11[%add3A_370], %add3A_367 masked %lt3A_300 : memref<256xf32, #tpu.memory_space<vmem>>[vector<16xi32>], vector<16xf32>, vector<16xi1>
    %add3A_371 = arith.constant 30 : i32
    %add3A_372 = vector.broadcast %add3A_371 : i32 to vector<16xi32>
    %add3A_373 = arith.addi %add3A_372, %shift_right_arithmetic3A_306 : vector<16xi32>
    %gather3A_374 = tpu.vector_load_idx %arg10[%add3A_373] : memref<96xf32, #tpu.memory_space<vmem>>[vector<16xi32>], vector<16xf32>,
    %add3A_375 = arith.constant 66 : i32
    %add3A_376 = vector.broadcast %add3A_375 : i32 to vector<16xi32>
    %add3A_377 = arith.addi %add3A_376, %sub3A_310 : vector<16xi32>
    %gather3A_378 = tpu.vector_load_idx %arg10[%add3A_377] : memref<96xf32, #tpu.memory_space<vmem>>[vector<16xi32>], vector<16xf32>,
    %add3A_379 = arith.addf %gather3A_374, %gather3A_378 : vector<16xf32>
    %add3A_380 = arith.constant 180 : i32
    %add3A_381 = vector.broadcast %add3A_380 : i32 to vector<16xi32>
    %add3A_382 = arith.addi %add3A_381, %add3A_297 : vector<16xi32>
    tpu.vector_store_idx %arg11[%add3A_382], %add3A_379 masked %lt3A_300 : memref<256xf32, #tpu.memory_space<vmem>>[vector<16xi32>], vector<16xf32>, vector<16xi1>
    %add3A_383 = arith.constant 72 : i32
    %add3A_384 = vector.broadcast %add3A_383 : i32 to vector<16xi32>
    %add3A_385 = arith.addi %add3A_384, %shift_right_arithmetic3A_306 : vector<16xi32>
    %gather3A_386 = tpu.vector_load_idx %arg10[%add3A_385] : memref<96xf32, #tpu.memory_space<vmem>>[vector<16xi32>], vector<16xf32>,
    %add3A_387 = arith.constant 78 : i32
    %add3A_388 = vector.broadcast %add3A_387 : i32 to vector<16xi32>
    %add3A_389 = arith.addi %add3A_388, %sub3A_310 : vector<16xi32>
    %gather3A_390 = tpu.vector_load_idx %arg10[%add3A_389] : memref<96xf32, #tpu.memory_space<vmem>>[vector<16xi32>], vector<16xf32>,
    %mul3A_391 = arith.mulf %gather3A_386, %gather3A_390 : vector<16xf32>
    %add3A_392 = arith.constant 216 : i32
    %add3A_393 = vector.broadcast %add3A_392 : i32 to vector<16xi32>
    %add3A_394 = arith.addi %add3A_393, %add3A_297 : vector<16xi32>
    tpu.vector_store_idx %arg11[%add3A_394], %mul3A_391 masked %lt3A_300 : memref<256xf32, #tpu.memory_space<vmem>>[vector<16xi32>], vector<16xf32>, vector<16xi1>
    %scan3A = arith.constant 0 : i32
    %scan3A_395 = arith.constant 0 : i32
    %scan3A_396 = arith.constant 8 : i32
    %scan3A_397 = arith.addi %scan3A_395, %scan3A_396 : i32
    %scan3A_398 = arith.constant 1 : i32
    scf.for %scan3A_400 = %scan3A_395 to %scan3A_397 step %scan3A_398  : i32 {
      %mul3A_401 = arith.constant 16 : i32
      %mul3A_402 = arith.muli %scan3A_400, %mul3A_401 : i32
      %add3A_403 = vector.broadcast %mul3A_402 : i32 to vector<16xi32>
      %add3A_404 = arith.addi %add3A_403, %iota3A : vector<16xi32>
      %broadcast_in_dim3A_405 = arith.constant 0 : i32
      %broadcast_in_dim3A_406 = vector.broadcast %broadcast_in_dim3A_405 : i32 to vector<16xi32>
      %gather3A_407 = tpu.vector_load_idx %arg7[%broadcast_in_dim3A_406, %add3A_404] : memref<24x128xf32, #tpu.memory_space<vmem>>[vector<16xi32>, vector<16xi32>], vector<16xf32>,
      %broadcast_in_dim3A_408 = arith.constant 1 : i32
      %broadcast_in_dim3A_409 = vector.broadcast %broadcast_in_dim3A_408 : i32 to vector<16xi32>
      %gather3A_410 = tpu.vector_load_idx %arg7[%broadcast_in_dim3A_409, %add3A_404] : memref<24x128xf32, #tpu.memory_space<vmem>>[vector<16xi32>, vector<16xi32>], vector<16xf32>,
      %broadcast_in_dim3A_411 = arith.constant 2 : i32
      %broadcast_in_dim3A_412 = vector.broadcast %broadcast_in_dim3A_411 : i32 to vector<16xi32>
      %gather3A_413 = tpu.vector_load_idx %arg7[%broadcast_in_dim3A_412, %add3A_404] : memref<24x128xf32, #tpu.memory_space<vmem>>[vector<16xi32>, vector<16xi32>], vector<16xf32>,
      %broadcast_in_dim3A_414 = arith.constant 3 : i32
      %broadcast_in_dim3A_415 = vector.broadcast %broadcast_in_dim3A_414 : i32 to vector<16xi32>
      %gather3A_416 = tpu.vector_load_idx %arg7[%broadcast_in_dim3A_415, %add3A_404] : memref<24x128xf32, #tpu.memory_space<vmem>>[vector<16xi32>, vector<16xi32>], vector<16xf32>,
      %broadcast_in_dim3A_417 = arith.constant 4 : i32
      %broadcast_in_dim3A_418 = vector.broadcast %broadcast_in_dim3A_417 : i32 to vector<16xi32>
      %gather3A_419 = tpu.vector_load_idx %arg7[%broadcast_in_dim3A_418, %add3A_404] : memref<24x128xf32, #tpu.memory_space<vmem>>[vector<16xi32>, vector<16xi32>], vector<16xf32>,
      %broadcast_in_dim3A_420 = arith.constant 5 : i32
      %broadcast_in_dim3A_421 = vector.broadcast %broadcast_in_dim3A_420 : i32 to vector<16xi32>
      %gather3A_422 = tpu.vector_load_idx %arg7[%broadcast_in_dim3A_421, %add3A_404] : memref<24x128xf32, #tpu.memory_space<vmem>>[vector<16xi32>, vector<16xi32>], vector<16xf32>,
      %broadcast_in_dim3A_423 = arith.constant 6 : i32
      %broadcast_in_dim3A_424 = vector.broadcast %broadcast_in_dim3A_423 : i32 to vector<16xi32>
      %gather3A_425 = tpu.vector_load_idx %arg7[%broadcast_in_dim3A_424, %add3A_404] : memref<24x128xf32, #tpu.memory_space<vmem>>[vector<16xi32>, vector<16xi32>], vector<16xf32>,
      %broadcast_in_dim3A_426 = arith.constant 7 : i32
      %broadcast_in_dim3A_427 = vector.broadcast %broadcast_in_dim3A_426 : i32 to vector<16xi32>
      %gather3A_428 = tpu.vector_load_idx %arg7[%broadcast_in_dim3A_427, %add3A_404] : memref<24x128xf32, #tpu.memory_space<vmem>>[vector<16xi32>, vector<16xi32>], vector<16xf32>,
      %broadcast_in_dim3A_429 = arith.constant 8 : i32
      %broadcast_in_dim3A_430 = vector.broadcast %broadcast_in_dim3A_429 : i32 to vector<16xi32>
      %gather3A_431 = tpu.vector_load_idx %arg7[%broadcast_in_dim3A_430, %add3A_404] : memref<24x128xf32, #tpu.memory_space<vmem>>[vector<16xi32>, vector<16xi32>], vector<16xf32>,
      %broadcast_in_dim3A_432 = arith.constant 9 : i32
      %broadcast_in_dim3A_433 = vector.broadcast %broadcast_in_dim3A_432 : i32 to vector<16xi32>
      %gather3A_434 = tpu.vector_load_idx %arg7[%broadcast_in_dim3A_433, %add3A_404] : memref<24x128xf32, #tpu.memory_space<vmem>>[vector<16xi32>, vector<16xi32>], vector<16xf32>,
      %broadcast_in_dim3A_435 = arith.constant 10 : i32
      %broadcast_in_dim3A_436 = vector.broadcast %broadcast_in_dim3A_435 : i32 to vector<16xi32>
      %gather3A_437 = tpu.vector_load_idx %arg7[%broadcast_in_dim3A_436, %add3A_404] : memref<24x128xf32, #tpu.memory_space<vmem>>[vector<16xi32>, vector<16xi32>], vector<16xf32>,
      %broadcast_in_dim3A_438 = arith.constant 11 : i32
      %broadcast_in_dim3A_439 = vector.broadcast %broadcast_in_dim3A_438 : i32 to vector<16xi32>
      %gather3A_440 = tpu.vector_load_idx %arg7[%broadcast_in_dim3A_439, %add3A_404] : memref<24x128xf32, #tpu.memory_space<vmem>>[vector<16xi32>, vector<16xi32>], vector<16xf32>,
      %broadcast_in_dim3A_441 = arith.constant 12 : i32
      %broadcast_in_dim3A_442 = vector.broadcast %broadcast_in_dim3A_441 : i32 to vector<16xi32>
      %gather3A_443 = tpu.vector_load_idx %arg7[%broadcast_in_dim3A_442, %add3A_404] : memref<24x128xf32, #tpu.memory_space<vmem>>[vector<16xi32>, vector<16xi32>], vector<16xf32>,
      %broadcast_in_dim3A_444 = arith.constant 13 : i32
      %broadcast_in_dim3A_445 = vector.broadcast %broadcast_in_dim3A_444 : i32 to vector<16xi32>
      %gather3A_446 = tpu.vector_load_idx %arg7[%broadcast_in_dim3A_445, %add3A_404] : memref<24x128xf32, #tpu.memory_space<vmem>>[vector<16xi32>, vector<16xi32>], vector<16xf32>,
      %broadcast_in_dim3A_447 = arith.constant 14 : i32
      %broadcast_in_dim3A_448 = vector.broadcast %broadcast_in_dim3A_447 : i32 to vector<16xi32>
      %gather3A_449 = tpu.vector_load_idx %arg7[%broadcast_in_dim3A_448, %add3A_404] : memref<24x128xf32, #tpu.memory_space<vmem>>[vector<16xi32>, vector<16xi32>], vector<16xf32>,
      %broadcast_in_dim3A_450 = arith.constant 15 : i32
      %broadcast_in_dim3A_451 = vector.broadcast %broadcast_in_dim3A_450 : i32 to vector<16xi32>
      %gather3A_452 = tpu.vector_load_idx %arg7[%broadcast_in_dim3A_451, %add3A_404] : memref<24x128xf32, #tpu.memory_space<vmem>>[vector<16xi32>, vector<16xi32>], vector<16xf32>,
      %broadcast_in_dim3A_453 = arith.constant 16 : i32
      %broadcast_in_dim3A_454 = vector.broadcast %broadcast_in_dim3A_453 : i32 to vector<16xi32>
      %gather3A_455 = tpu.vector_load_idx %arg7[%broadcast_in_dim3A_454, %add3A_404] : memref<24x128xf32, #tpu.memory_space<vmem>>[vector<16xi32>, vector<16xi32>], vector<16xf32>,
      %broadcast_in_dim3A_456 = arith.constant 17 : i32
      %broadcast_in_dim3A_457 = vector.broadcast %broadcast_in_dim3A_456 : i32 to vector<16xi32>
      %gather3A_458 = tpu.vector_load_idx %arg7[%broadcast_in_dim3A_457, %add3A_404] : memref<24x128xf32, #tpu.memory_space<vmem>>[vector<16xi32>, vector<16xi32>], vector<16xf32>,
      %broadcast_in_dim3A_459 = arith.constant 0.000000e+00 : f32
      %broadcast_in_dim3A_460 = vector.broadcast %broadcast_in_dim3A_459 : f32 to vector<16xf32>
      %broadcast_in_dim3A_461 = arith.constant 0.000000e+00 : f32
      %broadcast_in_dim3A_462 = vector.broadcast %broadcast_in_dim3A_461 : f32 to vector<16xf32>
      %broadcast_in_dim3A_463 = arith.constant 0.000000e+00 : f32
      %broadcast_in_dim3A_464 = vector.broadcast %broadcast_in_dim3A_463 : f32 to vector<16xf32>
      %broadcast_in_dim3A_465 = arith.constant 0.000000e+00 : f32
      %broadcast_in_dim3A_466 = vector.broadcast %broadcast_in_dim3A_465 : f32 to vector<16xf32>
      %broadcast_in_dim3A_467 = arith.constant 0.000000e+00 : f32
      %broadcast_in_dim3A_468 = vector.broadcast %broadcast_in_dim3A_467 : f32 to vector<16xf32>
      %broadcast_in_dim3A_469 = arith.constant 0.000000e+00 : f32
      %broadcast_in_dim3A_470 = vector.broadcast %broadcast_in_dim3A_469 : f32 to vector<16xf32>
      %broadcast_in_dim3A_471 = arith.constant 0.000000e+00 : f32
      %broadcast_in_dim3A_472 = vector.broadcast %broadcast_in_dim3A_471 : f32 to vector<16xf32>
      %broadcast_in_dim3A_473 = arith.constant 0 : i32
      %broadcast_in_dim3A_474 = vector.broadcast %broadcast_in_dim3A_473 : i32 to vector<16xi32>
      %gather3A_475 = tpu.vector_load_idx %arg8[%broadcast_in_dim3A_474, %add3A_404] : memref<112x128xf32, #tpu.memory_space<vmem>>[vector<16xi32>, vector<16xi32>], vector<16xf32>,
      %add3A_476 = arith.addf %gather3A_407, %gather3A_475 : vector<16xf32>
      %broadcast_in_dim3A_477 = arith.constant 0 : i32
      %broadcast_in_dim3A_478 = vector.broadcast %broadcast_in_dim3A_477 : i32 to vector<16xi32>
      %broadcast_in_dim3A_479 = arith.constant 1 : i32
      %broadcast_in_dim3A_480 = vector.broadcast %broadcast_in_dim3A_479 : i32 to vector<16xi32>
      %gather3A_481 = tpu.vector_load_idx %arg8[%broadcast_in_dim3A_480, %add3A_404] : memref<112x128xf32, #tpu.memory_space<vmem>>[vector<16xi32>, vector<16xi32>], vector<16xf32>,
      %add3A_482 = arith.addf %gather3A_410, %gather3A_481 : vector<16xf32>
      %gt3A = arith.cmpf ogt, %add3A_482, %add3A_476 : vector<16xf32>
      %jit3A = arith.constant 1 : i32
      %broadcast_in_dim3A_483 = vector.broadcast %jit3A : i32 to vector<16xi32>
      %select_n3A = arith.select %gt3A, %broadcast_in_dim3A_483, %broadcast_in_dim3A_478 : vector<16xi1>, vector<16xi32>
      %select_n3A_484 = arith.select %gt3A, %add3A_482, %add3A_476 : vector<16xi1>, vector<16xf32>
      %broadcast_in_dim3A_485 = arith.constant 2 : i32
      %broadcast_in_dim3A_486 = vector.broadcast %broadcast_in_dim3A_485 : i32 to vector<16xi32>
      %gather3A_487 = tpu.vector_load_idx %arg8[%broadcast_in_dim3A_486, %add3A_404] : memref<112x128xf32, #tpu.memory_space<vmem>>[vector<16xi32>, vector<16xi32>], vector<16xf32>,
      %add3A_488 = arith.addf %gather3A_413, %gather3A_487 : vector<16xf32>
      %gt3A_489 = arith.cmpf ogt, %add3A_488, %select_n3A_484 : vector<16xf32>
      %jit3A_490 = arith.constant 2 : i32
      %broadcast_in_dim3A_491 = vector.broadcast %jit3A_490 : i32 to vector<16xi32>
      %select_n3A_492 = arith.select %gt3A_489, %broadcast_in_dim3A_491, %select_n3A : vector<16xi1>, vector<16xi32>
      %select_n3A_493 = arith.select %gt3A_489, %add3A_488, %select_n3A_484 : vector<16xi1>, vector<16xf32>
      %broadcast_in_dim3A_494 = arith.constant 3 : i32
      %broadcast_in_dim3A_495 = vector.broadcast %broadcast_in_dim3A_494 : i32 to vector<16xi32>
      %gather3A_496 = tpu.vector_load_idx %arg8[%broadcast_in_dim3A_495, %add3A_404] : memref<112x128xf32, #tpu.memory_space<vmem>>[vector<16xi32>, vector<16xi32>], vector<16xf32>,
      %add3A_497 = arith.addf %gather3A_416, %gather3A_496 : vector<16xf32>
      %gt3A_498 = arith.cmpf ogt, %add3A_497, %select_n3A_493 : vector<16xf32>
      %jit3A_499 = arith.constant 3 : i32
      %broadcast_in_dim3A_500 = vector.broadcast %jit3A_499 : i32 to vector<16xi32>
      %select_n3A_501 = arith.select %gt3A_498, %broadcast_in_dim3A_500, %select_n3A_492 : vector<16xi1>, vector<16xi32>
      %select_n3A_502 = arith.select %gt3A_498, %add3A_497, %select_n3A_493 : vector<16xi1>, vector<16xf32>
      %broadcast_in_dim3A_503 = arith.constant 4 : i32
      %broadcast_in_dim3A_504 = vector.broadcast %broadcast_in_dim3A_503 : i32 to vector<16xi32>
      %gather3A_505 = tpu.vector_load_idx %arg8[%broadcast_in_dim3A_504, %add3A_404] : memref<112x128xf32, #tpu.memory_space<vmem>>[vector<16xi32>, vector<16xi32>], vector<16xf32>,
      %add3A_506 = arith.addf %gather3A_419, %gather3A_505 : vector<16xf32>
      %gt3A_507 = arith.cmpf ogt, %add3A_506, %select_n3A_502 : vector<16xf32>
      %jit3A_508 = arith.constant 4 : i32
      %broadcast_in_dim3A_509 = vector.broadcast %jit3A_508 : i32 to vector<16xi32>
      %select_n3A_510 = arith.select %gt3A_507, %broadcast_in_dim3A_509, %select_n3A_501 : vector<16xi1>, vector<16xi32>
      %select_n3A_511 = arith.select %gt3A_507, %add3A_506, %select_n3A_502 : vector<16xi1>, vector<16xf32>
      %broadcast_in_dim3A_512 = arith.constant 5 : i32
      %broadcast_in_dim3A_513 = vector.broadcast %broadcast_in_dim3A_512 : i32 to vector<16xi32>
      %gather3A_514 = tpu.vector_load_idx %arg8[%broadcast_in_dim3A_513, %add3A_404] : memref<112x128xf32, #tpu.memory_space<vmem>>[vector<16xi32>, vector<16xi32>], vector<16xf32>,
      %add3A_515 = arith.addf %gather3A_422, %gather3A_514 : vector<16xf32>
      %gt3A_516 = arith.cmpf ogt, %add3A_515, %select_n3A_511 : vector<16xf32>
      %jit3A_517 = arith.constant 5 : i32
      %broadcast_in_dim3A_518 = vector.broadcast %jit3A_517 : i32 to vector<16xi32>
      %select_n3A_519 = arith.select %gt3A_516, %broadcast_in_dim3A_518, %select_n3A_510 : vector<16xi1>, vector<16xi32>
      %select_n3A_520 = arith.select %gt3A_516, %add3A_515, %select_n3A_511 : vector<16xi1>, vector<16xf32>
      %broadcast_in_dim3A_521 = arith.constant 0 : i32
      %broadcast_in_dim3A_522 = vector.broadcast %broadcast_in_dim3A_521 : i32 to vector<16xi32>
      %gather3A_523 = tpu.vector_load_idx %arg9[%broadcast_in_dim3A_522, %add3A_404] : memref<112x128xf32, #tpu.memory_space<vmem>>[vector<16xi32>, vector<16xi32>], vector<16xf32>,
      %add3A_524 = arith.addf %gather3A_425, %gather3A_523 : vector<16xf32>
      %broadcast_in_dim3A_525 = arith.constant 0 : i32
      %broadcast_in_dim3A_526 = vector.broadcast %broadcast_in_dim3A_525 : i32 to vector<16xi32>
      %broadcast_in_dim3A_527 = arith.constant 1 : i32
      %broadcast_in_dim3A_528 = vector.broadcast %broadcast_in_dim3A_527 : i32 to vector<16xi32>
      %gather3A_529 = tpu.vector_load_idx %arg9[%broadcast_in_dim3A_528, %add3A_404] : memref<112x128xf32, #tpu.memory_space<vmem>>[vector<16xi32>, vector<16xi32>], vector<16xf32>,
      %add3A_530 = arith.addf %gather3A_428, %gather3A_529 : vector<16xf32>
      %gt3A_531 = arith.cmpf ogt, %add3A_530, %add3A_524 : vector<16xf32>
      %jit3A_532 = arith.constant 1 : i32
      %broadcast_in_dim3A_533 = vector.broadcast %jit3A_532 : i32 to vector<16xi32>
      %select_n3A_534 = arith.select %gt3A_531, %broadcast_in_dim3A_533, %broadcast_in_dim3A_526 : vector<16xi1>, vector<16xi32>
      %select_n3A_535 = arith.select %gt3A_531, %add3A_530, %add3A_524 : vector<16xi1>, vector<16xf32>
      %broadcast_in_dim3A_536 = arith.constant 2 : i32
      %broadcast_in_dim3A_537 = vector.broadcast %broadcast_in_dim3A_536 : i32 to vector<16xi32>
      %gather3A_538 = tpu.vector_load_idx %arg9[%broadcast_in_dim3A_537, %add3A_404] : memref<112x128xf32, #tpu.memory_space<vmem>>[vector<16xi32>, vector<16xi32>], vector<16xf32>,
      %add3A_539 = arith.addf %gather3A_431, %gather3A_538 : vector<16xf32>
      %gt3A_540 = arith.cmpf ogt, %add3A_539, %select_n3A_535 : vector<16xf32>
      %jit3A_541 = arith.constant 2 : i32
      %broadcast_in_dim3A_542 = vector.broadcast %jit3A_541 : i32 to vector<16xi32>
      %select_n3A_543 = arith.select %gt3A_540, %broadcast_in_dim3A_542, %select_n3A_534 : vector<16xi1>, vector<16xi32>
      %select_n3A_544 = arith.select %gt3A_540, %add3A_539, %select_n3A_535 : vector<16xi1>, vector<16xf32>
      %broadcast_in_dim3A_545 = arith.constant 3 : i32
      %broadcast_in_dim3A_546 = vector.broadcast %broadcast_in_dim3A_545 : i32 to vector<16xi32>
      %gather3A_547 = tpu.vector_load_idx %arg9[%broadcast_in_dim3A_546, %add3A_404] : memref<112x128xf32, #tpu.memory_space<vmem>>[vector<16xi32>, vector<16xi32>], vector<16xf32>,
      %add3A_548 = arith.addf %gather3A_434, %gather3A_547 : vector<16xf32>
      %gt3A_549 = arith.cmpf ogt, %add3A_548, %select_n3A_544 : vector<16xf32>
      %jit3A_550 = arith.constant 3 : i32
      %broadcast_in_dim3A_551 = vector.broadcast %jit3A_550 : i32 to vector<16xi32>
      %select_n3A_552 = arith.select %gt3A_549, %broadcast_in_dim3A_551, %select_n3A_543 : vector<16xi1>, vector<16xi32>
      %select_n3A_553 = arith.select %gt3A_549, %add3A_548, %select_n3A_544 : vector<16xi1>, vector<16xf32>
      %broadcast_in_dim3A_554 = arith.constant 4 : i32
      %broadcast_in_dim3A_555 = vector.broadcast %broadcast_in_dim3A_554 : i32 to vector<16xi32>
      %gather3A_556 = tpu.vector_load_idx %arg9[%broadcast_in_dim3A_555, %add3A_404] : memref<112x128xf32, #tpu.memory_space<vmem>>[vector<16xi32>, vector<16xi32>], vector<16xf32>,
      %add3A_557 = arith.addf %gather3A_437, %gather3A_556 : vector<16xf32>
      %gt3A_558 = arith.cmpf ogt, %add3A_557, %select_n3A_553 : vector<16xf32>
      %jit3A_559 = arith.constant 4 : i32
      %broadcast_in_dim3A_560 = vector.broadcast %jit3A_559 : i32 to vector<16xi32>
      %select_n3A_561 = arith.select %gt3A_558, %broadcast_in_dim3A_560, %select_n3A_552 : vector<16xi1>, vector<16xi32>
      %select_n3A_562 = arith.select %gt3A_558, %add3A_557, %select_n3A_553 : vector<16xi1>, vector<16xf32>
      %broadcast_in_dim3A_563 = arith.constant 5 : i32
      %broadcast_in_dim3A_564 = vector.broadcast %broadcast_in_dim3A_563 : i32 to vector<16xi32>
      %gather3A_565 = tpu.vector_load_idx %arg9[%broadcast_in_dim3A_564, %add3A_404] : memref<112x128xf32, #tpu.memory_space<vmem>>[vector<16xi32>, vector<16xi32>], vector<16xf32>,
      %add3A_566 = arith.addf %gather3A_440, %gather3A_565 : vector<16xf32>
      %gt3A_567 = arith.cmpf ogt, %add3A_566, %select_n3A_562 : vector<16xf32>
      %jit3A_568 = arith.constant 5 : i32
      %broadcast_in_dim3A_569 = vector.broadcast %jit3A_568 : i32 to vector<16xi32>
      %select_n3A_570 = arith.select %gt3A_567, %broadcast_in_dim3A_569, %select_n3A_561 : vector<16xi1>, vector<16xi32>
      %select_n3A_571 = arith.select %gt3A_567, %add3A_566, %select_n3A_562 : vector<16xi1>, vector<16xf32>
      %mul3A_572 = arith.constant 6 : i32
      %mul3A_573 = vector.broadcast %mul3A_572 : i32 to vector<16xi32>
      %mul3A_574 = arith.muli %select_n3A_519, %mul3A_573 : vector<16xi32>
      %add3A_575 = arith.addi %mul3A_574, %select_n3A_570 : vector<16xi32>
      %add3A_576 = arith.constant 0 : i32
      %add3A_577 = vector.broadcast %add3A_576 : i32 to vector<16xi32>
      %add3A_578 = arith.addi %add3A_575, %add3A_577 : vector<16xi32>
      %gather3A_579 = tpu.vector_load_idx %arg11[%add3A_578] : memref<256xf32, #tpu.memory_space<vmem>>[vector<16xi32>], vector<16xf32>,
      %add3A_580 = arith.addf %gather3A_443, %gather3A_579 : vector<16xf32>
      %exp3A_581 = math.exp %add3A_580 : vector<16xf32>
      %add3A_582 = arith.constant 36 : i32
      %add3A_583 = vector.broadcast %add3A_582 : i32 to vector<16xi32>
      %add3A_584 = arith.addi %add3A_575, %add3A_583 : vector<16xi32>
      %gather3A_585 = tpu.vector_load_idx %arg11[%add3A_584] : memref<256xf32, #tpu.memory_space<vmem>>[vector<16xi32>], vector<16xf32>,
      %add3A_586 = arith.addf %gather3A_446, %gather3A_585 : vector<16xf32>
      %exp3A_587 = math.exp %add3A_586 : vector<16xf32>
      %add3A_588 = arith.constant 72 : i32
      %add3A_589 = vector.broadcast %add3A_588 : i32 to vector<16xi32>
      %add3A_590 = arith.addi %add3A_575, %add3A_589 : vector<16xi32>
      %gather3A_591 = tpu.vector_load_idx %arg11[%add3A_590] : memref<256xf32, #tpu.memory_space<vmem>>[vector<16xi32>], vector<16xf32>,
      %add3A_592 = arith.addf %gather3A_449, %gather3A_591 : vector<16xf32>
      %exp3A_593 = math.exp %add3A_592 : vector<16xf32>
      %add3A_594 = arith.constant 108 : i32
      %add3A_595 = vector.broadcast %add3A_594 : i32 to vector<16xi32>
      %add3A_596 = arith.addi %add3A_575, %add3A_595 : vector<16xi32>
      %gather3A_597 = tpu.vector_load_idx %arg11[%add3A_596] : memref<256xf32, #tpu.memory_space<vmem>>[vector<16xi32>], vector<16xf32>,
      %add3A_598 = arith.addf %gather3A_452, %gather3A_597 : vector<16xf32>
      %exp3A_599 = math.exp %add3A_598 : vector<16xf32>
      %add3A_600 = arith.constant 144 : i32
      %add3A_601 = vector.broadcast %add3A_600 : i32 to vector<16xi32>
      %add3A_602 = arith.addi %add3A_575, %add3A_601 : vector<16xi32>
      %gather3A_603 = tpu.vector_load_idx %arg11[%add3A_602] : memref<256xf32, #tpu.memory_space<vmem>>[vector<16xi32>], vector<16xf32>,
      %add3A_604 = arith.addf %gather3A_455, %gather3A_603 : vector<16xf32>
      %exp3A_605 = math.exp %add3A_604 : vector<16xf32>
      %add3A_606 = arith.constant 180 : i32
      %add3A_607 = vector.broadcast %add3A_606 : i32 to vector<16xi32>
      %add3A_608 = arith.addi %add3A_575, %add3A_607 : vector<16xi32>
      %gather3A_609 = tpu.vector_load_idx %arg11[%add3A_608] : memref<256xf32, #tpu.memory_space<vmem>>[vector<16xi32>], vector<16xf32>,
      %add3A_610 = arith.addf %gather3A_458, %gather3A_609 : vector<16xf32>
      %exp3A_611 = math.exp %add3A_610 : vector<16xf32>
      %add3A_612 = arith.addf %exp3A_581, %exp3A_587 : vector<16xf32>
      %add3A_613 = arith.addf %add3A_612, %exp3A_593 : vector<16xf32>
      %add3A_614 = arith.addf %add3A_613, %exp3A_599 : vector<16xf32>
      %add3A_615 = arith.addf %add3A_614, %exp3A_605 : vector<16xf32>
      %add3A_616 = arith.addf %add3A_615, %exp3A_611 : vector<16xf32>
      %add3A_617 = arith.constant 216 : i32
      %add3A_618 = vector.broadcast %add3A_617 : i32 to vector<16xi32>
      %add3A_619 = arith.addi %add3A_575, %add3A_618 : vector<16xi32>
      %gather3A_620 = tpu.vector_load_idx %arg11[%add3A_619] : memref<256xf32, #tpu.memory_space<vmem>>[vector<16xi32>], vector<16xf32>,
      %div3A_621 = arith.divf %gather3A_620, %add3A_616 : vector<16xf32>
      %mul3A_622 = arith.mulf %div3A_621, %exp3A_581 : vector<16xf32>
      %add3A_623 = arith.addf %broadcast_in_dim3A_460, %mul3A_622 : vector<16xf32>
      %mul3A_624 = arith.mulf %div3A_621, %exp3A_587 : vector<16xf32>
      %add3A_625 = arith.addf %broadcast_in_dim3A_462, %mul3A_624 : vector<16xf32>
      %mul3A_626 = arith.mulf %div3A_621, %exp3A_593 : vector<16xf32>
      %add3A_627 = arith.addf %broadcast_in_dim3A_464, %mul3A_626 : vector<16xf32>
      %mul3A_628 = arith.mulf %div3A_621, %exp3A_599 : vector<16xf32>
      %add3A_629 = arith.addf %broadcast_in_dim3A_466, %mul3A_628 : vector<16xf32>
      %mul3A_630 = arith.mulf %div3A_621, %exp3A_605 : vector<16xf32>
      %add3A_631 = arith.addf %broadcast_in_dim3A_468, %mul3A_630 : vector<16xf32>
      %mul3A_632 = arith.mulf %div3A_621, %exp3A_611 : vector<16xf32>
      %add3A_633 = arith.addf %broadcast_in_dim3A_470, %mul3A_632 : vector<16xf32>
      %add3A_634 = arith.addf %broadcast_in_dim3A_472, %gather3A_620 : vector<16xf32>
      %broadcast_in_dim3A_635 = arith.constant 6 : i32
      %broadcast_in_dim3A_636 = vector.broadcast %broadcast_in_dim3A_635 : i32 to vector<16xi32>
      %gather3A_637 = tpu.vector_load_idx %arg8[%broadcast_in_dim3A_636, %add3A_404] : memref<112x128xf32, #tpu.memory_space<vmem>>[vector<16xi32>, vector<16xi32>], vector<16xf32>,
      %add3A_638 = arith.addf %gather3A_407, %gather3A_637 : vector<16xf32>
      %broadcast_in_dim3A_639 = arith.constant 0 : i32
      %broadcast_in_dim3A_640 = vector.broadcast %broadcast_in_dim3A_639 : i32 to vector<16xi32>
      %broadcast_in_dim3A_641 = arith.constant 7 : i32
      %broadcast_in_dim3A_642 = vector.broadcast %broadcast_in_dim3A_641 : i32 to vector<16xi32>
      %gather3A_643 = tpu.vector_load_idx %arg8[%broadcast_in_dim3A_642, %add3A_404] : memref<112x128xf32, #tpu.memory_space<vmem>>[vector<16xi32>, vector<16xi32>], vector<16xf32>,
      %add3A_644 = arith.addf %gather3A_410, %gather3A_643 : vector<16xf32>
      %gt3A_645 = arith.cmpf ogt, %add3A_644, %add3A_638 : vector<16xf32>
      %jit3A_646 = arith.constant 1 : i32
      %broadcast_in_dim3A_647 = vector.broadcast %jit3A_646 : i32 to vector<16xi32>
      %select_n3A_648 = arith.select %gt3A_645, %broadcast_in_dim3A_647, %broadcast_in_dim3A_640 : vector<16xi1>, vector<16xi32>
      %select_n3A_649 = arith.select %gt3A_645, %add3A_644, %add3A_638 : vector<16xi1>, vector<16xf32>
      %broadcast_in_dim3A_650 = arith.constant 8 : i32
      %broadcast_in_dim3A_651 = vector.broadcast %broadcast_in_dim3A_650 : i32 to vector<16xi32>
      %gather3A_652 = tpu.vector_load_idx %arg8[%broadcast_in_dim3A_651, %add3A_404] : memref<112x128xf32, #tpu.memory_space<vmem>>[vector<16xi32>, vector<16xi32>], vector<16xf32>,
      %add3A_653 = arith.addf %gather3A_413, %gather3A_652 : vector<16xf32>
      %gt3A_654 = arith.cmpf ogt, %add3A_653, %select_n3A_649 : vector<16xf32>
      %jit3A_655 = arith.constant 2 : i32
      %broadcast_in_dim3A_656 = vector.broadcast %jit3A_655 : i32 to vector<16xi32>
      %select_n3A_657 = arith.select %gt3A_654, %broadcast_in_dim3A_656, %select_n3A_648 : vector<16xi1>, vector<16xi32>
      %select_n3A_658 = arith.select %gt3A_654, %add3A_653, %select_n3A_649 : vector<16xi1>, vector<16xf32>
      %broadcast_in_dim3A_659 = arith.constant 9 : i32
      %broadcast_in_dim3A_660 = vector.broadcast %broadcast_in_dim3A_659 : i32 to vector<16xi32>
      %gather3A_661 = tpu.vector_load_idx %arg8[%broadcast_in_dim3A_660, %add3A_404] : memref<112x128xf32, #tpu.memory_space<vmem>>[vector<16xi32>, vector<16xi32>], vector<16xf32>,
      %add3A_662 = arith.addf %gather3A_416, %gather3A_661 : vector<16xf32>
      %gt3A_663 = arith.cmpf ogt, %add3A_662, %select_n3A_658 : vector<16xf32>
      %jit3A_664 = arith.constant 3 : i32
      %broadcast_in_dim3A_665 = vector.broadcast %jit3A_664 : i32 to vector<16xi32>
      %select_n3A_666 = arith.select %gt3A_663, %broadcast_in_dim3A_665, %select_n3A_657 : vector<16xi1>, vector<16xi32>
      %select_n3A_667 = arith.select %gt3A_663, %add3A_662, %select_n3A_658 : vector<16xi1>, vector<16xf32>
      %broadcast_in_dim3A_668 = arith.constant 10 : i32
      %broadcast_in_dim3A_669 = vector.broadcast %broadcast_in_dim3A_668 : i32 to vector<16xi32>
      %gather3A_670 = tpu.vector_load_idx %arg8[%broadcast_in_dim3A_669, %add3A_404] : memref<112x128xf32, #tpu.memory_space<vmem>>[vector<16xi32>, vector<16xi32>], vector<16xf32>,
      %add3A_671 = arith.addf %gather3A_419, %gather3A_670 : vector<16xf32>
      %gt3A_672 = arith.cmpf ogt, %add3A_671, %select_n3A_667 : vector<16xf32>
      %jit3A_673 = arith.constant 4 : i32
      %broadcast_in_dim3A_674 = vector.broadcast %jit3A_673 : i32 to vector<16xi32>
      %select_n3A_675 = arith.select %gt3A_672, %broadcast_in_dim3A_674, %select_n3A_666 : vector<16xi1>, vector<16xi32>
      %select_n3A_676 = arith.select %gt3A_672, %add3A_671, %select_n3A_667 : vector<16xi1>, vector<16xf32>
      %broadcast_in_dim3A_677 = arith.constant 11 : i32
      %broadcast_in_dim3A_678 = vector.broadcast %broadcast_in_dim3A_677 : i32 to vector<16xi32>
      %gather3A_679 = tpu.vector_load_idx %arg8[%broadcast_in_dim3A_678, %add3A_404] : memref<112x128xf32, #tpu.memory_space<vmem>>[vector<16xi32>, vector<16xi32>], vector<16xf32>,
      %add3A_680 = arith.addf %gather3A_422, %gather3A_679 : vector<16xf32>
      %gt3A_681 = arith.cmpf ogt, %add3A_680, %select_n3A_676 : vector<16xf32>
      %jit3A_682 = arith.constant 5 : i32
      %broadcast_in_dim3A_683 = vector.broadcast %jit3A_682 : i32 to vector<16xi32>
      %select_n3A_684 = arith.select %gt3A_681, %broadcast_in_dim3A_683, %select_n3A_675 : vector<16xi1>, vector<16xi32>
      %select_n3A_685 = arith.select %gt3A_681, %add3A_680, %select_n3A_676 : vector<16xi1>, vector<16xf32>
      %broadcast_in_dim3A_686 = arith.constant 6 : i32
      %broadcast_in_dim3A_687 = vector.broadcast %broadcast_in_dim3A_686 : i32 to vector<16xi32>
      %gather3A_688 = tpu.vector_load_idx %arg9[%broadcast_in_dim3A_687, %add3A_404] : memref<112x128xf32, #tpu.memory_space<vmem>>[vector<16xi32>, vector<16xi32>], vector<16xf32>,
      %add3A_689 = arith.addf %gather3A_425, %gather3A_688 : vector<16xf32>
      %broadcast_in_dim3A_690 = arith.constant 0 : i32
      %broadcast_in_dim3A_691 = vector.broadcast %broadcast_in_dim3A_690 : i32 to vector<16xi32>
      %broadcast_in_dim3A_692 = arith.constant 7 : i32
      %broadcast_in_dim3A_693 = vector.broadcast %broadcast_in_dim3A_692 : i32 to vector<16xi32>
      %gather3A_694 = tpu.vector_load_idx %arg9[%broadcast_in_dim3A_693, %add3A_404] : memref<112x128xf32, #tpu.memory_space<vmem>>[vector<16xi32>, vector<16xi32>], vector<16xf32>,
      %add3A_695 = arith.addf %gather3A_428, %gather3A_694 : vector<16xf32>
      %gt3A_696 = arith.cmpf ogt, %add3A_695, %add3A_689 : vector<16xf32>
      %jit3A_697 = arith.constant 1 : i32
      %broadcast_in_dim3A_698 = vector.broadcast %jit3A_697 : i32 to vector<16xi32>
      %select_n3A_699 = arith.select %gt3A_696, %broadcast_in_dim3A_698, %broadcast_in_dim3A_691 : vector<16xi1>, vector<16xi32>
      %select_n3A_700 = arith.select %gt3A_696, %add3A_695, %add3A_689 : vector<16xi1>, vector<16xf32>
      %broadcast_in_dim3A_701 = arith.constant 8 : i32
      %broadcast_in_dim3A_702 = vector.broadcast %broadcast_in_dim3A_701 : i32 to vector<16xi32>
      %gather3A_703 = tpu.vector_load_idx %arg9[%broadcast_in_dim3A_702, %add3A_404] : memref<112x128xf32, #tpu.memory_space<vmem>>[vector<16xi32>, vector<16xi32>], vector<16xf32>,
      %add3A_704 = arith.addf %gather3A_431, %gather3A_703 : vector<16xf32>
      %gt3A_705 = arith.cmpf ogt, %add3A_704, %select_n3A_700 : vector<16xf32>
      %jit3A_706 = arith.constant 2 : i32
      %broadcast_in_dim3A_707 = vector.broadcast %jit3A_706 : i32 to vector<16xi32>
      %select_n3A_708 = arith.select %gt3A_705, %broadcast_in_dim3A_707, %select_n3A_699 : vector<16xi1>, vector<16xi32>
      %select_n3A_709 = arith.select %gt3A_705, %add3A_704, %select_n3A_700 : vector<16xi1>, vector<16xf32>
      %broadcast_in_dim3A_710 = arith.constant 9 : i32
      %broadcast_in_dim3A_711 = vector.broadcast %broadcast_in_dim3A_710 : i32 to vector<16xi32>
      %gather3A_712 = tpu.vector_load_idx %arg9[%broadcast_in_dim3A_711, %add3A_404] : memref<112x128xf32, #tpu.memory_space<vmem>>[vector<16xi32>, vector<16xi32>], vector<16xf32>,
      %add3A_713 = arith.addf %gather3A_434, %gather3A_712 : vector<16xf32>
      %gt3A_714 = arith.cmpf ogt, %add3A_713, %select_n3A_709 : vector<16xf32>
      %jit3A_715 = arith.constant 3 : i32
      %broadcast_in_dim3A_716 = vector.broadcast %jit3A_715 : i32 to vector<16xi32>
      %select_n3A_717 = arith.select %gt3A_714, %broadcast_in_dim3A_716, %select_n3A_708 : vector<16xi1>, vector<16xi32>
      %select_n3A_718 = arith.select %gt3A_714, %add3A_713, %select_n3A_709 : vector<16xi1>, vector<16xf32>
      %broadcast_in_dim3A_719 = arith.constant 10 : i32
      %broadcast_in_dim3A_720 = vector.broadcast %broadcast_in_dim3A_719 : i32 to vector<16xi32>
      %gather3A_721 = tpu.vector_load_idx %arg9[%broadcast_in_dim3A_720, %add3A_404] : memref<112x128xf32, #tpu.memory_space<vmem>>[vector<16xi32>, vector<16xi32>], vector<16xf32>,
      %add3A_722 = arith.addf %gather3A_437, %gather3A_721 : vector<16xf32>
      %gt3A_723 = arith.cmpf ogt, %add3A_722, %select_n3A_718 : vector<16xf32>
      %jit3A_724 = arith.constant 4 : i32
      %broadcast_in_dim3A_725 = vector.broadcast %jit3A_724 : i32 to vector<16xi32>
      %select_n3A_726 = arith.select %gt3A_723, %broadcast_in_dim3A_725, %select_n3A_717 : vector<16xi1>, vector<16xi32>
      %select_n3A_727 = arith.select %gt3A_723, %add3A_722, %select_n3A_718 : vector<16xi1>, vector<16xf32>
      %broadcast_in_dim3A_728 = arith.constant 11 : i32
      %broadcast_in_dim3A_729 = vector.broadcast %broadcast_in_dim3A_728 : i32 to vector<16xi32>
      %gather3A_730 = tpu.vector_load_idx %arg9[%broadcast_in_dim3A_729, %add3A_404] : memref<112x128xf32, #tpu.memory_space<vmem>>[vector<16xi32>, vector<16xi32>], vector<16xf32>,
      %add3A_731 = arith.addf %gather3A_440, %gather3A_730 : vector<16xf32>
      %gt3A_732 = arith.cmpf ogt, %add3A_731, %select_n3A_727 : vector<16xf32>
      %jit3A_733 = arith.constant 5 : i32
      %broadcast_in_dim3A_734 = vector.broadcast %jit3A_733 : i32 to vector<16xi32>
      %select_n3A_735 = arith.select %gt3A_732, %broadcast_in_dim3A_734, %select_n3A_726 : vector<16xi1>, vector<16xi32>
      %select_n3A_736 = arith.select %gt3A_732, %add3A_731, %select_n3A_727 : vector<16xi1>, vector<16xf32>
      %mul3A_737 = arith.constant 6 : i32
      %mul3A_738 = vector.broadcast %mul3A_737 : i32 to vector<16xi32>
      %mul3A_739 = arith.muli %select_n3A_684, %mul3A_738 : vector<16xi32>
      %add3A_740 = arith.addi %mul3A_739, %select_n3A_735 : vector<16xi32>
      %add3A_741 = arith.constant 0 : i32
      %add3A_742 = vector.broadcast %add3A_741 : i32 to vector<16xi32>
      %add3A_743 = arith.addi %add3A_740, %add3A_742 : vector<16xi32>
      %gather3A_744 = tpu.vector_load_idx %arg11[%add3A_743] : memref<256xf32, #tpu.memory_space<vmem>>[vector<16xi32>], vector<16xf32>,
      %add3A_745 = arith.addf %gather3A_443, %gather3A_744 : vector<16xf32>
      %exp3A_746 = math.exp %add3A_745 : vector<16xf32>
      %add3A_747 = arith.constant 36 : i32
      %add3A_748 = vector.broadcast %add3A_747 : i32 to vector<16xi32>
      %add3A_749 = arith.addi %add3A_740, %add3A_748 : vector<16xi32>
      %gather3A_750 = tpu.vector_load_idx %arg11[%add3A_749] : memref<256xf32, #tpu.memory_space<vmem>>[vector<16xi32>], vector<16xf32>,
      %add3A_751 = arith.addf %gather3A_446, %gather3A_750 : vector<16xf32>
      %exp3A_752 = math.exp %add3A_751 : vector<16xf32>
      %add3A_753 = arith.constant 72 : i32
      %add3A_754 = vector.broadcast %add3A_753 : i32 to vector<16xi32>
      %add3A_755 = arith.addi %add3A_740, %add3A_754 : vector<16xi32>
      %gather3A_756 = tpu.vector_load_idx %arg11[%add3A_755] : memref<256xf32, #tpu.memory_space<vmem>>[vector<16xi32>], vector<16xf32>,
      %add3A_757 = arith.addf %gather3A_449, %gather3A_756 : vector<16xf32>
      %exp3A_758 = math.exp %add3A_757 : vector<16xf32>
      %add3A_759 = arith.constant 108 : i32
      %add3A_760 = vector.broadcast %add3A_759 : i32 to vector<16xi32>
      %add3A_761 = arith.addi %add3A_740, %add3A_760 : vector<16xi32>
      %gather3A_762 = tpu.vector_load_idx %arg11[%add3A_761] : memref<256xf32, #tpu.memory_space<vmem>>[vector<16xi32>], vector<16xf32>,
      %add3A_763 = arith.addf %gather3A_452, %gather3A_762 : vector<16xf32>
      %exp3A_764 = math.exp %add3A_763 : vector<16xf32>
      %add3A_765 = arith.constant 144 : i32
      %add3A_766 = vector.broadcast %add3A_765 : i32 to vector<16xi32>
      %add3A_767 = arith.addi %add3A_740, %add3A_766 : vector<16xi32>
      %gather3A_768 = tpu.vector_load_idx %arg11[%add3A_767] : memref<256xf32, #tpu.memory_space<vmem>>[vector<16xi32>], vector<16xf32>,
      %add3A_769 = arith.addf %gather3A_455, %gather3A_768 : vector<16xf32>
      %exp3A_770 = math.exp %add3A_769 : vector<16xf32>
      %add3A_771 = arith.constant 180 : i32
      %add3A_772 = vector.broadcast %add3A_771 : i32 to vector<16xi32>
      %add3A_773 = arith.addi %add3A_740, %add3A_772 : vector<16xi32>
      %gather3A_774 = tpu.vector_load_idx %arg11[%add3A_773] : memref<256xf32, #tpu.memory_space<vmem>>[vector<16xi32>], vector<16xf32>,
      %add3A_775 = arith.addf %gather3A_458, %gather3A_774 : vector<16xf32>
      %exp3A_776 = math.exp %add3A_775 : vector<16xf32>
      %add3A_777 = arith.addf %exp3A_746, %exp3A_752 : vector<16xf32>
      %add3A_778 = arith.addf %add3A_777, %exp3A_758 : vector<16xf32>
      %add3A_779 = arith.addf %add3A_778, %exp3A_764 : vector<16xf32>
      %add3A_780 = arith.addf %add3A_779, %exp3A_770 : vector<16xf32>
      %add3A_781 = arith.addf %add3A_780, %exp3A_776 : vector<16xf32>
      %add3A_782 = arith.constant 216 : i32
      %add3A_783 = vector.broadcast %add3A_782 : i32 to vector<16xi32>
      %add3A_784 = arith.addi %add3A_740, %add3A_783 : vector<16xi32>
      %gather3A_785 = tpu.vector_load_idx %arg11[%add3A_784] : memref<256xf32, #tpu.memory_space<vmem>>[vector<16xi32>], vector<16xf32>,
      %div3A_786 = arith.divf %gather3A_785, %add3A_781 : vector<16xf32>
      %mul3A_787 = arith.mulf %div3A_786, %exp3A_746 : vector<16xf32>
      %add3A_788 = arith.addf %add3A_623, %mul3A_787 : vector<16xf32>
      %mul3A_789 = arith.mulf %div3A_786, %exp3A_752 : vector<16xf32>
      %add3A_790 = arith.addf %add3A_625, %mul3A_789 : vector<16xf32>
      %mul3A_791 = arith.mulf %div3A_786, %exp3A_758 : vector<16xf32>
      %add3A_792 = arith.addf %add3A_627, %mul3A_791 : vector<16xf32>
      %mul3A_793 = arith.mulf %div3A_786, %exp3A_764 : vector<16xf32>
      %add3A_794 = arith.addf %add3A_629, %mul3A_793 : vector<16xf32>
      %mul3A_795 = arith.mulf %div3A_786, %exp3A_770 : vector<16xf32>
      %add3A_796 = arith.addf %add3A_631, %mul3A_795 : vector<16xf32>
      %mul3A_797 = arith.mulf %div3A_786, %exp3A_776 : vector<16xf32>
      %add3A_798 = arith.addf %add3A_633, %mul3A_797 : vector<16xf32>
      %add3A_799 = arith.addf %add3A_634, %gather3A_785 : vector<16xf32>
      %broadcast_in_dim3A_800 = arith.constant 12 : i32
      %broadcast_in_dim3A_801 = vector.broadcast %broadcast_in_dim3A_800 : i32 to vector<16xi32>
      %gather3A_802 = tpu.vector_load_idx %arg8[%broadcast_in_dim3A_801, %add3A_404] : memref<112x128xf32, #tpu.memory_space<vmem>>[vector<16xi32>, vector<16xi32>], vector<16xf32>,
      %add3A_803 = arith.addf %gather3A_407, %gather3A_802 : vector<16xf32>
      %broadcast_in_dim3A_804 = arith.constant 0 : i32
      %broadcast_in_dim3A_805 = vector.broadcast %broadcast_in_dim3A_804 : i32 to vector<16xi32>
      %broadcast_in_dim3A_806 = arith.constant 13 : i32
      %broadcast_in_dim3A_807 = vector.broadcast %broadcast_in_dim3A_806 : i32 to vector<16xi32>
      %gather3A_808 = tpu.vector_load_idx %arg8[%broadcast_in_dim3A_807, %add3A_404] : memref<112x128xf32, #tpu.memory_space<vmem>>[vector<16xi32>, vector<16xi32>], vector<16xf32>,
      %add3A_809 = arith.addf %gather3A_410, %gather3A_808 : vector<16xf32>
      %gt3A_810 = arith.cmpf ogt, %add3A_809, %add3A_803 : vector<16xf32>
      %jit3A_811 = arith.constant 1 : i32
      %broadcast_in_dim3A_812 = vector.broadcast %jit3A_811 : i32 to vector<16xi32>
      %select_n3A_813 = arith.select %gt3A_810, %broadcast_in_dim3A_812, %broadcast_in_dim3A_805 : vector<16xi1>, vector<16xi32>
      %select_n3A_814 = arith.select %gt3A_810, %add3A_809, %add3A_803 : vector<16xi1>, vector<16xf32>
      %broadcast_in_dim3A_815 = arith.constant 14 : i32
      %broadcast_in_dim3A_816 = vector.broadcast %broadcast_in_dim3A_815 : i32 to vector<16xi32>
      %gather3A_817 = tpu.vector_load_idx %arg8[%broadcast_in_dim3A_816, %add3A_404] : memref<112x128xf32, #tpu.memory_space<vmem>>[vector<16xi32>, vector<16xi32>], vector<16xf32>,
      %add3A_818 = arith.addf %gather3A_413, %gather3A_817 : vector<16xf32>
      %gt3A_819 = arith.cmpf ogt, %add3A_818, %select_n3A_814 : vector<16xf32>
      %jit3A_820 = arith.constant 2 : i32
      %broadcast_in_dim3A_821 = vector.broadcast %jit3A_820 : i32 to vector<16xi32>
      %select_n3A_822 = arith.select %gt3A_819, %broadcast_in_dim3A_821, %select_n3A_813 : vector<16xi1>, vector<16xi32>
      %select_n3A_823 = arith.select %gt3A_819, %add3A_818, %select_n3A_814 : vector<16xi1>, vector<16xf32>
      %broadcast_in_dim3A_824 = arith.constant 15 : i32
      %broadcast_in_dim3A_825 = vector.broadcast %broadcast_in_dim3A_824 : i32 to vector<16xi32>
      %gather3A_826 = tpu.vector_load_idx %arg8[%broadcast_in_dim3A_825, %add3A_404] : memref<112x128xf32, #tpu.memory_space<vmem>>[vector<16xi32>, vector<16xi32>], vector<16xf32>,
      %add3A_827 = arith.addf %gather3A_416, %gather3A_826 : vector<16xf32>
      %gt3A_828 = arith.cmpf ogt, %add3A_827, %select_n3A_823 : vector<16xf32>
      %jit3A_829 = arith.constant 3 : i32
      %broadcast_in_dim3A_830 = vector.broadcast %jit3A_829 : i32 to vector<16xi32>
      %select_n3A_831 = arith.select %gt3A_828, %broadcast_in_dim3A_830, %select_n3A_822 : vector<16xi1>, vector<16xi32>
      %select_n3A_832 = arith.select %gt3A_828, %add3A_827, %select_n3A_823 : vector<16xi1>, vector<16xf32>
      %broadcast_in_dim3A_833 = arith.constant 16 : i32
      %broadcast_in_dim3A_834 = vector.broadcast %broadcast_in_dim3A_833 : i32 to vector<16xi32>
      %gather3A_835 = tpu.vector_load_idx %arg8[%broadcast_in_dim3A_834, %add3A_404] : memref<112x128xf32, #tpu.memory_space<vmem>>[vector<16xi32>, vector<16xi32>], vector<16xf32>,
      %add3A_836 = arith.addf %gather3A_419, %gather3A_835 : vector<16xf32>
      %gt3A_837 = arith.cmpf ogt, %add3A_836, %select_n3A_832 : vector<16xf32>
      %jit3A_838 = arith.constant 4 : i32
      %broadcast_in_dim3A_839 = vector.broadcast %jit3A_838 : i32 to vector<16xi32>
      %select_n3A_840 = arith.select %gt3A_837, %broadcast_in_dim3A_839, %select_n3A_831 : vector<16xi1>, vector<16xi32>
      %select_n3A_841 = arith.select %gt3A_837, %add3A_836, %select_n3A_832 : vector<16xi1>, vector<16xf32>
      %broadcast_in_dim3A_842 = arith.constant 17 : i32
      %broadcast_in_dim3A_843 = vector.broadcast %broadcast_in_dim3A_842 : i32 to vector<16xi32>
      %gather3A_844 = tpu.vector_load_idx %arg8[%broadcast_in_dim3A_843, %add3A_404] : memref<112x128xf32, #tpu.memory_space<vmem>>[vector<16xi32>, vector<16xi32>], vector<16xf32>,
      %add3A_845 = arith.addf %gather3A_422, %gather3A_844 : vector<16xf32>
      %gt3A_846 = arith.cmpf ogt, %add3A_845, %select_n3A_841 : vector<16xf32>
      %jit3A_847 = arith.constant 5 : i32
      %broadcast_in_dim3A_848 = vector.broadcast %jit3A_847 : i32 to vector<16xi32>
      %select_n3A_849 = arith.select %gt3A_846, %broadcast_in_dim3A_848, %select_n3A_840 : vector<16xi1>, vector<16xi32>
      %select_n3A_850 = arith.select %gt3A_846, %add3A_845, %select_n3A_841 : vector<16xi1>, vector<16xf32>
      %broadcast_in_dim3A_851 = arith.constant 12 : i32
      %broadcast_in_dim3A_852 = vector.broadcast %broadcast_in_dim3A_851 : i32 to vector<16xi32>
      %gather3A_853 = tpu.vector_load_idx %arg9[%broadcast_in_dim3A_852, %add3A_404] : memref<112x128xf32, #tpu.memory_space<vmem>>[vector<16xi32>, vector<16xi32>], vector<16xf32>,
      %add3A_854 = arith.addf %gather3A_425, %gather3A_853 : vector<16xf32>
      %broadcast_in_dim3A_855 = arith.constant 0 : i32
      %broadcast_in_dim3A_856 = vector.broadcast %broadcast_in_dim3A_855 : i32 to vector<16xi32>
      %broadcast_in_dim3A_857 = arith.constant 13 : i32
      %broadcast_in_dim3A_858 = vector.broadcast %broadcast_in_dim3A_857 : i32 to vector<16xi32>
      %gather3A_859 = tpu.vector_load_idx %arg9[%broadcast_in_dim3A_858, %add3A_404] : memref<112x128xf32, #tpu.memory_space<vmem>>[vector<16xi32>, vector<16xi32>], vector<16xf32>,
      %add3A_860 = arith.addf %gather3A_428, %gather3A_859 : vector<16xf32>
      %gt3A_861 = arith.cmpf ogt, %add3A_860, %add3A_854 : vector<16xf32>
      %jit3A_862 = arith.constant 1 : i32
      %broadcast_in_dim3A_863 = vector.broadcast %jit3A_862 : i32 to vector<16xi32>
      %select_n3A_864 = arith.select %gt3A_861, %broadcast_in_dim3A_863, %broadcast_in_dim3A_856 : vector<16xi1>, vector<16xi32>
      %select_n3A_865 = arith.select %gt3A_861, %add3A_860, %add3A_854 : vector<16xi1>, vector<16xf32>
      %broadcast_in_dim3A_866 = arith.constant 14 : i32
      %broadcast_in_dim3A_867 = vector.broadcast %broadcast_in_dim3A_866 : i32 to vector<16xi32>
      %gather3A_868 = tpu.vector_load_idx %arg9[%broadcast_in_dim3A_867, %add3A_404] : memref<112x128xf32, #tpu.memory_space<vmem>>[vector<16xi32>, vector<16xi32>], vector<16xf32>,
      %add3A_869 = arith.addf %gather3A_431, %gather3A_868 : vector<16xf32>
      %gt3A_870 = arith.cmpf ogt, %add3A_869, %select_n3A_865 : vector<16xf32>
      %jit3A_871 = arith.constant 2 : i32
      %broadcast_in_dim3A_872 = vector.broadcast %jit3A_871 : i32 to vector<16xi32>
      %select_n3A_873 = arith.select %gt3A_870, %broadcast_in_dim3A_872, %select_n3A_864 : vector<16xi1>, vector<16xi32>
      %select_n3A_874 = arith.select %gt3A_870, %add3A_869, %select_n3A_865 : vector<16xi1>, vector<16xf32>
      %broadcast_in_dim3A_875 = arith.constant 15 : i32
      %broadcast_in_dim3A_876 = vector.broadcast %broadcast_in_dim3A_875 : i32 to vector<16xi32>
      %gather3A_877 = tpu.vector_load_idx %arg9[%broadcast_in_dim3A_876, %add3A_404] : memref<112x128xf32, #tpu.memory_space<vmem>>[vector<16xi32>, vector<16xi32>], vector<16xf32>,
      %add3A_878 = arith.addf %gather3A_434, %gather3A_877 : vector<16xf32>
      %gt3A_879 = arith.cmpf ogt, %add3A_878, %select_n3A_874 : vector<16xf32>
      %jit3A_880 = arith.constant 3 : i32
      %broadcast_in_dim3A_881 = vector.broadcast %jit3A_880 : i32 to vector<16xi32>
      %select_n3A_882 = arith.select %gt3A_879, %broadcast_in_dim3A_881, %select_n3A_873 : vector<16xi1>, vector<16xi32>
      %select_n3A_883 = arith.select %gt3A_879, %add3A_878, %select_n3A_874 : vector<16xi1>, vector<16xf32>
      %broadcast_in_dim3A_884 = arith.constant 16 : i32
      %broadcast_in_dim3A_885 = vector.broadcast %broadcast_in_dim3A_884 : i32 to vector<16xi32>
      %gather3A_886 = tpu.vector_load_idx %arg9[%broadcast_in_dim3A_885, %add3A_404] : memref<112x128xf32, #tpu.memory_space<vmem>>[vector<16xi32>, vector<16xi32>], vector<16xf32>,
      %add3A_887 = arith.addf %gather3A_437, %gather3A_886 : vector<16xf32>
      %gt3A_888 = arith.cmpf ogt, %add3A_887, %select_n3A_883 : vector<16xf32>
      %jit3A_889 = arith.constant 4 : i32
      %broadcast_in_dim3A_890 = vector.broadcast %jit3A_889 : i32 to vector<16xi32>
      %select_n3A_891 = arith.select %gt3A_888, %broadcast_in_dim3A_890, %select_n3A_882 : vector<16xi1>, vector<16xi32>
      %select_n3A_892 = arith.select %gt3A_888, %add3A_887, %select_n3A_883 : vector<16xi1>, vector<16xf32>
      %broadcast_in_dim3A_893 = arith.constant 17 : i32
      %broadcast_in_dim3A_894 = vector.broadcast %broadcast_in_dim3A_893 : i32 to vector<16xi32>
      %gather3A_895 = tpu.vector_load_idx %arg9[%broadcast_in_dim3A_894, %add3A_404] : memref<112x128xf32, #tpu.memory_space<vmem>>[vector<16xi32>, vector<16xi32>], vector<16xf32>,
      %add3A_896 = arith.addf %gather3A_440, %gather3A_895 : vector<16xf32>
      %gt3A_897 = arith.cmpf ogt, %add3A_896, %select_n3A_892 : vector<16xf32>
      %jit3A_898 = arith.constant 5 : i32
      %broadcast_in_dim3A_899 = vector.broadcast %jit3A_898 : i32 to vector<16xi32>
      %select_n3A_900 = arith.select %gt3A_897, %broadcast_in_dim3A_899, %select_n3A_891 : vector<16xi1>, vector<16xi32>
      %select_n3A_901 = arith.select %gt3A_897, %add3A_896, %select_n3A_892 : vector<16xi1>, vector<16xf32>
      %mul3A_902 = arith.constant 6 : i32
      %mul3A_903 = vector.broadcast %mul3A_902 : i32 to vector<16xi32>
      %mul3A_904 = arith.muli %select_n3A_849, %mul3A_903 : vector<16xi32>
      %add3A_905 = arith.addi %mul3A_904, %select_n3A_900 : vector<16xi32>
      %add3A_906 = arith.constant 0 : i32
      %add3A_907 = vector.broadcast %add3A_906 : i32 to vector<16xi32>
      %add3A_908 = arith.addi %add3A_905, %add3A_907 : vector<16xi32>
      %gather3A_909 = tpu.vector_load_idx %arg11[%add3A_908] : memref<256xf32, #tpu.memory_space<vmem>>[vector<16xi32>], vector<16xf32>,
      %add3A_910 = arith.addf %gather3A_443, %gather3A_909 : vector<16xf32>
      %exp3A_911 = math.exp %add3A_910 : vector<16xf32>
      %add3A_912 = arith.constant 36 : i32
      %add3A_913 = vector.broadcast %add3A_912 : i32 to vector<16xi32>
      %add3A_914 = arith.addi %add3A_905, %add3A_913 : vector<16xi32>
      %gather3A_915 = tpu.vector_load_idx %arg11[%add3A_914] : memref<256xf32, #tpu.memory_space<vmem>>[vector<16xi32>], vector<16xf32>,
      %add3A_916 = arith.addf %gather3A_446, %gather3A_915 : vector<16xf32>
      %exp3A_917 = math.exp %add3A_916 : vector<16xf32>
      %add3A_918 = arith.constant 72 : i32
      %add3A_919 = vector.broadcast %add3A_918 : i32 to vector<16xi32>
      %add3A_920 = arith.addi %add3A_905, %add3A_919 : vector<16xi32>
      %gather3A_921 = tpu.vector_load_idx %arg11[%add3A_920] : memref<256xf32, #tpu.memory_space<vmem>>[vector<16xi32>], vector<16xf32>,
      %add3A_922 = arith.addf %gather3A_449, %gather3A_921 : vector<16xf32>
      %exp3A_923 = math.exp %add3A_922 : vector<16xf32>
      %add3A_924 = arith.constant 108 : i32
      %add3A_925 = vector.broadcast %add3A_924 : i32 to vector<16xi32>
      %add3A_926 = arith.addi %add3A_905, %add3A_925 : vector<16xi32>
      %gather3A_927 = tpu.vector_load_idx %arg11[%add3A_926] : memref<256xf32, #tpu.memory_space<vmem>>[vector<16xi32>], vector<16xf32>,
      %add3A_928 = arith.addf %gather3A_452, %gather3A_927 : vector<16xf32>
      %exp3A_929 = math.exp %add3A_928 : vector<16xf32>
      %add3A_930 = arith.constant 144 : i32
      %add3A_931 = vector.broadcast %add3A_930 : i32 to vector<16xi32>
      %add3A_932 = arith.addi %add3A_905, %add3A_931 : vector<16xi32>
      %gather3A_933 = tpu.vector_load_idx %arg11[%add3A_932] : memref<256xf32, #tpu.memory_space<vmem>>[vector<16xi32>], vector<16xf32>,
      %add3A_934 = arith.addf %gather3A_455, %gather3A_933 : vector<16xf32>
      %exp3A_935 = math.exp %add3A_934 : vector<16xf32>
      %add3A_936 = arith.constant 180 : i32
      %add3A_937 = vector.broadcast %add3A_936 : i32 to vector<16xi32>
      %add3A_938 = arith.addi %add3A_905, %add3A_937 : vector<16xi32>
      %gather3A_939 = tpu.vector_load_idx %arg11[%add3A_938] : memref<256xf32, #tpu.memory_space<vmem>>[vector<16xi32>], vector<16xf32>,
      %add3A_940 = arith.addf %gather3A_458, %gather3A_939 : vector<16xf32>
      %exp3A_941 = math.exp %add3A_940 : vector<16xf32>
      %add3A_942 = arith.addf %exp3A_911, %exp3A_917 : vector<16xf32>
      %add3A_943 = arith.addf %add3A_942, %exp3A_923 : vector<16xf32>
      %add3A_944 = arith.addf %add3A_943, %exp3A_929 : vector<16xf32>
      %add3A_945 = arith.addf %add3A_944, %exp3A_935 : vector<16xf32>
      %add3A_946 = arith.addf %add3A_945, %exp3A_941 : vector<16xf32>
      %add3A_947 = arith.constant 216 : i32
      %add3A_948 = vector.broadcast %add3A_947 : i32 to vector<16xi32>
      %add3A_949 = arith.addi %add3A_905, %add3A_948 : vector<16xi32>
      %gather3A_950 = tpu.vector_load_idx %arg11[%add3A_949] : memref<256xf32, #tpu.memory_space<vmem>>[vector<16xi32>], vector<16xf32>,
      %div3A_951 = arith.divf %gather3A_950, %add3A_946 : vector<16xf32>
      %mul3A_952 = arith.mulf %div3A_951, %exp3A_911 : vector<16xf32>
      %add3A_953 = arith.addf %add3A_788, %mul3A_952 : vector<16xf32>
      %mul3A_954 = arith.mulf %div3A_951, %exp3A_917 : vector<16xf32>
      %add3A_955 = arith.addf %add3A_790, %mul3A_954 : vector<16xf32>
      %mul3A_956 = arith.mulf %div3A_951, %exp3A_923 : vector<16xf32>
      %add3A_957 = arith.addf %add3A_792, %mul3A_956 : vector<16xf32>
      %mul3A_958 = arith.mulf %div3A_951, %exp3A_929 : vector<16xf32>
      %add3A_959 = arith.addf %add3A_794, %mul3A_958 : vector<16xf32>
      %mul3A_960 = arith.mulf %div3A_951, %exp3A_935 : vector<16xf32>
      %add3A_961 = arith.addf %add3A_796, %mul3A_960 : vector<16xf32>
      %mul3A_962 = arith.mulf %div3A_951, %exp3A_941 : vector<16xf32>
      %add3A_963 = arith.addf %add3A_798, %mul3A_962 : vector<16xf32>
      %add3A_964 = arith.addf %add3A_799, %gather3A_950 : vector<16xf32>
      %broadcast_in_dim3A_965 = arith.constant 18 : i32
      %broadcast_in_dim3A_966 = vector.broadcast %broadcast_in_dim3A_965 : i32 to vector<16xi32>
      %gather3A_967 = tpu.vector_load_idx %arg8[%broadcast_in_dim3A_966, %add3A_404] : memref<112x128xf32, #tpu.memory_space<vmem>>[vector<16xi32>, vector<16xi32>], vector<16xf32>,
      %add3A_968 = arith.addf %gather3A_407, %gather3A_967 : vector<16xf32>
      %broadcast_in_dim3A_969 = arith.constant 0 : i32
      %broadcast_in_dim3A_970 = vector.broadcast %broadcast_in_dim3A_969 : i32 to vector<16xi32>
      %broadcast_in_dim3A_971 = arith.constant 19 : i32
      %broadcast_in_dim3A_972 = vector.broadcast %broadcast_in_dim3A_971 : i32 to vector<16xi32>
      %gather3A_973 = tpu.vector_load_idx %arg8[%broadcast_in_dim3A_972, %add3A_404] : memref<112x128xf32, #tpu.memory_space<vmem>>[vector<16xi32>, vector<16xi32>], vector<16xf32>,
      %add3A_974 = arith.addf %gather3A_410, %gather3A_973 : vector<16xf32>
      %gt3A_975 = arith.cmpf ogt, %add3A_974, %add3A_968 : vector<16xf32>
      %jit3A_976 = arith.constant 1 : i32
      %broadcast_in_dim3A_977 = vector.broadcast %jit3A_976 : i32 to vector<16xi32>
      %select_n3A_978 = arith.select %gt3A_975, %broadcast_in_dim3A_977, %broadcast_in_dim3A_970 : vector<16xi1>, vector<16xi32>
      %select_n3A_979 = arith.select %gt3A_975, %add3A_974, %add3A_968 : vector<16xi1>, vector<16xf32>
      %broadcast_in_dim3A_980 = arith.constant 20 : i32
      %broadcast_in_dim3A_981 = vector.broadcast %broadcast_in_dim3A_980 : i32 to vector<16xi32>
      %gather3A_982 = tpu.vector_load_idx %arg8[%broadcast_in_dim3A_981, %add3A_404] : memref<112x128xf32, #tpu.memory_space<vmem>>[vector<16xi32>, vector<16xi32>], vector<16xf32>,
      %add3A_983 = arith.addf %gather3A_413, %gather3A_982 : vector<16xf32>
      %gt3A_984 = arith.cmpf ogt, %add3A_983, %select_n3A_979 : vector<16xf32>
      %jit3A_985 = arith.constant 2 : i32
      %broadcast_in_dim3A_986 = vector.broadcast %jit3A_985 : i32 to vector<16xi32>
      %select_n3A_987 = arith.select %gt3A_984, %broadcast_in_dim3A_986, %select_n3A_978 : vector<16xi1>, vector<16xi32>
      %select_n3A_988 = arith.select %gt3A_984, %add3A_983, %select_n3A_979 : vector<16xi1>, vector<16xf32>
      %broadcast_in_dim3A_989 = arith.constant 21 : i32
      %broadcast_in_dim3A_990 = vector.broadcast %broadcast_in_dim3A_989 : i32 to vector<16xi32>
      %gather3A_991 = tpu.vector_load_idx %arg8[%broadcast_in_dim3A_990, %add3A_404] : memref<112x128xf32, #tpu.memory_space<vmem>>[vector<16xi32>, vector<16xi32>], vector<16xf32>,
      %add3A_992 = arith.addf %gather3A_416, %gather3A_991 : vector<16xf32>
      %gt3A_993 = arith.cmpf ogt, %add3A_992, %select_n3A_988 : vector<16xf32>
      %jit3A_994 = arith.constant 3 : i32
      %broadcast_in_dim3A_995 = vector.broadcast %jit3A_994 : i32 to vector<16xi32>
      %select_n3A_996 = arith.select %gt3A_993, %broadcast_in_dim3A_995, %select_n3A_987 : vector<16xi1>, vector<16xi32>
      %select_n3A_997 = arith.select %gt3A_993, %add3A_992, %select_n3A_988 : vector<16xi1>, vector<16xf32>
      %broadcast_in_dim3A_998 = arith.constant 22 : i32
      %broadcast_in_dim3A_999 = vector.broadcast %broadcast_in_dim3A_998 : i32 to vector<16xi32>
      %gather3A_1000 = tpu.vector_load_idx %arg8[%broadcast_in_dim3A_999, %add3A_404] : memref<112x128xf32, #tpu.memory_space<vmem>>[vector<16xi32>, vector<16xi32>], vector<16xf32>,
      %add3A_1001 = arith.addf %gather3A_419, %gather3A_1000 : vector<16xf32>
      %gt3A_1002 = arith.cmpf ogt, %add3A_1001, %select_n3A_997 : vector<16xf32>
      %jit3A_1003 = arith.constant 4 : i32
      %broadcast_in_dim3A_1004 = vector.broadcast %jit3A_1003 : i32 to vector<16xi32>
      %select_n3A_1005 = arith.select %gt3A_1002, %broadcast_in_dim3A_1004, %select_n3A_996 : vector<16xi1>, vector<16xi32>
      %select_n3A_1006 = arith.select %gt3A_1002, %add3A_1001, %select_n3A_997 : vector<16xi1>, vector<16xf32>
      %broadcast_in_dim3A_1007 = arith.constant 23 : i32
      %broadcast_in_dim3A_1008 = vector.broadcast %broadcast_in_dim3A_1007 : i32 to vector<16xi32>
      %gather3A_1009 = tpu.vector_load_idx %arg8[%broadcast_in_dim3A_1008, %add3A_404] : memref<112x128xf32, #tpu.memory_space<vmem>>[vector<16xi32>, vector<16xi32>], vector<16xf32>,
      %add3A_1010 = arith.addf %gather3A_422, %gather3A_1009 : vector<16xf32>
      %gt3A_1011 = arith.cmpf ogt, %add3A_1010, %select_n3A_1006 : vector<16xf32>
      %jit3A_1012 = arith.constant 5 : i32
      %broadcast_in_dim3A_1013 = vector.broadcast %jit3A_1012 : i32 to vector<16xi32>
      %select_n3A_1014 = arith.select %gt3A_1011, %broadcast_in_dim3A_1013, %select_n3A_1005 : vector<16xi1>, vector<16xi32>
      %select_n3A_1015 = arith.select %gt3A_1011, %add3A_1010, %select_n3A_1006 : vector<16xi1>, vector<16xf32>
      %broadcast_in_dim3A_1016 = arith.constant 18 : i32
      %broadcast_in_dim3A_1017 = vector.broadcast %broadcast_in_dim3A_1016 : i32 to vector<16xi32>
      %gather3A_1018 = tpu.vector_load_idx %arg9[%broadcast_in_dim3A_1017, %add3A_404] : memref<112x128xf32, #tpu.memory_space<vmem>>[vector<16xi32>, vector<16xi32>], vector<16xf32>,
      %add3A_1019 = arith.addf %gather3A_425, %gather3A_1018 : vector<16xf32>
      %broadcast_in_dim3A_1020 = arith.constant 0 : i32
      %broadcast_in_dim3A_1021 = vector.broadcast %broadcast_in_dim3A_1020 : i32 to vector<16xi32>
      %broadcast_in_dim3A_1022 = arith.constant 19 : i32
      %broadcast_in_dim3A_1023 = vector.broadcast %broadcast_in_dim3A_1022 : i32 to vector<16xi32>
      %gather3A_1024 = tpu.vector_load_idx %arg9[%broadcast_in_dim3A_1023, %add3A_404] : memref<112x128xf32, #tpu.memory_space<vmem>>[vector<16xi32>, vector<16xi32>], vector<16xf32>,
      %add3A_1025 = arith.addf %gather3A_428, %gather3A_1024 : vector<16xf32>
      %gt3A_1026 = arith.cmpf ogt, %add3A_1025, %add3A_1019 : vector<16xf32>
      %jit3A_1027 = arith.constant 1 : i32
      %broadcast_in_dim3A_1028 = vector.broadcast %jit3A_1027 : i32 to vector<16xi32>
      %select_n3A_1029 = arith.select %gt3A_1026, %broadcast_in_dim3A_1028, %broadcast_in_dim3A_1021 : vector<16xi1>, vector<16xi32>
      %select_n3A_1030 = arith.select %gt3A_1026, %add3A_1025, %add3A_1019 : vector<16xi1>, vector<16xf32>
      %broadcast_in_dim3A_1031 = arith.constant 20 : i32
      %broadcast_in_dim3A_1032 = vector.broadcast %broadcast_in_dim3A_1031 : i32 to vector<16xi32>
      %gather3A_1033 = tpu.vector_load_idx %arg9[%broadcast_in_dim3A_1032, %add3A_404] : memref<112x128xf32, #tpu.memory_space<vmem>>[vector<16xi32>, vector<16xi32>], vector<16xf32>,
      %add3A_1034 = arith.addf %gather3A_431, %gather3A_1033 : vector<16xf32>
      %gt3A_1035 = arith.cmpf ogt, %add3A_1034, %select_n3A_1030 : vector<16xf32>
      %jit3A_1036 = arith.constant 2 : i32
      %broadcast_in_dim3A_1037 = vector.broadcast %jit3A_1036 : i32 to vector<16xi32>
      %select_n3A_1038 = arith.select %gt3A_1035, %broadcast_in_dim3A_1037, %select_n3A_1029 : vector<16xi1>, vector<16xi32>
      %select_n3A_1039 = arith.select %gt3A_1035, %add3A_1034, %select_n3A_1030 : vector<16xi1>, vector<16xf32>
      %broadcast_in_dim3A_1040 = arith.constant 21 : i32
      %broadcast_in_dim3A_1041 = vector.broadcast %broadcast_in_dim3A_1040 : i32 to vector<16xi32>
      %gather3A_1042 = tpu.vector_load_idx %arg9[%broadcast_in_dim3A_1041, %add3A_404] : memref<112x128xf32, #tpu.memory_space<vmem>>[vector<16xi32>, vector<16xi32>], vector<16xf32>,
      %add3A_1043 = arith.addf %gather3A_434, %gather3A_1042 : vector<16xf32>
      %gt3A_1044 = arith.cmpf ogt, %add3A_1043, %select_n3A_1039 : vector<16xf32>
      %jit3A_1045 = arith.constant 3 : i32
      %broadcast_in_dim3A_1046 = vector.broadcast %jit3A_1045 : i32 to vector<16xi32>
      %select_n3A_1047 = arith.select %gt3A_1044, %broadcast_in_dim3A_1046, %select_n3A_1038 : vector<16xi1>, vector<16xi32>
      %select_n3A_1048 = arith.select %gt3A_1044, %add3A_1043, %select_n3A_1039 : vector<16xi1>, vector<16xf32>
      %broadcast_in_dim3A_1049 = arith.constant 22 : i32
      %broadcast_in_dim3A_1050 = vector.broadcast %broadcast_in_dim3A_1049 : i32 to vector<16xi32>
      %gather3A_1051 = tpu.vector_load_idx %arg9[%broadcast_in_dim3A_1050, %add3A_404] : memref<112x128xf32, #tpu.memory_space<vmem>>[vector<16xi32>, vector<16xi32>], vector<16xf32>,
      %add3A_1052 = arith.addf %gather3A_437, %gather3A_1051 : vector<16xf32>
      %gt3A_1053 = arith.cmpf ogt, %add3A_1052, %select_n3A_1048 : vector<16xf32>
      %jit3A_1054 = arith.constant 4 : i32
      %broadcast_in_dim3A_1055 = vector.broadcast %jit3A_1054 : i32 to vector<16xi32>
      %select_n3A_1056 = arith.select %gt3A_1053, %broadcast_in_dim3A_1055, %select_n3A_1047 : vector<16xi1>, vector<16xi32>
      %select_n3A_1057 = arith.select %gt3A_1053, %add3A_1052, %select_n3A_1048 : vector<16xi1>, vector<16xf32>
      %broadcast_in_dim3A_1058 = arith.constant 23 : i32
      %broadcast_in_dim3A_1059 = vector.broadcast %broadcast_in_dim3A_1058 : i32 to vector<16xi32>
      %gather3A_1060 = tpu.vector_load_idx %arg9[%broadcast_in_dim3A_1059, %add3A_404] : memref<112x128xf32, #tpu.memory_space<vmem>>[vector<16xi32>, vector<16xi32>], vector<16xf32>,
      %add3A_1061 = arith.addf %gather3A_440, %gather3A_1060 : vector<16xf32>
      %gt3A_1062 = arith.cmpf ogt, %add3A_1061, %select_n3A_1057 : vector<16xf32>
      %jit3A_1063 = arith.constant 5 : i32
      %broadcast_in_dim3A_1064 = vector.broadcast %jit3A_1063 : i32 to vector<16xi32>
      %select_n3A_1065 = arith.select %gt3A_1062, %broadcast_in_dim3A_1064, %select_n3A_1056 : vector<16xi1>, vector<16xi32>
      %select_n3A_1066 = arith.select %gt3A_1062, %add3A_1061, %select_n3A_1057 : vector<16xi1>, vector<16xf32>
      %mul3A_1067 = arith.constant 6 : i32
      %mul3A_1068 = vector.broadcast %mul3A_1067 : i32 to vector<16xi32>
      %mul3A_1069 = arith.muli %select_n3A_1014, %mul3A_1068 : vector<16xi32>
      %add3A_1070 = arith.addi %mul3A_1069, %select_n3A_1065 : vector<16xi32>
      %add3A_1071 = arith.constant 0 : i32
      %add3A_1072 = vector.broadcast %add3A_1071 : i32 to vector<16xi32>
      %add3A_1073 = arith.addi %add3A_1070, %add3A_1072 : vector<16xi32>
      %gather3A_1074 = tpu.vector_load_idx %arg11[%add3A_1073] : memref<256xf32, #tpu.memory_space<vmem>>[vector<16xi32>], vector<16xf32>,
      %add3A_1075 = arith.addf %gather3A_443, %gather3A_1074 : vector<16xf32>
      %exp3A_1076 = math.exp %add3A_1075 : vector<16xf32>
      %add3A_1077 = arith.constant 36 : i32
      %add3A_1078 = vector.broadcast %add3A_1077 : i32 to vector<16xi32>
      %add3A_1079 = arith.addi %add3A_1070, %add3A_1078 : vector<16xi32>
      %gather3A_1080 = tpu.vector_load_idx %arg11[%add3A_1079] : memref<256xf32, #tpu.memory_space<vmem>>[vector<16xi32>], vector<16xf32>,
      %add3A_1081 = arith.addf %gather3A_446, %gather3A_1080 : vector<16xf32>
      %exp3A_1082 = math.exp %add3A_1081 : vector<16xf32>
      %add3A_1083 = arith.constant 72 : i32
      %add3A_1084 = vector.broadcast %add3A_1083 : i32 to vector<16xi32>
      %add3A_1085 = arith.addi %add3A_1070, %add3A_1084 : vector<16xi32>
      %gather3A_1086 = tpu.vector_load_idx %arg11[%add3A_1085] : memref<256xf32, #tpu.memory_space<vmem>>[vector<16xi32>], vector<16xf32>,
      %add3A_1087 = arith.addf %gather3A_449, %gather3A_1086 : vector<16xf32>
      %exp3A_1088 = math.exp %add3A_1087 : vector<16xf32>
      %add3A_1089 = arith.constant 108 : i32
      %add3A_1090 = vector.broadcast %add3A_1089 : i32 to vector<16xi32>
      %add3A_1091 = arith.addi %add3A_1070, %add3A_1090 : vector<16xi32>
      %gather3A_1092 = tpu.vector_load_idx %arg11[%add3A_1091] : memref<256xf32, #tpu.memory_space<vmem>>[vector<16xi32>], vector<16xf32>,
      %add3A_1093 = arith.addf %gather3A_452, %gather3A_1092 : vector<16xf32>
      %exp3A_1094 = math.exp %add3A_1093 : vector<16xf32>
      %add3A_1095 = arith.constant 144 : i32
      %add3A_1096 = vector.broadcast %add3A_1095 : i32 to vector<16xi32>
      %add3A_1097 = arith.addi %add3A_1070, %add3A_1096 : vector<16xi32>
      %gather3A_1098 = tpu.vector_load_idx %arg11[%add3A_1097] : memref<256xf32, #tpu.memory_space<vmem>>[vector<16xi32>], vector<16xf32>,
      %add3A_1099 = arith.addf %gather3A_455, %gather3A_1098 : vector<16xf32>
      %exp3A_1100 = math.exp %add3A_1099 : vector<16xf32>
      %add3A_1101 = arith.constant 180 : i32
      %add3A_1102 = vector.broadcast %add3A_1101 : i32 to vector<16xi32>
      %add3A_1103 = arith.addi %add3A_1070, %add3A_1102 : vector<16xi32>
      %gather3A_1104 = tpu.vector_load_idx %arg11[%add3A_1103] : memref<256xf32, #tpu.memory_space<vmem>>[vector<16xi32>], vector<16xf32>,
      %add3A_1105 = arith.addf %gather3A_458, %gather3A_1104 : vector<16xf32>
      %exp3A_1106 = math.exp %add3A_1105 : vector<16xf32>
      %add3A_1107 = arith.addf %exp3A_1076, %exp3A_1082 : vector<16xf32>
      %add3A_1108 = arith.addf %add3A_1107, %exp3A_1088 : vector<16xf32>
      %add3A_1109 = arith.addf %add3A_1108, %exp3A_1094 : vector<16xf32>
      %add3A_1110 = arith.addf %add3A_1109, %exp3A_1100 : vector<16xf32>
      %add3A_1111 = arith.addf %add3A_1110, %exp3A_1106 : vector<16xf32>
      %add3A_1112 = arith.constant 216 : i32
      %add3A_1113 = vector.broadcast %add3A_1112 : i32 to vector<16xi32>
      %add3A_1114 = arith.addi %add3A_1070, %add3A_1113 : vector<16xi32>
      %gather3A_1115 = tpu.vector_load_idx %arg11[%add3A_1114] : memref<256xf32, #tpu.memory_space<vmem>>[vector<16xi32>], vector<16xf32>,
      %div3A_1116 = arith.divf %gather3A_1115, %add3A_1111 : vector<16xf32>
      %mul3A_1117 = arith.mulf %div3A_1116, %exp3A_1076 : vector<16xf32>
      %add3A_1118 = arith.addf %add3A_953, %mul3A_1117 : vector<16xf32>
      %mul3A_1119 = arith.mulf %div3A_1116, %exp3A_1082 : vector<16xf32>
      %add3A_1120 = arith.addf %add3A_955, %mul3A_1119 : vector<16xf32>
      %mul3A_1121 = arith.mulf %div3A_1116, %exp3A_1088 : vector<16xf32>
      %add3A_1122 = arith.addf %add3A_957, %mul3A_1121 : vector<16xf32>
      %mul3A_1123 = arith.mulf %div3A_1116, %exp3A_1094 : vector<16xf32>
      %add3A_1124 = arith.addf %add3A_959, %mul3A_1123 : vector<16xf32>
      %mul3A_1125 = arith.mulf %div3A_1116, %exp3A_1100 : vector<16xf32>
      %add3A_1126 = arith.addf %add3A_961, %mul3A_1125 : vector<16xf32>
      %mul3A_1127 = arith.mulf %div3A_1116, %exp3A_1106 : vector<16xf32>
      %add3A_1128 = arith.addf %add3A_963, %mul3A_1127 : vector<16xf32>
      %add3A_1129 = arith.addf %add3A_964, %gather3A_1115 : vector<16xf32>
      %broadcast_in_dim3A_1130 = arith.constant 24 : i32
      %broadcast_in_dim3A_1131 = vector.broadcast %broadcast_in_dim3A_1130 : i32 to vector<16xi32>
      %gather3A_1132 = tpu.vector_load_idx %arg8[%broadcast_in_dim3A_1131, %add3A_404] : memref<112x128xf32, #tpu.memory_space<vmem>>[vector<16xi32>, vector<16xi32>], vector<16xf32>,
      %add3A_1133 = arith.addf %gather3A_407, %gather3A_1132 : vector<16xf32>
      %broadcast_in_dim3A_1134 = arith.constant 0 : i32
      %broadcast_in_dim3A_1135 = vector.broadcast %broadcast_in_dim3A_1134 : i32 to vector<16xi32>
      %broadcast_in_dim3A_1136 = arith.constant 25 : i32
      %broadcast_in_dim3A_1137 = vector.broadcast %broadcast_in_dim3A_1136 : i32 to vector<16xi32>
      %gather3A_1138 = tpu.vector_load_idx %arg8[%broadcast_in_dim3A_1137, %add3A_404] : memref<112x128xf32, #tpu.memory_space<vmem>>[vector<16xi32>, vector<16xi32>], vector<16xf32>,
      %add3A_1139 = arith.addf %gather3A_410, %gather3A_1138 : vector<16xf32>
      %gt3A_1140 = arith.cmpf ogt, %add3A_1139, %add3A_1133 : vector<16xf32>
      %jit3A_1141 = arith.constant 1 : i32
      %broadcast_in_dim3A_1142 = vector.broadcast %jit3A_1141 : i32 to vector<16xi32>
      %select_n3A_1143 = arith.select %gt3A_1140, %broadcast_in_dim3A_1142, %broadcast_in_dim3A_1135 : vector<16xi1>, vector<16xi32>
      %select_n3A_1144 = arith.select %gt3A_1140, %add3A_1139, %add3A_1133 : vector<16xi1>, vector<16xf32>
      %broadcast_in_dim3A_1145 = arith.constant 26 : i32
      %broadcast_in_dim3A_1146 = vector.broadcast %broadcast_in_dim3A_1145 : i32 to vector<16xi32>
      %gather3A_1147 = tpu.vector_load_idx %arg8[%broadcast_in_dim3A_1146, %add3A_404] : memref<112x128xf32, #tpu.memory_space<vmem>>[vector<16xi32>, vector<16xi32>], vector<16xf32>,
      %add3A_1148 = arith.addf %gather3A_413, %gather3A_1147 : vector<16xf32>
      %gt3A_1149 = arith.cmpf ogt, %add3A_1148, %select_n3A_1144 : vector<16xf32>
      %jit3A_1150 = arith.constant 2 : i32
      %broadcast_in_dim3A_1151 = vector.broadcast %jit3A_1150 : i32 to vector<16xi32>
      %select_n3A_1152 = arith.select %gt3A_1149, %broadcast_in_dim3A_1151, %select_n3A_1143 : vector<16xi1>, vector<16xi32>
      %select_n3A_1153 = arith.select %gt3A_1149, %add3A_1148, %select_n3A_1144 : vector<16xi1>, vector<16xf32>
      %broadcast_in_dim3A_1154 = arith.constant 27 : i32
      %broadcast_in_dim3A_1155 = vector.broadcast %broadcast_in_dim3A_1154 : i32 to vector<16xi32>
      %gather3A_1156 = tpu.vector_load_idx %arg8[%broadcast_in_dim3A_1155, %add3A_404] : memref<112x128xf32, #tpu.memory_space<vmem>>[vector<16xi32>, vector<16xi32>], vector<16xf32>,
      %add3A_1157 = arith.addf %gather3A_416, %gather3A_1156 : vector<16xf32>
      %gt3A_1158 = arith.cmpf ogt, %add3A_1157, %select_n3A_1153 : vector<16xf32>
      %jit3A_1159 = arith.constant 3 : i32
      %broadcast_in_dim3A_1160 = vector.broadcast %jit3A_1159 : i32 to vector<16xi32>
      %select_n3A_1161 = arith.select %gt3A_1158, %broadcast_in_dim3A_1160, %select_n3A_1152 : vector<16xi1>, vector<16xi32>
      %select_n3A_1162 = arith.select %gt3A_1158, %add3A_1157, %select_n3A_1153 : vector<16xi1>, vector<16xf32>
      %broadcast_in_dim3A_1163 = arith.constant 28 : i32
      %broadcast_in_dim3A_1164 = vector.broadcast %broadcast_in_dim3A_1163 : i32 to vector<16xi32>
      %gather3A_1165 = tpu.vector_load_idx %arg8[%broadcast_in_dim3A_1164, %add3A_404] : memref<112x128xf32, #tpu.memory_space<vmem>>[vector<16xi32>, vector<16xi32>], vector<16xf32>,
      %add3A_1166 = arith.addf %gather3A_419, %gather3A_1165 : vector<16xf32>
      %gt3A_1167 = arith.cmpf ogt, %add3A_1166, %select_n3A_1162 : vector<16xf32>
      %jit3A_1168 = arith.constant 4 : i32
      %broadcast_in_dim3A_1169 = vector.broadcast %jit3A_1168 : i32 to vector<16xi32>
      %select_n3A_1170 = arith.select %gt3A_1167, %broadcast_in_dim3A_1169, %select_n3A_1161 : vector<16xi1>, vector<16xi32>
      %select_n3A_1171 = arith.select %gt3A_1167, %add3A_1166, %select_n3A_1162 : vector<16xi1>, vector<16xf32>
      %broadcast_in_dim3A_1172 = arith.constant 29 : i32
      %broadcast_in_dim3A_1173 = vector.broadcast %broadcast_in_dim3A_1172 : i32 to vector<16xi32>
      %gather3A_1174 = tpu.vector_load_idx %arg8[%broadcast_in_dim3A_1173, %add3A_404] : memref<112x128xf32, #tpu.memory_space<vmem>>[vector<16xi32>, vector<16xi32>], vector<16xf32>,
      %add3A_1175 = arith.addf %gather3A_422, %gather3A_1174 : vector<16xf32>
      %gt3A_1176 = arith.cmpf ogt, %add3A_1175, %select_n3A_1171 : vector<16xf32>
      %jit3A_1177 = arith.constant 5 : i32
      %broadcast_in_dim3A_1178 = vector.broadcast %jit3A_1177 : i32 to vector<16xi32>
      %select_n3A_1179 = arith.select %gt3A_1176, %broadcast_in_dim3A_1178, %select_n3A_1170 : vector<16xi1>, vector<16xi32>
      %select_n3A_1180 = arith.select %gt3A_1176, %add3A_1175, %select_n3A_1171 : vector<16xi1>, vector<16xf32>
      %broadcast_in_dim3A_1181 = arith.constant 24 : i32
      %broadcast_in_dim3A_1182 = vector.broadcast %broadcast_in_dim3A_1181 : i32 to vector<16xi32>
      %gather3A_1183 = tpu.vector_load_idx %arg9[%broadcast_in_dim3A_1182, %add3A_404] : memref<112x128xf32, #tpu.memory_space<vmem>>[vector<16xi32>, vector<16xi32>], vector<16xf32>,
      %add3A_1184 = arith.addf %gather3A_425, %gather3A_1183 : vector<16xf32>
      %broadcast_in_dim3A_1185 = arith.constant 0 : i32
      %broadcast_in_dim3A_1186 = vector.broadcast %broadcast_in_dim3A_1185 : i32 to vector<16xi32>
      %broadcast_in_dim3A_1187 = arith.constant 25 : i32
      %broadcast_in_dim3A_1188 = vector.broadcast %broadcast_in_dim3A_1187 : i32 to vector<16xi32>
      %gather3A_1189 = tpu.vector_load_idx %arg9[%broadcast_in_dim3A_1188, %add3A_404] : memref<112x128xf32, #tpu.memory_space<vmem>>[vector<16xi32>, vector<16xi32>], vector<16xf32>,
      %add3A_1190 = arith.addf %gather3A_428, %gather3A_1189 : vector<16xf32>
      %gt3A_1191 = arith.cmpf ogt, %add3A_1190, %add3A_1184 : vector<16xf32>
      %jit3A_1192 = arith.constant 1 : i32
      %broadcast_in_dim3A_1193 = vector.broadcast %jit3A_1192 : i32 to vector<16xi32>
      %select_n3A_1194 = arith.select %gt3A_1191, %broadcast_in_dim3A_1193, %broadcast_in_dim3A_1186 : vector<16xi1>, vector<16xi32>
      %select_n3A_1195 = arith.select %gt3A_1191, %add3A_1190, %add3A_1184 : vector<16xi1>, vector<16xf32>
      %broadcast_in_dim3A_1196 = arith.constant 26 : i32
      %broadcast_in_dim3A_1197 = vector.broadcast %broadcast_in_dim3A_1196 : i32 to vector<16xi32>
      %gather3A_1198 = tpu.vector_load_idx %arg9[%broadcast_in_dim3A_1197, %add3A_404] : memref<112x128xf32, #tpu.memory_space<vmem>>[vector<16xi32>, vector<16xi32>], vector<16xf32>,
      %add3A_1199 = arith.addf %gather3A_431, %gather3A_1198 : vector<16xf32>
      %gt3A_1200 = arith.cmpf ogt, %add3A_1199, %select_n3A_1195 : vector<16xf32>
      %jit3A_1201 = arith.constant 2 : i32
      %broadcast_in_dim3A_1202 = vector.broadcast %jit3A_1201 : i32 to vector<16xi32>
      %select_n3A_1203 = arith.select %gt3A_1200, %broadcast_in_dim3A_1202, %select_n3A_1194 : vector<16xi1>, vector<16xi32>
      %select_n3A_1204 = arith.select %gt3A_1200, %add3A_1199, %select_n3A_1195 : vector<16xi1>, vector<16xf32>
      %broadcast_in_dim3A_1205 = arith.constant 27 : i32
      %broadcast_in_dim3A_1206 = vector.broadcast %broadcast_in_dim3A_1205 : i32 to vector<16xi32>
      %gather3A_1207 = tpu.vector_load_idx %arg9[%broadcast_in_dim3A_1206, %add3A_404] : memref<112x128xf32, #tpu.memory_space<vmem>>[vector<16xi32>, vector<16xi32>], vector<16xf32>,
      %add3A_1208 = arith.addf %gather3A_434, %gather3A_1207 : vector<16xf32>
      %gt3A_1209 = arith.cmpf ogt, %add3A_1208, %select_n3A_1204 : vector<16xf32>
      %jit3A_1210 = arith.constant 3 : i32
      %broadcast_in_dim3A_1211 = vector.broadcast %jit3A_1210 : i32 to vector<16xi32>
      %select_n3A_1212 = arith.select %gt3A_1209, %broadcast_in_dim3A_1211, %select_n3A_1203 : vector<16xi1>, vector<16xi32>
      %select_n3A_1213 = arith.select %gt3A_1209, %add3A_1208, %select_n3A_1204 : vector<16xi1>, vector<16xf32>
      %broadcast_in_dim3A_1214 = arith.constant 28 : i32
      %broadcast_in_dim3A_1215 = vector.broadcast %broadcast_in_dim3A_1214 : i32 to vector<16xi32>
      %gather3A_1216 = tpu.vector_load_idx %arg9[%broadcast_in_dim3A_1215, %add3A_404] : memref<112x128xf32, #tpu.memory_space<vmem>>[vector<16xi32>, vector<16xi32>], vector<16xf32>,
      %add3A_1217 = arith.addf %gather3A_437, %gather3A_1216 : vector<16xf32>
      %gt3A_1218 = arith.cmpf ogt, %add3A_1217, %select_n3A_1213 : vector<16xf32>
      %jit3A_1219 = arith.constant 4 : i32
      %broadcast_in_dim3A_1220 = vector.broadcast %jit3A_1219 : i32 to vector<16xi32>
      %select_n3A_1221 = arith.select %gt3A_1218, %broadcast_in_dim3A_1220, %select_n3A_1212 : vector<16xi1>, vector<16xi32>
      %select_n3A_1222 = arith.select %gt3A_1218, %add3A_1217, %select_n3A_1213 : vector<16xi1>, vector<16xf32>
      %broadcast_in_dim3A_1223 = arith.constant 29 : i32
      %broadcast_in_dim3A_1224 = vector.broadcast %broadcast_in_dim3A_1223 : i32 to vector<16xi32>
      %gather3A_1225 = tpu.vector_load_idx %arg9[%broadcast_in_dim3A_1224, %add3A_404] : memref<112x128xf32, #tpu.memory_space<vmem>>[vector<16xi32>, vector<16xi32>], vector<16xf32>,
      %add3A_1226 = arith.addf %gather3A_440, %gather3A_1225 : vector<16xf32>
      %gt3A_1227 = arith.cmpf ogt, %add3A_1226, %select_n3A_1222 : vector<16xf32>
      %jit3A_1228 = arith.constant 5 : i32
      %broadcast_in_dim3A_1229 = vector.broadcast %jit3A_1228 : i32 to vector<16xi32>
      %select_n3A_1230 = arith.select %gt3A_1227, %broadcast_in_dim3A_1229, %select_n3A_1221 : vector<16xi1>, vector<16xi32>
      %select_n3A_1231 = arith.select %gt3A_1227, %add3A_1226, %select_n3A_1222 : vector<16xi1>, vector<16xf32>
      %mul3A_1232 = arith.constant 6 : i32
      %mul3A_1233 = vector.broadcast %mul3A_1232 : i32 to vector<16xi32>
      %mul3A_1234 = arith.muli %select_n3A_1179, %mul3A_1233 : vector<16xi32>
      %add3A_1235 = arith.addi %mul3A_1234, %select_n3A_1230 : vector<16xi32>
      %add3A_1236 = arith.constant 0 : i32
      %add3A_1237 = vector.broadcast %add3A_1236 : i32 to vector<16xi32>
      %add3A_1238 = arith.addi %add3A_1235, %add3A_1237 : vector<16xi32>
      %gather3A_1239 = tpu.vector_load_idx %arg11[%add3A_1238] : memref<256xf32, #tpu.memory_space<vmem>>[vector<16xi32>], vector<16xf32>,
      %add3A_1240 = arith.addf %gather3A_443, %gather3A_1239 : vector<16xf32>
      %exp3A_1241 = math.exp %add3A_1240 : vector<16xf32>
      %add3A_1242 = arith.constant 36 : i32
      %add3A_1243 = vector.broadcast %add3A_1242 : i32 to vector<16xi32>
      %add3A_1244 = arith.addi %add3A_1235, %add3A_1243 : vector<16xi32>
      %gather3A_1245 = tpu.vector_load_idx %arg11[%add3A_1244] : memref<256xf32, #tpu.memory_space<vmem>>[vector<16xi32>], vector<16xf32>,
      %add3A_1246 = arith.addf %gather3A_446, %gather3A_1245 : vector<16xf32>
      %exp3A_1247 = math.exp %add3A_1246 : vector<16xf32>
      %add3A_1248 = arith.constant 72 : i32
      %add3A_1249 = vector.broadcast %add3A_1248 : i32 to vector<16xi32>
      %add3A_1250 = arith.addi %add3A_1235, %add3A_1249 : vector<16xi32>
      %gather3A_1251 = tpu.vector_load_idx %arg11[%add3A_1250] : memref<256xf32, #tpu.memory_space<vmem>>[vector<16xi32>], vector<16xf32>,
      %add3A_1252 = arith.addf %gather3A_449, %gather3A_1251 : vector<16xf32>
      %exp3A_1253 = math.exp %add3A_1252 : vector<16xf32>
      %add3A_1254 = arith.constant 108 : i32
      %add3A_1255 = vector.broadcast %add3A_1254 : i32 to vector<16xi32>
      %add3A_1256 = arith.addi %add3A_1235, %add3A_1255 : vector<16xi32>
      %gather3A_1257 = tpu.vector_load_idx %arg11[%add3A_1256] : memref<256xf32, #tpu.memory_space<vmem>>[vector<16xi32>], vector<16xf32>,
      %add3A_1258 = arith.addf %gather3A_452, %gather3A_1257 : vector<16xf32>
      %exp3A_1259 = math.exp %add3A_1258 : vector<16xf32>
      %add3A_1260 = arith.constant 144 : i32
      %add3A_1261 = vector.broadcast %add3A_1260 : i32 to vector<16xi32>
      %add3A_1262 = arith.addi %add3A_1235, %add3A_1261 : vector<16xi32>
      %gather3A_1263 = tpu.vector_load_idx %arg11[%add3A_1262] : memref<256xf32, #tpu.memory_space<vmem>>[vector<16xi32>], vector<16xf32>,
      %add3A_1264 = arith.addf %gather3A_455, %gather3A_1263 : vector<16xf32>
      %exp3A_1265 = math.exp %add3A_1264 : vector<16xf32>
      %add3A_1266 = arith.constant 180 : i32
      %add3A_1267 = vector.broadcast %add3A_1266 : i32 to vector<16xi32>
      %add3A_1268 = arith.addi %add3A_1235, %add3A_1267 : vector<16xi32>
      %gather3A_1269 = tpu.vector_load_idx %arg11[%add3A_1268] : memref<256xf32, #tpu.memory_space<vmem>>[vector<16xi32>], vector<16xf32>,
      %add3A_1270 = arith.addf %gather3A_458, %gather3A_1269 : vector<16xf32>
      %exp3A_1271 = math.exp %add3A_1270 : vector<16xf32>
      %add3A_1272 = arith.addf %exp3A_1241, %exp3A_1247 : vector<16xf32>
      %add3A_1273 = arith.addf %add3A_1272, %exp3A_1253 : vector<16xf32>
      %add3A_1274 = arith.addf %add3A_1273, %exp3A_1259 : vector<16xf32>
      %add3A_1275 = arith.addf %add3A_1274, %exp3A_1265 : vector<16xf32>
      %add3A_1276 = arith.addf %add3A_1275, %exp3A_1271 : vector<16xf32>
      %add3A_1277 = arith.constant 216 : i32
      %add3A_1278 = vector.broadcast %add3A_1277 : i32 to vector<16xi32>
      %add3A_1279 = arith.addi %add3A_1235, %add3A_1278 : vector<16xi32>
      %gather3A_1280 = tpu.vector_load_idx %arg11[%add3A_1279] : memref<256xf32, #tpu.memory_space<vmem>>[vector<16xi32>], vector<16xf32>,
      %div3A_1281 = arith.divf %gather3A_1280, %add3A_1276 : vector<16xf32>
      %mul3A_1282 = arith.mulf %div3A_1281, %exp3A_1241 : vector<16xf32>
      %add3A_1283 = arith.addf %add3A_1118, %mul3A_1282 : vector<16xf32>
      %mul3A_1284 = arith.mulf %div3A_1281, %exp3A_1247 : vector<16xf32>
      %add3A_1285 = arith.addf %add3A_1120, %mul3A_1284 : vector<16xf32>
      %mul3A_1286 = arith.mulf %div3A_1281, %exp3A_1253 : vector<16xf32>
      %add3A_1287 = arith.addf %add3A_1122, %mul3A_1286 : vector<16xf32>
      %mul3A_1288 = arith.mulf %div3A_1281, %exp3A_1259 : vector<16xf32>
      %add3A_1289 = arith.addf %add3A_1124, %mul3A_1288 : vector<16xf32>
      %mul3A_1290 = arith.mulf %div3A_1281, %exp3A_1265 : vector<16xf32>
      %add3A_1291 = arith.addf %add3A_1126, %mul3A_1290 : vector<16xf32>
      %mul3A_1292 = arith.mulf %div3A_1281, %exp3A_1271 : vector<16xf32>
      %add3A_1293 = arith.addf %add3A_1128, %mul3A_1292 : vector<16xf32>
      %add3A_1294 = arith.addf %add3A_1129, %gather3A_1280 : vector<16xf32>
      %broadcast_in_dim3A_1295 = arith.constant 30 : i32
      %broadcast_in_dim3A_1296 = vector.broadcast %broadcast_in_dim3A_1295 : i32 to vector<16xi32>
      %gather3A_1297 = tpu.vector_load_idx %arg8[%broadcast_in_dim3A_1296, %add3A_404] : memref<112x128xf32, #tpu.memory_space<vmem>>[vector<16xi32>, vector<16xi32>], vector<16xf32>,
      %add3A_1298 = arith.addf %gather3A_407, %gather3A_1297 : vector<16xf32>
      %broadcast_in_dim3A_1299 = arith.constant 0 : i32
      %broadcast_in_dim3A_1300 = vector.broadcast %broadcast_in_dim3A_1299 : i32 to vector<16xi32>
      %broadcast_in_dim3A_1301 = arith.constant 31 : i32
      %broadcast_in_dim3A_1302 = vector.broadcast %broadcast_in_dim3A_1301 : i32 to vector<16xi32>
      %gather3A_1303 = tpu.vector_load_idx %arg8[%broadcast_in_dim3A_1302, %add3A_404] : memref<112x128xf32, #tpu.memory_space<vmem>>[vector<16xi32>, vector<16xi32>], vector<16xf32>,
      %add3A_1304 = arith.addf %gather3A_410, %gather3A_1303 : vector<16xf32>
      %gt3A_1305 = arith.cmpf ogt, %add3A_1304, %add3A_1298 : vector<16xf32>
      %jit3A_1306 = arith.constant 1 : i32
      %broadcast_in_dim3A_1307 = vector.broadcast %jit3A_1306 : i32 to vector<16xi32>
      %select_n3A_1308 = arith.select %gt3A_1305, %broadcast_in_dim3A_1307, %broadcast_in_dim3A_1300 : vector<16xi1>, vector<16xi32>
      %select_n3A_1309 = arith.select %gt3A_1305, %add3A_1304, %add3A_1298 : vector<16xi1>, vector<16xf32>
      %broadcast_in_dim3A_1310 = arith.constant 32 : i32
      %broadcast_in_dim3A_1311 = vector.broadcast %broadcast_in_dim3A_1310 : i32 to vector<16xi32>
      %gather3A_1312 = tpu.vector_load_idx %arg8[%broadcast_in_dim3A_1311, %add3A_404] : memref<112x128xf32, #tpu.memory_space<vmem>>[vector<16xi32>, vector<16xi32>], vector<16xf32>,
      %add3A_1313 = arith.addf %gather3A_413, %gather3A_1312 : vector<16xf32>
      %gt3A_1314 = arith.cmpf ogt, %add3A_1313, %select_n3A_1309 : vector<16xf32>
      %jit3A_1315 = arith.constant 2 : i32
      %broadcast_in_dim3A_1316 = vector.broadcast %jit3A_1315 : i32 to vector<16xi32>
      %select_n3A_1317 = arith.select %gt3A_1314, %broadcast_in_dim3A_1316, %select_n3A_1308 : vector<16xi1>, vector<16xi32>
      %select_n3A_1318 = arith.select %gt3A_1314, %add3A_1313, %select_n3A_1309 : vector<16xi1>, vector<16xf32>
      %broadcast_in_dim3A_1319 = arith.constant 33 : i32
      %broadcast_in_dim3A_1320 = vector.broadcast %broadcast_in_dim3A_1319 : i32 to vector<16xi32>
      %gather3A_1321 = tpu.vector_load_idx %arg8[%broadcast_in_dim3A_1320, %add3A_404] : memref<112x128xf32, #tpu.memory_space<vmem>>[vector<16xi32>, vector<16xi32>], vector<16xf32>,
      %add3A_1322 = arith.addf %gather3A_416, %gather3A_1321 : vector<16xf32>
      %gt3A_1323 = arith.cmpf ogt, %add3A_1322, %select_n3A_1318 : vector<16xf32>
      %jit3A_1324 = arith.constant 3 : i32
      %broadcast_in_dim3A_1325 = vector.broadcast %jit3A_1324 : i32 to vector<16xi32>
      %select_n3A_1326 = arith.select %gt3A_1323, %broadcast_in_dim3A_1325, %select_n3A_1317 : vector<16xi1>, vector<16xi32>
      %select_n3A_1327 = arith.select %gt3A_1323, %add3A_1322, %select_n3A_1318 : vector<16xi1>, vector<16xf32>
      %broadcast_in_dim3A_1328 = arith.constant 34 : i32
      %broadcast_in_dim3A_1329 = vector.broadcast %broadcast_in_dim3A_1328 : i32 to vector<16xi32>
      %gather3A_1330 = tpu.vector_load_idx %arg8[%broadcast_in_dim3A_1329, %add3A_404] : memref<112x128xf32, #tpu.memory_space<vmem>>[vector<16xi32>, vector<16xi32>], vector<16xf32>,
      %add3A_1331 = arith.addf %gather3A_419, %gather3A_1330 : vector<16xf32>
      %gt3A_1332 = arith.cmpf ogt, %add3A_1331, %select_n3A_1327 : vector<16xf32>
      %jit3A_1333 = arith.constant 4 : i32
      %broadcast_in_dim3A_1334 = vector.broadcast %jit3A_1333 : i32 to vector<16xi32>
      %select_n3A_1335 = arith.select %gt3A_1332, %broadcast_in_dim3A_1334, %select_n3A_1326 : vector<16xi1>, vector<16xi32>
      %select_n3A_1336 = arith.select %gt3A_1332, %add3A_1331, %select_n3A_1327 : vector<16xi1>, vector<16xf32>
      %broadcast_in_dim3A_1337 = arith.constant 35 : i32
      %broadcast_in_dim3A_1338 = vector.broadcast %broadcast_in_dim3A_1337 : i32 to vector<16xi32>
      %gather3A_1339 = tpu.vector_load_idx %arg8[%broadcast_in_dim3A_1338, %add3A_404] : memref<112x128xf32, #tpu.memory_space<vmem>>[vector<16xi32>, vector<16xi32>], vector<16xf32>,
      %add3A_1340 = arith.addf %gather3A_422, %gather3A_1339 : vector<16xf32>
      %gt3A_1341 = arith.cmpf ogt, %add3A_1340, %select_n3A_1336 : vector<16xf32>
      %jit3A_1342 = arith.constant 5 : i32
      %broadcast_in_dim3A_1343 = vector.broadcast %jit3A_1342 : i32 to vector<16xi32>
      %select_n3A_1344 = arith.select %gt3A_1341, %broadcast_in_dim3A_1343, %select_n3A_1335 : vector<16xi1>, vector<16xi32>
      %select_n3A_1345 = arith.select %gt3A_1341, %add3A_1340, %select_n3A_1336 : vector<16xi1>, vector<16xf32>
      %broadcast_in_dim3A_1346 = arith.constant 30 : i32
      %broadcast_in_dim3A_1347 = vector.broadcast %broadcast_in_dim3A_1346 : i32 to vector<16xi32>
      %gather3A_1348 = tpu.vector_load_idx %arg9[%broadcast_in_dim3A_1347, %add3A_404] : memref<112x128xf32, #tpu.memory_space<vmem>>[vector<16xi32>, vector<16xi32>], vector<16xf32>,
      %add3A_1349 = arith.addf %gather3A_425, %gather3A_1348 : vector<16xf32>
      %broadcast_in_dim3A_1350 = arith.constant 0 : i32
      %broadcast_in_dim3A_1351 = vector.broadcast %broadcast_in_dim3A_1350 : i32 to vector<16xi32>
      %broadcast_in_dim3A_1352 = arith.constant 31 : i32
      %broadcast_in_dim3A_1353 = vector.broadcast %broadcast_in_dim3A_1352 : i32 to vector<16xi32>
      %gather3A_1354 = tpu.vector_load_idx %arg9[%broadcast_in_dim3A_1353, %add3A_404] : memref<112x128xf32, #tpu.memory_space<vmem>>[vector<16xi32>, vector<16xi32>], vector<16xf32>,
      %add3A_1355 = arith.addf %gather3A_428, %gather3A_1354 : vector<16xf32>
      %gt3A_1356 = arith.cmpf ogt, %add3A_1355, %add3A_1349 : vector<16xf32>
      %jit3A_1357 = arith.constant 1 : i32
      %broadcast_in_dim3A_1358 = vector.broadcast %jit3A_1357 : i32 to vector<16xi32>
      %select_n3A_1359 = arith.select %gt3A_1356, %broadcast_in_dim3A_1358, %broadcast_in_dim3A_1351 : vector<16xi1>, vector<16xi32>
      %select_n3A_1360 = arith.select %gt3A_1356, %add3A_1355, %add3A_1349 : vector<16xi1>, vector<16xf32>
      %broadcast_in_dim3A_1361 = arith.constant 32 : i32
      %broadcast_in_dim3A_1362 = vector.broadcast %broadcast_in_dim3A_1361 : i32 to vector<16xi32>
      %gather3A_1363 = tpu.vector_load_idx %arg9[%broadcast_in_dim3A_1362, %add3A_404] : memref<112x128xf32, #tpu.memory_space<vmem>>[vector<16xi32>, vector<16xi32>], vector<16xf32>,
      %add3A_1364 = arith.addf %gather3A_431, %gather3A_1363 : vector<16xf32>
      %gt3A_1365 = arith.cmpf ogt, %add3A_1364, %select_n3A_1360 : vector<16xf32>
      %jit3A_1366 = arith.constant 2 : i32
      %broadcast_in_dim3A_1367 = vector.broadcast %jit3A_1366 : i32 to vector<16xi32>
      %select_n3A_1368 = arith.select %gt3A_1365, %broadcast_in_dim3A_1367, %select_n3A_1359 : vector<16xi1>, vector<16xi32>
      %select_n3A_1369 = arith.select %gt3A_1365, %add3A_1364, %select_n3A_1360 : vector<16xi1>, vector<16xf32>
      %broadcast_in_dim3A_1370 = arith.constant 33 : i32
      %broadcast_in_dim3A_1371 = vector.broadcast %broadcast_in_dim3A_1370 : i32 to vector<16xi32>
      %gather3A_1372 = tpu.vector_load_idx %arg9[%broadcast_in_dim3A_1371, %add3A_404] : memref<112x128xf32, #tpu.memory_space<vmem>>[vector<16xi32>, vector<16xi32>], vector<16xf32>,
      %add3A_1373 = arith.addf %gather3A_434, %gather3A_1372 : vector<16xf32>
      %gt3A_1374 = arith.cmpf ogt, %add3A_1373, %select_n3A_1369 : vector<16xf32>
      %jit3A_1375 = arith.constant 3 : i32
      %broadcast_in_dim3A_1376 = vector.broadcast %jit3A_1375 : i32 to vector<16xi32>
      %select_n3A_1377 = arith.select %gt3A_1374, %broadcast_in_dim3A_1376, %select_n3A_1368 : vector<16xi1>, vector<16xi32>
      %select_n3A_1378 = arith.select %gt3A_1374, %add3A_1373, %select_n3A_1369 : vector<16xi1>, vector<16xf32>
      %broadcast_in_dim3A_1379 = arith.constant 34 : i32
      %broadcast_in_dim3A_1380 = vector.broadcast %broadcast_in_dim3A_1379 : i32 to vector<16xi32>
      %gather3A_1381 = tpu.vector_load_idx %arg9[%broadcast_in_dim3A_1380, %add3A_404] : memref<112x128xf32, #tpu.memory_space<vmem>>[vector<16xi32>, vector<16xi32>], vector<16xf32>,
      %add3A_1382 = arith.addf %gather3A_437, %gather3A_1381 : vector<16xf32>
      %gt3A_1383 = arith.cmpf ogt, %add3A_1382, %select_n3A_1378 : vector<16xf32>
      %jit3A_1384 = arith.constant 4 : i32
      %broadcast_in_dim3A_1385 = vector.broadcast %jit3A_1384 : i32 to vector<16xi32>
      %select_n3A_1386 = arith.select %gt3A_1383, %broadcast_in_dim3A_1385, %select_n3A_1377 : vector<16xi1>, vector<16xi32>
      %select_n3A_1387 = arith.select %gt3A_1383, %add3A_1382, %select_n3A_1378 : vector<16xi1>, vector<16xf32>
      %broadcast_in_dim3A_1388 = arith.constant 35 : i32
      %broadcast_in_dim3A_1389 = vector.broadcast %broadcast_in_dim3A_1388 : i32 to vector<16xi32>
      %gather3A_1390 = tpu.vector_load_idx %arg9[%broadcast_in_dim3A_1389, %add3A_404] : memref<112x128xf32, #tpu.memory_space<vmem>>[vector<16xi32>, vector<16xi32>], vector<16xf32>,
      %add3A_1391 = arith.addf %gather3A_440, %gather3A_1390 : vector<16xf32>
      %gt3A_1392 = arith.cmpf ogt, %add3A_1391, %select_n3A_1387 : vector<16xf32>
      %jit3A_1393 = arith.constant 5 : i32
      %broadcast_in_dim3A_1394 = vector.broadcast %jit3A_1393 : i32 to vector<16xi32>
      %select_n3A_1395 = arith.select %gt3A_1392, %broadcast_in_dim3A_1394, %select_n3A_1386 : vector<16xi1>, vector<16xi32>
      %select_n3A_1396 = arith.select %gt3A_1392, %add3A_1391, %select_n3A_1387 : vector<16xi1>, vector<16xf32>
      %mul3A_1397 = arith.constant 6 : i32
      %mul3A_1398 = vector.broadcast %mul3A_1397 : i32 to vector<16xi32>
      %mul3A_1399 = arith.muli %select_n3A_1344, %mul3A_1398 : vector<16xi32>
      %add3A_1400 = arith.addi %mul3A_1399, %select_n3A_1395 : vector<16xi32>
      %add3A_1401 = arith.constant 0 : i32
      %add3A_1402 = vector.broadcast %add3A_1401 : i32 to vector<16xi32>
      %add3A_1403 = arith.addi %add3A_1400, %add3A_1402 : vector<16xi32>
      %gather3A_1404 = tpu.vector_load_idx %arg11[%add3A_1403] : memref<256xf32, #tpu.memory_space<vmem>>[vector<16xi32>], vector<16xf32>,
      %add3A_1405 = arith.addf %gather3A_443, %gather3A_1404 : vector<16xf32>
      %exp3A_1406 = math.exp %add3A_1405 : vector<16xf32>
      %add3A_1407 = arith.constant 36 : i32
      %add3A_1408 = vector.broadcast %add3A_1407 : i32 to vector<16xi32>
      %add3A_1409 = arith.addi %add3A_1400, %add3A_1408 : vector<16xi32>
      %gather3A_1410 = tpu.vector_load_idx %arg11[%add3A_1409] : memref<256xf32, #tpu.memory_space<vmem>>[vector<16xi32>], vector<16xf32>,
      %add3A_1411 = arith.addf %gather3A_446, %gather3A_1410 : vector<16xf32>
      %exp3A_1412 = math.exp %add3A_1411 : vector<16xf32>
      %add3A_1413 = arith.constant 72 : i32
      %add3A_1414 = vector.broadcast %add3A_1413 : i32 to vector<16xi32>
      %add3A_1415 = arith.addi %add3A_1400, %add3A_1414 : vector<16xi32>
      %gather3A_1416 = tpu.vector_load_idx %arg11[%add3A_1415] : memref<256xf32, #tpu.memory_space<vmem>>[vector<16xi32>], vector<16xf32>,
      %add3A_1417 = arith.addf %gather3A_449, %gather3A_1416 : vector<16xf32>
      %exp3A_1418 = math.exp %add3A_1417 : vector<16xf32>
      %add3A_1419 = arith.constant 108 : i32
      %add3A_1420 = vector.broadcast %add3A_1419 : i32 to vector<16xi32>
      %add3A_1421 = arith.addi %add3A_1400, %add3A_1420 : vector<16xi32>
      %gather3A_1422 = tpu.vector_load_idx %arg11[%add3A_1421] : memref<256xf32, #tpu.memory_space<vmem>>[vector<16xi32>], vector<16xf32>,
      %add3A_1423 = arith.addf %gather3A_452, %gather3A_1422 : vector<16xf32>
      %exp3A_1424 = math.exp %add3A_1423 : vector<16xf32>
      %add3A_1425 = arith.constant 144 : i32
      %add3A_1426 = vector.broadcast %add3A_1425 : i32 to vector<16xi32>
      %add3A_1427 = arith.addi %add3A_1400, %add3A_1426 : vector<16xi32>
      %gather3A_1428 = tpu.vector_load_idx %arg11[%add3A_1427] : memref<256xf32, #tpu.memory_space<vmem>>[vector<16xi32>], vector<16xf32>,
      %add3A_1429 = arith.addf %gather3A_455, %gather3A_1428 : vector<16xf32>
      %exp3A_1430 = math.exp %add3A_1429 : vector<16xf32>
      %add3A_1431 = arith.constant 180 : i32
      %add3A_1432 = vector.broadcast %add3A_1431 : i32 to vector<16xi32>
      %add3A_1433 = arith.addi %add3A_1400, %add3A_1432 : vector<16xi32>
      %gather3A_1434 = tpu.vector_load_idx %arg11[%add3A_1433] : memref<256xf32, #tpu.memory_space<vmem>>[vector<16xi32>], vector<16xf32>,
      %add3A_1435 = arith.addf %gather3A_458, %gather3A_1434 : vector<16xf32>
      %exp3A_1436 = math.exp %add3A_1435 : vector<16xf32>
      %add3A_1437 = arith.addf %exp3A_1406, %exp3A_1412 : vector<16xf32>
      %add3A_1438 = arith.addf %add3A_1437, %exp3A_1418 : vector<16xf32>
      %add3A_1439 = arith.addf %add3A_1438, %exp3A_1424 : vector<16xf32>
      %add3A_1440 = arith.addf %add3A_1439, %exp3A_1430 : vector<16xf32>
      %add3A_1441 = arith.addf %add3A_1440, %exp3A_1436 : vector<16xf32>
      %add3A_1442 = arith.constant 216 : i32
      %add3A_1443 = vector.broadcast %add3A_1442 : i32 to vector<16xi32>
      %add3A_1444 = arith.addi %add3A_1400, %add3A_1443 : vector<16xi32>
      %gather3A_1445 = tpu.vector_load_idx %arg11[%add3A_1444] : memref<256xf32, #tpu.memory_space<vmem>>[vector<16xi32>], vector<16xf32>,
      %div3A_1446 = arith.divf %gather3A_1445, %add3A_1441 : vector<16xf32>
      %mul3A_1447 = arith.mulf %div3A_1446, %exp3A_1406 : vector<16xf32>
      %add3A_1448 = arith.addf %add3A_1283, %mul3A_1447 : vector<16xf32>
      %mul3A_1449 = arith.mulf %div3A_1446, %exp3A_1412 : vector<16xf32>
      %add3A_1450 = arith.addf %add3A_1285, %mul3A_1449 : vector<16xf32>
      %mul3A_1451 = arith.mulf %div3A_1446, %exp3A_1418 : vector<16xf32>
      %add3A_1452 = arith.addf %add3A_1287, %mul3A_1451 : vector<16xf32>
      %mul3A_1453 = arith.mulf %div3A_1446, %exp3A_1424 : vector<16xf32>
      %add3A_1454 = arith.addf %add3A_1289, %mul3A_1453 : vector<16xf32>
      %mul3A_1455 = arith.mulf %div3A_1446, %exp3A_1430 : vector<16xf32>
      %add3A_1456 = arith.addf %add3A_1291, %mul3A_1455 : vector<16xf32>
      %mul3A_1457 = arith.mulf %div3A_1446, %exp3A_1436 : vector<16xf32>
      %add3A_1458 = arith.addf %add3A_1293, %mul3A_1457 : vector<16xf32>
      %add3A_1459 = arith.addf %add3A_1294, %gather3A_1445 : vector<16xf32>
      %broadcast_in_dim3A_1460 = arith.constant 36 : i32
      %broadcast_in_dim3A_1461 = vector.broadcast %broadcast_in_dim3A_1460 : i32 to vector<16xi32>
      %gather3A_1462 = tpu.vector_load_idx %arg8[%broadcast_in_dim3A_1461, %add3A_404] : memref<112x128xf32, #tpu.memory_space<vmem>>[vector<16xi32>, vector<16xi32>], vector<16xf32>,
      %add3A_1463 = arith.addf %gather3A_407, %gather3A_1462 : vector<16xf32>
      %broadcast_in_dim3A_1464 = arith.constant 0 : i32
      %broadcast_in_dim3A_1465 = vector.broadcast %broadcast_in_dim3A_1464 : i32 to vector<16xi32>
      %broadcast_in_dim3A_1466 = arith.constant 37 : i32
      %broadcast_in_dim3A_1467 = vector.broadcast %broadcast_in_dim3A_1466 : i32 to vector<16xi32>
      %gather3A_1468 = tpu.vector_load_idx %arg8[%broadcast_in_dim3A_1467, %add3A_404] : memref<112x128xf32, #tpu.memory_space<vmem>>[vector<16xi32>, vector<16xi32>], vector<16xf32>,
      %add3A_1469 = arith.addf %gather3A_410, %gather3A_1468 : vector<16xf32>
      %gt3A_1470 = arith.cmpf ogt, %add3A_1469, %add3A_1463 : vector<16xf32>
      %jit3A_1471 = arith.constant 1 : i32
      %broadcast_in_dim3A_1472 = vector.broadcast %jit3A_1471 : i32 to vector<16xi32>
      %select_n3A_1473 = arith.select %gt3A_1470, %broadcast_in_dim3A_1472, %broadcast_in_dim3A_1465 : vector<16xi1>, vector<16xi32>
      %select_n3A_1474 = arith.select %gt3A_1470, %add3A_1469, %add3A_1463 : vector<16xi1>, vector<16xf32>
      %broadcast_in_dim3A_1475 = arith.constant 38 : i32
      %broadcast_in_dim3A_1476 = vector.broadcast %broadcast_in_dim3A_1475 : i32 to vector<16xi32>
      %gather3A_1477 = tpu.vector_load_idx %arg8[%broadcast_in_dim3A_1476, %add3A_404] : memref<112x128xf32, #tpu.memory_space<vmem>>[vector<16xi32>, vector<16xi32>], vector<16xf32>,
      %add3A_1478 = arith.addf %gather3A_413, %gather3A_1477 : vector<16xf32>
      %gt3A_1479 = arith.cmpf ogt, %add3A_1478, %select_n3A_1474 : vector<16xf32>
      %jit3A_1480 = arith.constant 2 : i32
      %broadcast_in_dim3A_1481 = vector.broadcast %jit3A_1480 : i32 to vector<16xi32>
      %select_n3A_1482 = arith.select %gt3A_1479, %broadcast_in_dim3A_1481, %select_n3A_1473 : vector<16xi1>, vector<16xi32>
      %select_n3A_1483 = arith.select %gt3A_1479, %add3A_1478, %select_n3A_1474 : vector<16xi1>, vector<16xf32>
      %broadcast_in_dim3A_1484 = arith.constant 39 : i32
      %broadcast_in_dim3A_1485 = vector.broadcast %broadcast_in_dim3A_1484 : i32 to vector<16xi32>
      %gather3A_1486 = tpu.vector_load_idx %arg8[%broadcast_in_dim3A_1485, %add3A_404] : memref<112x128xf32, #tpu.memory_space<vmem>>[vector<16xi32>, vector<16xi32>], vector<16xf32>,
      %add3A_1487 = arith.addf %gather3A_416, %gather3A_1486 : vector<16xf32>
      %gt3A_1488 = arith.cmpf ogt, %add3A_1487, %select_n3A_1483 : vector<16xf32>
      %jit3A_1489 = arith.constant 3 : i32
      %broadcast_in_dim3A_1490 = vector.broadcast %jit3A_1489 : i32 to vector<16xi32>
      %select_n3A_1491 = arith.select %gt3A_1488, %broadcast_in_dim3A_1490, %select_n3A_1482 : vector<16xi1>, vector<16xi32>
      %select_n3A_1492 = arith.select %gt3A_1488, %add3A_1487, %select_n3A_1483 : vector<16xi1>, vector<16xf32>
      %broadcast_in_dim3A_1493 = arith.constant 40 : i32
      %broadcast_in_dim3A_1494 = vector.broadcast %broadcast_in_dim3A_1493 : i32 to vector<16xi32>
      %gather3A_1495 = tpu.vector_load_idx %arg8[%broadcast_in_dim3A_1494, %add3A_404] : memref<112x128xf32, #tpu.memory_space<vmem>>[vector<16xi32>, vector<16xi32>], vector<16xf32>,
      %add3A_1496 = arith.addf %gather3A_419, %gather3A_1495 : vector<16xf32>
      %gt3A_1497 = arith.cmpf ogt, %add3A_1496, %select_n3A_1492 : vector<16xf32>
      %jit3A_1498 = arith.constant 4 : i32
      %broadcast_in_dim3A_1499 = vector.broadcast %jit3A_1498 : i32 to vector<16xi32>
      %select_n3A_1500 = arith.select %gt3A_1497, %broadcast_in_dim3A_1499, %select_n3A_1491 : vector<16xi1>, vector<16xi32>
      %select_n3A_1501 = arith.select %gt3A_1497, %add3A_1496, %select_n3A_1492 : vector<16xi1>, vector<16xf32>
      %broadcast_in_dim3A_1502 = arith.constant 41 : i32
      %broadcast_in_dim3A_1503 = vector.broadcast %broadcast_in_dim3A_1502 : i32 to vector<16xi32>
      %gather3A_1504 = tpu.vector_load_idx %arg8[%broadcast_in_dim3A_1503, %add3A_404] : memref<112x128xf32, #tpu.memory_space<vmem>>[vector<16xi32>, vector<16xi32>], vector<16xf32>,
      %add3A_1505 = arith.addf %gather3A_422, %gather3A_1504 : vector<16xf32>
      %gt3A_1506 = arith.cmpf ogt, %add3A_1505, %select_n3A_1501 : vector<16xf32>
      %jit3A_1507 = arith.constant 5 : i32
      %broadcast_in_dim3A_1508 = vector.broadcast %jit3A_1507 : i32 to vector<16xi32>
      %select_n3A_1509 = arith.select %gt3A_1506, %broadcast_in_dim3A_1508, %select_n3A_1500 : vector<16xi1>, vector<16xi32>
      %select_n3A_1510 = arith.select %gt3A_1506, %add3A_1505, %select_n3A_1501 : vector<16xi1>, vector<16xf32>
      %broadcast_in_dim3A_1511 = arith.constant 36 : i32
      %broadcast_in_dim3A_1512 = vector.broadcast %broadcast_in_dim3A_1511 : i32 to vector<16xi32>
      %gather3A_1513 = tpu.vector_load_idx %arg9[%broadcast_in_dim3A_1512, %add3A_404] : memref<112x128xf32, #tpu.memory_space<vmem>>[vector<16xi32>, vector<16xi32>], vector<16xf32>,
      %add3A_1514 = arith.addf %gather3A_425, %gather3A_1513 : vector<16xf32>
      %broadcast_in_dim3A_1515 = arith.constant 0 : i32
      %broadcast_in_dim3A_1516 = vector.broadcast %broadcast_in_dim3A_1515 : i32 to vector<16xi32>
      %broadcast_in_dim3A_1517 = arith.constant 37 : i32
      %broadcast_in_dim3A_1518 = vector.broadcast %broadcast_in_dim3A_1517 : i32 to vector<16xi32>
      %gather3A_1519 = tpu.vector_load_idx %arg9[%broadcast_in_dim3A_1518, %add3A_404] : memref<112x128xf32, #tpu.memory_space<vmem>>[vector<16xi32>, vector<16xi32>], vector<16xf32>,
      %add3A_1520 = arith.addf %gather3A_428, %gather3A_1519 : vector<16xf32>
      %gt3A_1521 = arith.cmpf ogt, %add3A_1520, %add3A_1514 : vector<16xf32>
      %jit3A_1522 = arith.constant 1 : i32
      %broadcast_in_dim3A_1523 = vector.broadcast %jit3A_1522 : i32 to vector<16xi32>
      %select_n3A_1524 = arith.select %gt3A_1521, %broadcast_in_dim3A_1523, %broadcast_in_dim3A_1516 : vector<16xi1>, vector<16xi32>
      %select_n3A_1525 = arith.select %gt3A_1521, %add3A_1520, %add3A_1514 : vector<16xi1>, vector<16xf32>
      %broadcast_in_dim3A_1526 = arith.constant 38 : i32
      %broadcast_in_dim3A_1527 = vector.broadcast %broadcast_in_dim3A_1526 : i32 to vector<16xi32>
      %gather3A_1528 = tpu.vector_load_idx %arg9[%broadcast_in_dim3A_1527, %add3A_404] : memref<112x128xf32, #tpu.memory_space<vmem>>[vector<16xi32>, vector<16xi32>], vector<16xf32>,
      %add3A_1529 = arith.addf %gather3A_431, %gather3A_1528 : vector<16xf32>
      %gt3A_1530 = arith.cmpf ogt, %add3A_1529, %select_n3A_1525 : vector<16xf32>
      %jit3A_1531 = arith.constant 2 : i32
      %broadcast_in_dim3A_1532 = vector.broadcast %jit3A_1531 : i32 to vector<16xi32>
      %select_n3A_1533 = arith.select %gt3A_1530, %broadcast_in_dim3A_1532, %select_n3A_1524 : vector<16xi1>, vector<16xi32>
      %select_n3A_1534 = arith.select %gt3A_1530, %add3A_1529, %select_n3A_1525 : vector<16xi1>, vector<16xf32>
      %broadcast_in_dim3A_1535 = arith.constant 39 : i32
      %broadcast_in_dim3A_1536 = vector.broadcast %broadcast_in_dim3A_1535 : i32 to vector<16xi32>
      %gather3A_1537 = tpu.vector_load_idx %arg9[%broadcast_in_dim3A_1536, %add3A_404] : memref<112x128xf32, #tpu.memory_space<vmem>>[vector<16xi32>, vector<16xi32>], vector<16xf32>,
      %add3A_1538 = arith.addf %gather3A_434, %gather3A_1537 : vector<16xf32>
      %gt3A_1539 = arith.cmpf ogt, %add3A_1538, %select_n3A_1534 : vector<16xf32>
      %jit3A_1540 = arith.constant 3 : i32
      %broadcast_in_dim3A_1541 = vector.broadcast %jit3A_1540 : i32 to vector<16xi32>
      %select_n3A_1542 = arith.select %gt3A_1539, %broadcast_in_dim3A_1541, %select_n3A_1533 : vector<16xi1>, vector<16xi32>
      %select_n3A_1543 = arith.select %gt3A_1539, %add3A_1538, %select_n3A_1534 : vector<16xi1>, vector<16xf32>
      %broadcast_in_dim3A_1544 = arith.constant 40 : i32
      %broadcast_in_dim3A_1545 = vector.broadcast %broadcast_in_dim3A_1544 : i32 to vector<16xi32>
      %gather3A_1546 = tpu.vector_load_idx %arg9[%broadcast_in_dim3A_1545, %add3A_404] : memref<112x128xf32, #tpu.memory_space<vmem>>[vector<16xi32>, vector<16xi32>], vector<16xf32>,
      %add3A_1547 = arith.addf %gather3A_437, %gather3A_1546 : vector<16xf32>
      %gt3A_1548 = arith.cmpf ogt, %add3A_1547, %select_n3A_1543 : vector<16xf32>
      %jit3A_1549 = arith.constant 4 : i32
      %broadcast_in_dim3A_1550 = vector.broadcast %jit3A_1549 : i32 to vector<16xi32>
      %select_n3A_1551 = arith.select %gt3A_1548, %broadcast_in_dim3A_1550, %select_n3A_1542 : vector<16xi1>, vector<16xi32>
      %select_n3A_1552 = arith.select %gt3A_1548, %add3A_1547, %select_n3A_1543 : vector<16xi1>, vector<16xf32>
      %broadcast_in_dim3A_1553 = arith.constant 41 : i32
      %broadcast_in_dim3A_1554 = vector.broadcast %broadcast_in_dim3A_1553 : i32 to vector<16xi32>
      %gather3A_1555 = tpu.vector_load_idx %arg9[%broadcast_in_dim3A_1554, %add3A_404] : memref<112x128xf32, #tpu.memory_space<vmem>>[vector<16xi32>, vector<16xi32>], vector<16xf32>,
      %add3A_1556 = arith.addf %gather3A_440, %gather3A_1555 : vector<16xf32>
      %gt3A_1557 = arith.cmpf ogt, %add3A_1556, %select_n3A_1552 : vector<16xf32>
      %jit3A_1558 = arith.constant 5 : i32
      %broadcast_in_dim3A_1559 = vector.broadcast %jit3A_1558 : i32 to vector<16xi32>
      %select_n3A_1560 = arith.select %gt3A_1557, %broadcast_in_dim3A_1559, %select_n3A_1551 : vector<16xi1>, vector<16xi32>
      %select_n3A_1561 = arith.select %gt3A_1557, %add3A_1556, %select_n3A_1552 : vector<16xi1>, vector<16xf32>
      %mul3A_1562 = arith.constant 6 : i32
      %mul3A_1563 = vector.broadcast %mul3A_1562 : i32 to vector<16xi32>
      %mul3A_1564 = arith.muli %select_n3A_1509, %mul3A_1563 : vector<16xi32>
      %add3A_1565 = arith.addi %mul3A_1564, %select_n3A_1560 : vector<16xi32>
      %add3A_1566 = arith.constant 0 : i32
      %add3A_1567 = vector.broadcast %add3A_1566 : i32 to vector<16xi32>
      %add3A_1568 = arith.addi %add3A_1565, %add3A_1567 : vector<16xi32>
      %gather3A_1569 = tpu.vector_load_idx %arg11[%add3A_1568] : memref<256xf32, #tpu.memory_space<vmem>>[vector<16xi32>], vector<16xf32>,
      %add3A_1570 = arith.addf %gather3A_443, %gather3A_1569 : vector<16xf32>
      %exp3A_1571 = math.exp %add3A_1570 : vector<16xf32>
      %add3A_1572 = arith.constant 36 : i32
      %add3A_1573 = vector.broadcast %add3A_1572 : i32 to vector<16xi32>
      %add3A_1574 = arith.addi %add3A_1565, %add3A_1573 : vector<16xi32>
      %gather3A_1575 = tpu.vector_load_idx %arg11[%add3A_1574] : memref<256xf32, #tpu.memory_space<vmem>>[vector<16xi32>], vector<16xf32>,
      %add3A_1576 = arith.addf %gather3A_446, %gather3A_1575 : vector<16xf32>
      %exp3A_1577 = math.exp %add3A_1576 : vector<16xf32>
      %add3A_1578 = arith.constant 72 : i32
      %add3A_1579 = vector.broadcast %add3A_1578 : i32 to vector<16xi32>
      %add3A_1580 = arith.addi %add3A_1565, %add3A_1579 : vector<16xi32>
      %gather3A_1581 = tpu.vector_load_idx %arg11[%add3A_1580] : memref<256xf32, #tpu.memory_space<vmem>>[vector<16xi32>], vector<16xf32>,
      %add3A_1582 = arith.addf %gather3A_449, %gather3A_1581 : vector<16xf32>
      %exp3A_1583 = math.exp %add3A_1582 : vector<16xf32>
      %add3A_1584 = arith.constant 108 : i32
      %add3A_1585 = vector.broadcast %add3A_1584 : i32 to vector<16xi32>
      %add3A_1586 = arith.addi %add3A_1565, %add3A_1585 : vector<16xi32>
      %gather3A_1587 = tpu.vector_load_idx %arg11[%add3A_1586] : memref<256xf32, #tpu.memory_space<vmem>>[vector<16xi32>], vector<16xf32>,
      %add3A_1588 = arith.addf %gather3A_452, %gather3A_1587 : vector<16xf32>
      %exp3A_1589 = math.exp %add3A_1588 : vector<16xf32>
      %add3A_1590 = arith.constant 144 : i32
      %add3A_1591 = vector.broadcast %add3A_1590 : i32 to vector<16xi32>
      %add3A_1592 = arith.addi %add3A_1565, %add3A_1591 : vector<16xi32>
      %gather3A_1593 = tpu.vector_load_idx %arg11[%add3A_1592] : memref<256xf32, #tpu.memory_space<vmem>>[vector<16xi32>], vector<16xf32>,
      %add3A_1594 = arith.addf %gather3A_455, %gather3A_1593 : vector<16xf32>
      %exp3A_1595 = math.exp %add3A_1594 : vector<16xf32>
      %add3A_1596 = arith.constant 180 : i32
      %add3A_1597 = vector.broadcast %add3A_1596 : i32 to vector<16xi32>
      %add3A_1598 = arith.addi %add3A_1565, %add3A_1597 : vector<16xi32>
      %gather3A_1599 = tpu.vector_load_idx %arg11[%add3A_1598] : memref<256xf32, #tpu.memory_space<vmem>>[vector<16xi32>], vector<16xf32>,
      %add3A_1600 = arith.addf %gather3A_458, %gather3A_1599 : vector<16xf32>
      %exp3A_1601 = math.exp %add3A_1600 : vector<16xf32>
      %add3A_1602 = arith.addf %exp3A_1571, %exp3A_1577 : vector<16xf32>
      %add3A_1603 = arith.addf %add3A_1602, %exp3A_1583 : vector<16xf32>
      %add3A_1604 = arith.addf %add3A_1603, %exp3A_1589 : vector<16xf32>
      %add3A_1605 = arith.addf %add3A_1604, %exp3A_1595 : vector<16xf32>
      %add3A_1606 = arith.addf %add3A_1605, %exp3A_1601 : vector<16xf32>
      %add3A_1607 = arith.constant 216 : i32
      %add3A_1608 = vector.broadcast %add3A_1607 : i32 to vector<16xi32>
      %add3A_1609 = arith.addi %add3A_1565, %add3A_1608 : vector<16xi32>
      %gather3A_1610 = tpu.vector_load_idx %arg11[%add3A_1609] : memref<256xf32, #tpu.memory_space<vmem>>[vector<16xi32>], vector<16xf32>,
      %div3A_1611 = arith.divf %gather3A_1610, %add3A_1606 : vector<16xf32>
      %mul3A_1612 = arith.mulf %div3A_1611, %exp3A_1571 : vector<16xf32>
      %add3A_1613 = arith.addf %add3A_1448, %mul3A_1612 : vector<16xf32>
      %mul3A_1614 = arith.mulf %div3A_1611, %exp3A_1577 : vector<16xf32>
      %add3A_1615 = arith.addf %add3A_1450, %mul3A_1614 : vector<16xf32>
      %mul3A_1616 = arith.mulf %div3A_1611, %exp3A_1583 : vector<16xf32>
      %add3A_1617 = arith.addf %add3A_1452, %mul3A_1616 : vector<16xf32>
      %mul3A_1618 = arith.mulf %div3A_1611, %exp3A_1589 : vector<16xf32>
      %add3A_1619 = arith.addf %add3A_1454, %mul3A_1618 : vector<16xf32>
      %mul3A_1620 = arith.mulf %div3A_1611, %exp3A_1595 : vector<16xf32>
      %add3A_1621 = arith.addf %add3A_1456, %mul3A_1620 : vector<16xf32>
      %mul3A_1622 = arith.mulf %div3A_1611, %exp3A_1601 : vector<16xf32>
      %add3A_1623 = arith.addf %add3A_1458, %mul3A_1622 : vector<16xf32>
      %add3A_1624 = arith.addf %add3A_1459, %gather3A_1610 : vector<16xf32>
      %broadcast_in_dim3A_1625 = arith.constant 42 : i32
      %broadcast_in_dim3A_1626 = vector.broadcast %broadcast_in_dim3A_1625 : i32 to vector<16xi32>
      %gather3A_1627 = tpu.vector_load_idx %arg8[%broadcast_in_dim3A_1626, %add3A_404] : memref<112x128xf32, #tpu.memory_space<vmem>>[vector<16xi32>, vector<16xi32>], vector<16xf32>,
      %add3A_1628 = arith.addf %gather3A_407, %gather3A_1627 : vector<16xf32>
      %broadcast_in_dim3A_1629 = arith.constant 0 : i32
      %broadcast_in_dim3A_1630 = vector.broadcast %broadcast_in_dim3A_1629 : i32 to vector<16xi32>
      %broadcast_in_dim3A_1631 = arith.constant 43 : i32
      %broadcast_in_dim3A_1632 = vector.broadcast %broadcast_in_dim3A_1631 : i32 to vector<16xi32>
      %gather3A_1633 = tpu.vector_load_idx %arg8[%broadcast_in_dim3A_1632, %add3A_404] : memref<112x128xf32, #tpu.memory_space<vmem>>[vector<16xi32>, vector<16xi32>], vector<16xf32>,
      %add3A_1634 = arith.addf %gather3A_410, %gather3A_1633 : vector<16xf32>
      %gt3A_1635 = arith.cmpf ogt, %add3A_1634, %add3A_1628 : vector<16xf32>
      %jit3A_1636 = arith.constant 1 : i32
      %broadcast_in_dim3A_1637 = vector.broadcast %jit3A_1636 : i32 to vector<16xi32>
      %select_n3A_1638 = arith.select %gt3A_1635, %broadcast_in_dim3A_1637, %broadcast_in_dim3A_1630 : vector<16xi1>, vector<16xi32>
      %select_n3A_1639 = arith.select %gt3A_1635, %add3A_1634, %add3A_1628 : vector<16xi1>, vector<16xf32>
      %broadcast_in_dim3A_1640 = arith.constant 44 : i32
      %broadcast_in_dim3A_1641 = vector.broadcast %broadcast_in_dim3A_1640 : i32 to vector<16xi32>
      %gather3A_1642 = tpu.vector_load_idx %arg8[%broadcast_in_dim3A_1641, %add3A_404] : memref<112x128xf32, #tpu.memory_space<vmem>>[vector<16xi32>, vector<16xi32>], vector<16xf32>,
      %add3A_1643 = arith.addf %gather3A_413, %gather3A_1642 : vector<16xf32>
      %gt3A_1644 = arith.cmpf ogt, %add3A_1643, %select_n3A_1639 : vector<16xf32>
      %jit3A_1645 = arith.constant 2 : i32
      %broadcast_in_dim3A_1646 = vector.broadcast %jit3A_1645 : i32 to vector<16xi32>
      %select_n3A_1647 = arith.select %gt3A_1644, %broadcast_in_dim3A_1646, %select_n3A_1638 : vector<16xi1>, vector<16xi32>
      %select_n3A_1648 = arith.select %gt3A_1644, %add3A_1643, %select_n3A_1639 : vector<16xi1>, vector<16xf32>
      %broadcast_in_dim3A_1649 = arith.constant 45 : i32
      %broadcast_in_dim3A_1650 = vector.broadcast %broadcast_in_dim3A_1649 : i32 to vector<16xi32>
      %gather3A_1651 = tpu.vector_load_idx %arg8[%broadcast_in_dim3A_1650, %add3A_404] : memref<112x128xf32, #tpu.memory_space<vmem>>[vector<16xi32>, vector<16xi32>], vector<16xf32>,
      %add3A_1652 = arith.addf %gather3A_416, %gather3A_1651 : vector<16xf32>
      %gt3A_1653 = arith.cmpf ogt, %add3A_1652, %select_n3A_1648 : vector<16xf32>
      %jit3A_1654 = arith.constant 3 : i32
      %broadcast_in_dim3A_1655 = vector.broadcast %jit3A_1654 : i32 to vector<16xi32>
      %select_n3A_1656 = arith.select %gt3A_1653, %broadcast_in_dim3A_1655, %select_n3A_1647 : vector<16xi1>, vector<16xi32>
      %select_n3A_1657 = arith.select %gt3A_1653, %add3A_1652, %select_n3A_1648 : vector<16xi1>, vector<16xf32>
      %broadcast_in_dim3A_1658 = arith.constant 46 : i32
      %broadcast_in_dim3A_1659 = vector.broadcast %broadcast_in_dim3A_1658 : i32 to vector<16xi32>
      %gather3A_1660 = tpu.vector_load_idx %arg8[%broadcast_in_dim3A_1659, %add3A_404] : memref<112x128xf32, #tpu.memory_space<vmem>>[vector<16xi32>, vector<16xi32>], vector<16xf32>,
      %add3A_1661 = arith.addf %gather3A_419, %gather3A_1660 : vector<16xf32>
      %gt3A_1662 = arith.cmpf ogt, %add3A_1661, %select_n3A_1657 : vector<16xf32>
      %jit3A_1663 = arith.constant 4 : i32
      %broadcast_in_dim3A_1664 = vector.broadcast %jit3A_1663 : i32 to vector<16xi32>
      %select_n3A_1665 = arith.select %gt3A_1662, %broadcast_in_dim3A_1664, %select_n3A_1656 : vector<16xi1>, vector<16xi32>
      %select_n3A_1666 = arith.select %gt3A_1662, %add3A_1661, %select_n3A_1657 : vector<16xi1>, vector<16xf32>
      %broadcast_in_dim3A_1667 = arith.constant 47 : i32
      %broadcast_in_dim3A_1668 = vector.broadcast %broadcast_in_dim3A_1667 : i32 to vector<16xi32>
      %gather3A_1669 = tpu.vector_load_idx %arg8[%broadcast_in_dim3A_1668, %add3A_404] : memref<112x128xf32, #tpu.memory_space<vmem>>[vector<16xi32>, vector<16xi32>], vector<16xf32>,
      %add3A_1670 = arith.addf %gather3A_422, %gather3A_1669 : vector<16xf32>
      %gt3A_1671 = arith.cmpf ogt, %add3A_1670, %select_n3A_1666 : vector<16xf32>
      %jit3A_1672 = arith.constant 5 : i32
      %broadcast_in_dim3A_1673 = vector.broadcast %jit3A_1672 : i32 to vector<16xi32>
      %select_n3A_1674 = arith.select %gt3A_1671, %broadcast_in_dim3A_1673, %select_n3A_1665 : vector<16xi1>, vector<16xi32>
      %select_n3A_1675 = arith.select %gt3A_1671, %add3A_1670, %select_n3A_1666 : vector<16xi1>, vector<16xf32>
      %broadcast_in_dim3A_1676 = arith.constant 42 : i32
      %broadcast_in_dim3A_1677 = vector.broadcast %broadcast_in_dim3A_1676 : i32 to vector<16xi32>
      %gather3A_1678 = tpu.vector_load_idx %arg9[%broadcast_in_dim3A_1677, %add3A_404] : memref<112x128xf32, #tpu.memory_space<vmem>>[vector<16xi32>, vector<16xi32>], vector<16xf32>,
      %add3A_1679 = arith.addf %gather3A_425, %gather3A_1678 : vector<16xf32>
      %broadcast_in_dim3A_1680 = arith.constant 0 : i32
      %broadcast_in_dim3A_1681 = vector.broadcast %broadcast_in_dim3A_1680 : i32 to vector<16xi32>
      %broadcast_in_dim3A_1682 = arith.constant 43 : i32
      %broadcast_in_dim3A_1683 = vector.broadcast %broadcast_in_dim3A_1682 : i32 to vector<16xi32>
      %gather3A_1684 = tpu.vector_load_idx %arg9[%broadcast_in_dim3A_1683, %add3A_404] : memref<112x128xf32, #tpu.memory_space<vmem>>[vector<16xi32>, vector<16xi32>], vector<16xf32>,
      %add3A_1685 = arith.addf %gather3A_428, %gather3A_1684 : vector<16xf32>
      %gt3A_1686 = arith.cmpf ogt, %add3A_1685, %add3A_1679 : vector<16xf32>
      %jit3A_1687 = arith.constant 1 : i32
      %broadcast_in_dim3A_1688 = vector.broadcast %jit3A_1687 : i32 to vector<16xi32>
      %select_n3A_1689 = arith.select %gt3A_1686, %broadcast_in_dim3A_1688, %broadcast_in_dim3A_1681 : vector<16xi1>, vector<16xi32>
      %select_n3A_1690 = arith.select %gt3A_1686, %add3A_1685, %add3A_1679 : vector<16xi1>, vector<16xf32>
      %broadcast_in_dim3A_1691 = arith.constant 44 : i32
      %broadcast_in_dim3A_1692 = vector.broadcast %broadcast_in_dim3A_1691 : i32 to vector<16xi32>
      %gather3A_1693 = tpu.vector_load_idx %arg9[%broadcast_in_dim3A_1692, %add3A_404] : memref<112x128xf32, #tpu.memory_space<vmem>>[vector<16xi32>, vector<16xi32>], vector<16xf32>,
      %add3A_1694 = arith.addf %gather3A_431, %gather3A_1693 : vector<16xf32>
      %gt3A_1695 = arith.cmpf ogt, %add3A_1694, %select_n3A_1690 : vector<16xf32>
      %jit3A_1696 = arith.constant 2 : i32
      %broadcast_in_dim3A_1697 = vector.broadcast %jit3A_1696 : i32 to vector<16xi32>
      %select_n3A_1698 = arith.select %gt3A_1695, %broadcast_in_dim3A_1697, %select_n3A_1689 : vector<16xi1>, vector<16xi32>
      %select_n3A_1699 = arith.select %gt3A_1695, %add3A_1694, %select_n3A_1690 : vector<16xi1>, vector<16xf32>
      %broadcast_in_dim3A_1700 = arith.constant 45 : i32
      %broadcast_in_dim3A_1701 = vector.broadcast %broadcast_in_dim3A_1700 : i32 to vector<16xi32>
      %gather3A_1702 = tpu.vector_load_idx %arg9[%broadcast_in_dim3A_1701, %add3A_404] : memref<112x128xf32, #tpu.memory_space<vmem>>[vector<16xi32>, vector<16xi32>], vector<16xf32>,
      %add3A_1703 = arith.addf %gather3A_434, %gather3A_1702 : vector<16xf32>
      %gt3A_1704 = arith.cmpf ogt, %add3A_1703, %select_n3A_1699 : vector<16xf32>
      %jit3A_1705 = arith.constant 3 : i32
      %broadcast_in_dim3A_1706 = vector.broadcast %jit3A_1705 : i32 to vector<16xi32>
      %select_n3A_1707 = arith.select %gt3A_1704, %broadcast_in_dim3A_1706, %select_n3A_1698 : vector<16xi1>, vector<16xi32>
      %select_n3A_1708 = arith.select %gt3A_1704, %add3A_1703, %select_n3A_1699 : vector<16xi1>, vector<16xf32>
      %broadcast_in_dim3A_1709 = arith.constant 46 : i32
      %broadcast_in_dim3A_1710 = vector.broadcast %broadcast_in_dim3A_1709 : i32 to vector<16xi32>
      %gather3A_1711 = tpu.vector_load_idx %arg9[%broadcast_in_dim3A_1710, %add3A_404] : memref<112x128xf32, #tpu.memory_space<vmem>>[vector<16xi32>, vector<16xi32>], vector<16xf32>,
      %add3A_1712 = arith.addf %gather3A_437, %gather3A_1711 : vector<16xf32>
      %gt3A_1713 = arith.cmpf ogt, %add3A_1712, %select_n3A_1708 : vector<16xf32>
      %jit3A_1714 = arith.constant 4 : i32
      %broadcast_in_dim3A_1715 = vector.broadcast %jit3A_1714 : i32 to vector<16xi32>
      %select_n3A_1716 = arith.select %gt3A_1713, %broadcast_in_dim3A_1715, %select_n3A_1707 : vector<16xi1>, vector<16xi32>
      %select_n3A_1717 = arith.select %gt3A_1713, %add3A_1712, %select_n3A_1708 : vector<16xi1>, vector<16xf32>
      %broadcast_in_dim3A_1718 = arith.constant 47 : i32
      %broadcast_in_dim3A_1719 = vector.broadcast %broadcast_in_dim3A_1718 : i32 to vector<16xi32>
      %gather3A_1720 = tpu.vector_load_idx %arg9[%broadcast_in_dim3A_1719, %add3A_404] : memref<112x128xf32, #tpu.memory_space<vmem>>[vector<16xi32>, vector<16xi32>], vector<16xf32>,
      %add3A_1721 = arith.addf %gather3A_440, %gather3A_1720 : vector<16xf32>
      %gt3A_1722 = arith.cmpf ogt, %add3A_1721, %select_n3A_1717 : vector<16xf32>
      %jit3A_1723 = arith.constant 5 : i32
      %broadcast_in_dim3A_1724 = vector.broadcast %jit3A_1723 : i32 to vector<16xi32>
      %select_n3A_1725 = arith.select %gt3A_1722, %broadcast_in_dim3A_1724, %select_n3A_1716 : vector<16xi1>, vector<16xi32>
      %select_n3A_1726 = arith.select %gt3A_1722, %add3A_1721, %select_n3A_1717 : vector<16xi1>, vector<16xf32>
      %mul3A_1727 = arith.constant 6 : i32
      %mul3A_1728 = vector.broadcast %mul3A_1727 : i32 to vector<16xi32>
      %mul3A_1729 = arith.muli %select_n3A_1674, %mul3A_1728 : vector<16xi32>
      %add3A_1730 = arith.addi %mul3A_1729, %select_n3A_1725 : vector<16xi32>
      %add3A_1731 = arith.constant 0 : i32
      %add3A_1732 = vector.broadcast %add3A_1731 : i32 to vector<16xi32>
      %add3A_1733 = arith.addi %add3A_1730, %add3A_1732 : vector<16xi32>
      %gather3A_1734 = tpu.vector_load_idx %arg11[%add3A_1733] : memref<256xf32, #tpu.memory_space<vmem>>[vector<16xi32>], vector<16xf32>,
      %add3A_1735 = arith.addf %gather3A_443, %gather3A_1734 : vector<16xf32>
      %exp3A_1736 = math.exp %add3A_1735 : vector<16xf32>
      %add3A_1737 = arith.constant 36 : i32
      %add3A_1738 = vector.broadcast %add3A_1737 : i32 to vector<16xi32>
      %add3A_1739 = arith.addi %add3A_1730, %add3A_1738 : vector<16xi32>
      %gather3A_1740 = tpu.vector_load_idx %arg11[%add3A_1739] : memref<256xf32, #tpu.memory_space<vmem>>[vector<16xi32>], vector<16xf32>,
      %add3A_1741 = arith.addf %gather3A_446, %gather3A_1740 : vector<16xf32>
      %exp3A_1742 = math.exp %add3A_1741 : vector<16xf32>
      %add3A_1743 = arith.constant 72 : i32
      %add3A_1744 = vector.broadcast %add3A_1743 : i32 to vector<16xi32>
      %add3A_1745 = arith.addi %add3A_1730, %add3A_1744 : vector<16xi32>
      %gather3A_1746 = tpu.vector_load_idx %arg11[%add3A_1745] : memref<256xf32, #tpu.memory_space<vmem>>[vector<16xi32>], vector<16xf32>,
      %add3A_1747 = arith.addf %gather3A_449, %gather3A_1746 : vector<16xf32>
      %exp3A_1748 = math.exp %add3A_1747 : vector<16xf32>
      %add3A_1749 = arith.constant 108 : i32
      %add3A_1750 = vector.broadcast %add3A_1749 : i32 to vector<16xi32>
      %add3A_1751 = arith.addi %add3A_1730, %add3A_1750 : vector<16xi32>
      %gather3A_1752 = tpu.vector_load_idx %arg11[%add3A_1751] : memref<256xf32, #tpu.memory_space<vmem>>[vector<16xi32>], vector<16xf32>,
      %add3A_1753 = arith.addf %gather3A_452, %gather3A_1752 : vector<16xf32>
      %exp3A_1754 = math.exp %add3A_1753 : vector<16xf32>
      %add3A_1755 = arith.constant 144 : i32
      %add3A_1756 = vector.broadcast %add3A_1755 : i32 to vector<16xi32>
      %add3A_1757 = arith.addi %add3A_1730, %add3A_1756 : vector<16xi32>
      %gather3A_1758 = tpu.vector_load_idx %arg11[%add3A_1757] : memref<256xf32, #tpu.memory_space<vmem>>[vector<16xi32>], vector<16xf32>,
      %add3A_1759 = arith.addf %gather3A_455, %gather3A_1758 : vector<16xf32>
      %exp3A_1760 = math.exp %add3A_1759 : vector<16xf32>
      %add3A_1761 = arith.constant 180 : i32
      %add3A_1762 = vector.broadcast %add3A_1761 : i32 to vector<16xi32>
      %add3A_1763 = arith.addi %add3A_1730, %add3A_1762 : vector<16xi32>
      %gather3A_1764 = tpu.vector_load_idx %arg11[%add3A_1763] : memref<256xf32, #tpu.memory_space<vmem>>[vector<16xi32>], vector<16xf32>,
      %add3A_1765 = arith.addf %gather3A_458, %gather3A_1764 : vector<16xf32>
      %exp3A_1766 = math.exp %add3A_1765 : vector<16xf32>
      %add3A_1767 = arith.addf %exp3A_1736, %exp3A_1742 : vector<16xf32>
      %add3A_1768 = arith.addf %add3A_1767, %exp3A_1748 : vector<16xf32>
      %add3A_1769 = arith.addf %add3A_1768, %exp3A_1754 : vector<16xf32>
      %add3A_1770 = arith.addf %add3A_1769, %exp3A_1760 : vector<16xf32>
      %add3A_1771 = arith.addf %add3A_1770, %exp3A_1766 : vector<16xf32>
      %add3A_1772 = arith.constant 216 : i32
      %add3A_1773 = vector.broadcast %add3A_1772 : i32 to vector<16xi32>
      %add3A_1774 = arith.addi %add3A_1730, %add3A_1773 : vector<16xi32>
      %gather3A_1775 = tpu.vector_load_idx %arg11[%add3A_1774] : memref<256xf32, #tpu.memory_space<vmem>>[vector<16xi32>], vector<16xf32>,
      %div3A_1776 = arith.divf %gather3A_1775, %add3A_1771 : vector<16xf32>
      %mul3A_1777 = arith.mulf %div3A_1776, %exp3A_1736 : vector<16xf32>
      %add3A_1778 = arith.addf %add3A_1613, %mul3A_1777 : vector<16xf32>
      %mul3A_1779 = arith.mulf %div3A_1776, %exp3A_1742 : vector<16xf32>
      %add3A_1780 = arith.addf %add3A_1615, %mul3A_1779 : vector<16xf32>
      %mul3A_1781 = arith.mulf %div3A_1776, %exp3A_1748 : vector<16xf32>
      %add3A_1782 = arith.addf %add3A_1617, %mul3A_1781 : vector<16xf32>
      %mul3A_1783 = arith.mulf %div3A_1776, %exp3A_1754 : vector<16xf32>
      %add3A_1784 = arith.addf %add3A_1619, %mul3A_1783 : vector<16xf32>
      %mul3A_1785 = arith.mulf %div3A_1776, %exp3A_1760 : vector<16xf32>
      %add3A_1786 = arith.addf %add3A_1621, %mul3A_1785 : vector<16xf32>
      %mul3A_1787 = arith.mulf %div3A_1776, %exp3A_1766 : vector<16xf32>
      %add3A_1788 = arith.addf %add3A_1623, %mul3A_1787 : vector<16xf32>
      %add3A_1789 = arith.addf %add3A_1624, %gather3A_1775 : vector<16xf32>
      %broadcast_in_dim3A_1790 = arith.constant 48 : i32
      %broadcast_in_dim3A_1791 = vector.broadcast %broadcast_in_dim3A_1790 : i32 to vector<16xi32>
      %gather3A_1792 = tpu.vector_load_idx %arg8[%broadcast_in_dim3A_1791, %add3A_404] : memref<112x128xf32, #tpu.memory_space<vmem>>[vector<16xi32>, vector<16xi32>], vector<16xf32>,
      %add3A_1793 = arith.addf %gather3A_407, %gather3A_1792 : vector<16xf32>
      %broadcast_in_dim3A_1794 = arith.constant 0 : i32
      %broadcast_in_dim3A_1795 = vector.broadcast %broadcast_in_dim3A_1794 : i32 to vector<16xi32>
      %broadcast_in_dim3A_1796 = arith.constant 49 : i32
      %broadcast_in_dim3A_1797 = vector.broadcast %broadcast_in_dim3A_1796 : i32 to vector<16xi32>
      %gather3A_1798 = tpu.vector_load_idx %arg8[%broadcast_in_dim3A_1797, %add3A_404] : memref<112x128xf32, #tpu.memory_space<vmem>>[vector<16xi32>, vector<16xi32>], vector<16xf32>,
      %add3A_1799 = arith.addf %gather3A_410, %gather3A_1798 : vector<16xf32>
      %gt3A_1800 = arith.cmpf ogt, %add3A_1799, %add3A_1793 : vector<16xf32>
      %jit3A_1801 = arith.constant 1 : i32
      %broadcast_in_dim3A_1802 = vector.broadcast %jit3A_1801 : i32 to vector<16xi32>
      %select_n3A_1803 = arith.select %gt3A_1800, %broadcast_in_dim3A_1802, %broadcast_in_dim3A_1795 : vector<16xi1>, vector<16xi32>
      %select_n3A_1804 = arith.select %gt3A_1800, %add3A_1799, %add3A_1793 : vector<16xi1>, vector<16xf32>
      %broadcast_in_dim3A_1805 = arith.constant 50 : i32
      %broadcast_in_dim3A_1806 = vector.broadcast %broadcast_in_dim3A_1805 : i32 to vector<16xi32>
      %gather3A_1807 = tpu.vector_load_idx %arg8[%broadcast_in_dim3A_1806, %add3A_404] : memref<112x128xf32, #tpu.memory_space<vmem>>[vector<16xi32>, vector<16xi32>], vector<16xf32>,
      %add3A_1808 = arith.addf %gather3A_413, %gather3A_1807 : vector<16xf32>
      %gt3A_1809 = arith.cmpf ogt, %add3A_1808, %select_n3A_1804 : vector<16xf32>
      %jit3A_1810 = arith.constant 2 : i32
      %broadcast_in_dim3A_1811 = vector.broadcast %jit3A_1810 : i32 to vector<16xi32>
      %select_n3A_1812 = arith.select %gt3A_1809, %broadcast_in_dim3A_1811, %select_n3A_1803 : vector<16xi1>, vector<16xi32>
      %select_n3A_1813 = arith.select %gt3A_1809, %add3A_1808, %select_n3A_1804 : vector<16xi1>, vector<16xf32>
      %broadcast_in_dim3A_1814 = arith.constant 51 : i32
      %broadcast_in_dim3A_1815 = vector.broadcast %broadcast_in_dim3A_1814 : i32 to vector<16xi32>
      %gather3A_1816 = tpu.vector_load_idx %arg8[%broadcast_in_dim3A_1815, %add3A_404] : memref<112x128xf32, #tpu.memory_space<vmem>>[vector<16xi32>, vector<16xi32>], vector<16xf32>,
      %add3A_1817 = arith.addf %gather3A_416, %gather3A_1816 : vector<16xf32>
      %gt3A_1818 = arith.cmpf ogt, %add3A_1817, %select_n3A_1813 : vector<16xf32>
      %jit3A_1819 = arith.constant 3 : i32
      %broadcast_in_dim3A_1820 = vector.broadcast %jit3A_1819 : i32 to vector<16xi32>
      %select_n3A_1821 = arith.select %gt3A_1818, %broadcast_in_dim3A_1820, %select_n3A_1812 : vector<16xi1>, vector<16xi32>
      %select_n3A_1822 = arith.select %gt3A_1818, %add3A_1817, %select_n3A_1813 : vector<16xi1>, vector<16xf32>
      %broadcast_in_dim3A_1823 = arith.constant 52 : i32
      %broadcast_in_dim3A_1824 = vector.broadcast %broadcast_in_dim3A_1823 : i32 to vector<16xi32>
      %gather3A_1825 = tpu.vector_load_idx %arg8[%broadcast_in_dim3A_1824, %add3A_404] : memref<112x128xf32, #tpu.memory_space<vmem>>[vector<16xi32>, vector<16xi32>], vector<16xf32>,
      %add3A_1826 = arith.addf %gather3A_419, %gather3A_1825 : vector<16xf32>
      %gt3A_1827 = arith.cmpf ogt, %add3A_1826, %select_n3A_1822 : vector<16xf32>
      %jit3A_1828 = arith.constant 4 : i32
      %broadcast_in_dim3A_1829 = vector.broadcast %jit3A_1828 : i32 to vector<16xi32>
      %select_n3A_1830 = arith.select %gt3A_1827, %broadcast_in_dim3A_1829, %select_n3A_1821 : vector<16xi1>, vector<16xi32>
      %select_n3A_1831 = arith.select %gt3A_1827, %add3A_1826, %select_n3A_1822 : vector<16xi1>, vector<16xf32>
      %broadcast_in_dim3A_1832 = arith.constant 53 : i32
      %broadcast_in_dim3A_1833 = vector.broadcast %broadcast_in_dim3A_1832 : i32 to vector<16xi32>
      %gather3A_1834 = tpu.vector_load_idx %arg8[%broadcast_in_dim3A_1833, %add3A_404] : memref<112x128xf32, #tpu.memory_space<vmem>>[vector<16xi32>, vector<16xi32>], vector<16xf32>,
      %add3A_1835 = arith.addf %gather3A_422, %gather3A_1834 : vector<16xf32>
      %gt3A_1836 = arith.cmpf ogt, %add3A_1835, %select_n3A_1831 : vector<16xf32>
      %jit3A_1837 = arith.constant 5 : i32
      %broadcast_in_dim3A_1838 = vector.broadcast %jit3A_1837 : i32 to vector<16xi32>
      %select_n3A_1839 = arith.select %gt3A_1836, %broadcast_in_dim3A_1838, %select_n3A_1830 : vector<16xi1>, vector<16xi32>
      %select_n3A_1840 = arith.select %gt3A_1836, %add3A_1835, %select_n3A_1831 : vector<16xi1>, vector<16xf32>
      %broadcast_in_dim3A_1841 = arith.constant 48 : i32
      %broadcast_in_dim3A_1842 = vector.broadcast %broadcast_in_dim3A_1841 : i32 to vector<16xi32>
      %gather3A_1843 = tpu.vector_load_idx %arg9[%broadcast_in_dim3A_1842, %add3A_404] : memref<112x128xf32, #tpu.memory_space<vmem>>[vector<16xi32>, vector<16xi32>], vector<16xf32>,
      %add3A_1844 = arith.addf %gather3A_425, %gather3A_1843 : vector<16xf32>
      %broadcast_in_dim3A_1845 = arith.constant 0 : i32
      %broadcast_in_dim3A_1846 = vector.broadcast %broadcast_in_dim3A_1845 : i32 to vector<16xi32>
      %broadcast_in_dim3A_1847 = arith.constant 49 : i32
      %broadcast_in_dim3A_1848 = vector.broadcast %broadcast_in_dim3A_1847 : i32 to vector<16xi32>
      %gather3A_1849 = tpu.vector_load_idx %arg9[%broadcast_in_dim3A_1848, %add3A_404] : memref<112x128xf32, #tpu.memory_space<vmem>>[vector<16xi32>, vector<16xi32>], vector<16xf32>,
      %add3A_1850 = arith.addf %gather3A_428, %gather3A_1849 : vector<16xf32>
      %gt3A_1851 = arith.cmpf ogt, %add3A_1850, %add3A_1844 : vector<16xf32>
      %jit3A_1852 = arith.constant 1 : i32
      %broadcast_in_dim3A_1853 = vector.broadcast %jit3A_1852 : i32 to vector<16xi32>
      %select_n3A_1854 = arith.select %gt3A_1851, %broadcast_in_dim3A_1853, %broadcast_in_dim3A_1846 : vector<16xi1>, vector<16xi32>
      %select_n3A_1855 = arith.select %gt3A_1851, %add3A_1850, %add3A_1844 : vector<16xi1>, vector<16xf32>
      %broadcast_in_dim3A_1856 = arith.constant 50 : i32
      %broadcast_in_dim3A_1857 = vector.broadcast %broadcast_in_dim3A_1856 : i32 to vector<16xi32>
      %gather3A_1858 = tpu.vector_load_idx %arg9[%broadcast_in_dim3A_1857, %add3A_404] : memref<112x128xf32, #tpu.memory_space<vmem>>[vector<16xi32>, vector<16xi32>], vector<16xf32>,
      %add3A_1859 = arith.addf %gather3A_431, %gather3A_1858 : vector<16xf32>
      %gt3A_1860 = arith.cmpf ogt, %add3A_1859, %select_n3A_1855 : vector<16xf32>
      %jit3A_1861 = arith.constant 2 : i32
      %broadcast_in_dim3A_1862 = vector.broadcast %jit3A_1861 : i32 to vector<16xi32>
      %select_n3A_1863 = arith.select %gt3A_1860, %broadcast_in_dim3A_1862, %select_n3A_1854 : vector<16xi1>, vector<16xi32>
      %select_n3A_1864 = arith.select %gt3A_1860, %add3A_1859, %select_n3A_1855 : vector<16xi1>, vector<16xf32>
      %broadcast_in_dim3A_1865 = arith.constant 51 : i32
      %broadcast_in_dim3A_1866 = vector.broadcast %broadcast_in_dim3A_1865 : i32 to vector<16xi32>
      %gather3A_1867 = tpu.vector_load_idx %arg9[%broadcast_in_dim3A_1866, %add3A_404] : memref<112x128xf32, #tpu.memory_space<vmem>>[vector<16xi32>, vector<16xi32>], vector<16xf32>,
      %add3A_1868 = arith.addf %gather3A_434, %gather3A_1867 : vector<16xf32>
      %gt3A_1869 = arith.cmpf ogt, %add3A_1868, %select_n3A_1864 : vector<16xf32>
      %jit3A_1870 = arith.constant 3 : i32
      %broadcast_in_dim3A_1871 = vector.broadcast %jit3A_1870 : i32 to vector<16xi32>
      %select_n3A_1872 = arith.select %gt3A_1869, %broadcast_in_dim3A_1871, %select_n3A_1863 : vector<16xi1>, vector<16xi32>
      %select_n3A_1873 = arith.select %gt3A_1869, %add3A_1868, %select_n3A_1864 : vector<16xi1>, vector<16xf32>
      %broadcast_in_dim3A_1874 = arith.constant 52 : i32
      %broadcast_in_dim3A_1875 = vector.broadcast %broadcast_in_dim3A_1874 : i32 to vector<16xi32>
      %gather3A_1876 = tpu.vector_load_idx %arg9[%broadcast_in_dim3A_1875, %add3A_404] : memref<112x128xf32, #tpu.memory_space<vmem>>[vector<16xi32>, vector<16xi32>], vector<16xf32>,
      %add3A_1877 = arith.addf %gather3A_437, %gather3A_1876 : vector<16xf32>
      %gt3A_1878 = arith.cmpf ogt, %add3A_1877, %select_n3A_1873 : vector<16xf32>
      %jit3A_1879 = arith.constant 4 : i32
      %broadcast_in_dim3A_1880 = vector.broadcast %jit3A_1879 : i32 to vector<16xi32>
      %select_n3A_1881 = arith.select %gt3A_1878, %broadcast_in_dim3A_1880, %select_n3A_1872 : vector<16xi1>, vector<16xi32>
      %select_n3A_1882 = arith.select %gt3A_1878, %add3A_1877, %select_n3A_1873 : vector<16xi1>, vector<16xf32>
      %broadcast_in_dim3A_1883 = arith.constant 53 : i32
      %broadcast_in_dim3A_1884 = vector.broadcast %broadcast_in_dim3A_1883 : i32 to vector<16xi32>
      %gather3A_1885 = tpu.vector_load_idx %arg9[%broadcast_in_dim3A_1884, %add3A_404] : memref<112x128xf32, #tpu.memory_space<vmem>>[vector<16xi32>, vector<16xi32>], vector<16xf32>,
      %add3A_1886 = arith.addf %gather3A_440, %gather3A_1885 : vector<16xf32>
      %gt3A_1887 = arith.cmpf ogt, %add3A_1886, %select_n3A_1882 : vector<16xf32>
      %jit3A_1888 = arith.constant 5 : i32
      %broadcast_in_dim3A_1889 = vector.broadcast %jit3A_1888 : i32 to vector<16xi32>
      %select_n3A_1890 = arith.select %gt3A_1887, %broadcast_in_dim3A_1889, %select_n3A_1881 : vector<16xi1>, vector<16xi32>
      %select_n3A_1891 = arith.select %gt3A_1887, %add3A_1886, %select_n3A_1882 : vector<16xi1>, vector<16xf32>
      %mul3A_1892 = arith.constant 6 : i32
      %mul3A_1893 = vector.broadcast %mul3A_1892 : i32 to vector<16xi32>
      %mul3A_1894 = arith.muli %select_n3A_1839, %mul3A_1893 : vector<16xi32>
      %add3A_1895 = arith.addi %mul3A_1894, %select_n3A_1890 : vector<16xi32>
      %add3A_1896 = arith.constant 0 : i32
      %add3A_1897 = vector.broadcast %add3A_1896 : i32 to vector<16xi32>
      %add3A_1898 = arith.addi %add3A_1895, %add3A_1897 : vector<16xi32>
      %gather3A_1899 = tpu.vector_load_idx %arg11[%add3A_1898] : memref<256xf32, #tpu.memory_space<vmem>>[vector<16xi32>], vector<16xf32>,
      %add3A_1900 = arith.addf %gather3A_443, %gather3A_1899 : vector<16xf32>
      %exp3A_1901 = math.exp %add3A_1900 : vector<16xf32>
      %add3A_1902 = arith.constant 36 : i32
      %add3A_1903 = vector.broadcast %add3A_1902 : i32 to vector<16xi32>
      %add3A_1904 = arith.addi %add3A_1895, %add3A_1903 : vector<16xi32>
      %gather3A_1905 = tpu.vector_load_idx %arg11[%add3A_1904] : memref<256xf32, #tpu.memory_space<vmem>>[vector<16xi32>], vector<16xf32>,
      %add3A_1906 = arith.addf %gather3A_446, %gather3A_1905 : vector<16xf32>
      %exp3A_1907 = math.exp %add3A_1906 : vector<16xf32>
      %add3A_1908 = arith.constant 72 : i32
      %add3A_1909 = vector.broadcast %add3A_1908 : i32 to vector<16xi32>
      %add3A_1910 = arith.addi %add3A_1895, %add3A_1909 : vector<16xi32>
      %gather3A_1911 = tpu.vector_load_idx %arg11[%add3A_1910] : memref<256xf32, #tpu.memory_space<vmem>>[vector<16xi32>], vector<16xf32>,
      %add3A_1912 = arith.addf %gather3A_449, %gather3A_1911 : vector<16xf32>
      %exp3A_1913 = math.exp %add3A_1912 : vector<16xf32>
      %add3A_1914 = arith.constant 108 : i32
      %add3A_1915 = vector.broadcast %add3A_1914 : i32 to vector<16xi32>
      %add3A_1916 = arith.addi %add3A_1895, %add3A_1915 : vector<16xi32>
      %gather3A_1917 = tpu.vector_load_idx %arg11[%add3A_1916] : memref<256xf32, #tpu.memory_space<vmem>>[vector<16xi32>], vector<16xf32>,
      %add3A_1918 = arith.addf %gather3A_452, %gather3A_1917 : vector<16xf32>
      %exp3A_1919 = math.exp %add3A_1918 : vector<16xf32>
      %add3A_1920 = arith.constant 144 : i32
      %add3A_1921 = vector.broadcast %add3A_1920 : i32 to vector<16xi32>
      %add3A_1922 = arith.addi %add3A_1895, %add3A_1921 : vector<16xi32>
      %gather3A_1923 = tpu.vector_load_idx %arg11[%add3A_1922] : memref<256xf32, #tpu.memory_space<vmem>>[vector<16xi32>], vector<16xf32>,
      %add3A_1924 = arith.addf %gather3A_455, %gather3A_1923 : vector<16xf32>
      %exp3A_1925 = math.exp %add3A_1924 : vector<16xf32>
      %add3A_1926 = arith.constant 180 : i32
      %add3A_1927 = vector.broadcast %add3A_1926 : i32 to vector<16xi32>
      %add3A_1928 = arith.addi %add3A_1895, %add3A_1927 : vector<16xi32>
      %gather3A_1929 = tpu.vector_load_idx %arg11[%add3A_1928] : memref<256xf32, #tpu.memory_space<vmem>>[vector<16xi32>], vector<16xf32>,
      %add3A_1930 = arith.addf %gather3A_458, %gather3A_1929 : vector<16xf32>
      %exp3A_1931 = math.exp %add3A_1930 : vector<16xf32>
      %add3A_1932 = arith.addf %exp3A_1901, %exp3A_1907 : vector<16xf32>
      %add3A_1933 = arith.addf %add3A_1932, %exp3A_1913 : vector<16xf32>
      %add3A_1934 = arith.addf %add3A_1933, %exp3A_1919 : vector<16xf32>
      %add3A_1935 = arith.addf %add3A_1934, %exp3A_1925 : vector<16xf32>
      %add3A_1936 = arith.addf %add3A_1935, %exp3A_1931 : vector<16xf32>
      %add3A_1937 = arith.constant 216 : i32
      %add3A_1938 = vector.broadcast %add3A_1937 : i32 to vector<16xi32>
      %add3A_1939 = arith.addi %add3A_1895, %add3A_1938 : vector<16xi32>
      %gather3A_1940 = tpu.vector_load_idx %arg11[%add3A_1939] : memref<256xf32, #tpu.memory_space<vmem>>[vector<16xi32>], vector<16xf32>,
      %div3A_1941 = arith.divf %gather3A_1940, %add3A_1936 : vector<16xf32>
      %mul3A_1942 = arith.mulf %div3A_1941, %exp3A_1901 : vector<16xf32>
      %add3A_1943 = arith.addf %add3A_1778, %mul3A_1942 : vector<16xf32>
      %mul3A_1944 = arith.mulf %div3A_1941, %exp3A_1907 : vector<16xf32>
      %add3A_1945 = arith.addf %add3A_1780, %mul3A_1944 : vector<16xf32>
      %mul3A_1946 = arith.mulf %div3A_1941, %exp3A_1913 : vector<16xf32>
      %add3A_1947 = arith.addf %add3A_1782, %mul3A_1946 : vector<16xf32>
      %mul3A_1948 = arith.mulf %div3A_1941, %exp3A_1919 : vector<16xf32>
      %add3A_1949 = arith.addf %add3A_1784, %mul3A_1948 : vector<16xf32>
      %mul3A_1950 = arith.mulf %div3A_1941, %exp3A_1925 : vector<16xf32>
      %add3A_1951 = arith.addf %add3A_1786, %mul3A_1950 : vector<16xf32>
      %mul3A_1952 = arith.mulf %div3A_1941, %exp3A_1931 : vector<16xf32>
      %add3A_1953 = arith.addf %add3A_1788, %mul3A_1952 : vector<16xf32>
      %add3A_1954 = arith.addf %add3A_1789, %gather3A_1940 : vector<16xf32>
      %broadcast_in_dim3A_1955 = arith.constant 54 : i32
      %broadcast_in_dim3A_1956 = vector.broadcast %broadcast_in_dim3A_1955 : i32 to vector<16xi32>
      %gather3A_1957 = tpu.vector_load_idx %arg8[%broadcast_in_dim3A_1956, %add3A_404] : memref<112x128xf32, #tpu.memory_space<vmem>>[vector<16xi32>, vector<16xi32>], vector<16xf32>,
      %add3A_1958 = arith.addf %gather3A_407, %gather3A_1957 : vector<16xf32>
      %broadcast_in_dim3A_1959 = arith.constant 0 : i32
      %broadcast_in_dim3A_1960 = vector.broadcast %broadcast_in_dim3A_1959 : i32 to vector<16xi32>
      %broadcast_in_dim3A_1961 = arith.constant 55 : i32
      %broadcast_in_dim3A_1962 = vector.broadcast %broadcast_in_dim3A_1961 : i32 to vector<16xi32>
      %gather3A_1963 = tpu.vector_load_idx %arg8[%broadcast_in_dim3A_1962, %add3A_404] : memref<112x128xf32, #tpu.memory_space<vmem>>[vector<16xi32>, vector<16xi32>], vector<16xf32>,
      %add3A_1964 = arith.addf %gather3A_410, %gather3A_1963 : vector<16xf32>
      %gt3A_1965 = arith.cmpf ogt, %add3A_1964, %add3A_1958 : vector<16xf32>
      %jit3A_1966 = arith.constant 1 : i32
      %broadcast_in_dim3A_1967 = vector.broadcast %jit3A_1966 : i32 to vector<16xi32>
      %select_n3A_1968 = arith.select %gt3A_1965, %broadcast_in_dim3A_1967, %broadcast_in_dim3A_1960 : vector<16xi1>, vector<16xi32>
      %select_n3A_1969 = arith.select %gt3A_1965, %add3A_1964, %add3A_1958 : vector<16xi1>, vector<16xf32>
      %broadcast_in_dim3A_1970 = arith.constant 56 : i32
      %broadcast_in_dim3A_1971 = vector.broadcast %broadcast_in_dim3A_1970 : i32 to vector<16xi32>
      %gather3A_1972 = tpu.vector_load_idx %arg8[%broadcast_in_dim3A_1971, %add3A_404] : memref<112x128xf32, #tpu.memory_space<vmem>>[vector<16xi32>, vector<16xi32>], vector<16xf32>,
      %add3A_1973 = arith.addf %gather3A_413, %gather3A_1972 : vector<16xf32>
      %gt3A_1974 = arith.cmpf ogt, %add3A_1973, %select_n3A_1969 : vector<16xf32>
      %jit3A_1975 = arith.constant 2 : i32
      %broadcast_in_dim3A_1976 = vector.broadcast %jit3A_1975 : i32 to vector<16xi32>
      %select_n3A_1977 = arith.select %gt3A_1974, %broadcast_in_dim3A_1976, %select_n3A_1968 : vector<16xi1>, vector<16xi32>
      %select_n3A_1978 = arith.select %gt3A_1974, %add3A_1973, %select_n3A_1969 : vector<16xi1>, vector<16xf32>
      %broadcast_in_dim3A_1979 = arith.constant 57 : i32
      %broadcast_in_dim3A_1980 = vector.broadcast %broadcast_in_dim3A_1979 : i32 to vector<16xi32>
      %gather3A_1981 = tpu.vector_load_idx %arg8[%broadcast_in_dim3A_1980, %add3A_404] : memref<112x128xf32, #tpu.memory_space<vmem>>[vector<16xi32>, vector<16xi32>], vector<16xf32>,
      %add3A_1982 = arith.addf %gather3A_416, %gather3A_1981 : vector<16xf32>
      %gt3A_1983 = arith.cmpf ogt, %add3A_1982, %select_n3A_1978 : vector<16xf32>
      %jit3A_1984 = arith.constant 3 : i32
      %broadcast_in_dim3A_1985 = vector.broadcast %jit3A_1984 : i32 to vector<16xi32>
      %select_n3A_1986 = arith.select %gt3A_1983, %broadcast_in_dim3A_1985, %select_n3A_1977 : vector<16xi1>, vector<16xi32>
      %select_n3A_1987 = arith.select %gt3A_1983, %add3A_1982, %select_n3A_1978 : vector<16xi1>, vector<16xf32>
      %broadcast_in_dim3A_1988 = arith.constant 58 : i32
      %broadcast_in_dim3A_1989 = vector.broadcast %broadcast_in_dim3A_1988 : i32 to vector<16xi32>
      %gather3A_1990 = tpu.vector_load_idx %arg8[%broadcast_in_dim3A_1989, %add3A_404] : memref<112x128xf32, #tpu.memory_space<vmem>>[vector<16xi32>, vector<16xi32>], vector<16xf32>,
      %add3A_1991 = arith.addf %gather3A_419, %gather3A_1990 : vector<16xf32>
      %gt3A_1992 = arith.cmpf ogt, %add3A_1991, %select_n3A_1987 : vector<16xf32>
      %jit3A_1993 = arith.constant 4 : i32
      %broadcast_in_dim3A_1994 = vector.broadcast %jit3A_1993 : i32 to vector<16xi32>
      %select_n3A_1995 = arith.select %gt3A_1992, %broadcast_in_dim3A_1994, %select_n3A_1986 : vector<16xi1>, vector<16xi32>
      %select_n3A_1996 = arith.select %gt3A_1992, %add3A_1991, %select_n3A_1987 : vector<16xi1>, vector<16xf32>
      %broadcast_in_dim3A_1997 = arith.constant 59 : i32
      %broadcast_in_dim3A_1998 = vector.broadcast %broadcast_in_dim3A_1997 : i32 to vector<16xi32>
      %gather3A_1999 = tpu.vector_load_idx %arg8[%broadcast_in_dim3A_1998, %add3A_404] : memref<112x128xf32, #tpu.memory_space<vmem>>[vector<16xi32>, vector<16xi32>], vector<16xf32>,
      %add3A_2000 = arith.addf %gather3A_422, %gather3A_1999 : vector<16xf32>
      %gt3A_2001 = arith.cmpf ogt, %add3A_2000, %select_n3A_1996 : vector<16xf32>
      %jit3A_2002 = arith.constant 5 : i32
      %broadcast_in_dim3A_2003 = vector.broadcast %jit3A_2002 : i32 to vector<16xi32>
      %select_n3A_2004 = arith.select %gt3A_2001, %broadcast_in_dim3A_2003, %select_n3A_1995 : vector<16xi1>, vector<16xi32>
      %select_n3A_2005 = arith.select %gt3A_2001, %add3A_2000, %select_n3A_1996 : vector<16xi1>, vector<16xf32>
      %broadcast_in_dim3A_2006 = arith.constant 54 : i32
      %broadcast_in_dim3A_2007 = vector.broadcast %broadcast_in_dim3A_2006 : i32 to vector<16xi32>
      %gather3A_2008 = tpu.vector_load_idx %arg9[%broadcast_in_dim3A_2007, %add3A_404] : memref<112x128xf32, #tpu.memory_space<vmem>>[vector<16xi32>, vector<16xi32>], vector<16xf32>,
      %add3A_2009 = arith.addf %gather3A_425, %gather3A_2008 : vector<16xf32>
      %broadcast_in_dim3A_2010 = arith.constant 0 : i32
      %broadcast_in_dim3A_2011 = vector.broadcast %broadcast_in_dim3A_2010 : i32 to vector<16xi32>
      %broadcast_in_dim3A_2012 = arith.constant 55 : i32
      %broadcast_in_dim3A_2013 = vector.broadcast %broadcast_in_dim3A_2012 : i32 to vector<16xi32>
      %gather3A_2014 = tpu.vector_load_idx %arg9[%broadcast_in_dim3A_2013, %add3A_404] : memref<112x128xf32, #tpu.memory_space<vmem>>[vector<16xi32>, vector<16xi32>], vector<16xf32>,
      %add3A_2015 = arith.addf %gather3A_428, %gather3A_2014 : vector<16xf32>
      %gt3A_2016 = arith.cmpf ogt, %add3A_2015, %add3A_2009 : vector<16xf32>
      %jit3A_2017 = arith.constant 1 : i32
      %broadcast_in_dim3A_2018 = vector.broadcast %jit3A_2017 : i32 to vector<16xi32>
      %select_n3A_2019 = arith.select %gt3A_2016, %broadcast_in_dim3A_2018, %broadcast_in_dim3A_2011 : vector<16xi1>, vector<16xi32>
      %select_n3A_2020 = arith.select %gt3A_2016, %add3A_2015, %add3A_2009 : vector<16xi1>, vector<16xf32>
      %broadcast_in_dim3A_2021 = arith.constant 56 : i32
      %broadcast_in_dim3A_2022 = vector.broadcast %broadcast_in_dim3A_2021 : i32 to vector<16xi32>
      %gather3A_2023 = tpu.vector_load_idx %arg9[%broadcast_in_dim3A_2022, %add3A_404] : memref<112x128xf32, #tpu.memory_space<vmem>>[vector<16xi32>, vector<16xi32>], vector<16xf32>,
      %add3A_2024 = arith.addf %gather3A_431, %gather3A_2023 : vector<16xf32>
      %gt3A_2025 = arith.cmpf ogt, %add3A_2024, %select_n3A_2020 : vector<16xf32>
      %jit3A_2026 = arith.constant 2 : i32
      %broadcast_in_dim3A_2027 = vector.broadcast %jit3A_2026 : i32 to vector<16xi32>
      %select_n3A_2028 = arith.select %gt3A_2025, %broadcast_in_dim3A_2027, %select_n3A_2019 : vector<16xi1>, vector<16xi32>
      %select_n3A_2029 = arith.select %gt3A_2025, %add3A_2024, %select_n3A_2020 : vector<16xi1>, vector<16xf32>
      %broadcast_in_dim3A_2030 = arith.constant 57 : i32
      %broadcast_in_dim3A_2031 = vector.broadcast %broadcast_in_dim3A_2030 : i32 to vector<16xi32>
      %gather3A_2032 = tpu.vector_load_idx %arg9[%broadcast_in_dim3A_2031, %add3A_404] : memref<112x128xf32, #tpu.memory_space<vmem>>[vector<16xi32>, vector<16xi32>], vector<16xf32>,
      %add3A_2033 = arith.addf %gather3A_434, %gather3A_2032 : vector<16xf32>
      %gt3A_2034 = arith.cmpf ogt, %add3A_2033, %select_n3A_2029 : vector<16xf32>
      %jit3A_2035 = arith.constant 3 : i32
      %broadcast_in_dim3A_2036 = vector.broadcast %jit3A_2035 : i32 to vector<16xi32>
      %select_n3A_2037 = arith.select %gt3A_2034, %broadcast_in_dim3A_2036, %select_n3A_2028 : vector<16xi1>, vector<16xi32>
      %select_n3A_2038 = arith.select %gt3A_2034, %add3A_2033, %select_n3A_2029 : vector<16xi1>, vector<16xf32>
      %broadcast_in_dim3A_2039 = arith.constant 58 : i32
      %broadcast_in_dim3A_2040 = vector.broadcast %broadcast_in_dim3A_2039 : i32 to vector<16xi32>
      %gather3A_2041 = tpu.vector_load_idx %arg9[%broadcast_in_dim3A_2040, %add3A_404] : memref<112x128xf32, #tpu.memory_space<vmem>>[vector<16xi32>, vector<16xi32>], vector<16xf32>,
      %add3A_2042 = arith.addf %gather3A_437, %gather3A_2041 : vector<16xf32>
      %gt3A_2043 = arith.cmpf ogt, %add3A_2042, %select_n3A_2038 : vector<16xf32>
      %jit3A_2044 = arith.constant 4 : i32
      %broadcast_in_dim3A_2045 = vector.broadcast %jit3A_2044 : i32 to vector<16xi32>
      %select_n3A_2046 = arith.select %gt3A_2043, %broadcast_in_dim3A_2045, %select_n3A_2037 : vector<16xi1>, vector<16xi32>
      %select_n3A_2047 = arith.select %gt3A_2043, %add3A_2042, %select_n3A_2038 : vector<16xi1>, vector<16xf32>
      %broadcast_in_dim3A_2048 = arith.constant 59 : i32
      %broadcast_in_dim3A_2049 = vector.broadcast %broadcast_in_dim3A_2048 : i32 to vector<16xi32>
      %gather3A_2050 = tpu.vector_load_idx %arg9[%broadcast_in_dim3A_2049, %add3A_404] : memref<112x128xf32, #tpu.memory_space<vmem>>[vector<16xi32>, vector<16xi32>], vector<16xf32>,
      %add3A_2051 = arith.addf %gather3A_440, %gather3A_2050 : vector<16xf32>
      %gt3A_2052 = arith.cmpf ogt, %add3A_2051, %select_n3A_2047 : vector<16xf32>
      %jit3A_2053 = arith.constant 5 : i32
      %broadcast_in_dim3A_2054 = vector.broadcast %jit3A_2053 : i32 to vector<16xi32>
      %select_n3A_2055 = arith.select %gt3A_2052, %broadcast_in_dim3A_2054, %select_n3A_2046 : vector<16xi1>, vector<16xi32>
      %select_n3A_2056 = arith.select %gt3A_2052, %add3A_2051, %select_n3A_2047 : vector<16xi1>, vector<16xf32>
      %mul3A_2057 = arith.constant 6 : i32
      %mul3A_2058 = vector.broadcast %mul3A_2057 : i32 to vector<16xi32>
      %mul3A_2059 = arith.muli %select_n3A_2004, %mul3A_2058 : vector<16xi32>
      %add3A_2060 = arith.addi %mul3A_2059, %select_n3A_2055 : vector<16xi32>
      %add3A_2061 = arith.constant 0 : i32
      %add3A_2062 = vector.broadcast %add3A_2061 : i32 to vector<16xi32>
      %add3A_2063 = arith.addi %add3A_2060, %add3A_2062 : vector<16xi32>
      %gather3A_2064 = tpu.vector_load_idx %arg11[%add3A_2063] : memref<256xf32, #tpu.memory_space<vmem>>[vector<16xi32>], vector<16xf32>,
      %add3A_2065 = arith.addf %gather3A_443, %gather3A_2064 : vector<16xf32>
      %exp3A_2066 = math.exp %add3A_2065 : vector<16xf32>
      %add3A_2067 = arith.constant 36 : i32
      %add3A_2068 = vector.broadcast %add3A_2067 : i32 to vector<16xi32>
      %add3A_2069 = arith.addi %add3A_2060, %add3A_2068 : vector<16xi32>
      %gather3A_2070 = tpu.vector_load_idx %arg11[%add3A_2069] : memref<256xf32, #tpu.memory_space<vmem>>[vector<16xi32>], vector<16xf32>,
      %add3A_2071 = arith.addf %gather3A_446, %gather3A_2070 : vector<16xf32>
      %exp3A_2072 = math.exp %add3A_2071 : vector<16xf32>
      %add3A_2073 = arith.constant 72 : i32
      %add3A_2074 = vector.broadcast %add3A_2073 : i32 to vector<16xi32>
      %add3A_2075 = arith.addi %add3A_2060, %add3A_2074 : vector<16xi32>
      %gather3A_2076 = tpu.vector_load_idx %arg11[%add3A_2075] : memref<256xf32, #tpu.memory_space<vmem>>[vector<16xi32>], vector<16xf32>,
      %add3A_2077 = arith.addf %gather3A_449, %gather3A_2076 : vector<16xf32>
      %exp3A_2078 = math.exp %add3A_2077 : vector<16xf32>
      %add3A_2079 = arith.constant 108 : i32
      %add3A_2080 = vector.broadcast %add3A_2079 : i32 to vector<16xi32>
      %add3A_2081 = arith.addi %add3A_2060, %add3A_2080 : vector<16xi32>
      %gather3A_2082 = tpu.vector_load_idx %arg11[%add3A_2081] : memref<256xf32, #tpu.memory_space<vmem>>[vector<16xi32>], vector<16xf32>,
      %add3A_2083 = arith.addf %gather3A_452, %gather3A_2082 : vector<16xf32>
      %exp3A_2084 = math.exp %add3A_2083 : vector<16xf32>
      %add3A_2085 = arith.constant 144 : i32
      %add3A_2086 = vector.broadcast %add3A_2085 : i32 to vector<16xi32>
      %add3A_2087 = arith.addi %add3A_2060, %add3A_2086 : vector<16xi32>
      %gather3A_2088 = tpu.vector_load_idx %arg11[%add3A_2087] : memref<256xf32, #tpu.memory_space<vmem>>[vector<16xi32>], vector<16xf32>,
      %add3A_2089 = arith.addf %gather3A_455, %gather3A_2088 : vector<16xf32>
      %exp3A_2090 = math.exp %add3A_2089 : vector<16xf32>
      %add3A_2091 = arith.constant 180 : i32
      %add3A_2092 = vector.broadcast %add3A_2091 : i32 to vector<16xi32>
      %add3A_2093 = arith.addi %add3A_2060, %add3A_2092 : vector<16xi32>
      %gather3A_2094 = tpu.vector_load_idx %arg11[%add3A_2093] : memref<256xf32, #tpu.memory_space<vmem>>[vector<16xi32>], vector<16xf32>,
      %add3A_2095 = arith.addf %gather3A_458, %gather3A_2094 : vector<16xf32>
      %exp3A_2096 = math.exp %add3A_2095 : vector<16xf32>
      %add3A_2097 = arith.addf %exp3A_2066, %exp3A_2072 : vector<16xf32>
      %add3A_2098 = arith.addf %add3A_2097, %exp3A_2078 : vector<16xf32>
      %add3A_2099 = arith.addf %add3A_2098, %exp3A_2084 : vector<16xf32>
      %add3A_2100 = arith.addf %add3A_2099, %exp3A_2090 : vector<16xf32>
      %add3A_2101 = arith.addf %add3A_2100, %exp3A_2096 : vector<16xf32>
      %add3A_2102 = arith.constant 216 : i32
      %add3A_2103 = vector.broadcast %add3A_2102 : i32 to vector<16xi32>
      %add3A_2104 = arith.addi %add3A_2060, %add3A_2103 : vector<16xi32>
      %gather3A_2105 = tpu.vector_load_idx %arg11[%add3A_2104] : memref<256xf32, #tpu.memory_space<vmem>>[vector<16xi32>], vector<16xf32>,
      %div3A_2106 = arith.divf %gather3A_2105, %add3A_2101 : vector<16xf32>
      %mul3A_2107 = arith.mulf %div3A_2106, %exp3A_2066 : vector<16xf32>
      %add3A_2108 = arith.addf %add3A_1943, %mul3A_2107 : vector<16xf32>
      %mul3A_2109 = arith.mulf %div3A_2106, %exp3A_2072 : vector<16xf32>
      %add3A_2110 = arith.addf %add3A_1945, %mul3A_2109 : vector<16xf32>
      %mul3A_2111 = arith.mulf %div3A_2106, %exp3A_2078 : vector<16xf32>
      %add3A_2112 = arith.addf %add3A_1947, %mul3A_2111 : vector<16xf32>
      %mul3A_2113 = arith.mulf %div3A_2106, %exp3A_2084 : vector<16xf32>
      %add3A_2114 = arith.addf %add3A_1949, %mul3A_2113 : vector<16xf32>
      %mul3A_2115 = arith.mulf %div3A_2106, %exp3A_2090 : vector<16xf32>
      %add3A_2116 = arith.addf %add3A_1951, %mul3A_2115 : vector<16xf32>
      %mul3A_2117 = arith.mulf %div3A_2106, %exp3A_2096 : vector<16xf32>
      %add3A_2118 = arith.addf %add3A_1953, %mul3A_2117 : vector<16xf32>
      %add3A_2119 = arith.addf %add3A_1954, %gather3A_2105 : vector<16xf32>
      %broadcast_in_dim3A_2120 = arith.constant 60 : i32
      %broadcast_in_dim3A_2121 = vector.broadcast %broadcast_in_dim3A_2120 : i32 to vector<16xi32>
      %gather3A_2122 = tpu.vector_load_idx %arg8[%broadcast_in_dim3A_2121, %add3A_404] : memref<112x128xf32, #tpu.memory_space<vmem>>[vector<16xi32>, vector<16xi32>], vector<16xf32>,
      %add3A_2123 = arith.addf %gather3A_407, %gather3A_2122 : vector<16xf32>
      %broadcast_in_dim3A_2124 = arith.constant 0 : i32
      %broadcast_in_dim3A_2125 = vector.broadcast %broadcast_in_dim3A_2124 : i32 to vector<16xi32>
      %broadcast_in_dim3A_2126 = arith.constant 61 : i32
      %broadcast_in_dim3A_2127 = vector.broadcast %broadcast_in_dim3A_2126 : i32 to vector<16xi32>
      %gather3A_2128 = tpu.vector_load_idx %arg8[%broadcast_in_dim3A_2127, %add3A_404] : memref<112x128xf32, #tpu.memory_space<vmem>>[vector<16xi32>, vector<16xi32>], vector<16xf32>,
      %add3A_2129 = arith.addf %gather3A_410, %gather3A_2128 : vector<16xf32>
      %gt3A_2130 = arith.cmpf ogt, %add3A_2129, %add3A_2123 : vector<16xf32>
      %jit3A_2131 = arith.constant 1 : i32
      %broadcast_in_dim3A_2132 = vector.broadcast %jit3A_2131 : i32 to vector<16xi32>
      %select_n3A_2133 = arith.select %gt3A_2130, %broadcast_in_dim3A_2132, %broadcast_in_dim3A_2125 : vector<16xi1>, vector<16xi32>
      %select_n3A_2134 = arith.select %gt3A_2130, %add3A_2129, %add3A_2123 : vector<16xi1>, vector<16xf32>
      %broadcast_in_dim3A_2135 = arith.constant 62 : i32
      %broadcast_in_dim3A_2136 = vector.broadcast %broadcast_in_dim3A_2135 : i32 to vector<16xi32>
      %gather3A_2137 = tpu.vector_load_idx %arg8[%broadcast_in_dim3A_2136, %add3A_404] : memref<112x128xf32, #tpu.memory_space<vmem>>[vector<16xi32>, vector<16xi32>], vector<16xf32>,
      %add3A_2138 = arith.addf %gather3A_413, %gather3A_2137 : vector<16xf32>
      %gt3A_2139 = arith.cmpf ogt, %add3A_2138, %select_n3A_2134 : vector<16xf32>
      %jit3A_2140 = arith.constant 2 : i32
      %broadcast_in_dim3A_2141 = vector.broadcast %jit3A_2140 : i32 to vector<16xi32>
      %select_n3A_2142 = arith.select %gt3A_2139, %broadcast_in_dim3A_2141, %select_n3A_2133 : vector<16xi1>, vector<16xi32>
      %select_n3A_2143 = arith.select %gt3A_2139, %add3A_2138, %select_n3A_2134 : vector<16xi1>, vector<16xf32>
      %broadcast_in_dim3A_2144 = arith.constant 63 : i32
      %broadcast_in_dim3A_2145 = vector.broadcast %broadcast_in_dim3A_2144 : i32 to vector<16xi32>
      %gather3A_2146 = tpu.vector_load_idx %arg8[%broadcast_in_dim3A_2145, %add3A_404] : memref<112x128xf32, #tpu.memory_space<vmem>>[vector<16xi32>, vector<16xi32>], vector<16xf32>,
      %add3A_2147 = arith.addf %gather3A_416, %gather3A_2146 : vector<16xf32>
      %gt3A_2148 = arith.cmpf ogt, %add3A_2147, %select_n3A_2143 : vector<16xf32>
      %jit3A_2149 = arith.constant 3 : i32
      %broadcast_in_dim3A_2150 = vector.broadcast %jit3A_2149 : i32 to vector<16xi32>
      %select_n3A_2151 = arith.select %gt3A_2148, %broadcast_in_dim3A_2150, %select_n3A_2142 : vector<16xi1>, vector<16xi32>
      %select_n3A_2152 = arith.select %gt3A_2148, %add3A_2147, %select_n3A_2143 : vector<16xi1>, vector<16xf32>
      %broadcast_in_dim3A_2153 = arith.constant 64 : i32
      %broadcast_in_dim3A_2154 = vector.broadcast %broadcast_in_dim3A_2153 : i32 to vector<16xi32>
      %gather3A_2155 = tpu.vector_load_idx %arg8[%broadcast_in_dim3A_2154, %add3A_404] : memref<112x128xf32, #tpu.memory_space<vmem>>[vector<16xi32>, vector<16xi32>], vector<16xf32>,
      %add3A_2156 = arith.addf %gather3A_419, %gather3A_2155 : vector<16xf32>
      %gt3A_2157 = arith.cmpf ogt, %add3A_2156, %select_n3A_2152 : vector<16xf32>
      %jit3A_2158 = arith.constant 4 : i32
      %broadcast_in_dim3A_2159 = vector.broadcast %jit3A_2158 : i32 to vector<16xi32>
      %select_n3A_2160 = arith.select %gt3A_2157, %broadcast_in_dim3A_2159, %select_n3A_2151 : vector<16xi1>, vector<16xi32>
      %select_n3A_2161 = arith.select %gt3A_2157, %add3A_2156, %select_n3A_2152 : vector<16xi1>, vector<16xf32>
      %broadcast_in_dim3A_2162 = arith.constant 65 : i32
      %broadcast_in_dim3A_2163 = vector.broadcast %broadcast_in_dim3A_2162 : i32 to vector<16xi32>
      %gather3A_2164 = tpu.vector_load_idx %arg8[%broadcast_in_dim3A_2163, %add3A_404] : memref<112x128xf32, #tpu.memory_space<vmem>>[vector<16xi32>, vector<16xi32>], vector<16xf32>,
      %add3A_2165 = arith.addf %gather3A_422, %gather3A_2164 : vector<16xf32>
      %gt3A_2166 = arith.cmpf ogt, %add3A_2165, %select_n3A_2161 : vector<16xf32>
      %jit3A_2167 = arith.constant 5 : i32
      %broadcast_in_dim3A_2168 = vector.broadcast %jit3A_2167 : i32 to vector<16xi32>
      %select_n3A_2169 = arith.select %gt3A_2166, %broadcast_in_dim3A_2168, %select_n3A_2160 : vector<16xi1>, vector<16xi32>
      %select_n3A_2170 = arith.select %gt3A_2166, %add3A_2165, %select_n3A_2161 : vector<16xi1>, vector<16xf32>
      %broadcast_in_dim3A_2171 = arith.constant 60 : i32
      %broadcast_in_dim3A_2172 = vector.broadcast %broadcast_in_dim3A_2171 : i32 to vector<16xi32>
      %gather3A_2173 = tpu.vector_load_idx %arg9[%broadcast_in_dim3A_2172, %add3A_404] : memref<112x128xf32, #tpu.memory_space<vmem>>[vector<16xi32>, vector<16xi32>], vector<16xf32>,
      %add3A_2174 = arith.addf %gather3A_425, %gather3A_2173 : vector<16xf32>
      %broadcast_in_dim3A_2175 = arith.constant 0 : i32
      %broadcast_in_dim3A_2176 = vector.broadcast %broadcast_in_dim3A_2175 : i32 to vector<16xi32>
      %broadcast_in_dim3A_2177 = arith.constant 61 : i32
      %broadcast_in_dim3A_2178 = vector.broadcast %broadcast_in_dim3A_2177 : i32 to vector<16xi32>
      %gather3A_2179 = tpu.vector_load_idx %arg9[%broadcast_in_dim3A_2178, %add3A_404] : memref<112x128xf32, #tpu.memory_space<vmem>>[vector<16xi32>, vector<16xi32>], vector<16xf32>,
      %add3A_2180 = arith.addf %gather3A_428, %gather3A_2179 : vector<16xf32>
      %gt3A_2181 = arith.cmpf ogt, %add3A_2180, %add3A_2174 : vector<16xf32>
      %jit3A_2182 = arith.constant 1 : i32
      %broadcast_in_dim3A_2183 = vector.broadcast %jit3A_2182 : i32 to vector<16xi32>
      %select_n3A_2184 = arith.select %gt3A_2181, %broadcast_in_dim3A_2183, %broadcast_in_dim3A_2176 : vector<16xi1>, vector<16xi32>
      %select_n3A_2185 = arith.select %gt3A_2181, %add3A_2180, %add3A_2174 : vector<16xi1>, vector<16xf32>
      %broadcast_in_dim3A_2186 = arith.constant 62 : i32
      %broadcast_in_dim3A_2187 = vector.broadcast %broadcast_in_dim3A_2186 : i32 to vector<16xi32>
      %gather3A_2188 = tpu.vector_load_idx %arg9[%broadcast_in_dim3A_2187, %add3A_404] : memref<112x128xf32, #tpu.memory_space<vmem>>[vector<16xi32>, vector<16xi32>], vector<16xf32>,
      %add3A_2189 = arith.addf %gather3A_431, %gather3A_2188 : vector<16xf32>
      %gt3A_2190 = arith.cmpf ogt, %add3A_2189, %select_n3A_2185 : vector<16xf32>
      %jit3A_2191 = arith.constant 2 : i32
      %broadcast_in_dim3A_2192 = vector.broadcast %jit3A_2191 : i32 to vector<16xi32>
      %select_n3A_2193 = arith.select %gt3A_2190, %broadcast_in_dim3A_2192, %select_n3A_2184 : vector<16xi1>, vector<16xi32>
      %select_n3A_2194 = arith.select %gt3A_2190, %add3A_2189, %select_n3A_2185 : vector<16xi1>, vector<16xf32>
      %broadcast_in_dim3A_2195 = arith.constant 63 : i32
      %broadcast_in_dim3A_2196 = vector.broadcast %broadcast_in_dim3A_2195 : i32 to vector<16xi32>
      %gather3A_2197 = tpu.vector_load_idx %arg9[%broadcast_in_dim3A_2196, %add3A_404] : memref<112x128xf32, #tpu.memory_space<vmem>>[vector<16xi32>, vector<16xi32>], vector<16xf32>,
      %add3A_2198 = arith.addf %gather3A_434, %gather3A_2197 : vector<16xf32>
      %gt3A_2199 = arith.cmpf ogt, %add3A_2198, %select_n3A_2194 : vector<16xf32>
      %jit3A_2200 = arith.constant 3 : i32
      %broadcast_in_dim3A_2201 = vector.broadcast %jit3A_2200 : i32 to vector<16xi32>
      %select_n3A_2202 = arith.select %gt3A_2199, %broadcast_in_dim3A_2201, %select_n3A_2193 : vector<16xi1>, vector<16xi32>
      %select_n3A_2203 = arith.select %gt3A_2199, %add3A_2198, %select_n3A_2194 : vector<16xi1>, vector<16xf32>
      %broadcast_in_dim3A_2204 = arith.constant 64 : i32
      %broadcast_in_dim3A_2205 = vector.broadcast %broadcast_in_dim3A_2204 : i32 to vector<16xi32>
      %gather3A_2206 = tpu.vector_load_idx %arg9[%broadcast_in_dim3A_2205, %add3A_404] : memref<112x128xf32, #tpu.memory_space<vmem>>[vector<16xi32>, vector<16xi32>], vector<16xf32>,
      %add3A_2207 = arith.addf %gather3A_437, %gather3A_2206 : vector<16xf32>
      %gt3A_2208 = arith.cmpf ogt, %add3A_2207, %select_n3A_2203 : vector<16xf32>
      %jit3A_2209 = arith.constant 4 : i32
      %broadcast_in_dim3A_2210 = vector.broadcast %jit3A_2209 : i32 to vector<16xi32>
      %select_n3A_2211 = arith.select %gt3A_2208, %broadcast_in_dim3A_2210, %select_n3A_2202 : vector<16xi1>, vector<16xi32>
      %select_n3A_2212 = arith.select %gt3A_2208, %add3A_2207, %select_n3A_2203 : vector<16xi1>, vector<16xf32>
      %broadcast_in_dim3A_2213 = arith.constant 65 : i32
      %broadcast_in_dim3A_2214 = vector.broadcast %broadcast_in_dim3A_2213 : i32 to vector<16xi32>
      %gather3A_2215 = tpu.vector_load_idx %arg9[%broadcast_in_dim3A_2214, %add3A_404] : memref<112x128xf32, #tpu.memory_space<vmem>>[vector<16xi32>, vector<16xi32>], vector<16xf32>,
      %add3A_2216 = arith.addf %gather3A_440, %gather3A_2215 : vector<16xf32>
      %gt3A_2217 = arith.cmpf ogt, %add3A_2216, %select_n3A_2212 : vector<16xf32>
      %jit3A_2218 = arith.constant 5 : i32
      %broadcast_in_dim3A_2219 = vector.broadcast %jit3A_2218 : i32 to vector<16xi32>
      %select_n3A_2220 = arith.select %gt3A_2217, %broadcast_in_dim3A_2219, %select_n3A_2211 : vector<16xi1>, vector<16xi32>
      %select_n3A_2221 = arith.select %gt3A_2217, %add3A_2216, %select_n3A_2212 : vector<16xi1>, vector<16xf32>
      %mul3A_2222 = arith.constant 6 : i32
      %mul3A_2223 = vector.broadcast %mul3A_2222 : i32 to vector<16xi32>
      %mul3A_2224 = arith.muli %select_n3A_2169, %mul3A_2223 : vector<16xi32>
      %add3A_2225 = arith.addi %mul3A_2224, %select_n3A_2220 : vector<16xi32>
      %add3A_2226 = arith.constant 0 : i32
      %add3A_2227 = vector.broadcast %add3A_2226 : i32 to vector<16xi32>
      %add3A_2228 = arith.addi %add3A_2225, %add3A_2227 : vector<16xi32>
      %gather3A_2229 = tpu.vector_load_idx %arg11[%add3A_2228] : memref<256xf32, #tpu.memory_space<vmem>>[vector<16xi32>], vector<16xf32>,
      %add3A_2230 = arith.addf %gather3A_443, %gather3A_2229 : vector<16xf32>
      %exp3A_2231 = math.exp %add3A_2230 : vector<16xf32>
      %add3A_2232 = arith.constant 36 : i32
      %add3A_2233 = vector.broadcast %add3A_2232 : i32 to vector<16xi32>
      %add3A_2234 = arith.addi %add3A_2225, %add3A_2233 : vector<16xi32>
      %gather3A_2235 = tpu.vector_load_idx %arg11[%add3A_2234] : memref<256xf32, #tpu.memory_space<vmem>>[vector<16xi32>], vector<16xf32>,
      %add3A_2236 = arith.addf %gather3A_446, %gather3A_2235 : vector<16xf32>
      %exp3A_2237 = math.exp %add3A_2236 : vector<16xf32>
      %add3A_2238 = arith.constant 72 : i32
      %add3A_2239 = vector.broadcast %add3A_2238 : i32 to vector<16xi32>
      %add3A_2240 = arith.addi %add3A_2225, %add3A_2239 : vector<16xi32>
      %gather3A_2241 = tpu.vector_load_idx %arg11[%add3A_2240] : memref<256xf32, #tpu.memory_space<vmem>>[vector<16xi32>], vector<16xf32>,
      %add3A_2242 = arith.addf %gather3A_449, %gather3A_2241 : vector<16xf32>
      %exp3A_2243 = math.exp %add3A_2242 : vector<16xf32>
      %add3A_2244 = arith.constant 108 : i32
      %add3A_2245 = vector.broadcast %add3A_2244 : i32 to vector<16xi32>
      %add3A_2246 = arith.addi %add3A_2225, %add3A_2245 : vector<16xi32>
      %gather3A_2247 = tpu.vector_load_idx %arg11[%add3A_2246] : memref<256xf32, #tpu.memory_space<vmem>>[vector<16xi32>], vector<16xf32>,
      %add3A_2248 = arith.addf %gather3A_452, %gather3A_2247 : vector<16xf32>
      %exp3A_2249 = math.exp %add3A_2248 : vector<16xf32>
      %add3A_2250 = arith.constant 144 : i32
      %add3A_2251 = vector.broadcast %add3A_2250 : i32 to vector<16xi32>
      %add3A_2252 = arith.addi %add3A_2225, %add3A_2251 : vector<16xi32>
      %gather3A_2253 = tpu.vector_load_idx %arg11[%add3A_2252] : memref<256xf32, #tpu.memory_space<vmem>>[vector<16xi32>], vector<16xf32>,
      %add3A_2254 = arith.addf %gather3A_455, %gather3A_2253 : vector<16xf32>
      %exp3A_2255 = math.exp %add3A_2254 : vector<16xf32>
      %add3A_2256 = arith.constant 180 : i32
      %add3A_2257 = vector.broadcast %add3A_2256 : i32 to vector<16xi32>
      %add3A_2258 = arith.addi %add3A_2225, %add3A_2257 : vector<16xi32>
      %gather3A_2259 = tpu.vector_load_idx %arg11[%add3A_2258] : memref<256xf32, #tpu.memory_space<vmem>>[vector<16xi32>], vector<16xf32>,
      %add3A_2260 = arith.addf %gather3A_458, %gather3A_2259 : vector<16xf32>
      %exp3A_2261 = math.exp %add3A_2260 : vector<16xf32>
      %add3A_2262 = arith.addf %exp3A_2231, %exp3A_2237 : vector<16xf32>
      %add3A_2263 = arith.addf %add3A_2262, %exp3A_2243 : vector<16xf32>
      %add3A_2264 = arith.addf %add3A_2263, %exp3A_2249 : vector<16xf32>
      %add3A_2265 = arith.addf %add3A_2264, %exp3A_2255 : vector<16xf32>
      %add3A_2266 = arith.addf %add3A_2265, %exp3A_2261 : vector<16xf32>
      %add3A_2267 = arith.constant 216 : i32
      %add3A_2268 = vector.broadcast %add3A_2267 : i32 to vector<16xi32>
      %add3A_2269 = arith.addi %add3A_2225, %add3A_2268 : vector<16xi32>
      %gather3A_2270 = tpu.vector_load_idx %arg11[%add3A_2269] : memref<256xf32, #tpu.memory_space<vmem>>[vector<16xi32>], vector<16xf32>,
      %div3A_2271 = arith.divf %gather3A_2270, %add3A_2266 : vector<16xf32>
      %mul3A_2272 = arith.mulf %div3A_2271, %exp3A_2231 : vector<16xf32>
      %add3A_2273 = arith.addf %add3A_2108, %mul3A_2272 : vector<16xf32>
      %mul3A_2274 = arith.mulf %div3A_2271, %exp3A_2237 : vector<16xf32>
      %add3A_2275 = arith.addf %add3A_2110, %mul3A_2274 : vector<16xf32>
      %mul3A_2276 = arith.mulf %div3A_2271, %exp3A_2243 : vector<16xf32>
      %add3A_2277 = arith.addf %add3A_2112, %mul3A_2276 : vector<16xf32>
      %mul3A_2278 = arith.mulf %div3A_2271, %exp3A_2249 : vector<16xf32>
      %add3A_2279 = arith.addf %add3A_2114, %mul3A_2278 : vector<16xf32>
      %mul3A_2280 = arith.mulf %div3A_2271, %exp3A_2255 : vector<16xf32>
      %add3A_2281 = arith.addf %add3A_2116, %mul3A_2280 : vector<16xf32>
      %mul3A_2282 = arith.mulf %div3A_2271, %exp3A_2261 : vector<16xf32>
      %add3A_2283 = arith.addf %add3A_2118, %mul3A_2282 : vector<16xf32>
      %add3A_2284 = arith.addf %add3A_2119, %gather3A_2270 : vector<16xf32>
      %broadcast_in_dim3A_2285 = arith.constant 66 : i32
      %broadcast_in_dim3A_2286 = vector.broadcast %broadcast_in_dim3A_2285 : i32 to vector<16xi32>
      %gather3A_2287 = tpu.vector_load_idx %arg8[%broadcast_in_dim3A_2286, %add3A_404] : memref<112x128xf32, #tpu.memory_space<vmem>>[vector<16xi32>, vector<16xi32>], vector<16xf32>,
      %add3A_2288 = arith.addf %gather3A_407, %gather3A_2287 : vector<16xf32>
      %broadcast_in_dim3A_2289 = arith.constant 0 : i32
      %broadcast_in_dim3A_2290 = vector.broadcast %broadcast_in_dim3A_2289 : i32 to vector<16xi32>
      %broadcast_in_dim3A_2291 = arith.constant 67 : i32
      %broadcast_in_dim3A_2292 = vector.broadcast %broadcast_in_dim3A_2291 : i32 to vector<16xi32>
      %gather3A_2293 = tpu.vector_load_idx %arg8[%broadcast_in_dim3A_2292, %add3A_404] : memref<112x128xf32, #tpu.memory_space<vmem>>[vector<16xi32>, vector<16xi32>], vector<16xf32>,
      %add3A_2294 = arith.addf %gather3A_410, %gather3A_2293 : vector<16xf32>
      %gt3A_2295 = arith.cmpf ogt, %add3A_2294, %add3A_2288 : vector<16xf32>
      %jit3A_2296 = arith.constant 1 : i32
      %broadcast_in_dim3A_2297 = vector.broadcast %jit3A_2296 : i32 to vector<16xi32>
      %select_n3A_2298 = arith.select %gt3A_2295, %broadcast_in_dim3A_2297, %broadcast_in_dim3A_2290 : vector<16xi1>, vector<16xi32>
      %select_n3A_2299 = arith.select %gt3A_2295, %add3A_2294, %add3A_2288 : vector<16xi1>, vector<16xf32>
      %broadcast_in_dim3A_2300 = arith.constant 68 : i32
      %broadcast_in_dim3A_2301 = vector.broadcast %broadcast_in_dim3A_2300 : i32 to vector<16xi32>
      %gather3A_2302 = tpu.vector_load_idx %arg8[%broadcast_in_dim3A_2301, %add3A_404] : memref<112x128xf32, #tpu.memory_space<vmem>>[vector<16xi32>, vector<16xi32>], vector<16xf32>,
      %add3A_2303 = arith.addf %gather3A_413, %gather3A_2302 : vector<16xf32>
      %gt3A_2304 = arith.cmpf ogt, %add3A_2303, %select_n3A_2299 : vector<16xf32>
      %jit3A_2305 = arith.constant 2 : i32
      %broadcast_in_dim3A_2306 = vector.broadcast %jit3A_2305 : i32 to vector<16xi32>
      %select_n3A_2307 = arith.select %gt3A_2304, %broadcast_in_dim3A_2306, %select_n3A_2298 : vector<16xi1>, vector<16xi32>
      %select_n3A_2308 = arith.select %gt3A_2304, %add3A_2303, %select_n3A_2299 : vector<16xi1>, vector<16xf32>
      %broadcast_in_dim3A_2309 = arith.constant 69 : i32
      %broadcast_in_dim3A_2310 = vector.broadcast %broadcast_in_dim3A_2309 : i32 to vector<16xi32>
      %gather3A_2311 = tpu.vector_load_idx %arg8[%broadcast_in_dim3A_2310, %add3A_404] : memref<112x128xf32, #tpu.memory_space<vmem>>[vector<16xi32>, vector<16xi32>], vector<16xf32>,
      %add3A_2312 = arith.addf %gather3A_416, %gather3A_2311 : vector<16xf32>
      %gt3A_2313 = arith.cmpf ogt, %add3A_2312, %select_n3A_2308 : vector<16xf32>
      %jit3A_2314 = arith.constant 3 : i32
      %broadcast_in_dim3A_2315 = vector.broadcast %jit3A_2314 : i32 to vector<16xi32>
      %select_n3A_2316 = arith.select %gt3A_2313, %broadcast_in_dim3A_2315, %select_n3A_2307 : vector<16xi1>, vector<16xi32>
      %select_n3A_2317 = arith.select %gt3A_2313, %add3A_2312, %select_n3A_2308 : vector<16xi1>, vector<16xf32>
      %broadcast_in_dim3A_2318 = arith.constant 70 : i32
      %broadcast_in_dim3A_2319 = vector.broadcast %broadcast_in_dim3A_2318 : i32 to vector<16xi32>
      %gather3A_2320 = tpu.vector_load_idx %arg8[%broadcast_in_dim3A_2319, %add3A_404] : memref<112x128xf32, #tpu.memory_space<vmem>>[vector<16xi32>, vector<16xi32>], vector<16xf32>,
      %add3A_2321 = arith.addf %gather3A_419, %gather3A_2320 : vector<16xf32>
      %gt3A_2322 = arith.cmpf ogt, %add3A_2321, %select_n3A_2317 : vector<16xf32>
      %jit3A_2323 = arith.constant 4 : i32
      %broadcast_in_dim3A_2324 = vector.broadcast %jit3A_2323 : i32 to vector<16xi32>
      %select_n3A_2325 = arith.select %gt3A_2322, %broadcast_in_dim3A_2324, %select_n3A_2316 : vector<16xi1>, vector<16xi32>
      %select_n3A_2326 = arith.select %gt3A_2322, %add3A_2321, %select_n3A_2317 : vector<16xi1>, vector<16xf32>
      %broadcast_in_dim3A_2327 = arith.constant 71 : i32
      %broadcast_in_dim3A_2328 = vector.broadcast %broadcast_in_dim3A_2327 : i32 to vector<16xi32>
      %gather3A_2329 = tpu.vector_load_idx %arg8[%broadcast_in_dim3A_2328, %add3A_404] : memref<112x128xf32, #tpu.memory_space<vmem>>[vector<16xi32>, vector<16xi32>], vector<16xf32>,
      %add3A_2330 = arith.addf %gather3A_422, %gather3A_2329 : vector<16xf32>
      %gt3A_2331 = arith.cmpf ogt, %add3A_2330, %select_n3A_2326 : vector<16xf32>
      %jit3A_2332 = arith.constant 5 : i32
      %broadcast_in_dim3A_2333 = vector.broadcast %jit3A_2332 : i32 to vector<16xi32>
      %select_n3A_2334 = arith.select %gt3A_2331, %broadcast_in_dim3A_2333, %select_n3A_2325 : vector<16xi1>, vector<16xi32>
      %select_n3A_2335 = arith.select %gt3A_2331, %add3A_2330, %select_n3A_2326 : vector<16xi1>, vector<16xf32>
      %broadcast_in_dim3A_2336 = arith.constant 66 : i32
      %broadcast_in_dim3A_2337 = vector.broadcast %broadcast_in_dim3A_2336 : i32 to vector<16xi32>
      %gather3A_2338 = tpu.vector_load_idx %arg9[%broadcast_in_dim3A_2337, %add3A_404] : memref<112x128xf32, #tpu.memory_space<vmem>>[vector<16xi32>, vector<16xi32>], vector<16xf32>,
      %add3A_2339 = arith.addf %gather3A_425, %gather3A_2338 : vector<16xf32>
      %broadcast_in_dim3A_2340 = arith.constant 0 : i32
      %broadcast_in_dim3A_2341 = vector.broadcast %broadcast_in_dim3A_2340 : i32 to vector<16xi32>
      %broadcast_in_dim3A_2342 = arith.constant 67 : i32
      %broadcast_in_dim3A_2343 = vector.broadcast %broadcast_in_dim3A_2342 : i32 to vector<16xi32>
      %gather3A_2344 = tpu.vector_load_idx %arg9[%broadcast_in_dim3A_2343, %add3A_404] : memref<112x128xf32, #tpu.memory_space<vmem>>[vector<16xi32>, vector<16xi32>], vector<16xf32>,
      %add3A_2345 = arith.addf %gather3A_428, %gather3A_2344 : vector<16xf32>
      %gt3A_2346 = arith.cmpf ogt, %add3A_2345, %add3A_2339 : vector<16xf32>
      %jit3A_2347 = arith.constant 1 : i32
      %broadcast_in_dim3A_2348 = vector.broadcast %jit3A_2347 : i32 to vector<16xi32>
      %select_n3A_2349 = arith.select %gt3A_2346, %broadcast_in_dim3A_2348, %broadcast_in_dim3A_2341 : vector<16xi1>, vector<16xi32>
      %select_n3A_2350 = arith.select %gt3A_2346, %add3A_2345, %add3A_2339 : vector<16xi1>, vector<16xf32>
      %broadcast_in_dim3A_2351 = arith.constant 68 : i32
      %broadcast_in_dim3A_2352 = vector.broadcast %broadcast_in_dim3A_2351 : i32 to vector<16xi32>
      %gather3A_2353 = tpu.vector_load_idx %arg9[%broadcast_in_dim3A_2352, %add3A_404] : memref<112x128xf32, #tpu.memory_space<vmem>>[vector<16xi32>, vector<16xi32>], vector<16xf32>,
      %add3A_2354 = arith.addf %gather3A_431, %gather3A_2353 : vector<16xf32>
      %gt3A_2355 = arith.cmpf ogt, %add3A_2354, %select_n3A_2350 : vector<16xf32>
      %jit3A_2356 = arith.constant 2 : i32
      %broadcast_in_dim3A_2357 = vector.broadcast %jit3A_2356 : i32 to vector<16xi32>
      %select_n3A_2358 = arith.select %gt3A_2355, %broadcast_in_dim3A_2357, %select_n3A_2349 : vector<16xi1>, vector<16xi32>
      %select_n3A_2359 = arith.select %gt3A_2355, %add3A_2354, %select_n3A_2350 : vector<16xi1>, vector<16xf32>
      %broadcast_in_dim3A_2360 = arith.constant 69 : i32
      %broadcast_in_dim3A_2361 = vector.broadcast %broadcast_in_dim3A_2360 : i32 to vector<16xi32>
      %gather3A_2362 = tpu.vector_load_idx %arg9[%broadcast_in_dim3A_2361, %add3A_404] : memref<112x128xf32, #tpu.memory_space<vmem>>[vector<16xi32>, vector<16xi32>], vector<16xf32>,
      %add3A_2363 = arith.addf %gather3A_434, %gather3A_2362 : vector<16xf32>
      %gt3A_2364 = arith.cmpf ogt, %add3A_2363, %select_n3A_2359 : vector<16xf32>
      %jit3A_2365 = arith.constant 3 : i32
      %broadcast_in_dim3A_2366 = vector.broadcast %jit3A_2365 : i32 to vector<16xi32>
      %select_n3A_2367 = arith.select %gt3A_2364, %broadcast_in_dim3A_2366, %select_n3A_2358 : vector<16xi1>, vector<16xi32>
      %select_n3A_2368 = arith.select %gt3A_2364, %add3A_2363, %select_n3A_2359 : vector<16xi1>, vector<16xf32>
      %broadcast_in_dim3A_2369 = arith.constant 70 : i32
      %broadcast_in_dim3A_2370 = vector.broadcast %broadcast_in_dim3A_2369 : i32 to vector<16xi32>
      %gather3A_2371 = tpu.vector_load_idx %arg9[%broadcast_in_dim3A_2370, %add3A_404] : memref<112x128xf32, #tpu.memory_space<vmem>>[vector<16xi32>, vector<16xi32>], vector<16xf32>,
      %add3A_2372 = arith.addf %gather3A_437, %gather3A_2371 : vector<16xf32>
      %gt3A_2373 = arith.cmpf ogt, %add3A_2372, %select_n3A_2368 : vector<16xf32>
      %jit3A_2374 = arith.constant 4 : i32
      %broadcast_in_dim3A_2375 = vector.broadcast %jit3A_2374 : i32 to vector<16xi32>
      %select_n3A_2376 = arith.select %gt3A_2373, %broadcast_in_dim3A_2375, %select_n3A_2367 : vector<16xi1>, vector<16xi32>
      %select_n3A_2377 = arith.select %gt3A_2373, %add3A_2372, %select_n3A_2368 : vector<16xi1>, vector<16xf32>
      %broadcast_in_dim3A_2378 = arith.constant 71 : i32
      %broadcast_in_dim3A_2379 = vector.broadcast %broadcast_in_dim3A_2378 : i32 to vector<16xi32>
      %gather3A_2380 = tpu.vector_load_idx %arg9[%broadcast_in_dim3A_2379, %add3A_404] : memref<112x128xf32, #tpu.memory_space<vmem>>[vector<16xi32>, vector<16xi32>], vector<16xf32>,
      %add3A_2381 = arith.addf %gather3A_440, %gather3A_2380 : vector<16xf32>
      %gt3A_2382 = arith.cmpf ogt, %add3A_2381, %select_n3A_2377 : vector<16xf32>
      %jit3A_2383 = arith.constant 5 : i32
      %broadcast_in_dim3A_2384 = vector.broadcast %jit3A_2383 : i32 to vector<16xi32>
      %select_n3A_2385 = arith.select %gt3A_2382, %broadcast_in_dim3A_2384, %select_n3A_2376 : vector<16xi1>, vector<16xi32>
      %select_n3A_2386 = arith.select %gt3A_2382, %add3A_2381, %select_n3A_2377 : vector<16xi1>, vector<16xf32>
      %mul3A_2387 = arith.constant 6 : i32
      %mul3A_2388 = vector.broadcast %mul3A_2387 : i32 to vector<16xi32>
      %mul3A_2389 = arith.muli %select_n3A_2334, %mul3A_2388 : vector<16xi32>
      %add3A_2390 = arith.addi %mul3A_2389, %select_n3A_2385 : vector<16xi32>
      %add3A_2391 = arith.constant 0 : i32
      %add3A_2392 = vector.broadcast %add3A_2391 : i32 to vector<16xi32>
      %add3A_2393 = arith.addi %add3A_2390, %add3A_2392 : vector<16xi32>
      %gather3A_2394 = tpu.vector_load_idx %arg11[%add3A_2393] : memref<256xf32, #tpu.memory_space<vmem>>[vector<16xi32>], vector<16xf32>,
      %add3A_2395 = arith.addf %gather3A_443, %gather3A_2394 : vector<16xf32>
      %exp3A_2396 = math.exp %add3A_2395 : vector<16xf32>
      %add3A_2397 = arith.constant 36 : i32
      %add3A_2398 = vector.broadcast %add3A_2397 : i32 to vector<16xi32>
      %add3A_2399 = arith.addi %add3A_2390, %add3A_2398 : vector<16xi32>
      %gather3A_2400 = tpu.vector_load_idx %arg11[%add3A_2399] : memref<256xf32, #tpu.memory_space<vmem>>[vector<16xi32>], vector<16xf32>,
      %add3A_2401 = arith.addf %gather3A_446, %gather3A_2400 : vector<16xf32>
      %exp3A_2402 = math.exp %add3A_2401 : vector<16xf32>
      %add3A_2403 = arith.constant 72 : i32
      %add3A_2404 = vector.broadcast %add3A_2403 : i32 to vector<16xi32>
      %add3A_2405 = arith.addi %add3A_2390, %add3A_2404 : vector<16xi32>
      %gather3A_2406 = tpu.vector_load_idx %arg11[%add3A_2405] : memref<256xf32, #tpu.memory_space<vmem>>[vector<16xi32>], vector<16xf32>,
      %add3A_2407 = arith.addf %gather3A_449, %gather3A_2406 : vector<16xf32>
      %exp3A_2408 = math.exp %add3A_2407 : vector<16xf32>
      %add3A_2409 = arith.constant 108 : i32
      %add3A_2410 = vector.broadcast %add3A_2409 : i32 to vector<16xi32>
      %add3A_2411 = arith.addi %add3A_2390, %add3A_2410 : vector<16xi32>
      %gather3A_2412 = tpu.vector_load_idx %arg11[%add3A_2411] : memref<256xf32, #tpu.memory_space<vmem>>[vector<16xi32>], vector<16xf32>,
      %add3A_2413 = arith.addf %gather3A_452, %gather3A_2412 : vector<16xf32>
      %exp3A_2414 = math.exp %add3A_2413 : vector<16xf32>
      %add3A_2415 = arith.constant 144 : i32
      %add3A_2416 = vector.broadcast %add3A_2415 : i32 to vector<16xi32>
      %add3A_2417 = arith.addi %add3A_2390, %add3A_2416 : vector<16xi32>
      %gather3A_2418 = tpu.vector_load_idx %arg11[%add3A_2417] : memref<256xf32, #tpu.memory_space<vmem>>[vector<16xi32>], vector<16xf32>,
      %add3A_2419 = arith.addf %gather3A_455, %gather3A_2418 : vector<16xf32>
      %exp3A_2420 = math.exp %add3A_2419 : vector<16xf32>
      %add3A_2421 = arith.constant 180 : i32
      %add3A_2422 = vector.broadcast %add3A_2421 : i32 to vector<16xi32>
      %add3A_2423 = arith.addi %add3A_2390, %add3A_2422 : vector<16xi32>
      %gather3A_2424 = tpu.vector_load_idx %arg11[%add3A_2423] : memref<256xf32, #tpu.memory_space<vmem>>[vector<16xi32>], vector<16xf32>,
      %add3A_2425 = arith.addf %gather3A_458, %gather3A_2424 : vector<16xf32>
      %exp3A_2426 = math.exp %add3A_2425 : vector<16xf32>
      %add3A_2427 = arith.addf %exp3A_2396, %exp3A_2402 : vector<16xf32>
      %add3A_2428 = arith.addf %add3A_2427, %exp3A_2408 : vector<16xf32>
      %add3A_2429 = arith.addf %add3A_2428, %exp3A_2414 : vector<16xf32>
      %add3A_2430 = arith.addf %add3A_2429, %exp3A_2420 : vector<16xf32>
      %add3A_2431 = arith.addf %add3A_2430, %exp3A_2426 : vector<16xf32>
      %add3A_2432 = arith.constant 216 : i32
      %add3A_2433 = vector.broadcast %add3A_2432 : i32 to vector<16xi32>
      %add3A_2434 = arith.addi %add3A_2390, %add3A_2433 : vector<16xi32>
      %gather3A_2435 = tpu.vector_load_idx %arg11[%add3A_2434] : memref<256xf32, #tpu.memory_space<vmem>>[vector<16xi32>], vector<16xf32>,
      %div3A_2436 = arith.divf %gather3A_2435, %add3A_2431 : vector<16xf32>
      %mul3A_2437 = arith.mulf %div3A_2436, %exp3A_2396 : vector<16xf32>
      %add3A_2438 = arith.addf %add3A_2273, %mul3A_2437 : vector<16xf32>
      %mul3A_2439 = arith.mulf %div3A_2436, %exp3A_2402 : vector<16xf32>
      %add3A_2440 = arith.addf %add3A_2275, %mul3A_2439 : vector<16xf32>
      %mul3A_2441 = arith.mulf %div3A_2436, %exp3A_2408 : vector<16xf32>
      %add3A_2442 = arith.addf %add3A_2277, %mul3A_2441 : vector<16xf32>
      %mul3A_2443 = arith.mulf %div3A_2436, %exp3A_2414 : vector<16xf32>
      %add3A_2444 = arith.addf %add3A_2279, %mul3A_2443 : vector<16xf32>
      %mul3A_2445 = arith.mulf %div3A_2436, %exp3A_2420 : vector<16xf32>
      %add3A_2446 = arith.addf %add3A_2281, %mul3A_2445 : vector<16xf32>
      %mul3A_2447 = arith.mulf %div3A_2436, %exp3A_2426 : vector<16xf32>
      %add3A_2448 = arith.addf %add3A_2283, %mul3A_2447 : vector<16xf32>
      %add3A_2449 = arith.addf %add3A_2284, %gather3A_2435 : vector<16xf32>
      %broadcast_in_dim3A_2450 = arith.constant 72 : i32
      %broadcast_in_dim3A_2451 = vector.broadcast %broadcast_in_dim3A_2450 : i32 to vector<16xi32>
      %gather3A_2452 = tpu.vector_load_idx %arg8[%broadcast_in_dim3A_2451, %add3A_404] : memref<112x128xf32, #tpu.memory_space<vmem>>[vector<16xi32>, vector<16xi32>], vector<16xf32>,
      %add3A_2453 = arith.addf %gather3A_407, %gather3A_2452 : vector<16xf32>
      %broadcast_in_dim3A_2454 = arith.constant 0 : i32
      %broadcast_in_dim3A_2455 = vector.broadcast %broadcast_in_dim3A_2454 : i32 to vector<16xi32>
      %broadcast_in_dim3A_2456 = arith.constant 73 : i32
      %broadcast_in_dim3A_2457 = vector.broadcast %broadcast_in_dim3A_2456 : i32 to vector<16xi32>
      %gather3A_2458 = tpu.vector_load_idx %arg8[%broadcast_in_dim3A_2457, %add3A_404] : memref<112x128xf32, #tpu.memory_space<vmem>>[vector<16xi32>, vector<16xi32>], vector<16xf32>,
      %add3A_2459 = arith.addf %gather3A_410, %gather3A_2458 : vector<16xf32>
      %gt3A_2460 = arith.cmpf ogt, %add3A_2459, %add3A_2453 : vector<16xf32>
      %jit3A_2461 = arith.constant 1 : i32
      %broadcast_in_dim3A_2462 = vector.broadcast %jit3A_2461 : i32 to vector<16xi32>
      %select_n3A_2463 = arith.select %gt3A_2460, %broadcast_in_dim3A_2462, %broadcast_in_dim3A_2455 : vector<16xi1>, vector<16xi32>
      %select_n3A_2464 = arith.select %gt3A_2460, %add3A_2459, %add3A_2453 : vector<16xi1>, vector<16xf32>
      %broadcast_in_dim3A_2465 = arith.constant 74 : i32
      %broadcast_in_dim3A_2466 = vector.broadcast %broadcast_in_dim3A_2465 : i32 to vector<16xi32>
      %gather3A_2467 = tpu.vector_load_idx %arg8[%broadcast_in_dim3A_2466, %add3A_404] : memref<112x128xf32, #tpu.memory_space<vmem>>[vector<16xi32>, vector<16xi32>], vector<16xf32>,
      %add3A_2468 = arith.addf %gather3A_413, %gather3A_2467 : vector<16xf32>
      %gt3A_2469 = arith.cmpf ogt, %add3A_2468, %select_n3A_2464 : vector<16xf32>
      %jit3A_2470 = arith.constant 2 : i32
      %broadcast_in_dim3A_2471 = vector.broadcast %jit3A_2470 : i32 to vector<16xi32>
      %select_n3A_2472 = arith.select %gt3A_2469, %broadcast_in_dim3A_2471, %select_n3A_2463 : vector<16xi1>, vector<16xi32>
      %select_n3A_2473 = arith.select %gt3A_2469, %add3A_2468, %select_n3A_2464 : vector<16xi1>, vector<16xf32>
      %broadcast_in_dim3A_2474 = arith.constant 75 : i32
      %broadcast_in_dim3A_2475 = vector.broadcast %broadcast_in_dim3A_2474 : i32 to vector<16xi32>
      %gather3A_2476 = tpu.vector_load_idx %arg8[%broadcast_in_dim3A_2475, %add3A_404] : memref<112x128xf32, #tpu.memory_space<vmem>>[vector<16xi32>, vector<16xi32>], vector<16xf32>,
      %add3A_2477 = arith.addf %gather3A_416, %gather3A_2476 : vector<16xf32>
      %gt3A_2478 = arith.cmpf ogt, %add3A_2477, %select_n3A_2473 : vector<16xf32>
      %jit3A_2479 = arith.constant 3 : i32
      %broadcast_in_dim3A_2480 = vector.broadcast %jit3A_2479 : i32 to vector<16xi32>
      %select_n3A_2481 = arith.select %gt3A_2478, %broadcast_in_dim3A_2480, %select_n3A_2472 : vector<16xi1>, vector<16xi32>
      %select_n3A_2482 = arith.select %gt3A_2478, %add3A_2477, %select_n3A_2473 : vector<16xi1>, vector<16xf32>
      %broadcast_in_dim3A_2483 = arith.constant 76 : i32
      %broadcast_in_dim3A_2484 = vector.broadcast %broadcast_in_dim3A_2483 : i32 to vector<16xi32>
      %gather3A_2485 = tpu.vector_load_idx %arg8[%broadcast_in_dim3A_2484, %add3A_404] : memref<112x128xf32, #tpu.memory_space<vmem>>[vector<16xi32>, vector<16xi32>], vector<16xf32>,
      %add3A_2486 = arith.addf %gather3A_419, %gather3A_2485 : vector<16xf32>
      %gt3A_2487 = arith.cmpf ogt, %add3A_2486, %select_n3A_2482 : vector<16xf32>
      %jit3A_2488 = arith.constant 4 : i32
      %broadcast_in_dim3A_2489 = vector.broadcast %jit3A_2488 : i32 to vector<16xi32>
      %select_n3A_2490 = arith.select %gt3A_2487, %broadcast_in_dim3A_2489, %select_n3A_2481 : vector<16xi1>, vector<16xi32>
      %select_n3A_2491 = arith.select %gt3A_2487, %add3A_2486, %select_n3A_2482 : vector<16xi1>, vector<16xf32>
      %broadcast_in_dim3A_2492 = arith.constant 77 : i32
      %broadcast_in_dim3A_2493 = vector.broadcast %broadcast_in_dim3A_2492 : i32 to vector<16xi32>
      %gather3A_2494 = tpu.vector_load_idx %arg8[%broadcast_in_dim3A_2493, %add3A_404] : memref<112x128xf32, #tpu.memory_space<vmem>>[vector<16xi32>, vector<16xi32>], vector<16xf32>,
      %add3A_2495 = arith.addf %gather3A_422, %gather3A_2494 : vector<16xf32>
      %gt3A_2496 = arith.cmpf ogt, %add3A_2495, %select_n3A_2491 : vector<16xf32>
      %jit3A_2497 = arith.constant 5 : i32
      %broadcast_in_dim3A_2498 = vector.broadcast %jit3A_2497 : i32 to vector<16xi32>
      %select_n3A_2499 = arith.select %gt3A_2496, %broadcast_in_dim3A_2498, %select_n3A_2490 : vector<16xi1>, vector<16xi32>
      %select_n3A_2500 = arith.select %gt3A_2496, %add3A_2495, %select_n3A_2491 : vector<16xi1>, vector<16xf32>
      %broadcast_in_dim3A_2501 = arith.constant 72 : i32
      %broadcast_in_dim3A_2502 = vector.broadcast %broadcast_in_dim3A_2501 : i32 to vector<16xi32>
      %gather3A_2503 = tpu.vector_load_idx %arg9[%broadcast_in_dim3A_2502, %add3A_404] : memref<112x128xf32, #tpu.memory_space<vmem>>[vector<16xi32>, vector<16xi32>], vector<16xf32>,
      %add3A_2504 = arith.addf %gather3A_425, %gather3A_2503 : vector<16xf32>
      %broadcast_in_dim3A_2505 = arith.constant 0 : i32
      %broadcast_in_dim3A_2506 = vector.broadcast %broadcast_in_dim3A_2505 : i32 to vector<16xi32>
      %broadcast_in_dim3A_2507 = arith.constant 73 : i32
      %broadcast_in_dim3A_2508 = vector.broadcast %broadcast_in_dim3A_2507 : i32 to vector<16xi32>
      %gather3A_2509 = tpu.vector_load_idx %arg9[%broadcast_in_dim3A_2508, %add3A_404] : memref<112x128xf32, #tpu.memory_space<vmem>>[vector<16xi32>, vector<16xi32>], vector<16xf32>,
      %add3A_2510 = arith.addf %gather3A_428, %gather3A_2509 : vector<16xf32>
      %gt3A_2511 = arith.cmpf ogt, %add3A_2510, %add3A_2504 : vector<16xf32>
      %jit3A_2512 = arith.constant 1 : i32
      %broadcast_in_dim3A_2513 = vector.broadcast %jit3A_2512 : i32 to vector<16xi32>
      %select_n3A_2514 = arith.select %gt3A_2511, %broadcast_in_dim3A_2513, %broadcast_in_dim3A_2506 : vector<16xi1>, vector<16xi32>
      %select_n3A_2515 = arith.select %gt3A_2511, %add3A_2510, %add3A_2504 : vector<16xi1>, vector<16xf32>
      %broadcast_in_dim3A_2516 = arith.constant 74 : i32
      %broadcast_in_dim3A_2517 = vector.broadcast %broadcast_in_dim3A_2516 : i32 to vector<16xi32>
      %gather3A_2518 = tpu.vector_load_idx %arg9[%broadcast_in_dim3A_2517, %add3A_404] : memref<112x128xf32, #tpu.memory_space<vmem>>[vector<16xi32>, vector<16xi32>], vector<16xf32>,
      %add3A_2519 = arith.addf %gather3A_431, %gather3A_2518 : vector<16xf32>
      %gt3A_2520 = arith.cmpf ogt, %add3A_2519, %select_n3A_2515 : vector<16xf32>
      %jit3A_2521 = arith.constant 2 : i32
      %broadcast_in_dim3A_2522 = vector.broadcast %jit3A_2521 : i32 to vector<16xi32>
      %select_n3A_2523 = arith.select %gt3A_2520, %broadcast_in_dim3A_2522, %select_n3A_2514 : vector<16xi1>, vector<16xi32>
      %select_n3A_2524 = arith.select %gt3A_2520, %add3A_2519, %select_n3A_2515 : vector<16xi1>, vector<16xf32>
      %broadcast_in_dim3A_2525 = arith.constant 75 : i32
      %broadcast_in_dim3A_2526 = vector.broadcast %broadcast_in_dim3A_2525 : i32 to vector<16xi32>
      %gather3A_2527 = tpu.vector_load_idx %arg9[%broadcast_in_dim3A_2526, %add3A_404] : memref<112x128xf32, #tpu.memory_space<vmem>>[vector<16xi32>, vector<16xi32>], vector<16xf32>,
      %add3A_2528 = arith.addf %gather3A_434, %gather3A_2527 : vector<16xf32>
      %gt3A_2529 = arith.cmpf ogt, %add3A_2528, %select_n3A_2524 : vector<16xf32>
      %jit3A_2530 = arith.constant 3 : i32
      %broadcast_in_dim3A_2531 = vector.broadcast %jit3A_2530 : i32 to vector<16xi32>
      %select_n3A_2532 = arith.select %gt3A_2529, %broadcast_in_dim3A_2531, %select_n3A_2523 : vector<16xi1>, vector<16xi32>
      %select_n3A_2533 = arith.select %gt3A_2529, %add3A_2528, %select_n3A_2524 : vector<16xi1>, vector<16xf32>
      %broadcast_in_dim3A_2534 = arith.constant 76 : i32
      %broadcast_in_dim3A_2535 = vector.broadcast %broadcast_in_dim3A_2534 : i32 to vector<16xi32>
      %gather3A_2536 = tpu.vector_load_idx %arg9[%broadcast_in_dim3A_2535, %add3A_404] : memref<112x128xf32, #tpu.memory_space<vmem>>[vector<16xi32>, vector<16xi32>], vector<16xf32>,
      %add3A_2537 = arith.addf %gather3A_437, %gather3A_2536 : vector<16xf32>
      %gt3A_2538 = arith.cmpf ogt, %add3A_2537, %select_n3A_2533 : vector<16xf32>
      %jit3A_2539 = arith.constant 4 : i32
      %broadcast_in_dim3A_2540 = vector.broadcast %jit3A_2539 : i32 to vector<16xi32>
      %select_n3A_2541 = arith.select %gt3A_2538, %broadcast_in_dim3A_2540, %select_n3A_2532 : vector<16xi1>, vector<16xi32>
      %select_n3A_2542 = arith.select %gt3A_2538, %add3A_2537, %select_n3A_2533 : vector<16xi1>, vector<16xf32>
      %broadcast_in_dim3A_2543 = arith.constant 77 : i32
      %broadcast_in_dim3A_2544 = vector.broadcast %broadcast_in_dim3A_2543 : i32 to vector<16xi32>
      %gather3A_2545 = tpu.vector_load_idx %arg9[%broadcast_in_dim3A_2544, %add3A_404] : memref<112x128xf32, #tpu.memory_space<vmem>>[vector<16xi32>, vector<16xi32>], vector<16xf32>,
      %add3A_2546 = arith.addf %gather3A_440, %gather3A_2545 : vector<16xf32>
      %gt3A_2547 = arith.cmpf ogt, %add3A_2546, %select_n3A_2542 : vector<16xf32>
      %jit3A_2548 = arith.constant 5 : i32
      %broadcast_in_dim3A_2549 = vector.broadcast %jit3A_2548 : i32 to vector<16xi32>
      %select_n3A_2550 = arith.select %gt3A_2547, %broadcast_in_dim3A_2549, %select_n3A_2541 : vector<16xi1>, vector<16xi32>
      %select_n3A_2551 = arith.select %gt3A_2547, %add3A_2546, %select_n3A_2542 : vector<16xi1>, vector<16xf32>
      %mul3A_2552 = arith.constant 6 : i32
      %mul3A_2553 = vector.broadcast %mul3A_2552 : i32 to vector<16xi32>
      %mul3A_2554 = arith.muli %select_n3A_2499, %mul3A_2553 : vector<16xi32>
      %add3A_2555 = arith.addi %mul3A_2554, %select_n3A_2550 : vector<16xi32>
      %add3A_2556 = arith.constant 0 : i32
      %add3A_2557 = vector.broadcast %add3A_2556 : i32 to vector<16xi32>
      %add3A_2558 = arith.addi %add3A_2555, %add3A_2557 : vector<16xi32>
      %gather3A_2559 = tpu.vector_load_idx %arg11[%add3A_2558] : memref<256xf32, #tpu.memory_space<vmem>>[vector<16xi32>], vector<16xf32>,
      %add3A_2560 = arith.addf %gather3A_443, %gather3A_2559 : vector<16xf32>
      %exp3A_2561 = math.exp %add3A_2560 : vector<16xf32>
      %add3A_2562 = arith.constant 36 : i32
      %add3A_2563 = vector.broadcast %add3A_2562 : i32 to vector<16xi32>
      %add3A_2564 = arith.addi %add3A_2555, %add3A_2563 : vector<16xi32>
      %gather3A_2565 = tpu.vector_load_idx %arg11[%add3A_2564] : memref<256xf32, #tpu.memory_space<vmem>>[vector<16xi32>], vector<16xf32>,
      %add3A_2566 = arith.addf %gather3A_446, %gather3A_2565 : vector<16xf32>
      %exp3A_2567 = math.exp %add3A_2566 : vector<16xf32>
      %add3A_2568 = arith.constant 72 : i32
      %add3A_2569 = vector.broadcast %add3A_2568 : i32 to vector<16xi32>
      %add3A_2570 = arith.addi %add3A_2555, %add3A_2569 : vector<16xi32>
      %gather3A_2571 = tpu.vector_load_idx %arg11[%add3A_2570] : memref<256xf32, #tpu.memory_space<vmem>>[vector<16xi32>], vector<16xf32>,
      %add3A_2572 = arith.addf %gather3A_449, %gather3A_2571 : vector<16xf32>
      %exp3A_2573 = math.exp %add3A_2572 : vector<16xf32>
      %add3A_2574 = arith.constant 108 : i32
      %add3A_2575 = vector.broadcast %add3A_2574 : i32 to vector<16xi32>
      %add3A_2576 = arith.addi %add3A_2555, %add3A_2575 : vector<16xi32>
      %gather3A_2577 = tpu.vector_load_idx %arg11[%add3A_2576] : memref<256xf32, #tpu.memory_space<vmem>>[vector<16xi32>], vector<16xf32>,
      %add3A_2578 = arith.addf %gather3A_452, %gather3A_2577 : vector<16xf32>
      %exp3A_2579 = math.exp %add3A_2578 : vector<16xf32>
      %add3A_2580 = arith.constant 144 : i32
      %add3A_2581 = vector.broadcast %add3A_2580 : i32 to vector<16xi32>
      %add3A_2582 = arith.addi %add3A_2555, %add3A_2581 : vector<16xi32>
      %gather3A_2583 = tpu.vector_load_idx %arg11[%add3A_2582] : memref<256xf32, #tpu.memory_space<vmem>>[vector<16xi32>], vector<16xf32>,
      %add3A_2584 = arith.addf %gather3A_455, %gather3A_2583 : vector<16xf32>
      %exp3A_2585 = math.exp %add3A_2584 : vector<16xf32>
      %add3A_2586 = arith.constant 180 : i32
      %add3A_2587 = vector.broadcast %add3A_2586 : i32 to vector<16xi32>
      %add3A_2588 = arith.addi %add3A_2555, %add3A_2587 : vector<16xi32>
      %gather3A_2589 = tpu.vector_load_idx %arg11[%add3A_2588] : memref<256xf32, #tpu.memory_space<vmem>>[vector<16xi32>], vector<16xf32>,
      %add3A_2590 = arith.addf %gather3A_458, %gather3A_2589 : vector<16xf32>
      %exp3A_2591 = math.exp %add3A_2590 : vector<16xf32>
      %add3A_2592 = arith.addf %exp3A_2561, %exp3A_2567 : vector<16xf32>
      %add3A_2593 = arith.addf %add3A_2592, %exp3A_2573 : vector<16xf32>
      %add3A_2594 = arith.addf %add3A_2593, %exp3A_2579 : vector<16xf32>
      %add3A_2595 = arith.addf %add3A_2594, %exp3A_2585 : vector<16xf32>
      %add3A_2596 = arith.addf %add3A_2595, %exp3A_2591 : vector<16xf32>
      %add3A_2597 = arith.constant 216 : i32
      %add3A_2598 = vector.broadcast %add3A_2597 : i32 to vector<16xi32>
      %add3A_2599 = arith.addi %add3A_2555, %add3A_2598 : vector<16xi32>
      %gather3A_2600 = tpu.vector_load_idx %arg11[%add3A_2599] : memref<256xf32, #tpu.memory_space<vmem>>[vector<16xi32>], vector<16xf32>,
      %div3A_2601 = arith.divf %gather3A_2600, %add3A_2596 : vector<16xf32>
      %mul3A_2602 = arith.mulf %div3A_2601, %exp3A_2561 : vector<16xf32>
      %add3A_2603 = arith.addf %add3A_2438, %mul3A_2602 : vector<16xf32>
      %mul3A_2604 = arith.mulf %div3A_2601, %exp3A_2567 : vector<16xf32>
      %add3A_2605 = arith.addf %add3A_2440, %mul3A_2604 : vector<16xf32>
      %mul3A_2606 = arith.mulf %div3A_2601, %exp3A_2573 : vector<16xf32>
      %add3A_2607 = arith.addf %add3A_2442, %mul3A_2606 : vector<16xf32>
      %mul3A_2608 = arith.mulf %div3A_2601, %exp3A_2579 : vector<16xf32>
      %add3A_2609 = arith.addf %add3A_2444, %mul3A_2608 : vector<16xf32>
      %mul3A_2610 = arith.mulf %div3A_2601, %exp3A_2585 : vector<16xf32>
      %add3A_2611 = arith.addf %add3A_2446, %mul3A_2610 : vector<16xf32>
      %mul3A_2612 = arith.mulf %div3A_2601, %exp3A_2591 : vector<16xf32>
      %add3A_2613 = arith.addf %add3A_2448, %mul3A_2612 : vector<16xf32>
      %add3A_2614 = arith.addf %add3A_2449, %gather3A_2600 : vector<16xf32>
      %broadcast_in_dim3A_2615 = arith.constant 78 : i32
      %broadcast_in_dim3A_2616 = vector.broadcast %broadcast_in_dim3A_2615 : i32 to vector<16xi32>
      %gather3A_2617 = tpu.vector_load_idx %arg8[%broadcast_in_dim3A_2616, %add3A_404] : memref<112x128xf32, #tpu.memory_space<vmem>>[vector<16xi32>, vector<16xi32>], vector<16xf32>,
      %add3A_2618 = arith.addf %gather3A_407, %gather3A_2617 : vector<16xf32>
      %broadcast_in_dim3A_2619 = arith.constant 0 : i32
      %broadcast_in_dim3A_2620 = vector.broadcast %broadcast_in_dim3A_2619 : i32 to vector<16xi32>
      %broadcast_in_dim3A_2621 = arith.constant 79 : i32
      %broadcast_in_dim3A_2622 = vector.broadcast %broadcast_in_dim3A_2621 : i32 to vector<16xi32>
      %gather3A_2623 = tpu.vector_load_idx %arg8[%broadcast_in_dim3A_2622, %add3A_404] : memref<112x128xf32, #tpu.memory_space<vmem>>[vector<16xi32>, vector<16xi32>], vector<16xf32>,
      %add3A_2624 = arith.addf %gather3A_410, %gather3A_2623 : vector<16xf32>
      %gt3A_2625 = arith.cmpf ogt, %add3A_2624, %add3A_2618 : vector<16xf32>
      %jit3A_2626 = arith.constant 1 : i32
      %broadcast_in_dim3A_2627 = vector.broadcast %jit3A_2626 : i32 to vector<16xi32>
      %select_n3A_2628 = arith.select %gt3A_2625, %broadcast_in_dim3A_2627, %broadcast_in_dim3A_2620 : vector<16xi1>, vector<16xi32>
      %select_n3A_2629 = arith.select %gt3A_2625, %add3A_2624, %add3A_2618 : vector<16xi1>, vector<16xf32>
      %broadcast_in_dim3A_2630 = arith.constant 80 : i32
      %broadcast_in_dim3A_2631 = vector.broadcast %broadcast_in_dim3A_2630 : i32 to vector<16xi32>
      %gather3A_2632 = tpu.vector_load_idx %arg8[%broadcast_in_dim3A_2631, %add3A_404] : memref<112x128xf32, #tpu.memory_space<vmem>>[vector<16xi32>, vector<16xi32>], vector<16xf32>,
      %add3A_2633 = arith.addf %gather3A_413, %gather3A_2632 : vector<16xf32>
      %gt3A_2634 = arith.cmpf ogt, %add3A_2633, %select_n3A_2629 : vector<16xf32>
      %jit3A_2635 = arith.constant 2 : i32
      %broadcast_in_dim3A_2636 = vector.broadcast %jit3A_2635 : i32 to vector<16xi32>
      %select_n3A_2637 = arith.select %gt3A_2634, %broadcast_in_dim3A_2636, %select_n3A_2628 : vector<16xi1>, vector<16xi32>
      %select_n3A_2638 = arith.select %gt3A_2634, %add3A_2633, %select_n3A_2629 : vector<16xi1>, vector<16xf32>
      %broadcast_in_dim3A_2639 = arith.constant 81 : i32
      %broadcast_in_dim3A_2640 = vector.broadcast %broadcast_in_dim3A_2639 : i32 to vector<16xi32>
      %gather3A_2641 = tpu.vector_load_idx %arg8[%broadcast_in_dim3A_2640, %add3A_404] : memref<112x128xf32, #tpu.memory_space<vmem>>[vector<16xi32>, vector<16xi32>], vector<16xf32>,
      %add3A_2642 = arith.addf %gather3A_416, %gather3A_2641 : vector<16xf32>
      %gt3A_2643 = arith.cmpf ogt, %add3A_2642, %select_n3A_2638 : vector<16xf32>
      %jit3A_2644 = arith.constant 3 : i32
      %broadcast_in_dim3A_2645 = vector.broadcast %jit3A_2644 : i32 to vector<16xi32>
      %select_n3A_2646 = arith.select %gt3A_2643, %broadcast_in_dim3A_2645, %select_n3A_2637 : vector<16xi1>, vector<16xi32>
      %select_n3A_2647 = arith.select %gt3A_2643, %add3A_2642, %select_n3A_2638 : vector<16xi1>, vector<16xf32>
      %broadcast_in_dim3A_2648 = arith.constant 82 : i32
      %broadcast_in_dim3A_2649 = vector.broadcast %broadcast_in_dim3A_2648 : i32 to vector<16xi32>
      %gather3A_2650 = tpu.vector_load_idx %arg8[%broadcast_in_dim3A_2649, %add3A_404] : memref<112x128xf32, #tpu.memory_space<vmem>>[vector<16xi32>, vector<16xi32>], vector<16xf32>,
      %add3A_2651 = arith.addf %gather3A_419, %gather3A_2650 : vector<16xf32>
      %gt3A_2652 = arith.cmpf ogt, %add3A_2651, %select_n3A_2647 : vector<16xf32>
      %jit3A_2653 = arith.constant 4 : i32
      %broadcast_in_dim3A_2654 = vector.broadcast %jit3A_2653 : i32 to vector<16xi32>
      %select_n3A_2655 = arith.select %gt3A_2652, %broadcast_in_dim3A_2654, %select_n3A_2646 : vector<16xi1>, vector<16xi32>
      %select_n3A_2656 = arith.select %gt3A_2652, %add3A_2651, %select_n3A_2647 : vector<16xi1>, vector<16xf32>
      %broadcast_in_dim3A_2657 = arith.constant 83 : i32
      %broadcast_in_dim3A_2658 = vector.broadcast %broadcast_in_dim3A_2657 : i32 to vector<16xi32>
      %gather3A_2659 = tpu.vector_load_idx %arg8[%broadcast_in_dim3A_2658, %add3A_404] : memref<112x128xf32, #tpu.memory_space<vmem>>[vector<16xi32>, vector<16xi32>], vector<16xf32>,
      %add3A_2660 = arith.addf %gather3A_422, %gather3A_2659 : vector<16xf32>
      %gt3A_2661 = arith.cmpf ogt, %add3A_2660, %select_n3A_2656 : vector<16xf32>
      %jit3A_2662 = arith.constant 5 : i32
      %broadcast_in_dim3A_2663 = vector.broadcast %jit3A_2662 : i32 to vector<16xi32>
      %select_n3A_2664 = arith.select %gt3A_2661, %broadcast_in_dim3A_2663, %select_n3A_2655 : vector<16xi1>, vector<16xi32>
      %select_n3A_2665 = arith.select %gt3A_2661, %add3A_2660, %select_n3A_2656 : vector<16xi1>, vector<16xf32>
      %broadcast_in_dim3A_2666 = arith.constant 78 : i32
      %broadcast_in_dim3A_2667 = vector.broadcast %broadcast_in_dim3A_2666 : i32 to vector<16xi32>
      %gather3A_2668 = tpu.vector_load_idx %arg9[%broadcast_in_dim3A_2667, %add3A_404] : memref<112x128xf32, #tpu.memory_space<vmem>>[vector<16xi32>, vector<16xi32>], vector<16xf32>,
      %add3A_2669 = arith.addf %gather3A_425, %gather3A_2668 : vector<16xf32>
      %broadcast_in_dim3A_2670 = arith.constant 0 : i32
      %broadcast_in_dim3A_2671 = vector.broadcast %broadcast_in_dim3A_2670 : i32 to vector<16xi32>
      %broadcast_in_dim3A_2672 = arith.constant 79 : i32
      %broadcast_in_dim3A_2673 = vector.broadcast %broadcast_in_dim3A_2672 : i32 to vector<16xi32>
      %gather3A_2674 = tpu.vector_load_idx %arg9[%broadcast_in_dim3A_2673, %add3A_404] : memref<112x128xf32, #tpu.memory_space<vmem>>[vector<16xi32>, vector<16xi32>], vector<16xf32>,
      %add3A_2675 = arith.addf %gather3A_428, %gather3A_2674 : vector<16xf32>
      %gt3A_2676 = arith.cmpf ogt, %add3A_2675, %add3A_2669 : vector<16xf32>
      %jit3A_2677 = arith.constant 1 : i32
      %broadcast_in_dim3A_2678 = vector.broadcast %jit3A_2677 : i32 to vector<16xi32>
      %select_n3A_2679 = arith.select %gt3A_2676, %broadcast_in_dim3A_2678, %broadcast_in_dim3A_2671 : vector<16xi1>, vector<16xi32>
      %select_n3A_2680 = arith.select %gt3A_2676, %add3A_2675, %add3A_2669 : vector<16xi1>, vector<16xf32>
      %broadcast_in_dim3A_2681 = arith.constant 80 : i32
      %broadcast_in_dim3A_2682 = vector.broadcast %broadcast_in_dim3A_2681 : i32 to vector<16xi32>
      %gather3A_2683 = tpu.vector_load_idx %arg9[%broadcast_in_dim3A_2682, %add3A_404] : memref<112x128xf32, #tpu.memory_space<vmem>>[vector<16xi32>, vector<16xi32>], vector<16xf32>,
      %add3A_2684 = arith.addf %gather3A_431, %gather3A_2683 : vector<16xf32>
      %gt3A_2685 = arith.cmpf ogt, %add3A_2684, %select_n3A_2680 : vector<16xf32>
      %jit3A_2686 = arith.constant 2 : i32
      %broadcast_in_dim3A_2687 = vector.broadcast %jit3A_2686 : i32 to vector<16xi32>
      %select_n3A_2688 = arith.select %gt3A_2685, %broadcast_in_dim3A_2687, %select_n3A_2679 : vector<16xi1>, vector<16xi32>
      %select_n3A_2689 = arith.select %gt3A_2685, %add3A_2684, %select_n3A_2680 : vector<16xi1>, vector<16xf32>
      %broadcast_in_dim3A_2690 = arith.constant 81 : i32
      %broadcast_in_dim3A_2691 = vector.broadcast %broadcast_in_dim3A_2690 : i32 to vector<16xi32>
      %gather3A_2692 = tpu.vector_load_idx %arg9[%broadcast_in_dim3A_2691, %add3A_404] : memref<112x128xf32, #tpu.memory_space<vmem>>[vector<16xi32>, vector<16xi32>], vector<16xf32>,
      %add3A_2693 = arith.addf %gather3A_434, %gather3A_2692 : vector<16xf32>
      %gt3A_2694 = arith.cmpf ogt, %add3A_2693, %select_n3A_2689 : vector<16xf32>
      %jit3A_2695 = arith.constant 3 : i32
      %broadcast_in_dim3A_2696 = vector.broadcast %jit3A_2695 : i32 to vector<16xi32>
      %select_n3A_2697 = arith.select %gt3A_2694, %broadcast_in_dim3A_2696, %select_n3A_2688 : vector<16xi1>, vector<16xi32>
      %select_n3A_2698 = arith.select %gt3A_2694, %add3A_2693, %select_n3A_2689 : vector<16xi1>, vector<16xf32>
      %broadcast_in_dim3A_2699 = arith.constant 82 : i32
      %broadcast_in_dim3A_2700 = vector.broadcast %broadcast_in_dim3A_2699 : i32 to vector<16xi32>
      %gather3A_2701 = tpu.vector_load_idx %arg9[%broadcast_in_dim3A_2700, %add3A_404] : memref<112x128xf32, #tpu.memory_space<vmem>>[vector<16xi32>, vector<16xi32>], vector<16xf32>,
      %add3A_2702 = arith.addf %gather3A_437, %gather3A_2701 : vector<16xf32>
      %gt3A_2703 = arith.cmpf ogt, %add3A_2702, %select_n3A_2698 : vector<16xf32>
      %jit3A_2704 = arith.constant 4 : i32
      %broadcast_in_dim3A_2705 = vector.broadcast %jit3A_2704 : i32 to vector<16xi32>
      %select_n3A_2706 = arith.select %gt3A_2703, %broadcast_in_dim3A_2705, %select_n3A_2697 : vector<16xi1>, vector<16xi32>
      %select_n3A_2707 = arith.select %gt3A_2703, %add3A_2702, %select_n3A_2698 : vector<16xi1>, vector<16xf32>
      %broadcast_in_dim3A_2708 = arith.constant 83 : i32
      %broadcast_in_dim3A_2709 = vector.broadcast %broadcast_in_dim3A_2708 : i32 to vector<16xi32>
      %gather3A_2710 = tpu.vector_load_idx %arg9[%broadcast_in_dim3A_2709, %add3A_404] : memref<112x128xf32, #tpu.memory_space<vmem>>[vector<16xi32>, vector<16xi32>], vector<16xf32>,
      %add3A_2711 = arith.addf %gather3A_440, %gather3A_2710 : vector<16xf32>
      %gt3A_2712 = arith.cmpf ogt, %add3A_2711, %select_n3A_2707 : vector<16xf32>
      %jit3A_2713 = arith.constant 5 : i32
      %broadcast_in_dim3A_2714 = vector.broadcast %jit3A_2713 : i32 to vector<16xi32>
      %select_n3A_2715 = arith.select %gt3A_2712, %broadcast_in_dim3A_2714, %select_n3A_2706 : vector<16xi1>, vector<16xi32>
      %select_n3A_2716 = arith.select %gt3A_2712, %add3A_2711, %select_n3A_2707 : vector<16xi1>, vector<16xf32>
      %mul3A_2717 = arith.constant 6 : i32
      %mul3A_2718 = vector.broadcast %mul3A_2717 : i32 to vector<16xi32>
      %mul3A_2719 = arith.muli %select_n3A_2664, %mul3A_2718 : vector<16xi32>
      %add3A_2720 = arith.addi %mul3A_2719, %select_n3A_2715 : vector<16xi32>
      %add3A_2721 = arith.constant 0 : i32
      %add3A_2722 = vector.broadcast %add3A_2721 : i32 to vector<16xi32>
      %add3A_2723 = arith.addi %add3A_2720, %add3A_2722 : vector<16xi32>
      %gather3A_2724 = tpu.vector_load_idx %arg11[%add3A_2723] : memref<256xf32, #tpu.memory_space<vmem>>[vector<16xi32>], vector<16xf32>,
      %add3A_2725 = arith.addf %gather3A_443, %gather3A_2724 : vector<16xf32>
      %exp3A_2726 = math.exp %add3A_2725 : vector<16xf32>
      %add3A_2727 = arith.constant 36 : i32
      %add3A_2728 = vector.broadcast %add3A_2727 : i32 to vector<16xi32>
      %add3A_2729 = arith.addi %add3A_2720, %add3A_2728 : vector<16xi32>
      %gather3A_2730 = tpu.vector_load_idx %arg11[%add3A_2729] : memref<256xf32, #tpu.memory_space<vmem>>[vector<16xi32>], vector<16xf32>,
      %add3A_2731 = arith.addf %gather3A_446, %gather3A_2730 : vector<16xf32>
      %exp3A_2732 = math.exp %add3A_2731 : vector<16xf32>
      %add3A_2733 = arith.constant 72 : i32
      %add3A_2734 = vector.broadcast %add3A_2733 : i32 to vector<16xi32>
      %add3A_2735 = arith.addi %add3A_2720, %add3A_2734 : vector<16xi32>
      %gather3A_2736 = tpu.vector_load_idx %arg11[%add3A_2735] : memref<256xf32, #tpu.memory_space<vmem>>[vector<16xi32>], vector<16xf32>,
      %add3A_2737 = arith.addf %gather3A_449, %gather3A_2736 : vector<16xf32>
      %exp3A_2738 = math.exp %add3A_2737 : vector<16xf32>
      %add3A_2739 = arith.constant 108 : i32
      %add3A_2740 = vector.broadcast %add3A_2739 : i32 to vector<16xi32>
      %add3A_2741 = arith.addi %add3A_2720, %add3A_2740 : vector<16xi32>
      %gather3A_2742 = tpu.vector_load_idx %arg11[%add3A_2741] : memref<256xf32, #tpu.memory_space<vmem>>[vector<16xi32>], vector<16xf32>,
      %add3A_2743 = arith.addf %gather3A_452, %gather3A_2742 : vector<16xf32>
      %exp3A_2744 = math.exp %add3A_2743 : vector<16xf32>
      %add3A_2745 = arith.constant 144 : i32
      %add3A_2746 = vector.broadcast %add3A_2745 : i32 to vector<16xi32>
      %add3A_2747 = arith.addi %add3A_2720, %add3A_2746 : vector<16xi32>
      %gather3A_2748 = tpu.vector_load_idx %arg11[%add3A_2747] : memref<256xf32, #tpu.memory_space<vmem>>[vector<16xi32>], vector<16xf32>,
      %add3A_2749 = arith.addf %gather3A_455, %gather3A_2748 : vector<16xf32>
      %exp3A_2750 = math.exp %add3A_2749 : vector<16xf32>
      %add3A_2751 = arith.constant 180 : i32
      %add3A_2752 = vector.broadcast %add3A_2751 : i32 to vector<16xi32>
      %add3A_2753 = arith.addi %add3A_2720, %add3A_2752 : vector<16xi32>
      %gather3A_2754 = tpu.vector_load_idx %arg11[%add3A_2753] : memref<256xf32, #tpu.memory_space<vmem>>[vector<16xi32>], vector<16xf32>,
      %add3A_2755 = arith.addf %gather3A_458, %gather3A_2754 : vector<16xf32>
      %exp3A_2756 = math.exp %add3A_2755 : vector<16xf32>
      %add3A_2757 = arith.addf %exp3A_2726, %exp3A_2732 : vector<16xf32>
      %add3A_2758 = arith.addf %add3A_2757, %exp3A_2738 : vector<16xf32>
      %add3A_2759 = arith.addf %add3A_2758, %exp3A_2744 : vector<16xf32>
      %add3A_2760 = arith.addf %add3A_2759, %exp3A_2750 : vector<16xf32>
      %add3A_2761 = arith.addf %add3A_2760, %exp3A_2756 : vector<16xf32>
      %add3A_2762 = arith.constant 216 : i32
      %add3A_2763 = vector.broadcast %add3A_2762 : i32 to vector<16xi32>
      %add3A_2764 = arith.addi %add3A_2720, %add3A_2763 : vector<16xi32>
      %gather3A_2765 = tpu.vector_load_idx %arg11[%add3A_2764] : memref<256xf32, #tpu.memory_space<vmem>>[vector<16xi32>], vector<16xf32>,
      %div3A_2766 = arith.divf %gather3A_2765, %add3A_2761 : vector<16xf32>
      %mul3A_2767 = arith.mulf %div3A_2766, %exp3A_2726 : vector<16xf32>
      %add3A_2768 = arith.addf %add3A_2603, %mul3A_2767 : vector<16xf32>
      %mul3A_2769 = arith.mulf %div3A_2766, %exp3A_2732 : vector<16xf32>
      %add3A_2770 = arith.addf %add3A_2605, %mul3A_2769 : vector<16xf32>
      %mul3A_2771 = arith.mulf %div3A_2766, %exp3A_2738 : vector<16xf32>
      %add3A_2772 = arith.addf %add3A_2607, %mul3A_2771 : vector<16xf32>
      %mul3A_2773 = arith.mulf %div3A_2766, %exp3A_2744 : vector<16xf32>
      %add3A_2774 = arith.addf %add3A_2609, %mul3A_2773 : vector<16xf32>
      %mul3A_2775 = arith.mulf %div3A_2766, %exp3A_2750 : vector<16xf32>
      %add3A_2776 = arith.addf %add3A_2611, %mul3A_2775 : vector<16xf32>
      %mul3A_2777 = arith.mulf %div3A_2766, %exp3A_2756 : vector<16xf32>
      %add3A_2778 = arith.addf %add3A_2613, %mul3A_2777 : vector<16xf32>
      %add3A_2779 = arith.addf %add3A_2614, %gather3A_2765 : vector<16xf32>
      %broadcast_in_dim3A_2780 = arith.constant 84 : i32
      %broadcast_in_dim3A_2781 = vector.broadcast %broadcast_in_dim3A_2780 : i32 to vector<16xi32>
      %gather3A_2782 = tpu.vector_load_idx %arg8[%broadcast_in_dim3A_2781, %add3A_404] : memref<112x128xf32, #tpu.memory_space<vmem>>[vector<16xi32>, vector<16xi32>], vector<16xf32>,
      %add3A_2783 = arith.addf %gather3A_407, %gather3A_2782 : vector<16xf32>
      %broadcast_in_dim3A_2784 = arith.constant 0 : i32
      %broadcast_in_dim3A_2785 = vector.broadcast %broadcast_in_dim3A_2784 : i32 to vector<16xi32>
      %broadcast_in_dim3A_2786 = arith.constant 85 : i32
      %broadcast_in_dim3A_2787 = vector.broadcast %broadcast_in_dim3A_2786 : i32 to vector<16xi32>
      %gather3A_2788 = tpu.vector_load_idx %arg8[%broadcast_in_dim3A_2787, %add3A_404] : memref<112x128xf32, #tpu.memory_space<vmem>>[vector<16xi32>, vector<16xi32>], vector<16xf32>,
      %add3A_2789 = arith.addf %gather3A_410, %gather3A_2788 : vector<16xf32>
      %gt3A_2790 = arith.cmpf ogt, %add3A_2789, %add3A_2783 : vector<16xf32>
      %jit3A_2791 = arith.constant 1 : i32
      %broadcast_in_dim3A_2792 = vector.broadcast %jit3A_2791 : i32 to vector<16xi32>
      %select_n3A_2793 = arith.select %gt3A_2790, %broadcast_in_dim3A_2792, %broadcast_in_dim3A_2785 : vector<16xi1>, vector<16xi32>
      %select_n3A_2794 = arith.select %gt3A_2790, %add3A_2789, %add3A_2783 : vector<16xi1>, vector<16xf32>
      %broadcast_in_dim3A_2795 = arith.constant 86 : i32
      %broadcast_in_dim3A_2796 = vector.broadcast %broadcast_in_dim3A_2795 : i32 to vector<16xi32>
      %gather3A_2797 = tpu.vector_load_idx %arg8[%broadcast_in_dim3A_2796, %add3A_404] : memref<112x128xf32, #tpu.memory_space<vmem>>[vector<16xi32>, vector<16xi32>], vector<16xf32>,
      %add3A_2798 = arith.addf %gather3A_413, %gather3A_2797 : vector<16xf32>
      %gt3A_2799 = arith.cmpf ogt, %add3A_2798, %select_n3A_2794 : vector<16xf32>
      %jit3A_2800 = arith.constant 2 : i32
      %broadcast_in_dim3A_2801 = vector.broadcast %jit3A_2800 : i32 to vector<16xi32>
      %select_n3A_2802 = arith.select %gt3A_2799, %broadcast_in_dim3A_2801, %select_n3A_2793 : vector<16xi1>, vector<16xi32>
      %select_n3A_2803 = arith.select %gt3A_2799, %add3A_2798, %select_n3A_2794 : vector<16xi1>, vector<16xf32>
      %broadcast_in_dim3A_2804 = arith.constant 87 : i32
      %broadcast_in_dim3A_2805 = vector.broadcast %broadcast_in_dim3A_2804 : i32 to vector<16xi32>
      %gather3A_2806 = tpu.vector_load_idx %arg8[%broadcast_in_dim3A_2805, %add3A_404] : memref<112x128xf32, #tpu.memory_space<vmem>>[vector<16xi32>, vector<16xi32>], vector<16xf32>,
      %add3A_2807 = arith.addf %gather3A_416, %gather3A_2806 : vector<16xf32>
      %gt3A_2808 = arith.cmpf ogt, %add3A_2807, %select_n3A_2803 : vector<16xf32>
      %jit3A_2809 = arith.constant 3 : i32
      %broadcast_in_dim3A_2810 = vector.broadcast %jit3A_2809 : i32 to vector<16xi32>
      %select_n3A_2811 = arith.select %gt3A_2808, %broadcast_in_dim3A_2810, %select_n3A_2802 : vector<16xi1>, vector<16xi32>
      %select_n3A_2812 = arith.select %gt3A_2808, %add3A_2807, %select_n3A_2803 : vector<16xi1>, vector<16xf32>
      %broadcast_in_dim3A_2813 = arith.constant 88 : i32
      %broadcast_in_dim3A_2814 = vector.broadcast %broadcast_in_dim3A_2813 : i32 to vector<16xi32>
      %gather3A_2815 = tpu.vector_load_idx %arg8[%broadcast_in_dim3A_2814, %add3A_404] : memref<112x128xf32, #tpu.memory_space<vmem>>[vector<16xi32>, vector<16xi32>], vector<16xf32>,
      %add3A_2816 = arith.addf %gather3A_419, %gather3A_2815 : vector<16xf32>
      %gt3A_2817 = arith.cmpf ogt, %add3A_2816, %select_n3A_2812 : vector<16xf32>
      %jit3A_2818 = arith.constant 4 : i32
      %broadcast_in_dim3A_2819 = vector.broadcast %jit3A_2818 : i32 to vector<16xi32>
      %select_n3A_2820 = arith.select %gt3A_2817, %broadcast_in_dim3A_2819, %select_n3A_2811 : vector<16xi1>, vector<16xi32>
      %select_n3A_2821 = arith.select %gt3A_2817, %add3A_2816, %select_n3A_2812 : vector<16xi1>, vector<16xf32>
      %broadcast_in_dim3A_2822 = arith.constant 89 : i32
      %broadcast_in_dim3A_2823 = vector.broadcast %broadcast_in_dim3A_2822 : i32 to vector<16xi32>
      %gather3A_2824 = tpu.vector_load_idx %arg8[%broadcast_in_dim3A_2823, %add3A_404] : memref<112x128xf32, #tpu.memory_space<vmem>>[vector<16xi32>, vector<16xi32>], vector<16xf32>,
      %add3A_2825 = arith.addf %gather3A_422, %gather3A_2824 : vector<16xf32>
      %gt3A_2826 = arith.cmpf ogt, %add3A_2825, %select_n3A_2821 : vector<16xf32>
      %jit3A_2827 = arith.constant 5 : i32
      %broadcast_in_dim3A_2828 = vector.broadcast %jit3A_2827 : i32 to vector<16xi32>
      %select_n3A_2829 = arith.select %gt3A_2826, %broadcast_in_dim3A_2828, %select_n3A_2820 : vector<16xi1>, vector<16xi32>
      %select_n3A_2830 = arith.select %gt3A_2826, %add3A_2825, %select_n3A_2821 : vector<16xi1>, vector<16xf32>
      %broadcast_in_dim3A_2831 = arith.constant 84 : i32
      %broadcast_in_dim3A_2832 = vector.broadcast %broadcast_in_dim3A_2831 : i32 to vector<16xi32>
      %gather3A_2833 = tpu.vector_load_idx %arg9[%broadcast_in_dim3A_2832, %add3A_404] : memref<112x128xf32, #tpu.memory_space<vmem>>[vector<16xi32>, vector<16xi32>], vector<16xf32>,
      %add3A_2834 = arith.addf %gather3A_425, %gather3A_2833 : vector<16xf32>
      %broadcast_in_dim3A_2835 = arith.constant 0 : i32
      %broadcast_in_dim3A_2836 = vector.broadcast %broadcast_in_dim3A_2835 : i32 to vector<16xi32>
      %broadcast_in_dim3A_2837 = arith.constant 85 : i32
      %broadcast_in_dim3A_2838 = vector.broadcast %broadcast_in_dim3A_2837 : i32 to vector<16xi32>
      %gather3A_2839 = tpu.vector_load_idx %arg9[%broadcast_in_dim3A_2838, %add3A_404] : memref<112x128xf32, #tpu.memory_space<vmem>>[vector<16xi32>, vector<16xi32>], vector<16xf32>,
      %add3A_2840 = arith.addf %gather3A_428, %gather3A_2839 : vector<16xf32>
      %gt3A_2841 = arith.cmpf ogt, %add3A_2840, %add3A_2834 : vector<16xf32>
      %jit3A_2842 = arith.constant 1 : i32
      %broadcast_in_dim3A_2843 = vector.broadcast %jit3A_2842 : i32 to vector<16xi32>
      %select_n3A_2844 = arith.select %gt3A_2841, %broadcast_in_dim3A_2843, %broadcast_in_dim3A_2836 : vector<16xi1>, vector<16xi32>
      %select_n3A_2845 = arith.select %gt3A_2841, %add3A_2840, %add3A_2834 : vector<16xi1>, vector<16xf32>
      %broadcast_in_dim3A_2846 = arith.constant 86 : i32
      %broadcast_in_dim3A_2847 = vector.broadcast %broadcast_in_dim3A_2846 : i32 to vector<16xi32>
      %gather3A_2848 = tpu.vector_load_idx %arg9[%broadcast_in_dim3A_2847, %add3A_404] : memref<112x128xf32, #tpu.memory_space<vmem>>[vector<16xi32>, vector<16xi32>], vector<16xf32>,
      %add3A_2849 = arith.addf %gather3A_431, %gather3A_2848 : vector<16xf32>
      %gt3A_2850 = arith.cmpf ogt, %add3A_2849, %select_n3A_2845 : vector<16xf32>
      %jit3A_2851 = arith.constant 2 : i32
      %broadcast_in_dim3A_2852 = vector.broadcast %jit3A_2851 : i32 to vector<16xi32>
      %select_n3A_2853 = arith.select %gt3A_2850, %broadcast_in_dim3A_2852, %select_n3A_2844 : vector<16xi1>, vector<16xi32>
      %select_n3A_2854 = arith.select %gt3A_2850, %add3A_2849, %select_n3A_2845 : vector<16xi1>, vector<16xf32>
      %broadcast_in_dim3A_2855 = arith.constant 87 : i32
      %broadcast_in_dim3A_2856 = vector.broadcast %broadcast_in_dim3A_2855 : i32 to vector<16xi32>
      %gather3A_2857 = tpu.vector_load_idx %arg9[%broadcast_in_dim3A_2856, %add3A_404] : memref<112x128xf32, #tpu.memory_space<vmem>>[vector<16xi32>, vector<16xi32>], vector<16xf32>,
      %add3A_2858 = arith.addf %gather3A_434, %gather3A_2857 : vector<16xf32>
      %gt3A_2859 = arith.cmpf ogt, %add3A_2858, %select_n3A_2854 : vector<16xf32>
      %jit3A_2860 = arith.constant 3 : i32
      %broadcast_in_dim3A_2861 = vector.broadcast %jit3A_2860 : i32 to vector<16xi32>
      %select_n3A_2862 = arith.select %gt3A_2859, %broadcast_in_dim3A_2861, %select_n3A_2853 : vector<16xi1>, vector<16xi32>
      %select_n3A_2863 = arith.select %gt3A_2859, %add3A_2858, %select_n3A_2854 : vector<16xi1>, vector<16xf32>
      %broadcast_in_dim3A_2864 = arith.constant 88 : i32
      %broadcast_in_dim3A_2865 = vector.broadcast %broadcast_in_dim3A_2864 : i32 to vector<16xi32>
      %gather3A_2866 = tpu.vector_load_idx %arg9[%broadcast_in_dim3A_2865, %add3A_404] : memref<112x128xf32, #tpu.memory_space<vmem>>[vector<16xi32>, vector<16xi32>], vector<16xf32>,
      %add3A_2867 = arith.addf %gather3A_437, %gather3A_2866 : vector<16xf32>
      %gt3A_2868 = arith.cmpf ogt, %add3A_2867, %select_n3A_2863 : vector<16xf32>
      %jit3A_2869 = arith.constant 4 : i32
      %broadcast_in_dim3A_2870 = vector.broadcast %jit3A_2869 : i32 to vector<16xi32>
      %select_n3A_2871 = arith.select %gt3A_2868, %broadcast_in_dim3A_2870, %select_n3A_2862 : vector<16xi1>, vector<16xi32>
      %select_n3A_2872 = arith.select %gt3A_2868, %add3A_2867, %select_n3A_2863 : vector<16xi1>, vector<16xf32>
      %broadcast_in_dim3A_2873 = arith.constant 89 : i32
      %broadcast_in_dim3A_2874 = vector.broadcast %broadcast_in_dim3A_2873 : i32 to vector<16xi32>
      %gather3A_2875 = tpu.vector_load_idx %arg9[%broadcast_in_dim3A_2874, %add3A_404] : memref<112x128xf32, #tpu.memory_space<vmem>>[vector<16xi32>, vector<16xi32>], vector<16xf32>,
      %add3A_2876 = arith.addf %gather3A_440, %gather3A_2875 : vector<16xf32>
      %gt3A_2877 = arith.cmpf ogt, %add3A_2876, %select_n3A_2872 : vector<16xf32>
      %jit3A_2878 = arith.constant 5 : i32
      %broadcast_in_dim3A_2879 = vector.broadcast %jit3A_2878 : i32 to vector<16xi32>
      %select_n3A_2880 = arith.select %gt3A_2877, %broadcast_in_dim3A_2879, %select_n3A_2871 : vector<16xi1>, vector<16xi32>
      %select_n3A_2881 = arith.select %gt3A_2877, %add3A_2876, %select_n3A_2872 : vector<16xi1>, vector<16xf32>
      %mul3A_2882 = arith.constant 6 : i32
      %mul3A_2883 = vector.broadcast %mul3A_2882 : i32 to vector<16xi32>
      %mul3A_2884 = arith.muli %select_n3A_2829, %mul3A_2883 : vector<16xi32>
      %add3A_2885 = arith.addi %mul3A_2884, %select_n3A_2880 : vector<16xi32>
      %add3A_2886 = arith.constant 0 : i32
      %add3A_2887 = vector.broadcast %add3A_2886 : i32 to vector<16xi32>
      %add3A_2888 = arith.addi %add3A_2885, %add3A_2887 : vector<16xi32>
      %gather3A_2889 = tpu.vector_load_idx %arg11[%add3A_2888] : memref<256xf32, #tpu.memory_space<vmem>>[vector<16xi32>], vector<16xf32>,
      %add3A_2890 = arith.addf %gather3A_443, %gather3A_2889 : vector<16xf32>
      %exp3A_2891 = math.exp %add3A_2890 : vector<16xf32>
      %add3A_2892 = arith.constant 36 : i32
      %add3A_2893 = vector.broadcast %add3A_2892 : i32 to vector<16xi32>
      %add3A_2894 = arith.addi %add3A_2885, %add3A_2893 : vector<16xi32>
      %gather3A_2895 = tpu.vector_load_idx %arg11[%add3A_2894] : memref<256xf32, #tpu.memory_space<vmem>>[vector<16xi32>], vector<16xf32>,
      %add3A_2896 = arith.addf %gather3A_446, %gather3A_2895 : vector<16xf32>
      %exp3A_2897 = math.exp %add3A_2896 : vector<16xf32>
      %add3A_2898 = arith.constant 72 : i32
      %add3A_2899 = vector.broadcast %add3A_2898 : i32 to vector<16xi32>
      %add3A_2900 = arith.addi %add3A_2885, %add3A_2899 : vector<16xi32>
      %gather3A_2901 = tpu.vector_load_idx %arg11[%add3A_2900] : memref<256xf32, #tpu.memory_space<vmem>>[vector<16xi32>], vector<16xf32>,
      %add3A_2902 = arith.addf %gather3A_449, %gather3A_2901 : vector<16xf32>
      %exp3A_2903 = math.exp %add3A_2902 : vector<16xf32>
      %add3A_2904 = arith.constant 108 : i32
      %add3A_2905 = vector.broadcast %add3A_2904 : i32 to vector<16xi32>
      %add3A_2906 = arith.addi %add3A_2885, %add3A_2905 : vector<16xi32>
      %gather3A_2907 = tpu.vector_load_idx %arg11[%add3A_2906] : memref<256xf32, #tpu.memory_space<vmem>>[vector<16xi32>], vector<16xf32>,
      %add3A_2908 = arith.addf %gather3A_452, %gather3A_2907 : vector<16xf32>
      %exp3A_2909 = math.exp %add3A_2908 : vector<16xf32>
      %add3A_2910 = arith.constant 144 : i32
      %add3A_2911 = vector.broadcast %add3A_2910 : i32 to vector<16xi32>
      %add3A_2912 = arith.addi %add3A_2885, %add3A_2911 : vector<16xi32>
      %gather3A_2913 = tpu.vector_load_idx %arg11[%add3A_2912] : memref<256xf32, #tpu.memory_space<vmem>>[vector<16xi32>], vector<16xf32>,
      %add3A_2914 = arith.addf %gather3A_455, %gather3A_2913 : vector<16xf32>
      %exp3A_2915 = math.exp %add3A_2914 : vector<16xf32>
      %add3A_2916 = arith.constant 180 : i32
      %add3A_2917 = vector.broadcast %add3A_2916 : i32 to vector<16xi32>
      %add3A_2918 = arith.addi %add3A_2885, %add3A_2917 : vector<16xi32>
      %gather3A_2919 = tpu.vector_load_idx %arg11[%add3A_2918] : memref<256xf32, #tpu.memory_space<vmem>>[vector<16xi32>], vector<16xf32>,
      %add3A_2920 = arith.addf %gather3A_458, %gather3A_2919 : vector<16xf32>
      %exp3A_2921 = math.exp %add3A_2920 : vector<16xf32>
      %add3A_2922 = arith.addf %exp3A_2891, %exp3A_2897 : vector<16xf32>
      %add3A_2923 = arith.addf %add3A_2922, %exp3A_2903 : vector<16xf32>
      %add3A_2924 = arith.addf %add3A_2923, %exp3A_2909 : vector<16xf32>
      %add3A_2925 = arith.addf %add3A_2924, %exp3A_2915 : vector<16xf32>
      %add3A_2926 = arith.addf %add3A_2925, %exp3A_2921 : vector<16xf32>
      %add3A_2927 = arith.constant 216 : i32
      %add3A_2928 = vector.broadcast %add3A_2927 : i32 to vector<16xi32>
      %add3A_2929 = arith.addi %add3A_2885, %add3A_2928 : vector<16xi32>
      %gather3A_2930 = tpu.vector_load_idx %arg11[%add3A_2929] : memref<256xf32, #tpu.memory_space<vmem>>[vector<16xi32>], vector<16xf32>,
      %div3A_2931 = arith.divf %gather3A_2930, %add3A_2926 : vector<16xf32>
      %mul3A_2932 = arith.mulf %div3A_2931, %exp3A_2891 : vector<16xf32>
      %add3A_2933 = arith.addf %add3A_2768, %mul3A_2932 : vector<16xf32>
      %mul3A_2934 = arith.mulf %div3A_2931, %exp3A_2897 : vector<16xf32>
      %add3A_2935 = arith.addf %add3A_2770, %mul3A_2934 : vector<16xf32>
      %mul3A_2936 = arith.mulf %div3A_2931, %exp3A_2903 : vector<16xf32>
      %add3A_2937 = arith.addf %add3A_2772, %mul3A_2936 : vector<16xf32>
      %mul3A_2938 = arith.mulf %div3A_2931, %exp3A_2909 : vector<16xf32>
      %add3A_2939 = arith.addf %add3A_2774, %mul3A_2938 : vector<16xf32>
      %mul3A_2940 = arith.mulf %div3A_2931, %exp3A_2915 : vector<16xf32>
      %add3A_2941 = arith.addf %add3A_2776, %mul3A_2940 : vector<16xf32>
      %mul3A_2942 = arith.mulf %div3A_2931, %exp3A_2921 : vector<16xf32>
      %add3A_2943 = arith.addf %add3A_2778, %mul3A_2942 : vector<16xf32>
      %add3A_2944 = arith.addf %add3A_2779, %gather3A_2930 : vector<16xf32>
      %broadcast_in_dim3A_2945 = arith.constant 90 : i32
      %broadcast_in_dim3A_2946 = vector.broadcast %broadcast_in_dim3A_2945 : i32 to vector<16xi32>
      %gather3A_2947 = tpu.vector_load_idx %arg8[%broadcast_in_dim3A_2946, %add3A_404] : memref<112x128xf32, #tpu.memory_space<vmem>>[vector<16xi32>, vector<16xi32>], vector<16xf32>,
      %add3A_2948 = arith.addf %gather3A_407, %gather3A_2947 : vector<16xf32>
      %broadcast_in_dim3A_2949 = arith.constant 0 : i32
      %broadcast_in_dim3A_2950 = vector.broadcast %broadcast_in_dim3A_2949 : i32 to vector<16xi32>
      %broadcast_in_dim3A_2951 = arith.constant 91 : i32
      %broadcast_in_dim3A_2952 = vector.broadcast %broadcast_in_dim3A_2951 : i32 to vector<16xi32>
      %gather3A_2953 = tpu.vector_load_idx %arg8[%broadcast_in_dim3A_2952, %add3A_404] : memref<112x128xf32, #tpu.memory_space<vmem>>[vector<16xi32>, vector<16xi32>], vector<16xf32>,
      %add3A_2954 = arith.addf %gather3A_410, %gather3A_2953 : vector<16xf32>
      %gt3A_2955 = arith.cmpf ogt, %add3A_2954, %add3A_2948 : vector<16xf32>
      %jit3A_2956 = arith.constant 1 : i32
      %broadcast_in_dim3A_2957 = vector.broadcast %jit3A_2956 : i32 to vector<16xi32>
      %select_n3A_2958 = arith.select %gt3A_2955, %broadcast_in_dim3A_2957, %broadcast_in_dim3A_2950 : vector<16xi1>, vector<16xi32>
      %select_n3A_2959 = arith.select %gt3A_2955, %add3A_2954, %add3A_2948 : vector<16xi1>, vector<16xf32>
      %broadcast_in_dim3A_2960 = arith.constant 92 : i32
      %broadcast_in_dim3A_2961 = vector.broadcast %broadcast_in_dim3A_2960 : i32 to vector<16xi32>
      %gather3A_2962 = tpu.vector_load_idx %arg8[%broadcast_in_dim3A_2961, %add3A_404] : memref<112x128xf32, #tpu.memory_space<vmem>>[vector<16xi32>, vector<16xi32>], vector<16xf32>,
      %add3A_2963 = arith.addf %gather3A_413, %gather3A_2962 : vector<16xf32>
      %gt3A_2964 = arith.cmpf ogt, %add3A_2963, %select_n3A_2959 : vector<16xf32>
      %jit3A_2965 = arith.constant 2 : i32
      %broadcast_in_dim3A_2966 = vector.broadcast %jit3A_2965 : i32 to vector<16xi32>
      %select_n3A_2967 = arith.select %gt3A_2964, %broadcast_in_dim3A_2966, %select_n3A_2958 : vector<16xi1>, vector<16xi32>
      %select_n3A_2968 = arith.select %gt3A_2964, %add3A_2963, %select_n3A_2959 : vector<16xi1>, vector<16xf32>
      %broadcast_in_dim3A_2969 = arith.constant 93 : i32
      %broadcast_in_dim3A_2970 = vector.broadcast %broadcast_in_dim3A_2969 : i32 to vector<16xi32>
      %gather3A_2971 = tpu.vector_load_idx %arg8[%broadcast_in_dim3A_2970, %add3A_404] : memref<112x128xf32, #tpu.memory_space<vmem>>[vector<16xi32>, vector<16xi32>], vector<16xf32>,
      %add3A_2972 = arith.addf %gather3A_416, %gather3A_2971 : vector<16xf32>
      %gt3A_2973 = arith.cmpf ogt, %add3A_2972, %select_n3A_2968 : vector<16xf32>
      %jit3A_2974 = arith.constant 3 : i32
      %broadcast_in_dim3A_2975 = vector.broadcast %jit3A_2974 : i32 to vector<16xi32>
      %select_n3A_2976 = arith.select %gt3A_2973, %broadcast_in_dim3A_2975, %select_n3A_2967 : vector<16xi1>, vector<16xi32>
      %select_n3A_2977 = arith.select %gt3A_2973, %add3A_2972, %select_n3A_2968 : vector<16xi1>, vector<16xf32>
      %broadcast_in_dim3A_2978 = arith.constant 94 : i32
      %broadcast_in_dim3A_2979 = vector.broadcast %broadcast_in_dim3A_2978 : i32 to vector<16xi32>
      %gather3A_2980 = tpu.vector_load_idx %arg8[%broadcast_in_dim3A_2979, %add3A_404] : memref<112x128xf32, #tpu.memory_space<vmem>>[vector<16xi32>, vector<16xi32>], vector<16xf32>,
      %add3A_2981 = arith.addf %gather3A_419, %gather3A_2980 : vector<16xf32>
      %gt3A_2982 = arith.cmpf ogt, %add3A_2981, %select_n3A_2977 : vector<16xf32>
      %jit3A_2983 = arith.constant 4 : i32
      %broadcast_in_dim3A_2984 = vector.broadcast %jit3A_2983 : i32 to vector<16xi32>
      %select_n3A_2985 = arith.select %gt3A_2982, %broadcast_in_dim3A_2984, %select_n3A_2976 : vector<16xi1>, vector<16xi32>
      %select_n3A_2986 = arith.select %gt3A_2982, %add3A_2981, %select_n3A_2977 : vector<16xi1>, vector<16xf32>
      %broadcast_in_dim3A_2987 = arith.constant 95 : i32
      %broadcast_in_dim3A_2988 = vector.broadcast %broadcast_in_dim3A_2987 : i32 to vector<16xi32>
      %gather3A_2989 = tpu.vector_load_idx %arg8[%broadcast_in_dim3A_2988, %add3A_404] : memref<112x128xf32, #tpu.memory_space<vmem>>[vector<16xi32>, vector<16xi32>], vector<16xf32>,
      %add3A_2990 = arith.addf %gather3A_422, %gather3A_2989 : vector<16xf32>
      %gt3A_2991 = arith.cmpf ogt, %add3A_2990, %select_n3A_2986 : vector<16xf32>
      %jit3A_2992 = arith.constant 5 : i32
      %broadcast_in_dim3A_2993 = vector.broadcast %jit3A_2992 : i32 to vector<16xi32>
      %select_n3A_2994 = arith.select %gt3A_2991, %broadcast_in_dim3A_2993, %select_n3A_2985 : vector<16xi1>, vector<16xi32>
      %select_n3A_2995 = arith.select %gt3A_2991, %add3A_2990, %select_n3A_2986 : vector<16xi1>, vector<16xf32>
      %broadcast_in_dim3A_2996 = arith.constant 90 : i32
      %broadcast_in_dim3A_2997 = vector.broadcast %broadcast_in_dim3A_2996 : i32 to vector<16xi32>
      %gather3A_2998 = tpu.vector_load_idx %arg9[%broadcast_in_dim3A_2997, %add3A_404] : memref<112x128xf32, #tpu.memory_space<vmem>>[vector<16xi32>, vector<16xi32>], vector<16xf32>,
      %add3A_2999 = arith.addf %gather3A_425, %gather3A_2998 : vector<16xf32>
      %broadcast_in_dim3A_3000 = arith.constant 0 : i32
      %broadcast_in_dim3A_3001 = vector.broadcast %broadcast_in_dim3A_3000 : i32 to vector<16xi32>
      %broadcast_in_dim3A_3002 = arith.constant 91 : i32
      %broadcast_in_dim3A_3003 = vector.broadcast %broadcast_in_dim3A_3002 : i32 to vector<16xi32>
      %gather3A_3004 = tpu.vector_load_idx %arg9[%broadcast_in_dim3A_3003, %add3A_404] : memref<112x128xf32, #tpu.memory_space<vmem>>[vector<16xi32>, vector<16xi32>], vector<16xf32>,
      %add3A_3005 = arith.addf %gather3A_428, %gather3A_3004 : vector<16xf32>
      %gt3A_3006 = arith.cmpf ogt, %add3A_3005, %add3A_2999 : vector<16xf32>
      %jit3A_3007 = arith.constant 1 : i32
      %broadcast_in_dim3A_3008 = vector.broadcast %jit3A_3007 : i32 to vector<16xi32>
      %select_n3A_3009 = arith.select %gt3A_3006, %broadcast_in_dim3A_3008, %broadcast_in_dim3A_3001 : vector<16xi1>, vector<16xi32>
      %select_n3A_3010 = arith.select %gt3A_3006, %add3A_3005, %add3A_2999 : vector<16xi1>, vector<16xf32>
      %broadcast_in_dim3A_3011 = arith.constant 92 : i32
      %broadcast_in_dim3A_3012 = vector.broadcast %broadcast_in_dim3A_3011 : i32 to vector<16xi32>
      %gather3A_3013 = tpu.vector_load_idx %arg9[%broadcast_in_dim3A_3012, %add3A_404] : memref<112x128xf32, #tpu.memory_space<vmem>>[vector<16xi32>, vector<16xi32>], vector<16xf32>,
      %add3A_3014 = arith.addf %gather3A_431, %gather3A_3013 : vector<16xf32>
      %gt3A_3015 = arith.cmpf ogt, %add3A_3014, %select_n3A_3010 : vector<16xf32>
      %jit3A_3016 = arith.constant 2 : i32
      %broadcast_in_dim3A_3017 = vector.broadcast %jit3A_3016 : i32 to vector<16xi32>
      %select_n3A_3018 = arith.select %gt3A_3015, %broadcast_in_dim3A_3017, %select_n3A_3009 : vector<16xi1>, vector<16xi32>
      %select_n3A_3019 = arith.select %gt3A_3015, %add3A_3014, %select_n3A_3010 : vector<16xi1>, vector<16xf32>
      %broadcast_in_dim3A_3020 = arith.constant 93 : i32
      %broadcast_in_dim3A_3021 = vector.broadcast %broadcast_in_dim3A_3020 : i32 to vector<16xi32>
      %gather3A_3022 = tpu.vector_load_idx %arg9[%broadcast_in_dim3A_3021, %add3A_404] : memref<112x128xf32, #tpu.memory_space<vmem>>[vector<16xi32>, vector<16xi32>], vector<16xf32>,
      %add3A_3023 = arith.addf %gather3A_434, %gather3A_3022 : vector<16xf32>
      %gt3A_3024 = arith.cmpf ogt, %add3A_3023, %select_n3A_3019 : vector<16xf32>
      %jit3A_3025 = arith.constant 3 : i32
      %broadcast_in_dim3A_3026 = vector.broadcast %jit3A_3025 : i32 to vector<16xi32>
      %select_n3A_3027 = arith.select %gt3A_3024, %broadcast_in_dim3A_3026, %select_n3A_3018 : vector<16xi1>, vector<16xi32>
      %select_n3A_3028 = arith.select %gt3A_3024, %add3A_3023, %select_n3A_3019 : vector<16xi1>, vector<16xf32>
      %broadcast_in_dim3A_3029 = arith.constant 94 : i32
      %broadcast_in_dim3A_3030 = vector.broadcast %broadcast_in_dim3A_3029 : i32 to vector<16xi32>
      %gather3A_3031 = tpu.vector_load_idx %arg9[%broadcast_in_dim3A_3030, %add3A_404] : memref<112x128xf32, #tpu.memory_space<vmem>>[vector<16xi32>, vector<16xi32>], vector<16xf32>,
      %add3A_3032 = arith.addf %gather3A_437, %gather3A_3031 : vector<16xf32>
      %gt3A_3033 = arith.cmpf ogt, %add3A_3032, %select_n3A_3028 : vector<16xf32>
      %jit3A_3034 = arith.constant 4 : i32
      %broadcast_in_dim3A_3035 = vector.broadcast %jit3A_3034 : i32 to vector<16xi32>
      %select_n3A_3036 = arith.select %gt3A_3033, %broadcast_in_dim3A_3035, %select_n3A_3027 : vector<16xi1>, vector<16xi32>
      %select_n3A_3037 = arith.select %gt3A_3033, %add3A_3032, %select_n3A_3028 : vector<16xi1>, vector<16xf32>
      %broadcast_in_dim3A_3038 = arith.constant 95 : i32
      %broadcast_in_dim3A_3039 = vector.broadcast %broadcast_in_dim3A_3038 : i32 to vector<16xi32>
      %gather3A_3040 = tpu.vector_load_idx %arg9[%broadcast_in_dim3A_3039, %add3A_404] : memref<112x128xf32, #tpu.memory_space<vmem>>[vector<16xi32>, vector<16xi32>], vector<16xf32>,
      %add3A_3041 = arith.addf %gather3A_440, %gather3A_3040 : vector<16xf32>
      %gt3A_3042 = arith.cmpf ogt, %add3A_3041, %select_n3A_3037 : vector<16xf32>
      %jit3A_3043 = arith.constant 5 : i32
      %broadcast_in_dim3A_3044 = vector.broadcast %jit3A_3043 : i32 to vector<16xi32>
      %select_n3A_3045 = arith.select %gt3A_3042, %broadcast_in_dim3A_3044, %select_n3A_3036 : vector<16xi1>, vector<16xi32>
      %select_n3A_3046 = arith.select %gt3A_3042, %add3A_3041, %select_n3A_3037 : vector<16xi1>, vector<16xf32>
      %mul3A_3047 = arith.constant 6 : i32
      %mul3A_3048 = vector.broadcast %mul3A_3047 : i32 to vector<16xi32>
      %mul3A_3049 = arith.muli %select_n3A_2994, %mul3A_3048 : vector<16xi32>
      %add3A_3050 = arith.addi %mul3A_3049, %select_n3A_3045 : vector<16xi32>
      %add3A_3051 = arith.constant 0 : i32
      %add3A_3052 = vector.broadcast %add3A_3051 : i32 to vector<16xi32>
      %add3A_3053 = arith.addi %add3A_3050, %add3A_3052 : vector<16xi32>
      %gather3A_3054 = tpu.vector_load_idx %arg11[%add3A_3053] : memref<256xf32, #tpu.memory_space<vmem>>[vector<16xi32>], vector<16xf32>,
      %add3A_3055 = arith.addf %gather3A_443, %gather3A_3054 : vector<16xf32>
      %exp3A_3056 = math.exp %add3A_3055 : vector<16xf32>
      %add3A_3057 = arith.constant 36 : i32
      %add3A_3058 = vector.broadcast %add3A_3057 : i32 to vector<16xi32>
      %add3A_3059 = arith.addi %add3A_3050, %add3A_3058 : vector<16xi32>
      %gather3A_3060 = tpu.vector_load_idx %arg11[%add3A_3059] : memref<256xf32, #tpu.memory_space<vmem>>[vector<16xi32>], vector<16xf32>,
      %add3A_3061 = arith.addf %gather3A_446, %gather3A_3060 : vector<16xf32>
      %exp3A_3062 = math.exp %add3A_3061 : vector<16xf32>
      %add3A_3063 = arith.constant 72 : i32
      %add3A_3064 = vector.broadcast %add3A_3063 : i32 to vector<16xi32>
      %add3A_3065 = arith.addi %add3A_3050, %add3A_3064 : vector<16xi32>
      %gather3A_3066 = tpu.vector_load_idx %arg11[%add3A_3065] : memref<256xf32, #tpu.memory_space<vmem>>[vector<16xi32>], vector<16xf32>,
      %add3A_3067 = arith.addf %gather3A_449, %gather3A_3066 : vector<16xf32>
      %exp3A_3068 = math.exp %add3A_3067 : vector<16xf32>
      %add3A_3069 = arith.constant 108 : i32
      %add3A_3070 = vector.broadcast %add3A_3069 : i32 to vector<16xi32>
      %add3A_3071 = arith.addi %add3A_3050, %add3A_3070 : vector<16xi32>
      %gather3A_3072 = tpu.vector_load_idx %arg11[%add3A_3071] : memref<256xf32, #tpu.memory_space<vmem>>[vector<16xi32>], vector<16xf32>,
      %add3A_3073 = arith.addf %gather3A_452, %gather3A_3072 : vector<16xf32>
      %exp3A_3074 = math.exp %add3A_3073 : vector<16xf32>
      %add3A_3075 = arith.constant 144 : i32
      %add3A_3076 = vector.broadcast %add3A_3075 : i32 to vector<16xi32>
      %add3A_3077 = arith.addi %add3A_3050, %add3A_3076 : vector<16xi32>
      %gather3A_3078 = tpu.vector_load_idx %arg11[%add3A_3077] : memref<256xf32, #tpu.memory_space<vmem>>[vector<16xi32>], vector<16xf32>,
      %add3A_3079 = arith.addf %gather3A_455, %gather3A_3078 : vector<16xf32>
      %exp3A_3080 = math.exp %add3A_3079 : vector<16xf32>
      %add3A_3081 = arith.constant 180 : i32
      %add3A_3082 = vector.broadcast %add3A_3081 : i32 to vector<16xi32>
      %add3A_3083 = arith.addi %add3A_3050, %add3A_3082 : vector<16xi32>
      %gather3A_3084 = tpu.vector_load_idx %arg11[%add3A_3083] : memref<256xf32, #tpu.memory_space<vmem>>[vector<16xi32>], vector<16xf32>,
      %add3A_3085 = arith.addf %gather3A_458, %gather3A_3084 : vector<16xf32>
      %exp3A_3086 = math.exp %add3A_3085 : vector<16xf32>
      %add3A_3087 = arith.addf %exp3A_3056, %exp3A_3062 : vector<16xf32>
      %add3A_3088 = arith.addf %add3A_3087, %exp3A_3068 : vector<16xf32>
      %add3A_3089 = arith.addf %add3A_3088, %exp3A_3074 : vector<16xf32>
      %add3A_3090 = arith.addf %add3A_3089, %exp3A_3080 : vector<16xf32>
      %add3A_3091 = arith.addf %add3A_3090, %exp3A_3086 : vector<16xf32>
      %add3A_3092 = arith.constant 216 : i32
      %add3A_3093 = vector.broadcast %add3A_3092 : i32 to vector<16xi32>
      %add3A_3094 = arith.addi %add3A_3050, %add3A_3093 : vector<16xi32>
      %gather3A_3095 = tpu.vector_load_idx %arg11[%add3A_3094] : memref<256xf32, #tpu.memory_space<vmem>>[vector<16xi32>], vector<16xf32>,
      %div3A_3096 = arith.divf %gather3A_3095, %add3A_3091 : vector<16xf32>
      %mul3A_3097 = arith.mulf %div3A_3096, %exp3A_3056 : vector<16xf32>
      %add3A_3098 = arith.addf %add3A_2933, %mul3A_3097 : vector<16xf32>
      %mul3A_3099 = arith.mulf %div3A_3096, %exp3A_3062 : vector<16xf32>
      %add3A_3100 = arith.addf %add3A_2935, %mul3A_3099 : vector<16xf32>
      %mul3A_3101 = arith.mulf %div3A_3096, %exp3A_3068 : vector<16xf32>
      %add3A_3102 = arith.addf %add3A_2937, %mul3A_3101 : vector<16xf32>
      %mul3A_3103 = arith.mulf %div3A_3096, %exp3A_3074 : vector<16xf32>
      %add3A_3104 = arith.addf %add3A_2939, %mul3A_3103 : vector<16xf32>
      %mul3A_3105 = arith.mulf %div3A_3096, %exp3A_3080 : vector<16xf32>
      %add3A_3106 = arith.addf %add3A_2941, %mul3A_3105 : vector<16xf32>
      %mul3A_3107 = arith.mulf %div3A_3096, %exp3A_3086 : vector<16xf32>
      %add3A_3108 = arith.addf %add3A_2943, %mul3A_3107 : vector<16xf32>
      %add3A_3109 = arith.addf %add3A_2944, %gather3A_3095 : vector<16xf32>
      %broadcast_in_dim3A_3110 = arith.constant 96 : i32
      %broadcast_in_dim3A_3111 = vector.broadcast %broadcast_in_dim3A_3110 : i32 to vector<16xi32>
      %gather3A_3112 = tpu.vector_load_idx %arg8[%broadcast_in_dim3A_3111, %add3A_404] : memref<112x128xf32, #tpu.memory_space<vmem>>[vector<16xi32>, vector<16xi32>], vector<16xf32>,
      %add3A_3113 = arith.addf %gather3A_407, %gather3A_3112 : vector<16xf32>
      %broadcast_in_dim3A_3114 = arith.constant 0 : i32
      %broadcast_in_dim3A_3115 = vector.broadcast %broadcast_in_dim3A_3114 : i32 to vector<16xi32>
      %broadcast_in_dim3A_3116 = arith.constant 97 : i32
      %broadcast_in_dim3A_3117 = vector.broadcast %broadcast_in_dim3A_3116 : i32 to vector<16xi32>
      %gather3A_3118 = tpu.vector_load_idx %arg8[%broadcast_in_dim3A_3117, %add3A_404] : memref<112x128xf32, #tpu.memory_space<vmem>>[vector<16xi32>, vector<16xi32>], vector<16xf32>,
      %add3A_3119 = arith.addf %gather3A_410, %gather3A_3118 : vector<16xf32>
      %gt3A_3120 = arith.cmpf ogt, %add3A_3119, %add3A_3113 : vector<16xf32>
      %jit3A_3121 = arith.constant 1 : i32
      %broadcast_in_dim3A_3122 = vector.broadcast %jit3A_3121 : i32 to vector<16xi32>
      %select_n3A_3123 = arith.select %gt3A_3120, %broadcast_in_dim3A_3122, %broadcast_in_dim3A_3115 : vector<16xi1>, vector<16xi32>
      %select_n3A_3124 = arith.select %gt3A_3120, %add3A_3119, %add3A_3113 : vector<16xi1>, vector<16xf32>
      %broadcast_in_dim3A_3125 = arith.constant 98 : i32
      %broadcast_in_dim3A_3126 = vector.broadcast %broadcast_in_dim3A_3125 : i32 to vector<16xi32>
      %gather3A_3127 = tpu.vector_load_idx %arg8[%broadcast_in_dim3A_3126, %add3A_404] : memref<112x128xf32, #tpu.memory_space<vmem>>[vector<16xi32>, vector<16xi32>], vector<16xf32>,
      %add3A_3128 = arith.addf %gather3A_413, %gather3A_3127 : vector<16xf32>
      %gt3A_3129 = arith.cmpf ogt, %add3A_3128, %select_n3A_3124 : vector<16xf32>
      %jit3A_3130 = arith.constant 2 : i32
      %broadcast_in_dim3A_3131 = vector.broadcast %jit3A_3130 : i32 to vector<16xi32>
      %select_n3A_3132 = arith.select %gt3A_3129, %broadcast_in_dim3A_3131, %select_n3A_3123 : vector<16xi1>, vector<16xi32>
      %select_n3A_3133 = arith.select %gt3A_3129, %add3A_3128, %select_n3A_3124 : vector<16xi1>, vector<16xf32>
      %broadcast_in_dim3A_3134 = arith.constant 99 : i32
      %broadcast_in_dim3A_3135 = vector.broadcast %broadcast_in_dim3A_3134 : i32 to vector<16xi32>
      %gather3A_3136 = tpu.vector_load_idx %arg8[%broadcast_in_dim3A_3135, %add3A_404] : memref<112x128xf32, #tpu.memory_space<vmem>>[vector<16xi32>, vector<16xi32>], vector<16xf32>,
      %add3A_3137 = arith.addf %gather3A_416, %gather3A_3136 : vector<16xf32>
      %gt3A_3138 = arith.cmpf ogt, %add3A_3137, %select_n3A_3133 : vector<16xf32>
      %jit3A_3139 = arith.constant 3 : i32
      %broadcast_in_dim3A_3140 = vector.broadcast %jit3A_3139 : i32 to vector<16xi32>
      %select_n3A_3141 = arith.select %gt3A_3138, %broadcast_in_dim3A_3140, %select_n3A_3132 : vector<16xi1>, vector<16xi32>
      %select_n3A_3142 = arith.select %gt3A_3138, %add3A_3137, %select_n3A_3133 : vector<16xi1>, vector<16xf32>
      %broadcast_in_dim3A_3143 = arith.constant 100 : i32
      %broadcast_in_dim3A_3144 = vector.broadcast %broadcast_in_dim3A_3143 : i32 to vector<16xi32>
      %gather3A_3145 = tpu.vector_load_idx %arg8[%broadcast_in_dim3A_3144, %add3A_404] : memref<112x128xf32, #tpu.memory_space<vmem>>[vector<16xi32>, vector<16xi32>], vector<16xf32>,
      %add3A_3146 = arith.addf %gather3A_419, %gather3A_3145 : vector<16xf32>
      %gt3A_3147 = arith.cmpf ogt, %add3A_3146, %select_n3A_3142 : vector<16xf32>
      %jit3A_3148 = arith.constant 4 : i32
      %broadcast_in_dim3A_3149 = vector.broadcast %jit3A_3148 : i32 to vector<16xi32>
      %select_n3A_3150 = arith.select %gt3A_3147, %broadcast_in_dim3A_3149, %select_n3A_3141 : vector<16xi1>, vector<16xi32>
      %select_n3A_3151 = arith.select %gt3A_3147, %add3A_3146, %select_n3A_3142 : vector<16xi1>, vector<16xf32>
      %broadcast_in_dim3A_3152 = arith.constant 101 : i32
      %broadcast_in_dim3A_3153 = vector.broadcast %broadcast_in_dim3A_3152 : i32 to vector<16xi32>
      %gather3A_3154 = tpu.vector_load_idx %arg8[%broadcast_in_dim3A_3153, %add3A_404] : memref<112x128xf32, #tpu.memory_space<vmem>>[vector<16xi32>, vector<16xi32>], vector<16xf32>,
      %add3A_3155 = arith.addf %gather3A_422, %gather3A_3154 : vector<16xf32>
      %gt3A_3156 = arith.cmpf ogt, %add3A_3155, %select_n3A_3151 : vector<16xf32>
      %jit3A_3157 = arith.constant 5 : i32
      %broadcast_in_dim3A_3158 = vector.broadcast %jit3A_3157 : i32 to vector<16xi32>
      %select_n3A_3159 = arith.select %gt3A_3156, %broadcast_in_dim3A_3158, %select_n3A_3150 : vector<16xi1>, vector<16xi32>
      %select_n3A_3160 = arith.select %gt3A_3156, %add3A_3155, %select_n3A_3151 : vector<16xi1>, vector<16xf32>
      %broadcast_in_dim3A_3161 = arith.constant 96 : i32
      %broadcast_in_dim3A_3162 = vector.broadcast %broadcast_in_dim3A_3161 : i32 to vector<16xi32>
      %gather3A_3163 = tpu.vector_load_idx %arg9[%broadcast_in_dim3A_3162, %add3A_404] : memref<112x128xf32, #tpu.memory_space<vmem>>[vector<16xi32>, vector<16xi32>], vector<16xf32>,
      %add3A_3164 = arith.addf %gather3A_425, %gather3A_3163 : vector<16xf32>
      %broadcast_in_dim3A_3165 = arith.constant 0 : i32
      %broadcast_in_dim3A_3166 = vector.broadcast %broadcast_in_dim3A_3165 : i32 to vector<16xi32>
      %broadcast_in_dim3A_3167 = arith.constant 97 : i32
      %broadcast_in_dim3A_3168 = vector.broadcast %broadcast_in_dim3A_3167 : i32 to vector<16xi32>
      %gather3A_3169 = tpu.vector_load_idx %arg9[%broadcast_in_dim3A_3168, %add3A_404] : memref<112x128xf32, #tpu.memory_space<vmem>>[vector<16xi32>, vector<16xi32>], vector<16xf32>,
      %add3A_3170 = arith.addf %gather3A_428, %gather3A_3169 : vector<16xf32>
      %gt3A_3171 = arith.cmpf ogt, %add3A_3170, %add3A_3164 : vector<16xf32>
      %jit3A_3172 = arith.constant 1 : i32
      %broadcast_in_dim3A_3173 = vector.broadcast %jit3A_3172 : i32 to vector<16xi32>
      %select_n3A_3174 = arith.select %gt3A_3171, %broadcast_in_dim3A_3173, %broadcast_in_dim3A_3166 : vector<16xi1>, vector<16xi32>
      %select_n3A_3175 = arith.select %gt3A_3171, %add3A_3170, %add3A_3164 : vector<16xi1>, vector<16xf32>
      %broadcast_in_dim3A_3176 = arith.constant 98 : i32
      %broadcast_in_dim3A_3177 = vector.broadcast %broadcast_in_dim3A_3176 : i32 to vector<16xi32>
      %gather3A_3178 = tpu.vector_load_idx %arg9[%broadcast_in_dim3A_3177, %add3A_404] : memref<112x128xf32, #tpu.memory_space<vmem>>[vector<16xi32>, vector<16xi32>], vector<16xf32>,
      %add3A_3179 = arith.addf %gather3A_431, %gather3A_3178 : vector<16xf32>
      %gt3A_3180 = arith.cmpf ogt, %add3A_3179, %select_n3A_3175 : vector<16xf32>
      %jit3A_3181 = arith.constant 2 : i32
      %broadcast_in_dim3A_3182 = vector.broadcast %jit3A_3181 : i32 to vector<16xi32>
      %select_n3A_3183 = arith.select %gt3A_3180, %broadcast_in_dim3A_3182, %select_n3A_3174 : vector<16xi1>, vector<16xi32>
      %select_n3A_3184 = arith.select %gt3A_3180, %add3A_3179, %select_n3A_3175 : vector<16xi1>, vector<16xf32>
      %broadcast_in_dim3A_3185 = arith.constant 99 : i32
      %broadcast_in_dim3A_3186 = vector.broadcast %broadcast_in_dim3A_3185 : i32 to vector<16xi32>
      %gather3A_3187 = tpu.vector_load_idx %arg9[%broadcast_in_dim3A_3186, %add3A_404] : memref<112x128xf32, #tpu.memory_space<vmem>>[vector<16xi32>, vector<16xi32>], vector<16xf32>,
      %add3A_3188 = arith.addf %gather3A_434, %gather3A_3187 : vector<16xf32>
      %gt3A_3189 = arith.cmpf ogt, %add3A_3188, %select_n3A_3184 : vector<16xf32>
      %jit3A_3190 = arith.constant 3 : i32
      %broadcast_in_dim3A_3191 = vector.broadcast %jit3A_3190 : i32 to vector<16xi32>
      %select_n3A_3192 = arith.select %gt3A_3189, %broadcast_in_dim3A_3191, %select_n3A_3183 : vector<16xi1>, vector<16xi32>
      %select_n3A_3193 = arith.select %gt3A_3189, %add3A_3188, %select_n3A_3184 : vector<16xi1>, vector<16xf32>
      %broadcast_in_dim3A_3194 = arith.constant 100 : i32
      %broadcast_in_dim3A_3195 = vector.broadcast %broadcast_in_dim3A_3194 : i32 to vector<16xi32>
      %gather3A_3196 = tpu.vector_load_idx %arg9[%broadcast_in_dim3A_3195, %add3A_404] : memref<112x128xf32, #tpu.memory_space<vmem>>[vector<16xi32>, vector<16xi32>], vector<16xf32>,
      %add3A_3197 = arith.addf %gather3A_437, %gather3A_3196 : vector<16xf32>
      %gt3A_3198 = arith.cmpf ogt, %add3A_3197, %select_n3A_3193 : vector<16xf32>
      %jit3A_3199 = arith.constant 4 : i32
      %broadcast_in_dim3A_3200 = vector.broadcast %jit3A_3199 : i32 to vector<16xi32>
      %select_n3A_3201 = arith.select %gt3A_3198, %broadcast_in_dim3A_3200, %select_n3A_3192 : vector<16xi1>, vector<16xi32>
      %select_n3A_3202 = arith.select %gt3A_3198, %add3A_3197, %select_n3A_3193 : vector<16xi1>, vector<16xf32>
      %broadcast_in_dim3A_3203 = arith.constant 101 : i32
      %broadcast_in_dim3A_3204 = vector.broadcast %broadcast_in_dim3A_3203 : i32 to vector<16xi32>
      %gather3A_3205 = tpu.vector_load_idx %arg9[%broadcast_in_dim3A_3204, %add3A_404] : memref<112x128xf32, #tpu.memory_space<vmem>>[vector<16xi32>, vector<16xi32>], vector<16xf32>,
      %add3A_3206 = arith.addf %gather3A_440, %gather3A_3205 : vector<16xf32>
      %gt3A_3207 = arith.cmpf ogt, %add3A_3206, %select_n3A_3202 : vector<16xf32>
      %jit3A_3208 = arith.constant 5 : i32
      %broadcast_in_dim3A_3209 = vector.broadcast %jit3A_3208 : i32 to vector<16xi32>
      %select_n3A_3210 = arith.select %gt3A_3207, %broadcast_in_dim3A_3209, %select_n3A_3201 : vector<16xi1>, vector<16xi32>
      %select_n3A_3211 = arith.select %gt3A_3207, %add3A_3206, %select_n3A_3202 : vector<16xi1>, vector<16xf32>
      %mul3A_3212 = arith.constant 6 : i32
      %mul3A_3213 = vector.broadcast %mul3A_3212 : i32 to vector<16xi32>
      %mul3A_3214 = arith.muli %select_n3A_3159, %mul3A_3213 : vector<16xi32>
      %add3A_3215 = arith.addi %mul3A_3214, %select_n3A_3210 : vector<16xi32>
      %add3A_3216 = arith.constant 0 : i32
      %add3A_3217 = vector.broadcast %add3A_3216 : i32 to vector<16xi32>
      %add3A_3218 = arith.addi %add3A_3215, %add3A_3217 : vector<16xi32>
      %gather3A_3219 = tpu.vector_load_idx %arg11[%add3A_3218] : memref<256xf32, #tpu.memory_space<vmem>>[vector<16xi32>], vector<16xf32>,
      %add3A_3220 = arith.addf %gather3A_443, %gather3A_3219 : vector<16xf32>
      %exp3A_3221 = math.exp %add3A_3220 : vector<16xf32>
      %add3A_3222 = arith.constant 36 : i32
      %add3A_3223 = vector.broadcast %add3A_3222 : i32 to vector<16xi32>
      %add3A_3224 = arith.addi %add3A_3215, %add3A_3223 : vector<16xi32>
      %gather3A_3225 = tpu.vector_load_idx %arg11[%add3A_3224] : memref<256xf32, #tpu.memory_space<vmem>>[vector<16xi32>], vector<16xf32>,
      %add3A_3226 = arith.addf %gather3A_446, %gather3A_3225 : vector<16xf32>
      %exp3A_3227 = math.exp %add3A_3226 : vector<16xf32>
      %add3A_3228 = arith.constant 72 : i32
      %add3A_3229 = vector.broadcast %add3A_3228 : i32 to vector<16xi32>
      %add3A_3230 = arith.addi %add3A_3215, %add3A_3229 : vector<16xi32>
      %gather3A_3231 = tpu.vector_load_idx %arg11[%add3A_3230] : memref<256xf32, #tpu.memory_space<vmem>>[vector<16xi32>], vector<16xf32>,
      %add3A_3232 = arith.addf %gather3A_449, %gather3A_3231 : vector<16xf32>
      %exp3A_3233 = math.exp %add3A_3232 : vector<16xf32>
      %add3A_3234 = arith.constant 108 : i32
      %add3A_3235 = vector.broadcast %add3A_3234 : i32 to vector<16xi32>
      %add3A_3236 = arith.addi %add3A_3215, %add3A_3235 : vector<16xi32>
      %gather3A_3237 = tpu.vector_load_idx %arg11[%add3A_3236] : memref<256xf32, #tpu.memory_space<vmem>>[vector<16xi32>], vector<16xf32>,
      %add3A_3238 = arith.addf %gather3A_452, %gather3A_3237 : vector<16xf32>
      %exp3A_3239 = math.exp %add3A_3238 : vector<16xf32>
      %add3A_3240 = arith.constant 144 : i32
      %add3A_3241 = vector.broadcast %add3A_3240 : i32 to vector<16xi32>
      %add3A_3242 = arith.addi %add3A_3215, %add3A_3241 : vector<16xi32>
      %gather3A_3243 = tpu.vector_load_idx %arg11[%add3A_3242] : memref<256xf32, #tpu.memory_space<vmem>>[vector<16xi32>], vector<16xf32>,
      %add3A_3244 = arith.addf %gather3A_455, %gather3A_3243 : vector<16xf32>
      %exp3A_3245 = math.exp %add3A_3244 : vector<16xf32>
      %add3A_3246 = arith.constant 180 : i32
      %add3A_3247 = vector.broadcast %add3A_3246 : i32 to vector<16xi32>
      %add3A_3248 = arith.addi %add3A_3215, %add3A_3247 : vector<16xi32>
      %gather3A_3249 = tpu.vector_load_idx %arg11[%add3A_3248] : memref<256xf32, #tpu.memory_space<vmem>>[vector<16xi32>], vector<16xf32>,
      %add3A_3250 = arith.addf %gather3A_458, %gather3A_3249 : vector<16xf32>
      %exp3A_3251 = math.exp %add3A_3250 : vector<16xf32>
      %add3A_3252 = arith.addf %exp3A_3221, %exp3A_3227 : vector<16xf32>
      %add3A_3253 = arith.addf %add3A_3252, %exp3A_3233 : vector<16xf32>
      %add3A_3254 = arith.addf %add3A_3253, %exp3A_3239 : vector<16xf32>
      %add3A_3255 = arith.addf %add3A_3254, %exp3A_3245 : vector<16xf32>
      %add3A_3256 = arith.addf %add3A_3255, %exp3A_3251 : vector<16xf32>
      %add3A_3257 = arith.constant 216 : i32
      %add3A_3258 = vector.broadcast %add3A_3257 : i32 to vector<16xi32>
      %add3A_3259 = arith.addi %add3A_3215, %add3A_3258 : vector<16xi32>
      %gather3A_3260 = tpu.vector_load_idx %arg11[%add3A_3259] : memref<256xf32, #tpu.memory_space<vmem>>[vector<16xi32>], vector<16xf32>,
      %div3A_3261 = arith.divf %gather3A_3260, %add3A_3256 : vector<16xf32>
      %mul3A_3262 = arith.mulf %div3A_3261, %exp3A_3221 : vector<16xf32>
      %add3A_3263 = arith.addf %add3A_3098, %mul3A_3262 : vector<16xf32>
      %mul3A_3264 = arith.mulf %div3A_3261, %exp3A_3227 : vector<16xf32>
      %add3A_3265 = arith.addf %add3A_3100, %mul3A_3264 : vector<16xf32>
      %mul3A_3266 = arith.mulf %div3A_3261, %exp3A_3233 : vector<16xf32>
      %add3A_3267 = arith.addf %add3A_3102, %mul3A_3266 : vector<16xf32>
      %mul3A_3268 = arith.mulf %div3A_3261, %exp3A_3239 : vector<16xf32>
      %add3A_3269 = arith.addf %add3A_3104, %mul3A_3268 : vector<16xf32>
      %mul3A_3270 = arith.mulf %div3A_3261, %exp3A_3245 : vector<16xf32>
      %add3A_3271 = arith.addf %add3A_3106, %mul3A_3270 : vector<16xf32>
      %mul3A_3272 = arith.mulf %div3A_3261, %exp3A_3251 : vector<16xf32>
      %add3A_3273 = arith.addf %add3A_3108, %mul3A_3272 : vector<16xf32>
      %add3A_3274 = arith.addf %add3A_3109, %gather3A_3260 : vector<16xf32>
      %broadcast_in_dim3A_3275 = arith.constant 102 : i32
      %broadcast_in_dim3A_3276 = vector.broadcast %broadcast_in_dim3A_3275 : i32 to vector<16xi32>
      %gather3A_3277 = tpu.vector_load_idx %arg8[%broadcast_in_dim3A_3276, %add3A_404] : memref<112x128xf32, #tpu.memory_space<vmem>>[vector<16xi32>, vector<16xi32>], vector<16xf32>,
      %add3A_3278 = arith.addf %gather3A_407, %gather3A_3277 : vector<16xf32>
      %broadcast_in_dim3A_3279 = arith.constant 0 : i32
      %broadcast_in_dim3A_3280 = vector.broadcast %broadcast_in_dim3A_3279 : i32 to vector<16xi32>
      %broadcast_in_dim3A_3281 = arith.constant 103 : i32
      %broadcast_in_dim3A_3282 = vector.broadcast %broadcast_in_dim3A_3281 : i32 to vector<16xi32>
      %gather3A_3283 = tpu.vector_load_idx %arg8[%broadcast_in_dim3A_3282, %add3A_404] : memref<112x128xf32, #tpu.memory_space<vmem>>[vector<16xi32>, vector<16xi32>], vector<16xf32>,
      %add3A_3284 = arith.addf %gather3A_410, %gather3A_3283 : vector<16xf32>
      %gt3A_3285 = arith.cmpf ogt, %add3A_3284, %add3A_3278 : vector<16xf32>
      %jit3A_3286 = arith.constant 1 : i32
      %broadcast_in_dim3A_3287 = vector.broadcast %jit3A_3286 : i32 to vector<16xi32>
      %select_n3A_3288 = arith.select %gt3A_3285, %broadcast_in_dim3A_3287, %broadcast_in_dim3A_3280 : vector<16xi1>, vector<16xi32>
      %select_n3A_3289 = arith.select %gt3A_3285, %add3A_3284, %add3A_3278 : vector<16xi1>, vector<16xf32>
      %broadcast_in_dim3A_3290 = arith.constant 104 : i32
      %broadcast_in_dim3A_3291 = vector.broadcast %broadcast_in_dim3A_3290 : i32 to vector<16xi32>
      %gather3A_3292 = tpu.vector_load_idx %arg8[%broadcast_in_dim3A_3291, %add3A_404] : memref<112x128xf32, #tpu.memory_space<vmem>>[vector<16xi32>, vector<16xi32>], vector<16xf32>,
      %add3A_3293 = arith.addf %gather3A_413, %gather3A_3292 : vector<16xf32>
      %gt3A_3294 = arith.cmpf ogt, %add3A_3293, %select_n3A_3289 : vector<16xf32>
      %jit3A_3295 = arith.constant 2 : i32
      %broadcast_in_dim3A_3296 = vector.broadcast %jit3A_3295 : i32 to vector<16xi32>
      %select_n3A_3297 = arith.select %gt3A_3294, %broadcast_in_dim3A_3296, %select_n3A_3288 : vector<16xi1>, vector<16xi32>
      %select_n3A_3298 = arith.select %gt3A_3294, %add3A_3293, %select_n3A_3289 : vector<16xi1>, vector<16xf32>
      %broadcast_in_dim3A_3299 = arith.constant 105 : i32
      %broadcast_in_dim3A_3300 = vector.broadcast %broadcast_in_dim3A_3299 : i32 to vector<16xi32>
      %gather3A_3301 = tpu.vector_load_idx %arg8[%broadcast_in_dim3A_3300, %add3A_404] : memref<112x128xf32, #tpu.memory_space<vmem>>[vector<16xi32>, vector<16xi32>], vector<16xf32>,
      %add3A_3302 = arith.addf %gather3A_416, %gather3A_3301 : vector<16xf32>
      %gt3A_3303 = arith.cmpf ogt, %add3A_3302, %select_n3A_3298 : vector<16xf32>
      %jit3A_3304 = arith.constant 3 : i32
      %broadcast_in_dim3A_3305 = vector.broadcast %jit3A_3304 : i32 to vector<16xi32>
      %select_n3A_3306 = arith.select %gt3A_3303, %broadcast_in_dim3A_3305, %select_n3A_3297 : vector<16xi1>, vector<16xi32>
      %select_n3A_3307 = arith.select %gt3A_3303, %add3A_3302, %select_n3A_3298 : vector<16xi1>, vector<16xf32>
      %broadcast_in_dim3A_3308 = arith.constant 106 : i32
      %broadcast_in_dim3A_3309 = vector.broadcast %broadcast_in_dim3A_3308 : i32 to vector<16xi32>
      %gather3A_3310 = tpu.vector_load_idx %arg8[%broadcast_in_dim3A_3309, %add3A_404] : memref<112x128xf32, #tpu.memory_space<vmem>>[vector<16xi32>, vector<16xi32>], vector<16xf32>,
      %add3A_3311 = arith.addf %gather3A_419, %gather3A_3310 : vector<16xf32>
      %gt3A_3312 = arith.cmpf ogt, %add3A_3311, %select_n3A_3307 : vector<16xf32>
      %jit3A_3313 = arith.constant 4 : i32
      %broadcast_in_dim3A_3314 = vector.broadcast %jit3A_3313 : i32 to vector<16xi32>
      %select_n3A_3315 = arith.select %gt3A_3312, %broadcast_in_dim3A_3314, %select_n3A_3306 : vector<16xi1>, vector<16xi32>
      %select_n3A_3316 = arith.select %gt3A_3312, %add3A_3311, %select_n3A_3307 : vector<16xi1>, vector<16xf32>
      %broadcast_in_dim3A_3317 = arith.constant 107 : i32
      %broadcast_in_dim3A_3318 = vector.broadcast %broadcast_in_dim3A_3317 : i32 to vector<16xi32>
      %gather3A_3319 = tpu.vector_load_idx %arg8[%broadcast_in_dim3A_3318, %add3A_404] : memref<112x128xf32, #tpu.memory_space<vmem>>[vector<16xi32>, vector<16xi32>], vector<16xf32>,
      %add3A_3320 = arith.addf %gather3A_422, %gather3A_3319 : vector<16xf32>
      %gt3A_3321 = arith.cmpf ogt, %add3A_3320, %select_n3A_3316 : vector<16xf32>
      %jit3A_3322 = arith.constant 5 : i32
      %broadcast_in_dim3A_3323 = vector.broadcast %jit3A_3322 : i32 to vector<16xi32>
      %select_n3A_3324 = arith.select %gt3A_3321, %broadcast_in_dim3A_3323, %select_n3A_3315 : vector<16xi1>, vector<16xi32>
      %select_n3A_3325 = arith.select %gt3A_3321, %add3A_3320, %select_n3A_3316 : vector<16xi1>, vector<16xf32>
      %broadcast_in_dim3A_3326 = arith.constant 102 : i32
      %broadcast_in_dim3A_3327 = vector.broadcast %broadcast_in_dim3A_3326 : i32 to vector<16xi32>
      %gather3A_3328 = tpu.vector_load_idx %arg9[%broadcast_in_dim3A_3327, %add3A_404] : memref<112x128xf32, #tpu.memory_space<vmem>>[vector<16xi32>, vector<16xi32>], vector<16xf32>,
      %add3A_3329 = arith.addf %gather3A_425, %gather3A_3328 : vector<16xf32>
      %broadcast_in_dim3A_3330 = arith.constant 0 : i32
      %broadcast_in_dim3A_3331 = vector.broadcast %broadcast_in_dim3A_3330 : i32 to vector<16xi32>
      %broadcast_in_dim3A_3332 = arith.constant 103 : i32
      %broadcast_in_dim3A_3333 = vector.broadcast %broadcast_in_dim3A_3332 : i32 to vector<16xi32>
      %gather3A_3334 = tpu.vector_load_idx %arg9[%broadcast_in_dim3A_3333, %add3A_404] : memref<112x128xf32, #tpu.memory_space<vmem>>[vector<16xi32>, vector<16xi32>], vector<16xf32>,
      %add3A_3335 = arith.addf %gather3A_428, %gather3A_3334 : vector<16xf32>
      %gt3A_3336 = arith.cmpf ogt, %add3A_3335, %add3A_3329 : vector<16xf32>
      %jit3A_3337 = arith.constant 1 : i32
      %broadcast_in_dim3A_3338 = vector.broadcast %jit3A_3337 : i32 to vector<16xi32>
      %select_n3A_3339 = arith.select %gt3A_3336, %broadcast_in_dim3A_3338, %broadcast_in_dim3A_3331 : vector<16xi1>, vector<16xi32>
      %select_n3A_3340 = arith.select %gt3A_3336, %add3A_3335, %add3A_3329 : vector<16xi1>, vector<16xf32>
      %broadcast_in_dim3A_3341 = arith.constant 104 : i32
      %broadcast_in_dim3A_3342 = vector.broadcast %broadcast_in_dim3A_3341 : i32 to vector<16xi32>
      %gather3A_3343 = tpu.vector_load_idx %arg9[%broadcast_in_dim3A_3342, %add3A_404] : memref<112x128xf32, #tpu.memory_space<vmem>>[vector<16xi32>, vector<16xi32>], vector<16xf32>,
      %add3A_3344 = arith.addf %gather3A_431, %gather3A_3343 : vector<16xf32>
      %gt3A_3345 = arith.cmpf ogt, %add3A_3344, %select_n3A_3340 : vector<16xf32>
      %jit3A_3346 = arith.constant 2 : i32
      %broadcast_in_dim3A_3347 = vector.broadcast %jit3A_3346 : i32 to vector<16xi32>
      %select_n3A_3348 = arith.select %gt3A_3345, %broadcast_in_dim3A_3347, %select_n3A_3339 : vector<16xi1>, vector<16xi32>
      %select_n3A_3349 = arith.select %gt3A_3345, %add3A_3344, %select_n3A_3340 : vector<16xi1>, vector<16xf32>
      %broadcast_in_dim3A_3350 = arith.constant 105 : i32
      %broadcast_in_dim3A_3351 = vector.broadcast %broadcast_in_dim3A_3350 : i32 to vector<16xi32>
      %gather3A_3352 = tpu.vector_load_idx %arg9[%broadcast_in_dim3A_3351, %add3A_404] : memref<112x128xf32, #tpu.memory_space<vmem>>[vector<16xi32>, vector<16xi32>], vector<16xf32>,
      %add3A_3353 = arith.addf %gather3A_434, %gather3A_3352 : vector<16xf32>
      %gt3A_3354 = arith.cmpf ogt, %add3A_3353, %select_n3A_3349 : vector<16xf32>
      %jit3A_3355 = arith.constant 3 : i32
      %broadcast_in_dim3A_3356 = vector.broadcast %jit3A_3355 : i32 to vector<16xi32>
      %select_n3A_3357 = arith.select %gt3A_3354, %broadcast_in_dim3A_3356, %select_n3A_3348 : vector<16xi1>, vector<16xi32>
      %select_n3A_3358 = arith.select %gt3A_3354, %add3A_3353, %select_n3A_3349 : vector<16xi1>, vector<16xf32>
      %broadcast_in_dim3A_3359 = arith.constant 106 : i32
      %broadcast_in_dim3A_3360 = vector.broadcast %broadcast_in_dim3A_3359 : i32 to vector<16xi32>
      %gather3A_3361 = tpu.vector_load_idx %arg9[%broadcast_in_dim3A_3360, %add3A_404] : memref<112x128xf32, #tpu.memory_space<vmem>>[vector<16xi32>, vector<16xi32>], vector<16xf32>,
      %add3A_3362 = arith.addf %gather3A_437, %gather3A_3361 : vector<16xf32>
      %gt3A_3363 = arith.cmpf ogt, %add3A_3362, %select_n3A_3358 : vector<16xf32>
      %jit3A_3364 = arith.constant 4 : i32
      %broadcast_in_dim3A_3365 = vector.broadcast %jit3A_3364 : i32 to vector<16xi32>
      %select_n3A_3366 = arith.select %gt3A_3363, %broadcast_in_dim3A_3365, %select_n3A_3357 : vector<16xi1>, vector<16xi32>
      %select_n3A_3367 = arith.select %gt3A_3363, %add3A_3362, %select_n3A_3358 : vector<16xi1>, vector<16xf32>
      %broadcast_in_dim3A_3368 = arith.constant 107 : i32
      %broadcast_in_dim3A_3369 = vector.broadcast %broadcast_in_dim3A_3368 : i32 to vector<16xi32>
      %gather3A_3370 = tpu.vector_load_idx %arg9[%broadcast_in_dim3A_3369, %add3A_404] : memref<112x128xf32, #tpu.memory_space<vmem>>[vector<16xi32>, vector<16xi32>], vector<16xf32>,
      %add3A_3371 = arith.addf %gather3A_440, %gather3A_3370 : vector<16xf32>
      %gt3A_3372 = arith.cmpf ogt, %add3A_3371, %select_n3A_3367 : vector<16xf32>
      %jit3A_3373 = arith.constant 5 : i32
      %broadcast_in_dim3A_3374 = vector.broadcast %jit3A_3373 : i32 to vector<16xi32>
      %select_n3A_3375 = arith.select %gt3A_3372, %broadcast_in_dim3A_3374, %select_n3A_3366 : vector<16xi1>, vector<16xi32>
      %select_n3A_3376 = arith.select %gt3A_3372, %add3A_3371, %select_n3A_3367 : vector<16xi1>, vector<16xf32>
      %mul3A_3377 = arith.constant 6 : i32
      %mul3A_3378 = vector.broadcast %mul3A_3377 : i32 to vector<16xi32>
      %mul3A_3379 = arith.muli %select_n3A_3324, %mul3A_3378 : vector<16xi32>
      %add3A_3380 = arith.addi %mul3A_3379, %select_n3A_3375 : vector<16xi32>
      %add3A_3381 = arith.constant 0 : i32
      %add3A_3382 = vector.broadcast %add3A_3381 : i32 to vector<16xi32>
      %add3A_3383 = arith.addi %add3A_3380, %add3A_3382 : vector<16xi32>
      %gather3A_3384 = tpu.vector_load_idx %arg11[%add3A_3383] : memref<256xf32, #tpu.memory_space<vmem>>[vector<16xi32>], vector<16xf32>,
      %add3A_3385 = arith.addf %gather3A_443, %gather3A_3384 : vector<16xf32>
      %exp3A_3386 = math.exp %add3A_3385 : vector<16xf32>
      %add3A_3387 = arith.constant 36 : i32
      %add3A_3388 = vector.broadcast %add3A_3387 : i32 to vector<16xi32>
      %add3A_3389 = arith.addi %add3A_3380, %add3A_3388 : vector<16xi32>
      %gather3A_3390 = tpu.vector_load_idx %arg11[%add3A_3389] : memref<256xf32, #tpu.memory_space<vmem>>[vector<16xi32>], vector<16xf32>,
      %add3A_3391 = arith.addf %gather3A_446, %gather3A_3390 : vector<16xf32>
      %exp3A_3392 = math.exp %add3A_3391 : vector<16xf32>
      %add3A_3393 = arith.constant 72 : i32
      %add3A_3394 = vector.broadcast %add3A_3393 : i32 to vector<16xi32>
      %add3A_3395 = arith.addi %add3A_3380, %add3A_3394 : vector<16xi32>
      %gather3A_3396 = tpu.vector_load_idx %arg11[%add3A_3395] : memref<256xf32, #tpu.memory_space<vmem>>[vector<16xi32>], vector<16xf32>,
      %add3A_3397 = arith.addf %gather3A_449, %gather3A_3396 : vector<16xf32>
      %exp3A_3398 = math.exp %add3A_3397 : vector<16xf32>
      %add3A_3399 = arith.constant 108 : i32
      %add3A_3400 = vector.broadcast %add3A_3399 : i32 to vector<16xi32>
      %add3A_3401 = arith.addi %add3A_3380, %add3A_3400 : vector<16xi32>
      %gather3A_3402 = tpu.vector_load_idx %arg11[%add3A_3401] : memref<256xf32, #tpu.memory_space<vmem>>[vector<16xi32>], vector<16xf32>,
      %add3A_3403 = arith.addf %gather3A_452, %gather3A_3402 : vector<16xf32>
      %exp3A_3404 = math.exp %add3A_3403 : vector<16xf32>
      %add3A_3405 = arith.constant 144 : i32
      %add3A_3406 = vector.broadcast %add3A_3405 : i32 to vector<16xi32>
      %add3A_3407 = arith.addi %add3A_3380, %add3A_3406 : vector<16xi32>
      %gather3A_3408 = tpu.vector_load_idx %arg11[%add3A_3407] : memref<256xf32, #tpu.memory_space<vmem>>[vector<16xi32>], vector<16xf32>,
      %add3A_3409 = arith.addf %gather3A_455, %gather3A_3408 : vector<16xf32>
      %exp3A_3410 = math.exp %add3A_3409 : vector<16xf32>
      %add3A_3411 = arith.constant 180 : i32
      %add3A_3412 = vector.broadcast %add3A_3411 : i32 to vector<16xi32>
      %add3A_3413 = arith.addi %add3A_3380, %add3A_3412 : vector<16xi32>
      %gather3A_3414 = tpu.vector_load_idx %arg11[%add3A_3413] : memref<256xf32, #tpu.memory_space<vmem>>[vector<16xi32>], vector<16xf32>,
      %add3A_3415 = arith.addf %gather3A_458, %gather3A_3414 : vector<16xf32>
      %exp3A_3416 = math.exp %add3A_3415 : vector<16xf32>
      %add3A_3417 = arith.addf %exp3A_3386, %exp3A_3392 : vector<16xf32>
      %add3A_3418 = arith.addf %add3A_3417, %exp3A_3398 : vector<16xf32>
      %add3A_3419 = arith.addf %add3A_3418, %exp3A_3404 : vector<16xf32>
      %add3A_3420 = arith.addf %add3A_3419, %exp3A_3410 : vector<16xf32>
      %add3A_3421 = arith.addf %add3A_3420, %exp3A_3416 : vector<16xf32>
      %add3A_3422 = arith.constant 216 : i32
      %add3A_3423 = vector.broadcast %add3A_3422 : i32 to vector<16xi32>
      %add3A_3424 = arith.addi %add3A_3380, %add3A_3423 : vector<16xi32>
      %gather3A_3425 = tpu.vector_load_idx %arg11[%add3A_3424] : memref<256xf32, #tpu.memory_space<vmem>>[vector<16xi32>], vector<16xf32>,
      %div3A_3426 = arith.divf %gather3A_3425, %add3A_3421 : vector<16xf32>
      %mul3A_3427 = arith.mulf %div3A_3426, %exp3A_3386 : vector<16xf32>
      %add3A_3428 = arith.addf %add3A_3263, %mul3A_3427 : vector<16xf32>
      %mul3A_3429 = arith.mulf %div3A_3426, %exp3A_3392 : vector<16xf32>
      %add3A_3430 = arith.addf %add3A_3265, %mul3A_3429 : vector<16xf32>
      %mul3A_3431 = arith.mulf %div3A_3426, %exp3A_3398 : vector<16xf32>
      %add3A_3432 = arith.addf %add3A_3267, %mul3A_3431 : vector<16xf32>
      %mul3A_3433 = arith.mulf %div3A_3426, %exp3A_3404 : vector<16xf32>
      %add3A_3434 = arith.addf %add3A_3269, %mul3A_3433 : vector<16xf32>
      %mul3A_3435 = arith.mulf %div3A_3426, %exp3A_3410 : vector<16xf32>
      %add3A_3436 = arith.addf %add3A_3271, %mul3A_3435 : vector<16xf32>
      %mul3A_3437 = arith.mulf %div3A_3426, %exp3A_3416 : vector<16xf32>
      %add3A_3438 = arith.addf %add3A_3273, %mul3A_3437 : vector<16xf32>
      %add3A_3439 = arith.addf %add3A_3274, %gather3A_3425 : vector<16xf32>
      %div3A_3440 = arith.constant 1.000000e+00 : f32
      %div3A_3441 = vector.broadcast %div3A_3440 : f32 to vector<16xf32>
      %div3A_3442 = arith.divf %div3A_3441, %add3A_3439 : vector<16xf32>
      %broadcast_in_dim3A_3443 = arith.constant 0 : i32
      %broadcast_in_dim3A_3444 = vector.broadcast %broadcast_in_dim3A_3443 : i32 to vector<16xi32>
      %mul3A_3445 = arith.mulf %add3A_3428, %div3A_3442 : vector<16xf32>
      tpu.vector_store_idx %arg12[%add3A_404, %broadcast_in_dim3A_3444], %mul3A_3445 : memref<128x6xf32, #tpu.memory_space<vmem>>[vector<16xi32>, vector<16xi32>], vector<16xf32>,
      %broadcast_in_dim3A_3446 = arith.constant 1 : i32
      %broadcast_in_dim3A_3447 = vector.broadcast %broadcast_in_dim3A_3446 : i32 to vector<16xi32>
      %mul3A_3448 = arith.mulf %add3A_3430, %div3A_3442 : vector<16xf32>
      tpu.vector_store_idx %arg12[%add3A_404, %broadcast_in_dim3A_3447], %mul3A_3448 : memref<128x6xf32, #tpu.memory_space<vmem>>[vector<16xi32>, vector<16xi32>], vector<16xf32>,
      %broadcast_in_dim3A_3449 = arith.constant 2 : i32
      %broadcast_in_dim3A_3450 = vector.broadcast %broadcast_in_dim3A_3449 : i32 to vector<16xi32>
      %mul3A_3451 = arith.mulf %add3A_3432, %div3A_3442 : vector<16xf32>
      tpu.vector_store_idx %arg12[%add3A_404, %broadcast_in_dim3A_3450], %mul3A_3451 : memref<128x6xf32, #tpu.memory_space<vmem>>[vector<16xi32>, vector<16xi32>], vector<16xf32>,
      %broadcast_in_dim3A_3452 = arith.constant 3 : i32
      %broadcast_in_dim3A_3453 = vector.broadcast %broadcast_in_dim3A_3452 : i32 to vector<16xi32>
      %mul3A_3454 = arith.mulf %add3A_3434, %div3A_3442 : vector<16xf32>
      tpu.vector_store_idx %arg12[%add3A_404, %broadcast_in_dim3A_3453], %mul3A_3454 : memref<128x6xf32, #tpu.memory_space<vmem>>[vector<16xi32>, vector<16xi32>], vector<16xf32>,
      %broadcast_in_dim3A_3455 = arith.constant 4 : i32
      %broadcast_in_dim3A_3456 = vector.broadcast %broadcast_in_dim3A_3455 : i32 to vector<16xi32>
      %mul3A_3457 = arith.mulf %add3A_3436, %div3A_3442 : vector<16xf32>
      tpu.vector_store_idx %arg12[%add3A_404, %broadcast_in_dim3A_3456], %mul3A_3457 : memref<128x6xf32, #tpu.memory_space<vmem>>[vector<16xi32>, vector<16xi32>], vector<16xf32>,
      %broadcast_in_dim3A_3458 = arith.constant 5 : i32
      %broadcast_in_dim3A_3459 = vector.broadcast %broadcast_in_dim3A_3458 : i32 to vector<16xi32>
      %mul3A_3460 = arith.mulf %add3A_3438, %div3A_3442 : vector<16xf32>
      tpu.vector_store_idx %arg12[%add3A_404, %broadcast_in_dim3A_3459], %mul3A_3460 : memref<128x6xf32, #tpu.memory_space<vmem>>[vector<16xi32>, vector<16xi32>], vector<16xf32>,
    }
    %scan3A_399 = arith.constant 8 : i32
    "tpu.region"() ({
      %run_scoped3A = tpu.sem_alloc : memref<!tpu.dma_semaphore, #tpu.memory_space<semaphore_mem>>
      %dma_start3A = arith.constant 0 : i32
      %dma_start3A_400 = tpu.memref_slice %arg6[%mul3A_2, %dma_start3A] : memref<4096x6xf32, #tpu.memory_space<hbm>> -> memref<128x6xf32, #tpu.memory_space<hbm>>
      %dma_start3A_401 = arith.constant 0 : i32
      %dma_start3A_402 = tpu.memref_slice %arg6[%mul3A_2, %dma_start3A_401] : memref<4096x6xf32, #tpu.memory_space<hbm>> -> memref<128x6xf32, #tpu.memory_space<hbm>>
      tpu.enqueue_dma source(%arg12 : memref<128x6xf32, #tpu.memory_space<vmem>>) target(%dma_start3A_402 : memref<128x6xf32, #tpu.memory_space<hbm>>) target_semaphore(%run_scoped3A : memref<!tpu.dma_semaphore, #tpu.memory_space<semaphore_mem>>)
      %dma_wait3A = arith.constant 0 : i32
      %dma_wait3A_403 = tpu.memref_slice %arg6[%mul3A_2, %dma_wait3A] : memref<4096x6xf32, #tpu.memory_space<hbm>> -> memref<128x6xf32, #tpu.memory_space<hbm>>
      %dma_wait3A_404 = arith.constant 0 : i32
      %dma_wait3A_405 = tpu.memref_slice %arg6[%mul3A_2, %dma_wait3A_404] : memref<4096x6xf32, #tpu.memory_space<hbm>> -> memref<128x6xf32, #tpu.memory_space<hbm>>
      tpu.wait_dma2 semaphore(%run_scoped3A : memref<!tpu.dma_semaphore, #tpu.memory_space<semaphore_mem>>) src(%arg12 : memref<128x6xf32, #tpu.memory_space<vmem>>) dst(%dma_wait3A_405 : memref<128x6xf32, #tpu.memory_space<hbm>>)
      tpu.yield
    }) : () -> ()
    return
  }
}

module attributes {stable_mosaic.version = 14 : i64} {
  func.func @_mm_body(%arg0: i32, %arg1: memref<1024x256xf32, #tpu.memory_space<vmem>>, %arg2: memref<6x256xf32, #tpu.memory_space<vmem>>, %arg3: memref<6x256xf32, #tpu.memory_space<vmem>>, %arg4: memref<6x268xf32, #tpu.memory_space<vmem>>, %arg5: memref<24x1xf32, #tpu.memory_space<vmem>>, %arg6: memref<24x1024xf32, #tpu.memory_space<vmem>>) attributes {dimension_semantics = [#tpu.dimension_semantics<arbitrary>], iteration_bounds = array<i64: 4>, scalar_prefetch = 0 : i64, scratch_operands = 0 : i64, tpu.core_type = #tpu.core_type<tc>, window_params = [{transform_indices = @transform_0, window_bounds = array<i64: 1024, 256>}, {pipeline_mode = #tpu.pipeline_mode<synchronous>, transform_indices = @transform_1, window_bounds = array<i64: 6, 256>}, {pipeline_mode = #tpu.pipeline_mode<synchronous>, transform_indices = @transform_2, window_bounds = array<i64: 6, 256>}, {pipeline_mode = #tpu.pipeline_mode<synchronous>, transform_indices = @transform_3, window_bounds = array<i64: 6, 268>}, {pipeline_mode = #tpu.pipeline_mode<synchronous>, transform_indices = @transform_4, window_bounds = array<i64: 24, 1>}, {transform_indices = @transform_5, window_bounds = array<i64: 24, 1024>}]} {
    %get3A = arith.constant 0 : index
    %get3A_0 = arith.constant 0 : index
    %get3A_1 = vector.load %arg2[%get3A, %get3A_0] : memref<6x256xf32, #tpu.memory_space<vmem>>, vector<6x256xf32>
    %get3A_2 = arith.constant 0 : index
    %get3A_3 = arith.constant 0 : index
    %get3A_4 = vector.load %arg3[%get3A_2, %get3A_3] : memref<6x256xf32, #tpu.memory_space<vmem>>, vector<6x256xf32>
    %get3A_5 = arith.constant 0 : index
    %get3A_6 = arith.constant 0 : index
    %get3A_7 = vector.load %arg4[%get3A_5, %get3A_6] : memref<6x268xf32, #tpu.memory_space<vmem>>, vector<6x268xf32>
    %slice3A = vector.extract_strided_slice %get3A_7 {offsets = [0, 0], sizes = [6, 256], strides = [1, 1]} : vector<6x268xf32> to vector<6x256xf32>
    %broadcast_in_dim3A = arith.constant 0.000000e+00 : f32
    %broadcast_in_dim3A_8 = vector.broadcast %broadcast_in_dim3A : f32 to vector<6x256xf32>
    %concatenate3A = tpu.concatenate %get3A_1, %get3A_4, %slice3A, %broadcast_in_dim3A_8 in 0 : vector<6x256xf32>, vector<6x256xf32>, vector<6x256xf32>, vector<6x256xf32> -> vector<24x256xf32>
    %get3A_9 = arith.constant 0 : index
    %get3A_10 = arith.constant 0 : index
    %get3A_11 = vector.load %arg1[%get3A_9, %get3A_10] : memref<1024x256xf32, #tpu.memory_space<vmem>>, vector<1024x256xf32>
    %dot_general3A = arith.constant dense<0.000000e+00> : vector<24x1024xf32>
    %dot_general3A_12 = tpu.matmul %concatenate3A, %get3A_11, %dot_general3A {dimension_numbers = #tpu.dot_dimension_numbers<[1], [1], [0], [0], [0, 0, 1, 0], [], []>, transpose_lhs_hint = false} : vector<24x256xf32>, vector<1024x256xf32>, vector<24x1024xf32> -> vector<24x1024xf32>
    %get3A_13 = arith.constant 0 : index
    %get3A_14 = arith.constant 0 : index
    %get3A_15 = vector.load %arg5[%get3A_13, %get3A_14] : memref<24x1xf32, #tpu.memory_space<vmem>>, vector<24x1xf32>
    %add3A = vector.broadcast %get3A_15 : vector<24x1xf32> to vector<24x1024xf32>
    %add3A_16 = arith.addf %dot_general3A_12, %add3A : vector<24x1024xf32>
    %swap3A = arith.constant 0 : index
    %swap3A_17 = arith.constant 0 : index
    %swap3A_18 = vector.load %arg6[%swap3A, %swap3A_17] : memref<24x1024xf32, #tpu.memory_space<vmem>>, vector<24x1024xf32>
    tpu.vector_store %arg6[%swap3A, %swap3A_17], %add3A_16 {strides = array<i32>} : memref<24x1024xf32, #tpu.memory_space<vmem>>, vector<24x1024xf32>,
    return
  }
  func.func @transform_0(%arg0: i32) -> (i32, i32) {
    %c0_i32 = arith.constant 0 : i32
    %c0_i32_0 = arith.constant 0 : i32
    return %arg0, %c0_i32 : i32, i32
  }
  func.func @transform_1(%arg0: i32) -> (i32, i32) {
    %c0_i32 = arith.constant 0 : i32
    %c0_i32_0 = arith.constant 0 : i32
    %c0_i32_1 = arith.constant 0 : i32
    return %c0_i32, %c0_i32_0 : i32, i32
  }
  func.func @transform_2(%arg0: i32) -> (i32, i32) {
    %c0_i32 = arith.constant 0 : i32
    %c0_i32_0 = arith.constant 0 : i32
    %c0_i32_1 = arith.constant 0 : i32
    return %c0_i32, %c0_i32_0 : i32, i32
  }
  func.func @transform_3(%arg0: i32) -> (i32, i32) {
    %c0_i32 = arith.constant 0 : i32
    %c0_i32_0 = arith.constant 0 : i32
    %c0_i32_1 = arith.constant 0 : i32
    return %c0_i32, %c0_i32_0 : i32, i32
  }
  func.func @transform_4(%arg0: i32) -> (i32, i32) {
    %c0_i32 = arith.constant 0 : i32
    %c0_i32_0 = arith.constant 0 : i32
    %c0_i32_1 = arith.constant 0 : i32
    return %c0_i32, %c0_i32_0 : i32, i32
  }
  func.func @transform_5(%arg0: i32) -> (i32, i32) {
    %c0_i32 = arith.constant 0 : i32
    %c0_i32_0 = arith.constant 0 : i32
    return %c0_i32, %arg0 : i32, i32
  }
}

</mosaic_0001>

<sc_bundles>
// kernel: kernel.4.cloned.1.call-start
scs
__scs_entry_jumppad:
0x0: {  	(pc) =	sbr.rel $0x88, $3  }
0x1: {  	(tag) =	ssettag $0x0;
	lr =	simm.s32 $0x1  }
0x2: {  	[smem:$0x3F9A] =	sst lr;
	_ =	strace $0xD0000000  }
0x3: {  	_ = 	snop  }
0x4: {  	_ = 	snop  }
0x5: {  	_ = 	snop  }
0x6: {  	_ = 	snop  }
0x7: {  	_ = 	snop  }
__scs_overlays_trampoline_lowered:
0x8: {  	[smem:$0x3FA9] =	sst s0  }
0x9: {  	[smem:$0x3FAA] =	sst s1  }
0xa: {  	[smem:$0x3FAB] =	sst s2  }
0xb: {  	[smem:$0x3FAC] =	sst s3  }
0xc: {  	[smem:$0x3FAD] =	sst s4  }
0xd: {  	[smem:$0x3FAE] =	sst s5  }
0xe: {  	[smem:$0x3FAF] =	sst s6  }
0xf: {  	[smem:$0x3FB0] =	sst s7  }
0x10: {  	[smem:$0x3FB1] =	sst s8  }
0x11: {  	[smem:$0x3FB2] =	sst s9;
	s0 =	simm.s32 @!p0 $0x0  }
0x12: {  	s1 =	sld [smem:$0x3F98];
	s0 =	simm.s32 @p0 $0x1  }
0x13: {  	[smem:$0x3FB3] =	sst s0;
	s0 =	simm.s32 @!p1 $0x0  }
0x14: {  	s2 =	sld [smem:$0x3F97];
	s0 =	simm.s32 @p1 $0x1  }
0x15: {  	[smem:$0x3FB4] =	sst s0;
	s0 =	simm.s32 @!p2 $0x0  }
0x16: {  	s3 =	sld [smem:$0x3FDB];
	s0 =	simm.s32 @p2 $0x1  }
0x17: {  	s4 =	simm.s32 $0x1BF5;
	[smem:$0x3FB6] =	sst s0  }
0x18: {  	s0 =	sld [smem:$0x3F99];
	_ =	swait.ge [sflag:s4], $0x0  }
0x19: {  	s7 =	sld [smem:$0x3F9A]  }
0x1a: {  	s8 =	sadd.s32 $0xFFFFE003, lr  }
0x1b: {  	s9 =	sadd.s32 $0xFFFFFEF7, lr;
	s5 =	simm.s32 $0xFFFFFFFF;
	p2 =	slt.u32 s8, $0xFFFFF086  }
0x1c: {  	p1 =	slt.u32 s9, $0xF7A;
	s5 =	simm.s32 @!p2 $0x0  }
0x1d: {  	s5 =	simm.s32 @p1 $0x1;
	p0 =	seq.s32 s7, s2  }
0x1e: {  	s7 =	smul.u32 @!p0 $0xF7A, s2;
	p2 =	seq.s32 @!p0 s5, $0x0  }
0x1f: {  	s9 =	smul.u32 $0xF7A, s1;
	s8 =	simm.s32 @!p0 $0x1BF5;
	p2 =	por !p2, p0  }
0x20: {  	[sflag:s8] =	ssyncset.s32 @!p0 $0xFFFFF086;
	s6 =	sadd.s32 @!p0 s3, s7;
	s7 =	simm.s32 @!p0 $0x108  }
0x21: {  	s3 =	sadd.s32 s3, s9;
	s6 =	sadd.s32 @!p0 $0x88, s6;
	s7 =	simm.s32 @p2 $0x1082  }
0x22: {  	[simem:s7], [sflag:s8] =	dma.local @!p0 [hbm:s6], $0xF7A  }
0x23: {  	s9 =	sor.u32 $0xD0000000, s2;
	s6 =	simm.s32 $0x108;
	_ =	swait.ge @!p0 [sflag:s8], $0x0  }
0x24: {  	s3 =	sadd.s32 $0x88, s3;
	s6 =	simm.s32 @!p1 $0x1082;
	[sflag:s4] =	ssyncset.s32 $0xFFFFF086  }
0x25: {  	[simem:s6], [sflag:s4] =	dma.local [hbm:s3], $0xF7A  }
0x26: {  	[smem:$0x3F9A] =	sst s1;
	(tag) =	ssettag s2;
	_ =	strace s9  }
0x27: {  	s1 =	sld [smem:$0x3FAA]  }
0x28: {  	s2 =	sld [smem:$0x3FAB]  }
0x29: {  	s4 =	sld [smem:$0x3FAD]  }
0x2a: {  	p0 =	seq.s32 s5, $0x0;
	s5 =	sld [smem:$0x3FAE]  }
0x2b: {  	s6 =	sld [smem:$0x3FAF]  }
0x2c: {  	s7 =	sld [smem:$0x3FB0]  }
0x2d: {  	s3 =	simm.s32 $0x108;
	s8 =	sld [smem:$0x3FB1]  }
0x2e: {  	s3 =	simm.s32 @!p0 $0x1082;
	s9 =	sld [smem:$0x3FB2]  }
0x2f: {  	lr =	sadd.s32 s0, s3;
	s0 =	sld [smem:$0x3FA9]  }
0x30: {  	s3 =	sld [smem:$0x3FAC]  }
0x31: {  	[smem:$0x3FB5] =	sst s10  }
0x32: {  	s10 =	sld [smem:$0x3FB3];
	_ =	sdelay $0x3  }
0x33: {  	p0 =	seq.s32 s10, $0x1;
	s10 =	sld [smem:$0x3FB5];
	_ =	sdelay $0x3  }
0x34: {  	[smem:$0x3FB5] =	sst s10  }
0x35: {  	s10 =	sld [smem:$0x3FB4];
	_ =	sdelay $0x3  }
0x36: {  	p1 =	seq.s32 s10, $0x1;
	s10 =	sld [smem:$0x3FB5];
	_ =	sdelay $0x3  }
0x37: {  	[smem:$0x3FB5] =	sst s10  }
0x38: {  	s10 =	sld [smem:$0x3FB6]  }
0x39: {  	_ = 	snop;
	(pc) =	sbr.ind lr, $3  }
0x3a: {  	_ = 	snop  }
0x3b: {  	_ = 	snop  }
0x3c: {  	p2 =	seq.s32 s10, $0x1;
	s10 =	sld [smem:$0x3FB5]  }
0x3d: {  	_ =	shalt  }
0x3e: {  	_ =	shalt  }
0x3f: {  	_ =	shalt  }
0x40: {  	_ =	shalt  }
0x41: {  	_ =	shalt  }
0x42: {  	_ =	shalt  }
0x43: {  	_ =	shalt  }
0x44: {  	_ =	shalt  }
0x45: {  	_ =	shalt  }
0x46: {  	_ =	shalt  }
0x47: {  	_ =	shalt  }
0x48: {  	_ =	shalt  }
0x49: {  	_ =	shalt  }
0x4a: {  	_ =	shalt  }
0x4b: {  	_ =	shalt  }
0x4c: {  	_ =	shalt  }
0x4d: {  	_ =	shalt  }
0x4e: {  	_ =	shalt  }
0x4f: {  	_ =	shalt  }
0x50: {  	_ =	shalt  }
0x51: {  	_ =	shalt  }
0x52: {  	_ =	shalt  }
0x53: {  	_ =	shalt  }
0x54: {  	_ =	shalt  }
0x55: {  	_ =	shalt  }
0x56: {  	_ =	shalt  }
0x57: {  	_ =	shalt  }
0x58: {  	_ =	shalt  }
0x59: {  	_ =	shalt  }
0x5a: {  	_ =	shalt  }
0x5b: {  	_ =	shalt  }
0x5c: {  	_ =	shalt  }
0x5d: {  	_ =	shalt  }
0x5e: {  	_ =	shalt  }
0x5f: {  	_ =	shalt  }
0x60: {  	_ =	shalt  }
0x61: {  	_ =	shalt  }
0x62: {  	_ =	shalt  }
0x63: {  	_ =	shalt  }
0x64: {  	_ =	shalt  }
0x65: {  	_ =	shalt  }
0x66: {  	_ =	shalt  }
0x67: {  	_ =	shalt  }
0x68: {  	_ =	shalt  }
0x69: {  	_ =	shalt  }
0x6a: {  	_ =	shalt  }
0x6b: {  	_ =	shalt  }
0x6c: {  	_ =	shalt  }
0x6d: {  	_ =	shalt  }
0x6e: {  	_ =	shalt  }
0x6f: {  	_ =	shalt  }
0x70: {  	_ =	shalt  }
0x71: {  	_ =	shalt  }
0x72: {  	_ =	shalt  }
0x73: {  	_ =	shalt  }
0x74: {  	_ =	shalt  }
0x75: {  	_ =	shalt  }
0x76: {  	_ =	shalt  }
0x77: {  	_ =	shalt  }
0x78: {  	_ =	shalt  }
0x79: {  	_ =	shalt  }
0x7a: {  	_ =	shalt  }
0x7b: {  	_ =	shalt  }
0x7c: {  	_ =	shalt  }
0x7d: {  	_ =	shalt  }
0x7e: {  	_ =	shalt  }
0x7f: {  	_ =	shalt  }
0x80: {  	_ =	shalt  }
0x81: {  	_ =	shalt  }
0x82: {  	_ =	shalt  }
0x83: {  	_ =	shalt  }
0x84: {  	_ =	shalt  }
0x85: {  	_ =	shalt  }
0x86: {  	_ =	shalt  }
0x87: {  	_ =	shalt  }
.Lfunc_end0:
.L_simem_size_0:
called_computation_lowered:
.L_overlay_start_0:
0x88: {  	s2 =	sld [smem:$0x3FD9]  }
0x89: {  	s3 =	sld [smem:$0x3FFE];
	_ =	sdelay $0x1  }
0x8a: {  	s1 =	srdreg.scid  }
0x8b: {  	s0 =	sand.u32 $0x1, s1  }
0x8c: {  	s17 =	sshll.u32 s0, $0xA;
	s2 =	sadd.s32 s3, s2  }
0x8d: {  	s2 =	sadd.s32 s2, s17  }
0x8e: {  	[smem:$0x3FC1] =	sst s2  }
0x8f: {  	_ = 	snop  }
0x90: {  	s2 =	sld [smem:$0x3FD0];
	(tm) =	ssettm $0x1  }
0x91: {  	s18 =	sld [smem:$0x3FFB];
	_ =	sdelay $0x3  }
0x92: {  	_ =	strace s18  }
0x93: {  	s3 =	sld [smem:$0x3FFC];
	_ =	sdelay $0x3  }
0x94: {  	_ =	strace s3  }
0x95: {  	s3 =	sld [smem:$0x3FFD];
	_ =	sdelay $0x3  }
0x96: {  	_ =	strace s3  }
0x97: {  	_ =	strace $0x8FFFFFFF  }
0x98: {  	s19 =	sld [smem:$0x3FDB];
	_ =	sdelay $0x1  }
0x99: {  	s4 =	simm.s32 $_scs_section_size  }
0x9a: {  	s5 =	simm.s32 $_size__tile_overlayer_lowered;
	s6 =	simm.s32 $_tile_overlayer_lowered  }
0x9b: {  	s22 =	simm.s32 $0x1BFF;
	s21 =	sshll.u32 s6, $0x1;
	s3 =	sadd.s32 s4, s19  }
0x9c: {  	s7 =	simm.s32 $0x0;
	s20 =	sshll.u32 s5, $0x1;
	s5 =	sadd.s32 s21, s3  }
0x9d: {  	[timem:s7], [sflag:s22] =	dma.local [hbm:s5], s20  }
0x9e: {  	_ =	swait.ge [sflag:s22], s20  }
0x9f: {  	s4 =	ssub.s32 $0x0, s20;
	[sflag:s22] =	ssyncset.done $0x0  }
0xa0: {  	[sflag:s22] =	ssyncadd.s32 s4;
	_ =	sdelay $0x1  }
0xa1: {  	s23 =	simm.s32 $0x1B8B  }
0xa2: {  	_ =	swait.ge [sflag:s23], $0x1  }
0xa3: {  	[sflag:s23] =	ssyncset.done $0x0  }
0xa4: {  	s25 =	simm.s32 $0x1B8E;
	s24 =	sld [smem:$0x3FFE];
	[sflag:s23] =	ssyncadd.s32 $0xFFFFFFFF  }
0xa5: {  	s26 =	simm.s32 $execute0_lowered;
	[smem:$0x3FD2] =	sst s25  }
0xa6: {  	s5 =	sshll.u32 s26, $0x1;
	_ =	strace $0x80000046;
	[dreg:$0x1] =	wrdreg $0xFFFFFFFF  }
0xa7: {  	s28 =	simm.s32 $_size_execute0_lowered;
	s3 =	sadd.s32 s3, s5;
	[dreg:$0x0] =	wrdreg $0x0  }
0xa8: {  	s5 =	sshll.u32 s28, $0x1;
	[dreg:$0x2] =	wrdreg s3  }
0xa9: {  	[dreg:$0x3] =	wrdreg s5  }
0xaa: {  	[dreg:$0x4] =	wrdreg $0xC0  }
0xab: {  	_ =	task [dreg:s7], $0x5FFFF  }
0xac: {  	[dreg:$0x1] =	wrdreg $0xFFFFFFFF  }
0xad: {  	[dreg:$0x0] =	wrdreg $0x60  }
0xae: {  	[dreg:$0x2] =	wrdreg s24  }
0xaf: {  	[dreg:$0x3] =	wrdreg s2  }
0xb0: {  	[dreg:$0x4] =	wrdreg $0x9  }
0xb1: {  	_ =	task.clear_ibuf [dreg:s7], $0x5FFFF;
	_ =	strace $0x90000046  }
0xb2: {  	s29 =	simm.s32 $0x9;
	_ =	strace $0x80000048  }
0xb3: {  	_ =	swait.ge [sflag:s29], $0x1  }
0xb4: {  	[sflag:s29] =	ssyncadd.s32 $0xFFFFFFFF  }
0xb5: {  	_ =	strace $0x90000048  }
0xb6: {  	_ =	sfence  }
0xb7: {  	s30 =	sld [smem:$0x0];
	_ =	sdelay $0x2  }
0xb8: {  	s31 =	sshll.u32 s1, $0xD;
	s1 =	sshrl.u32 s1, $0x2  }
0xb9: {  	s3 =	sand.u32 $0x4000, s31;
	s1 =	sadd.s32 s1, s30  }
0xba: {  	s0 =	sor.u32 s3, s0;
	s1 =	sshll.u32 s1, $0x11  }
0xbb: {  	s0 =	sor.u32 s1, s0  }
0xbc: {  	s0 =	sadd.s32 $0x8F2B, s0  }
0xbd: {  	[sflag:s0] =	ssyncadd.remote.s32 $0x1  }
0xbe: {  	_ =	sfence.sel $0xFFFF  }
0xbf: {  	[dreg:$0x0] =	wrdreg $0xFFFFFFFF;
	(pc) =	sbr.abs _section_cstart, $3  }
0xc0: {  	[dreg:$0x1] =	wrdreg $0xFFFFFFFF  }
0xc1: {  	_ =	task.clear_ibuf [dreg:s7], $0x2FFFF;
	_ =	strace $0x9FFFFFFF  }
0xc2: {  	(tm) =	ssettm $0x7FFFFFFF  }
0xc3: {  	_ =	shalt  }
tec
execute0_lowered:
.L_overlay_start_1:
0x0: {  	(tag) =	ssettag $0x1  }
0x1: {  	v0 =	vimm.s32 $0x76543210;
	vm0 =	vcmask $0x1F00;
	v1 =	vimm.s32 $0x83828180  }
0x2: {  	v21 =	vimm.s32 $0x107;
	vm2 =	vcmask $0x300;
	vm3 =	vcmask $0x704  }
0x3: {  	v2 =	vimm.s32 $0x87868584;
	vm4 =	vcmask $0xB08;
	vm5 =	vcmask $0xF0C  }
0x4: {  	vm8 =	vcmask $0x1F10;
	vm6 =	vcmask $0x1310;
	vm7 =	vcmask $0x1714  }
0x5: {  	vm1 =	vcmask $0x1B18;
	v23 =	vimm.s32 $0x187;
	v24 =	vimm.s32 $0x207  }
0x6: {  	v25 =	vimm.s32 $0x287;
	v57 =	vlaneseq.u32;
	v28 =	vimm.s32 $0x307  }
0x7: {  	v30 =	vimm.s32 $0x387;
	v31 =	vimm.s32 $0x407;
	v35 =	vimm.s32 $0x487  }
0x8: {  	v37 =	vimm.s32 $0x507;
	v38 =	vimm.s32 $0x587;
	v41 =	vimm.s32 $0x2  }
0x9: {  	vm12 =	vcmask $0x1700;
	v3 =	vimm.s32 $0x27262524;
	v4 =	vimm.s32 $0x25242928  }
0xa: {  	v5 =	vimm.s32 $0x29282726;
	vm13 =	vcmask $0x2F18;
	v48 =	vimm.s32 $0x8  }
0xb: {  	v49 =	vimm.s32 $0x2D2C2B2A;
	v50 =	vimm.s32 $0x2B2A2F2E;
	v52 =	vimm.s32 $0x2F2E2D2C  }
0xc: {  	v54 =	vimm.s32 $0xE;
	v58 =	vimm.s32 $0x33323130;
	v59 =	vimm.s32 $0x31303534  }
0xd: {  	v60 =	vimm.s32 $0x35343332;
	v61 =	vimm.s32 $0x14;
	v62 =	vimm.s32 $0x39383736  }
0xe: {  	v63 =	vimm.s32 $0x37363B3A;
	v9 =	vimm.s32 $0x3B3A3938;
	v11 =	vimm.s32 $0x1A  }
0xf: {  	v12 =	vimm.s32 $0x3F3E3D3C;
	v13 =	vimm.s32 $0x3D3C4140;
	v15 =	vimm.s32 $0x41403F3E  }
0x10: {  	v16 =	vimm.s32 $0x20;
	v18 =	vimm.s32 $0x45444342;
	v19 =	vimm.s32 $0x43424746  }
0x11: {  	vm14 =	vcmask $0x3720;
	vm15 =	vcmask $0x2710;
	v0 =	vunpack.c.l.s4.s8 v0  }
0x12: {  	v20 =	vunpack.c.0.s8.s32 v1;
	v1 =	vsel vm2, $0x100, v21;
	v2 =	vunpack.c.0.s8.s32 v2  }
0x13: {  	v29 =	vadd.s32 $0x48, v57;
	v36 =	vsel vm2, $0x480, v35;
	v3 =	vunpack.c.0.s8.s32 v3  }
0x14: {  	v4 =	vunpack.c.0.s8.s32 v4;
	v5 =	vunpack.c.0.s8.s32 v5;
	v0 =	vunpack.c.0.s8.s32 v0  }
0x15: {  	v43 =	vsel vm12, $0x0, v41;
	v46 =	vadd.s32 $0x4E, v57;
	v1 =	vsel vm3, $0x101, v1  }
0x16: {  	v1 =	vsel vm4, $0x102, v1;
	v0 =	vnsel vm0, $0x7, v0;
	vm0 =	vcmask $0xF00  }
0x17: {  	v51 =	vunpack.c.0.s8.s32 v50;
	v1 =	vsel vm5, $0x103, v1;
	[tilespmem:$0x1FB80] =	vst v0;
	v0 =	vnsel vm0, $0x87, v20  }
0x18: {  	v53 =	vunpack.c.0.s8.s32 v52;
	v1 =	vsel vm6, $0x104, v1;
	v0 =	vsel vm8, v2, v0  }
0x19: {  	v56 =	vsel vm12, $0xC, v54;
	v22 =	vsel vm7, $0x105, v1;
	v0 =	vand.u32 $0xFF, v0  }
0x1a: {  	v7 =	vunpack.c.0.s8.s32 v59;
	v8 =	vunpack.c.0.s8.s32 v60;
	[tilespmem:$0x1FB90] =	vst v0;
	v0 =	vsel vm1, $0x106, v22  }
0x1b: {  	v10 =	vsel vm12, $0x12, v61;
	v14 =	vunpack.c.0.s8.s32 v13;
	[tilespmem:$0x1FBA0] =	vst v0;
	v0 =	vsel vm2, $0x180, v23  }
0x1c: {  	v17 =	vsel vm12, $0x1E, v16;
	v2 =	vsel vm2, $0x280, v25;
	v0 =	vsel vm3, $0x181, v0  }
0x1d: {  	v21 =	vimm.s32 $0x4A;
	v2 =	vsel vm3, $0x281, v2;
	v0 =	vsel vm4, $0x182, v0  }
0x1e: {  	v1 =	vsel vm2, $0x200, v24;
	v2 =	vsel vm4, $0x282, v2;
	v0 =	vsel vm5, $0x183, v0  }
0x1f: {  	v1 =	vsel vm3, $0x201, v1;
	v2 =	vsel vm5, $0x283, v2;
	v0 =	vsel vm6, $0x184, v0  }
0x20: {  	v1 =	vsel vm4, $0x202, v1;
	v2 =	vsel vm6, $0x284, v2;
	v0 =	vsel vm7, $0x185, v0  }
0x21: {  	[tilespmem:$0x1FBE0] =	vst v29;
	v1 =	vsel vm5, $0x203, v1;
	v27 =	vsel vm7, $0x285, v2;
	v0 =	vsel vm1, $0x186, v0  }
0x22: {  	v29 =	vimm.s32 $0xF0F0E0E;
	v1 =	vsel vm6, $0x204, v1;
	[tilespmem:$0x1FBB0] =	vst v0;
	v0 =	vsel vm1, $0x286, v27  }
0x23: {  	v44 =	vsel vm8, v4, v3;
	v1 =	vsel vm7, $0x205, v1;
	[tilespmem:$0x1FBD0] =	vst v0;
	v0 =	vsel vm2, $0x300, v28  }
0x24: {  	[tilespmem:$0x1FC70] =	vst v46;
	v26 =	vsel vm1, $0x206, v1;
	v1 =	vsel vm2, $0x380, v30;
	v0 =	vsel vm3, $0x301, v0  }
0x25: {  	[tilespmem:$0x1FC50] =	vst v4;
	v2 =	vsel vm2, $0x400, v31;
	v1 =	vsel vm3, $0x381, v1;
	v0 =	vsel vm4, $0x302, v0  }
0x26: {  	[tilespmem:$0x1FC60] =	vst v5;
	v2 =	vsel vm3, $0x401, v2;
	v1 =	vsel vm4, $0x382, v1;
	v0 =	vsel vm5, $0x303, v0  }
0x27: {  	[tilespmem:$0x1FCD0] =	vst v51;
	v2 =	vsel vm4, $0x402, v2;
	v1 =	vsel vm5, $0x383, v1;
	v0 =	vsel vm6, $0x304, v0  }
0x28: {  	[tilespmem:$0x1FCE0] =	vst v53;
	v2 =	vsel vm5, $0x403, v2;
	v1 =	vsel vm6, $0x384, v1;
	v0 =	vsel vm7, $0x305, v0  }
0x29: {  	[tilespmem:$0x1FD00] =	vst v7;
	v33 =	vsel vm6, $0x404, v2;
	v32 =	vsel vm7, $0x385, v1;
	v0 =	vsel vm1, $0x306, v0  }
0x2a: {  	v45 =	vsel vm8, v3, v5;
	v34 =	vsel vm7, $0x405, v33;
	[tilespmem:$0x1FBF0] =	vst v0;
	v0 =	vsel vm1, $0x386, v32  }
0x2b: {  	v3 =	vunpack.c.0.s8.s32 v63;
	v4 =	vunpack.c.0.s8.s32 v9;
	[tilespmem:$0x1FC00] =	vst v0;
	v0 =	vsel vm1, $0x406, v34  }
0x2c: {  	v47 =	vcombine.low v44, v45;
	v1 =	vsel vm2, $0x500, v37;
	[tilespmem:$0x1FC10] =	vst v0;
	v0 =	vsel vm3, $0x481, v36  }
0x2d: {  	[tilespmem:$0x1FD10] =	vst v8;
	v20 =	vimm.s32 $0x47464544;
	v1 =	vsel vm3, $0x501, v1;
	v0 =	vsel vm4, $0x482, v0  }
0x2e: {  	[tilespmem:$0x1FD60] =	vst v14;
	v25 =	vimm.s32 $0x9090808;
	v1 =	vsel vm4, $0x502, v1;
	v0 =	vsel vm5, $0x483, v0  }
0x2f: {  	[tilespmem:$0x1FC90] =	vst v44;
	v2 =	vsel vm2, $0x580, v38;
	v1 =	vsel vm5, $0x503, v1;
	v0 =	vsel vm6, $0x484, v0  }
0x30: {  	[tilespmem:$0x1FCA0] =	vst v45;
	v2 =	vsel vm3, $0x581, v2;
	v1 =	vsel vm6, $0x504, v1;
	v0 =	vsel vm7, $0x485, v0  }
0x31: {  	[tilespmem:$0x1FD30] =	vst v3;
	v2 =	vsel vm4, $0x582, v2;
	v39 =	vsel vm7, $0x505, v1;
	v0 =	vsel vm1, $0x486, v0  }
0x32: {  	v22 =	vimm.s32 $0x51504F4E;
	v2 =	vsel vm5, $0x583, v2;
	[tilespmem:$0x1FC20] =	vst v0;
	v0 =	vsel vm1, $0x506, v39  }
0x33: {  	v23 =	vimm.s32 $0x3030202;
	v40 =	vsel vm6, $0x584, v2;
	[tilespmem:$0x1FC30] =	vst v0;
	v0 =	vsel vm13, $0x1, v43  }
0x34: {  	v24 =	vunpack.c.0.s8.s32 v23;
	v1 =	vsel vm7, $0x585, v40;
	[tilespmem:$0x1FC80] =	vst v0;
	v0 =	vsel vm12, $0x6, v48  }
0x35: {  	[tilespmem:$0x1FBC0] =	vst v26;
	v42 =	vsel vm1, $0x586, v1;
	v1 =	vunpack.c.0.s8.s32 v49;
	v0 =	vsel vm13, $0x7, v0  }
0x36: {  	v31 =	vimm.s32 $0x15151414;
	v26 =	vimm.s32 $0x4F4E5352;
	[tilespmem:$0x1FCC0] =	vst v0;
	v0 =	vsel vm13, $0xD, v56  }
0x37: {  	v2 =	vunpack.c.0.s8.s32 v62;
	v55 =	vsel vm8, v51, v1;
	[tilespmem:$0x1FCF0] =	vst v0;
	v0 =	vunpack.c.0.s8.s32 v58  }
0x38: {  	[tilespmem:$0x1FD40] =	vst v4;
	v6 =	vsel vm8, v1, v53;
	v1 =	vunpack.c.0.s8.s32 v12;
	v12 =	vunpack.c.0.s8.s32 v15  }
0x39: {  	[tilespmem:$0x1FCB0] =	vst v47;
	v7 =	vsel vm8, v7, v0;
	v8 =	vsel vm8, v0, v8;
	v0 =	vsel vm13, $0x13, v10  }
0x3a: {  	v9 =	vsel vm8, v3, v2;
	v3 =	vunpack.c.0.s8.s32 v19;
	[tilespmem:$0x1FD20] =	vst v0;
	v0 =	vsel vm12, $0x18, v11  }
0x3b: {  	[tilespmem:$0x1FD70] =	vst v12;
	v10 =	vsel vm8, v2, v4;
	v2 =	vunpack.c.0.s8.s32 v18;
	v0 =	vsel vm13, $0x19, v0  }
0x3c: {  	v27 =	vimm.s32 $0x53525150;
	v4 =	vunpack.c.0.s8.s32 v20;
	[tilespmem:$0x1FD50] =	vst v0;
	v0 =	vsel vm13, $0x1F, v17  }
0x3d: {  	v33 =	vimm.s32 $0x1B1B1A1A;
	v13 =	vsel vm8, v3, v2;
	[tilespmem:$0x1FD80] =	vst v0;
	v0 =	vsel vm12, $0x48, v21  }
0x3e: {  	[tilespmem:$0x1FDA0] =	vst v4;
	v4 =	vsel vm8, v2, v4;
	v2 =	vunpack.c.0.s8.s32 v26;
	v0 =	vsel vm13, $0x49, v0  }
0x3f: {  	v28 =	vunpack.c.0.s8.s32 v27;
	v34 =	vimm.s32 $0x21212020;
	[tilespmem:$0x1FDB0] =	vst v0;
	v0 =	vunpack.c.0.s8.s32 v22  }
0x40: {  	v12 =	vsel vm8, v1, v12;
	v11 =	vsel vm8, v14, v1;
	v1 =	vunpack.c.0.s8.s32 v25;
	[tilespmem:$0x1FDD0] =	vst v2  }
0x41: {  	v35 =	vunpack.c.0.s8.s32 v34;
	v2 =	vunpack.c.0.s8.s32 v29;
	[tilespmem:$0x1FDC0] =	vst v0;
	v0 =	vnsel vm0, $0x5, v24  }
0x42: {  	[tilespmem:$0x1FDE0] =	vst v28;
	v36 =	vimm.s32 $0x4B4B4A4A;
	v1 =	vnsel vm0, $0xB, v1;
	v0 =	vsel vm8, $0x3, v0  }
0x43: {  	[tilespmem:$0x1FD90] =	vst v3;
	v32 =	vnsel vm0, $0x11, v2;
	v2 =	vunpack.c.0.s8.s32 v33;
	v0 =	vsel vm14, $0x4, v0  }
0x44: {  	v3 =	vunpack.c.0.s8.s32 v36;
	v1 =	vsel vm8, $0x9, v1;
	[tilespmem:$0x1FDF0] =	vst v0;
	v0 =	vunpack.c.0.s8.s32 v31  }
0x45: {  	[tilespmem:$0x1FC40] =	vst v42;
	v30 =	vsel vm14, $0xA, v1;
	v1 =	vsel vm8, $0xF, v32;
	v2 =	vnsel vm0, $0x1D, v2  }
0x46: {  	[tilespmem:$0x1FE00] =	vst v30;
	v1 =	vsel vm14, $0x10, v1;
	v2 =	vsel vm8, $0x1B, v2;
	v0 =	vnsel vm0, $0x17, v0  }
0x47: {  	[tilespmem:$0x1FE10] =	vst v1;
	v1 =	vnsel vm0, $0x23, v35;
	v37 =	vsel vm14, $0x1C, v2;
	v0 =	vsel vm8, $0x15, v0  }
0x48: {  	v40 =	vimm.s32 $0x7;
	v38 =	vsel vm8, $0x21, v1;
	[tilespmem:$0x1FE30] =	vst v37;
	v0 =	vsel vm14, $0x16, v0  }
0x49: {  	v39 =	vnsel vm0, $0x4D, v3;
	v1 =	vsel vm0, $0x5, v40;
	[tilespmem:$0x1FE20] =	vst v0;
	v0 =	vsel vm14, $0x22, v38  }
0x4a: {  	s5 =	rddreg [dreg:$0x0];
	v44 =	vimm.s32 $0x19;
	v41 =	vsel vm15, $0x6, v1;
	[tilespmem:$0x1FE40] =	vst v0;
	v0 =	vsel vm8, $0x4B, v39  }
0x4b: {  	s2 =	rddreg [dreg:$0x1];
	s3 =	simm.s32 $0x0;
	v50 =	vimm.s32 $0x4F;
	v46 =	vsel vm0, $0x17, v44;
	[tilespmem:$0x1FE60] =	vst v41;
	v0 =	vsel vm14, $0x4C, v0  }
0x4c: {  	s1 =	srdreg.scid;
	[smem:$0x7FF] =	sst s3;
	v52 =	vsel vm0, $0x4D, v50;
	v47 =	vsel vm15, $0x18, v46;
	[tilespmem:$0x1FE50] =	vst v0  }
0x4d: {  	s6 =	sand.u32 $0x1, s1;
	s1 =	rddreg [dreg:$0x2];
	v53 =	vsel vm15, $0x4E, v52;
	_ =	strace $0x80000047;
	[tilespmem:$0x1FE90] =	vst v47  }
0x4e: {  	[tilespmem:$0x1FEC0] =	vst v53  }
0x4f: {  	v54 =	vcombine.low v55, v6;
	[tilespmem:$0x1FED0] =	vst v55  }
0x50: {  	[tilespmem:$0x1FEE0] =	vst v6  }
0x51: {  	[tilespmem:$0x1FEF0] =	vst v54  }
0x52: {  	v56 =	vcombine.low v7, v8;
	[tilespmem:$0x1FF10] =	vst v7  }
0x53: {  	[tilespmem:$0x1FF20] =	vst v8  }
0x54: {  	[tilespmem:$0x1FF30] =	vst v56  }
0x55: {  	v58 =	vcombine.low v9, v10;
	[tilespmem:$0x1FF40] =	vst v9  }
0x56: {  	[tilespmem:$0x1FF50] =	vst v10  }
0x57: {  	v59 =	vadd.s32 $0x6C, v57;
	[tilespmem:$0x1FF60] =	vst v58  }
0x58: {  	[tilespmem:$0x1FF70] =	vst v59  }
0x59: {  	v60 =	vcombine.low v11, v12;
	[tilespmem:$0x1FF80] =	vst v11  }
0x5a: {  	[tilespmem:$0x1FF90] =	vst v12  }
0x5b: {  	v61 =	vor.u32 $0x90, v57;
	[tilespmem:$0x1FFA0] =	vst v60  }
0x5c: {  	[tilespmem:$0x1FFB0] =	vst v61  }
0x5d: {  	s0 =	stileid.u32;
	s11 =	simm.s32 $0x8000;
	s12 =	simm.s32 $0x1;
	v62 =	vcombine.low v13, v4;
	[tilespmem:$0x1FFC0] =	vst v13  }
0x5e: {  	s13 =	simm.s32 $0xC00;
	s14 =	simm.s32 $0x4400;
	s15 =	simm.s32 $0x7C00;
	v42 =	vimm.s32 $0xD;
	[tilespmem:$0x1FFD0] =	vst v4  }
0x5f: {  	s16 =	simm.s32 $0xBD80;
	s17 =	simm.s32 $0x7C80;
	s4 =	sshll.u32 s0, $0x1;
	v63 =	vadd.s32 $0xB4, v57;
	v43 =	vimm.s32 $0x13;
	v0 =	vsel vm0, $0xB, v42;
	[tilespmem:$0x1FFE0] =	vst v62  }
0x60: {  	s18 =	simm.s32 $0x7D80;
	s19 =	simm.s32 $0x0;
	s7 =	sor.u32 s6, s4;
	v45 =	vsel vm0, $0x11, v43;
	v0 =	vsel vm15, $0xC, v0;
	[tilespmem:$0x1FFF0] =	vst v63  }
0x61: {  	s4 =	sadd.s32 $0x1400, s5;
	s6 =	ssub.s32 $0x2, s6;
	s8 =	smul.u32 $0x700, s7;
	v48 =	vimm.s32 $0x1F;
	[tilespmem:$0x1FE70] =	vst v0;
	v0 =	vsel vm15, $0x12, v45  }
0x62: {  	s9 =	sshll.u32 s7, $0xB;
	s10 =	sshrl.u32 s6, $0x1;
	s31 =	sshll.u32 s7, $0x7;
	v49 =	vimm.s32 $0x25;
	v55 =	vadd.s32 $0x24, v57;
	[tilespmem:$0x1FE80] =	vst v0;
	v0 =	vsel vm0, $0x1D, v48  }
0x63: {  	s9 =	sadd.s32 s9, s5;
	s10 =	ssub.s32 s6, s10;
	s8 =	sadd.s32 s8, s5;
	v51 =	vsel vm0, $0x23, v49;
	[tilespmem:$0x1FF00] =	vst v55;
	v0 =	vsel vm15, $0x1E, v0  }
0x64: {  	s5 =	sadd.s32 s4, s31;
	s6 =	sadd.s32 $0x12400, s8;
	s7 =	sadd.s32 $0x4400, s8;
	[tilespmem:$0x1FEA0] =	vst v0;
	v0 =	vsel vm15, $0x24, v51  }
0x65: {  	s8 =	sadd.s32 $0x20400, s9;
	s9 =	smax.u32 s10, $0x1;
	s10 =	simm.s32 $0x400;
	v60 =	vimm.s32 $0x0;
	[tilespmem:$0x1FEB0] =	vst v0  }
.LBB2_1:
0x66: {  	[tilespmem:s3], [sflag:$0x1] =	stream.strided.gather [hbm4b:s5+s10], $0xC00, s11, s10, $0x38;
	[tilespmem:$0xC980] =	vst v63  }
0x67: {  	_ =	swait.ge [sflag:s12], $0xC00  }
0x68: {  	[sflag:s12] =	ssyncset.done $0x0  }
0x69: {  	[sflag:s12] =	ssyncadd.s32 $0xFFFFF400  }
0x6a: {  	[tilespmem:s13], [sflag:$0x1] =	stream.linear.gather [hbm4b:s6+s3], $0x3800, $0x38;
	[tilespmem:$0xC980] =	vst v63  }
0x6b: {  	_ =	swait.ge [sflag:s12], $0x3800  }
0x6c: {  	[sflag:s12] =	ssyncset.done $0x0  }
0x6d: {  	[sflag:s12] =	ssyncadd.s32 $0xFFFFC800  }
0x6e: {  	[tilespmem:s14], [sflag:$0x1] =	stream.linear.gather [hbm4b:s7+s3], $0x3800, $0x38;
	[tilespmem:$0xC980] =	vst v63  }
0x6f: {  	_ =	swait.ge [sflag:s12], $0x3800  }
0x70: {  	[sflag:s12] =	ssyncset.done $0x0  }
0x71: {  	[sflag:s12] =	ssyncadd.s32 $0xFFFFC800  }
0x72: {  	[tilespmem:s15], [sflag:$0x1] =	stream.linear.gather [hbm4b:s2+s3], $0x80, $0x38;
	[tilespmem:$0xC980] =	vst v63  }
0x73: {  	_ =	swait.ge [sflag:s12], $0x80  }
0x74: {  	[sflag:s12] =	ssyncset.done $0x0  }
0x75: {  	[sflag:s12] =	ssyncadd.s32 $0xFFFFFF80  }
0x76: {  	[tilespmem:s16], [sflag:$0x1] =	stream.strided.gather [hbm4b:s4+s10], $0xC00, s11, s10, $0x38;
	[tilespmem:$0xC980] =	vst v63  }
0x77: {  	_ =	swait.ge [sflag:s12], $0xC00  }
0x78: {  	v0 =	vld [tilespmem:$0x1FB80]  }
0x79: {  	v1 =	vld [tilespmem:$0x1FB90]  }
0x7a: {  	v2 =	vld [tilespmem:$0x1FBA0]  }
0x7b: {  	v3 =	vld [tilespmem:$0x1FBB0]  }
0x7c: {  	v4 =	vld [tilespmem:$0x1FBC0]  }
0x7d: {  	v5 =	vld [tilespmem:$0x1FBD0]  }
0x7e: {  	[sflag:s12] =	ssyncset.done $0x0  }
0x7f: {  	[sflag:s12] =	ssyncadd.s32 $0xFFFFF400  }
0x80: {  	v0 =	vld.idx.msk [tilespmem:v0+s16+$0x0], $0xffff  }
0x81: {  	v1 =	vld.idx.msk [tilespmem:v1+s16+$0x0], $0xffff  }
0x82: {  	v2 =	vld.idx.msk [tilespmem:v2+s16+$0x0], $0xffff  }
0x83: {  	v3 =	vld.idx.msk [tilespmem:v3+s16+$0x0], $0xffff  }
0x84: {  	v4 =	vld.idx.msk [tilespmem:v4+s16+$0x0], $0xffff  }
0x85: {  	v5 =	vld.idx.msk [tilespmem:v5+s16+$0x0], $0xffff  }
0x86: {  	v7 =	vmax.f32 v0, v1  }
0x87: {  	v7 =	vmax.f32 v7, v2  }
0x88: {  	v7 =	vmax.f32 v7, v3  }
0x89: {  	v7 =	vmax.f32 v7, v4  }
0x8a: {  	v7 =	vmax.f32 v7, v5  }
0x8b: {  	v0 =	vsub.f32 v0, v7  }
0x8c: {  	v1 =	vsub.f32 v1, v7  }
0x8d: {  	v0 =	vmul.f32 $1.442695020e+00, v0  }
0x8e: {  	v2 =	vsub.f32 v2, v7;
	v1 =	vmul.f32 $1.442695020e+00, v1  }
0x8f: {  	(erf) = vpow2.f32 v0  }
0x90: {  	v42 =	vsub.f32 v3, v7;
	v41 =	vmul.f32 $1.442695020e+00, v2;
	(erf) = vpow2.f32 v1;
	_ =	sdelay $0x1  }
0x91: {  	v44 =	vsub.f32 v4, v7;
	v43 =	vmul.f32 $1.442695020e+00, v42;
	(erf) = vpow2.f32 v41;
	_ =	sdelay $0x1  }
0x92: {  	v46 =	vsub.f32 v5, v7;
	v45 =	vmul.f32 $1.442695020e+00, v44;
	(erf) = vpow2.f32 v43;
	_ =	sdelay $0x1  }
0x93: {  	v47 =	vmul.f32 $1.442695020e+00, v46;
	(erf) = vpow2.f32 v45;
	_ =	sdelay $0x1  }
0x94: {  	v48 =	vpop (erf);
	(erf) = vpow2.f32 v47  }
0x95: {  	v49 =	vpop (erf)  }
0x96: {  	v0 =	vadd.f32 v49, v48  }
0x97: {  	v50 =	vpop (erf)  }
0x98: {  	v0 =	vadd.f32 v0, v50  }
0x99: {  	v51 =	vpop (erf)  }
0x9a: {  	v0 =	vadd.f32 v0, v51  }
0x9b: {  	v52 =	vpop (erf)  }
0x9c: {  	v0 =	vadd.f32 v0, v52  }
0x9d: {  	v53 =	vpop (erf)  }
0x9e: {  	v0 =	vadd.f32 v0, v53;
	_ =	sdelay $0x1  }
0x9f: {  	(erf) = vrcp.f32 v0;
	_ =	sdelay $0x3  }
0xa0: {  	v6 =	vld [tilespmem:$0x1FBE0]  }
0xa1: {  	v54 =	vld [tilespmem:$0x1FBF0]  }
0xa2: {  	v55 =	vld [tilespmem:$0x1FC00]  }
0xa3: {  	v56 =	vld [tilespmem:$0x1FC10]  }
0xa4: {  	v58 =	vld [tilespmem:$0x1FC20]  }
0xa5: {  	v59 =	vld [tilespmem:$0x1FC30];
	v0 =	vpop (erf)  }
0xa6: {  	v61 =	vld [tilespmem:$0x1FC40];
	v0 =	vmul.f32 v0, v48;
	_ =	sdelay $0x1  }
0xa7: {  	[tilespmem:v6+s15+$0x0] =	vst.idx.msk $0x3f, v0  }
0xa8: {  	v0 =	vld.idx.msk [tilespmem:v54+s16+$0x0], $0xffff  }
0xa9: {  	v1 =	vld.idx.msk [tilespmem:v55+s16+$0x0], $0xffff  }
0xaa: {  	v2 =	vld.idx.msk [tilespmem:v56+s16+$0x0], $0xffff  }
0xab: {  	v3 =	vld.idx.msk [tilespmem:v58+s16+$0x0], $0xffff  }
0xac: {  	v4 =	vld.idx.msk [tilespmem:v59+s16+$0x0], $0xffff  }
0xad: {  	v5 =	vld.idx.msk [tilespmem:v61+s16+$0x0], $0xffff  }
0xae: {  	v62 =	vmax.f32 v0, v1  }
0xaf: {  	v7 =	vmax.f32 v62, v2  }
0xb0: {  	v7 =	vmax.f32 v7, v3  }
0xb1: {  	v7 =	vmax.f32 v7, v4  }
0xb2: {  	v7 =	vmax.f32 v7, v5  }
0xb3: {  	v0 =	vsub.f32 v0, v7  }
0xb4: {  	v1 =	vsub.f32 v1, v7  }
0xb5: {  	v0 =	vmul.f32 $1.442695020e+00, v0  }
0xb6: {  	v2 =	vsub.f32 v2, v7;
	v1 =	vmul.f32 $1.442695020e+00, v1  }
0xb7: {  	(erf) = vpow2.f32 v0  }
0xb8: {  	v8 =	vsub.f32 v3, v7;
	v63 =	vmul.f32 $1.442695020e+00, v2;
	(erf) = vpow2.f32 v1;
	_ =	sdelay $0x1  }
0xb9: {  	v10 =	vsub.f32 v4, v7;
	v9 =	vmul.f32 $1.442695020e+00, v8;
	(erf) = vpow2.f32 v63;
	_ =	sdelay $0x1  }
0xba: {  	v12 =	vsub.f32 v5, v7;
	v11 =	vmul.f32 $1.442695020e+00, v10;
	(erf) = vpow2.f32 v9;
	_ =	sdelay $0x1  }
0xbb: {  	v13 =	vmul.f32 $1.442695020e+00, v12;
	(erf) = vpow2.f32 v11;
	_ =	sdelay $0x1  }
0xbc: {  	v14 =	vpop (erf);
	(erf) = vpow2.f32 v13  }
0xbd: {  	v15 =	vpop (erf)  }
0xbe: {  	v0 =	vadd.f32 v15, v14  }
0xbf: {  	v16 =	vpop (erf)  }
0xc0: {  	v0 =	vadd.f32 v0, v16  }
0xc1: {  	v17 =	vpop (erf)  }
0xc2: {  	v0 =	vadd.f32 v0, v17  }
0xc3: {  	v18 =	vpop (erf)  }
0xc4: {  	v0 =	vadd.f32 v0, v18  }
0xc5: {  	v19 =	vpop (erf)  }
0xc6: {  	v0 =	vadd.f32 v0, v19;
	_ =	sdelay $0x1  }
0xc7: {  	(erf) = vrcp.f32 v0;
	_ =	sdelay $0x3  }
0xc8: {  	v20 =	vld [tilespmem:$0x1FC70]  }
0xc9: {  	v21 =	vld [tilespmem:$0x1FC80]  }
0xca: {  	v22 =	vld [tilespmem:$0x1FCB0];
	_ =	sdelay $0x2  }
0xcb: {  	v0 =	vpop (erf)  }
0xcc: {  	v0 =	vmul.f32 v0, v14;
	_ =	sdelay $0x1  }
0xcd: {  	v23 =	vld [tilespmem:$0x1FCC0];
	[tilespmem:v20+s15+$0x0] =	vst.idx.msk $0x3f, v0  }
0xce: {  	v0 =	vld.idx.msk [tilespmem:v21+s15+$0x0], $0xffff  }
0xcf: {  	v1 =	vld.idx.msk [tilespmem:v22+s15+$0x0], $0xffff  }
0xd0: {  	v24 =	vld [tilespmem:$0x1FEF0];
	_ =	sdelay $0x3  }
0xd1: {  	v0 =	vadd.f32 v1, v0  }
0xd2: {  	v25 =	vld [tilespmem:$0x1FF00]  }
0xd3: {  	v26 =	vld [tilespmem:$0x1FCF0];
	[tilespmem:v57+s17+$0x0] =	vst.idx.msk $0xffff, v0  }
0xd4: {  	v0 =	vld.idx.msk [tilespmem:v23+s15+$0x0], $0xffff  }
0xd5: {  	v1 =	vld.idx.msk [tilespmem:v24+s15+$0x0], $0xffff  }
0xd6: {  	v27 =	vld [tilespmem:$0x1FF30];
	_ =	sdelay $0x3  }
0xd7: {  	v0 =	vadd.f32 v1, v0;
	_ =	sdelay $0x1  }
0xd8: {  	v28 =	vld [tilespmem:$0x1FD20];
	[tilespmem:v25+s17+$0x0] =	vst.idx.msk $0xffff, v0  }
0xd9: {  	v0 =	vld.idx.msk [tilespmem:v26+s15+$0x0], $0xffff  }
0xda: {  	v1 =	vld.idx.msk [tilespmem:v27+s15+$0x0], $0xffff  }
0xdb: {  	v29 =	vld [tilespmem:$0x1FF60];
	_ =	sdelay $0x3  }
0xdc: {  	v0 =	vadd.f32 v1, v0  }
0xdd: {  	v30 =	vld [tilespmem:$0x1FF70]  }
0xde: {  	v31 =	vld [tilespmem:$0x1FD50];
	[tilespmem:v6+s17+$0x0] =	vst.idx.msk $0xffff, v0  }
0xdf: {  	v0 =	vld.idx.msk [tilespmem:v28+s15+$0x0], $0xffff  }
0xe0: {  	v1 =	vld.idx.msk [tilespmem:v29+s15+$0x0], $0xffff  }
0xe1: {  	v32 =	vld [tilespmem:$0x1FFA0];
	_ =	sdelay $0x3  }
0xe2: {  	v0 =	vadd.f32 v1, v0  }
0xe3: {  	v33 =	vld [tilespmem:$0x1FFB0]  }
0xe4: {  	v34 =	vld [tilespmem:$0x1FD80];
	[tilespmem:v30+s17+$0x0] =	vst.idx.msk $0xffff, v0  }
0xe5: {  	v0 =	vld.idx.msk [tilespmem:v31+s15+$0x0], $0xffff  }
0xe6: {  	v1 =	vld.idx.msk [tilespmem:v32+s15+$0x0], $0xffff  }
0xe7: {  	v35 =	vld [tilespmem:$0x1FFE0];
	_ =	sdelay $0x1  }
0xe8: {  	v36 =	vld [tilespmem:$0x1FDC0]  }
0xe9: {  	v39 =	vld [tilespmem:$0x1FFF0]  }
0xea: {  	v12 =	vld [tilespmem:$0x1FDD0];
	v0 =	vadd.f32 v1, v0  }
0xeb: {  	v13 =	vld [tilespmem:$0x1FDE0]  }
0xec: {  	v40 =	vld [tilespmem:$0x1FDB0];
	[tilespmem:v33+s17+$0x0] =	vst.idx.msk $0xffff, v0  }
0xed: {  	v0 =	vld.idx.msk [tilespmem:v34+s15+$0x0], $0xffff  }
0xee: {  	v1 =	vld.idx.msk [tilespmem:v35+s15+$0x0], $0xffff  }
0xef: {  	vm0 =	vcmask $0x1F10  }
0xf0: {  	v37 =	vsel vm0, v12, v36;
	v3 =	vsel vm0, v36, v13  }
0xf1: {  	v38 =	vcombine.low v37, v3  }
0xf2: {  	v42 =	vld [tilespmem:$0x1FC50]  }
0xf3: {  	v44 =	vld [tilespmem:$0x1FC90];
	v0 =	vadd.f32 v1, v0  }
0xf4: {  	v43 =	vld [tilespmem:$0x1FC60]  }
0xf5: {  	v46 =	vld [tilespmem:$0x1FDF0];
	[tilespmem:v39+s17+$0x0] =	vst.idx.msk $0xffff, v0  }
0xf6: {  	v0 =	vld.idx.msk [tilespmem:v40+s15+$0x0], $0xffff  }
0xf7: {  	v1 =	vld.idx.msk [tilespmem:v38+s15+$0x0], $0xffff;
	_ =	sdelay $0x1  }
0xf8: {  	v41 =	vadd.s32 $0xD8, v57;
	v5 =	vsel vm0, v43, v42  }
0xf9: {  	v45 =	vcombine.low v5, v44  }
0xfa: {  	v49 =	vld [tilespmem:$0x1FCD0]  }
0xfb: {  	v50 =	vld [tilespmem:$0x1FCE0];
	v0 =	vmul.f32 v1, v0  }
0xfc: {  	v51 =	vld [tilespmem:$0x1FED0]  }
0xfd: {  	v52 =	vld [tilespmem:$0x1FE00];
	[tilespmem:v41+s17+$0x0] =	vst.idx.msk $0xffff, v0  }
0xfe: {  	v0 =	vld.idx.msk [tilespmem:v46+s15+$0x0], $0xffff  }
0xff: {  	v47 =	vld.idx.msk [tilespmem:v45+s15+$0x0], $0xffff;
	_ =	sdelay $0x1  }
0x100: {  	v48 =	vor.u32 $0x10, v57;
	v7 =	vsel vm0, v50, v49  }
0x101: {  	v8 =	vcombine.low v7, v51  }
0x102: {  	v55 =	vld [tilespmem:$0x1FD00]  }
0x103: {  	v56 =	vld [tilespmem:$0x1FD10];
	v0 =	vadd.f32 v47, v0  }
0x104: {  	v58 =	vld [tilespmem:$0x1FF10]  }
0x105: {  	v59 =	vld [tilespmem:$0x1FE10];
	[tilespmem:v48+s17+$0x0] =	vst.idx.msk $0xffff, v0  }
0x106: {  	v0 =	vld.idx.msk [tilespmem:v52+s15+$0x0], $0xffff  }
0x107: {  	v53 =	vld.idx.msk [tilespmem:v8+s15+$0x0], $0xffff;
	_ =	sdelay $0x1  }
0x108: {  	v54 =	vadd.s32 $0x34, v57;
	v8 =	vsel vm0, v56, v55  }
0x109: {  	v9 =	vcombine.low v8, v58  }
0x10a: {  	v63 =	vld [tilespmem:$0x1FD30]  }
0x10b: {  	v15 =	vld [tilespmem:$0x1FF40];
	v0 =	vadd.f32 v53, v0  }
0x10c: {  	v14 =	vld [tilespmem:$0x1FD40]  }
0x10d: {  	v16 =	vld [tilespmem:$0x1FE20];
	[tilespmem:v54+s17+$0x0] =	vst.idx.msk $0xffff, v0  }
0x10e: {  	v0 =	vld.idx.msk [tilespmem:v59+s15+$0x0], $0xffff  }
0x10f: {  	v61 =	vld.idx.msk [tilespmem:v9+s15+$0x0], $0xffff;
	_ =	sdelay $0x1  }
0x110: {  	v62 =	vadd.s32 $0x58, v57;
	v9 =	vsel vm0, v14, v63  }
0x111: {  	v10 =	vcombine.low v9, v15  }
0x112: {  	v19 =	vld [tilespmem:$0x1FD60]  }
0x113: {  	v20 =	vld [tilespmem:$0x1FD70];
	v0 =	vadd.f32 v61, v0  }
0x114: {  	v21 =	vld [tilespmem:$0x1FF80]  }
0x115: {  	v22 =	vld [tilespmem:$0x1FE30];
	[tilespmem:v62+s17+$0x0] =	vst.idx.msk $0xffff, v0  }
0x116: {  	v0 =	vld.idx.msk [tilespmem:v16+s15+$0x0], $0xffff  }
0x117: {  	v17 =	vld.idx.msk [tilespmem:v10+s15+$0x0], $0xffff;
	_ =	sdelay $0x1  }
0x118: {  	v18 =	vadd.s32 $0x7C, v57;
	v10 =	vsel vm0, v20, v19  }
0x119: {  	v11 =	vcombine.low v10, v21  }
0x11a: {  	v25 =	vld [tilespmem:$0x1FD90]  }
0x11b: {  	v26 =	vld [tilespmem:$0x1FDA0];
	v0 =	vadd.f32 v17, v0  }
0x11c: {  	v27 =	vld [tilespmem:$0x1FFC0]  }
0x11d: {  	v28 =	vld [tilespmem:$0x1FE40];
	[tilespmem:v18+s17+$0x0] =	vst.idx.msk $0xffff, v0  }
0x11e: {  	v0 =	vld.idx.msk [tilespmem:v22+s15+$0x0], $0xffff  }
0x11f: {  	v23 =	vld.idx.msk [tilespmem:v11+s15+$0x0], $0xffff;
	_ =	sdelay $0x1  }
0x120: {  	v24 =	vor.u32 $0xA0, v57;
	v11 =	vsel vm0, v26, v25  }
0x121: {  	v6 =	vcombine.low v11, v27;
	_ =	sdelay $0x1  }
0x122: {  	v0 =	vadd.f32 v23, v0;
	_ =	sdelay $0x1  }
0x123: {  	v32 =	vld [tilespmem:$0x1FE50];
	[tilespmem:v24+s17+$0x0] =	vst.idx.msk $0xffff, v0  }
0x124: {  	v0 =	vld.idx.msk [tilespmem:v28+s15+$0x0], $0xffff  }
0x125: {  	v29 =	vld.idx.msk [tilespmem:v6+s15+$0x0], $0xffff;
	_ =	sdelay $0x1  }
0x126: {  	v30 =	vadd.s32 $0xC4, v57;
	v31 =	vsel vm0, v13, v12  }
0x127: {  	v2 =	vcombine.low v31, v37;
	_ =	sdelay $0x1  }
0x128: {  	v0 =	vadd.f32 v29, v0  }
0x129: {  	v36 =	vld [tilespmem:$0x1FE60]  }
0x12a: {  	v35 =	vld [tilespmem:$0x1FCA0];
	[tilespmem:v30+s17+$0x0] =	vst.idx.msk $0xffff, v0  }
0x12b: {  	v0 =	vld.idx.msk [tilespmem:v32+s15+$0x0], $0xffff  }
0x12c: {  	v33 =	vld.idx.msk [tilespmem:v2+s15+$0x0], $0xffff;
	_ =	sdelay $0x1  }
0x12d: {  	v34 =	vadd.s32 $0xE8, v57  }
0x12e: {  	v4 =	vcombine.low v35, v5;
	_ =	sdelay $0x1  }
0x12f: {  	v0 =	vmul.f32 v33, v0  }
0x130: {  	v39 =	vld [tilespmem:$0x1FEE0]  }
0x131: {  	v40 =	vld [tilespmem:$0x1FE70];
	[tilespmem:v34+s17+$0x0] =	vst.idx.msk $0xffff, v0  }
0x132: {  	v0 =	vld.idx.msk [tilespmem:v36+s15+$0x0], $0xffff  }
0x133: {  	v37 =	vld.idx.msk [tilespmem:v4+s15+$0x0], $0xffff;
	_ =	sdelay $0x1  }
0x134: {  	v38 =	vor.u32 $0x20, v57  }
0x135: {  	v4 =	vcombine.low v39, v7;
	_ =	sdelay $0x1  }
0x136: {  	v0 =	vadd.f32 v37, v0  }
0x137: {  	v43 =	vld [tilespmem:$0x1FF20]  }
0x138: {  	v44 =	vld [tilespmem:$0x1FE80];
	[tilespmem:v38+s17+$0x0] =	vst.idx.msk $0xf, v0  }
0x139: {  	v0 =	vld.idx.msk [tilespmem:v40+s15+$0x0], $0xffff  }
0x13a: {  	v41 =	vld.idx.msk [tilespmem:v4+s15+$0x0], $0xffff;
	_ =	sdelay $0x1  }
0x13b: {  	v42 =	vadd.s32 $0x44, v57  }
0x13c: {  	v4 =	vcombine.low v43, v8;
	_ =	sdelay $0x1  }
0x13d: {  	v0 =	vadd.f32 v41, v0  }
0x13e: {  	v47 =	vld [tilespmem:$0x1FF50]  }
0x13f: {  	v48 =	vld [tilespmem:$0x1FE90];
	[tilespmem:v42+s17+$0x0] =	vst.idx.msk $0xf, v0  }
0x140: {  	v0 =	vld.idx.msk [tilespmem:v44+s15+$0x0], $0xffff  }
0x141: {  	v45 =	vld.idx.msk [tilespmem:v4+s15+$0x0], $0xffff;
	_ =	sdelay $0x1  }
0x142: {  	v46 =	vadd.s32 $0x68, v57  }
0x143: {  	v4 =	vcombine.low v47, v9;
	_ =	sdelay $0x1  }
0x144: {  	v0 =	vadd.f32 v45, v0  }
0x145: {  	v51 =	vld [tilespmem:$0x1FF90]  }
0x146: {  	v52 =	vld [tilespmem:$0x1FEA0];
	[tilespmem:v46+s17+$0x0] =	vst.idx.msk $0xf, v0  }
0x147: {  	v0 =	vld.idx.msk [tilespmem:v48+s15+$0x0], $0xffff  }
0x148: {  	v49 =	vld.idx.msk [tilespmem:v4+s15+$0x0], $0xffff;
	_ =	sdelay $0x1  }
0x149: {  	v50 =	vadd.s32 $0x8C, v57  }
0x14a: {  	v4 =	vcombine.low v51, v10;
	_ =	sdelay $0x1  }
0x14b: {  	v0 =	vadd.f32 v49, v0  }
0x14c: {  	v55 =	vld [tilespmem:$0x1FFD0]  }
0x14d: {  	v56 =	vld [tilespmem:$0x1FEB0];
	[tilespmem:v50+s17+$0x0] =	vst.idx.msk $0xf, v0  }
0x14e: {  	v0 =	vld.idx.msk [tilespmem:v52+s15+$0x0], $0xffff  }
0x14f: {  	v53 =	vld.idx.msk [tilespmem:v4+s15+$0x0], $0xffff;
	_ =	sdelay $0x1  }
0x150: {  	v54 =	vor.u32 $0xB0, v57  }
0x151: {  	v4 =	vcombine.low v55, v11;
	_ =	sdelay $0x1  }
0x152: {  	v0 =	vadd.f32 v53, v0;
	_ =	sdelay $0x1  }
0x153: {  	v61 =	vld [tilespmem:$0x1FEC0];
	[tilespmem:v54+s17+$0x0] =	vst.idx.msk $0xf, v0  }
0x154: {  	v0 =	vld.idx.msk [tilespmem:v56+s15+$0x0], $0xffff  }
0x155: {  	v58 =	vld.idx.msk [tilespmem:v4+s15+$0x0], $0xffff;
	_ =	sdelay $0x1  }
0x156: {  	v59 =	vadd.s32 $0xD4, v57  }
0x157: {  	v3 =	vcombine.low v3, v31;
	_ =	sdelay $0x1  }
0x158: {  	v0 =	vadd.f32 v58, v0;
	_ =	sdelay $0x1  }
0x159: {  	[tilespmem:v59+s17+$0x0] =	vst.idx.msk $0xf, v0  }
0x15a: {  	v0 =	vld.idx.msk [tilespmem:v61+s15+$0x0], $0xffff  }
0x15b: {  	v62 =	vld.idx.msk [tilespmem:v3+s15+$0x0], $0xffff;
	_ =	sdelay $0x1  }
0x15c: {  	v63 =	vadd.s32 $0xF8, v57;
	_ =	sdelay $0x2  }
0x15d: {  	v0 =	vmul.f32 v62, v0;
	_ =	sdelay $0x1  }
0x15e: {  	s20 =	simm.s32 $0x0;
	[tilespmem:v63+s17+$0x0] =	vst.idx.msk $0xf, v0  }
.LBB2_2:
0x15f: {  	v6 =	vor.u32 s20, v57;
	_ =	sdelay $0x1  }
0x160: {  	v0 =	vor.u32 $0x80, v57  }
0x161: {  	v1 =	vor.u32 $0x100, v57;
	v0 =	vor.u32 s20, v0  }
0x162: {  	v2 =	vor.u32 $0x180, v57;
	v1 =	vor.u32 s20, v1  }
0x163: {  	v53 =	vor.u32 $0x200, v57;
	v3 =	vor.u32 s20, v2;
	v21 =	vld.idx.msk [tilespmem:v6+s3+$0x0], $0xffff  }
0x164: {  	v54 =	vor.u32 $0x280, v57;
	v5 =	vor.u32 s20, v53;
	v62 =	vld.idx.msk [tilespmem:v6+s13+$0x0], $0xffff  }
0x165: {  	v55 =	vor.u32 $0x300, v57;
	v7 =	vor.u32 s20, v54;
	v19 =	vld.idx.msk [tilespmem:v6+s14+$0x0], $0xffff  }
0x166: {  	v56 =	vor.u32 $0x380, v57;
	v8 =	vor.u32 s20, v55;
	v59 =	vld.idx.msk [tilespmem:v0+s3+$0x0], $0xffff  }
0x167: {  	v58 =	vor.u32 $0x400, v57;
	v9 =	vor.u32 s20, v56;
	v51 =	vld.idx.msk [tilespmem:v1+s3+$0x0], $0xffff  }
0x168: {  	v10 =	vor.u32 s20, v58;
	v33 =	vld.idx.msk [tilespmem:v3+s3+$0x0], $0xffff  }
0x169: {  	v61 =	vor.u32 $0x480, v57;
	v37 =	vld.idx.msk [tilespmem:v5+s3+$0x0], $0xffff  }
0x16a: {  	v11 =	vor.u32 s20, v61;
	v58 =	vld.idx.msk [tilespmem:v7+s3+$0x0], $0xffff  }
0x16b: {  	v34 =	vld.idx.msk [tilespmem:v8+s3+$0x0], $0xffff  }
0x16c: {  	v41 =	vld.idx.msk [tilespmem:v9+s3+$0x0], $0xffff  }
0x16d: {  	v42 =	vld.idx.msk [tilespmem:v10+s3+$0x0], $0xffff  }
0x16e: {  	v4 =	vld.idx.msk [tilespmem:v0+s13+$0x0], $0xffff  }
0x16f: {  	v12 =	vld.idx.msk [tilespmem:v11+s3+$0x0], $0xffff  }
0x170: {  	v14 =	vor.u32 $0x500, v57;
	v13 =	vld.idx.msk [tilespmem:v1+s13+$0x0], $0xffff  }
0x171: {  	v14 =	vor.u32 s20, v14;
	v15 =	vld.idx.msk [tilespmem:v3+s13+$0x0], $0xffff  }
0x172: {  	v0 =	vld.idx.msk [tilespmem:v0+s14+$0x0], $0xffff  }
0x173: {  	v28 =	vld.idx.msk [tilespmem:v5+s13+$0x0], $0xffff  }
0x174: {  	v18 =	vor.u32 $0x580, v57;
	v20 =	vor.u32 $0x600, v57;
	v25 =	vld.idx.msk [tilespmem:v1+s14+$0x0], $0xffff  }
0x175: {  	v63 =	vor.u32 $0x680, v57;
	v29 =	vor.u32 $0x700, v57;
	v32 =	vor.u32 $0x780, v57;
	v26 =	vld.idx.msk [tilespmem:v3+s14+$0x0], $0xffff  }
0x176: {  	v24 =	vor.u32 s20, v18;
	v2 =	vor.u32 s20, v20;
	v35 =	vld.idx.msk [tilespmem:v14+s3+$0x0], $0xffff;
	v22 =	vadd.f32 v62, v21  }
0x177: {  	v1 =	vor.u32 s20, v29;
	v5 =	vld.idx.msk [tilespmem:v5+s14+$0x0], $0xffff;
	v23 =	vadd.f32 v4, v59;
	v13 =	vadd.f32 v13, v51  }
0x178: {  	v31 =	vld.idx.msk [tilespmem:v7+s13+$0x0], $0xffff;
	v3 =	vor.u32 s20, v32;
	v19 =	vadd.f32 v19, v34;
	v0 =	vadd.f32 v0, v41  }
0x179: {  	v15 =	vadd.f32 v15, v33;
	v18 =	vadd.f32 v28, v37;
	vm0 =	vgt.f32 v23, v22  }
0x17a: {  	v7 =	vld.idx.msk [tilespmem:v7+s14+$0x0], $0xffff;
	v36 =	vadd.f32 v25, v42;
	vm3 =	vgt.f32 v0, v19;
	v30 =	vsel vm0, v23, v22  }
0x17b: {  	v38 =	vadd.f32 v26, v12;
	v23 =	vld.idx.msk [tilespmem:v24+s3+$0x0], $0xffff;
	v0 =	vsel vm3, v0, v19;
	vm1 =	vgt.f32 v13, v30  }
0x17c: {  	v50 =	vld.idx.msk [tilespmem:v2+s3+$0x0], $0xffff;
	v5 =	vadd.f32 v5, v35;
	vm5 =	vgt.f32 v36, v0;
	v20 =	vsel vm1, v13, v30  }
0x17d: {  	v32 =	vld.idx.msk [tilespmem:v10+s13+$0x0], $0xffff;
	v22 =	vadd.f32 v31, v58;
	v0 =	vsel vm5, v36, v0;
	vm2 =	vgt.f32 v15, v20  }
0x17e: {  	v54 =	vld.idx.msk [tilespmem:v11+s13+$0x0], $0xffff;
	v40 =	vsel vm3, $0x1, v60;
	vm15 =	vgt.f32 v38, v0;
	v15 =	vsel vm2, v15, v20  }
0x17f: {  	v61 =	vld.idx.msk [tilespmem:v14+s13+$0x0], $0xffff;
	v43 =	vsel vm0, $0x6, v60;
	v0 =	vsel vm15, v38, v0;
	vm4 =	vgt.f32 v18, v15  }
0x180: {  	v10 =	vld.idx.msk [tilespmem:v10+s14+$0x0], $0xffff;
	vm7 =	vgt.f32 v5, v0;
	v7 =	vadd.f32 v7, v23;
	v15 =	vsel vm4, v18, v15  }
0x181: {  	v11 =	vld.idx.msk [tilespmem:v11+s14+$0x0], $0xffff;
	v18 =	vsel vm1, $0xC, v43;
	vm6 =	vgt.f32 v22, v15;
	v15 =	vsel vm5, $0x2, v40  }
0x182: {  	v31 =	vld.idx.msk [tilespmem:v9+s13+$0x0], $0xffff;
	v0 =	vsel vm7, v5, v0;
	v44 =	vsel vm2, $0x12, v18;
	v15 =	vsel vm15, $0x3, v15  }
0x183: {  	v9 =	vld.idx.msk [tilespmem:v9+s14+$0x0], $0xffff;
	vm8 =	vgt.f32 v7, v0;
	v45 =	vsel vm4, $0x18, v44;
	v15 =	vsel vm7, $0x4, v15  }
0x184: {  	v4 =	vor.u32 s20, v63;
	v30 =	vld.idx.msk [tilespmem:v8+s13+$0x0], $0xffff;
	v0 =	vsel vm6, $0x1E, v45;
	v7 =	vsel vm8, $0x5, v15  }
0x185: {  	v8 =	vld.idx.msk [tilespmem:v8+s14+$0x0], $0xffff;
	v0 =	vadd.s32 v0, v7  }
0x186: {  	v14 =	vld.idx.msk [tilespmem:v14+s14+$0x0], $0xffff;
	v47 =	vadd.s32 $0x24, v0  }
0x187: {  	v48 =	vld.idx.msk [tilespmem:v1+s3+$0x0], $0xffff;
	v52 =	vadd.s32 $0x48, v0  }
0x188: {  	v39 =	vor.u32 $0x800, v57;
	v49 =	vld.idx.msk [tilespmem:v3+s3+$0x0], $0xffff  }
0x189: {  	v32 =	vadd.f32 v32, v51;
	v10 =	vadd.f32 v10, v42;
	v17 =	vld.idx.msk [tilespmem:v4+s3+$0x0], $0xffff;
	v5 =	vor.u32 s20, v39  }
0x18a: {  	v9 =	vadd.f32 v9, v41;
	v8 =	vadd.f32 v8, v34;
	v53 =	vadd.s32 $0x6C, v0;
	v27 =	vld.idx.msk [tilespmem:v0+s17+$0x0], $0xffff  }
0x18b: {  	v26 =	vmovc v12;
	v31 =	vadd.f32 v31, v59;
	v30 =	vadd.f32 v30, v21;
	v29 =	vadd.s32 $0x90, v0;
	v28 =	vld.idx.msk [tilespmem:v47+s17+$0x0], $0xffff  }
0x18c: {  	v46 =	vor.u32 $0x880, v57;
	v11 =	vadd.f32 v11, v26;
	v20 =	vmovc v35;
	vm11 =	vgt.f32 v9, v8;
	v22 =	vld.idx.msk [tilespmem:v52+s17+$0x0], $0xffff  }
0x18d: {  	v14 =	vadd.f32 v14, v20;
	v18 =	vld.idx.msk [tilespmem:v24+s14+$0x0], $0xffff;
	vm0 =	vgt.f32 v31, v30;
	v8 =	vsel vm11, v9, v8  }
0x18e: {  	[tilespmem:$0x1FB70] =	vst v6;
	v62 =	vsel vm0, v31, v30;
	v7 =	vor.u32 s20, v46;
	v6 =	vld.idx.msk [tilespmem:v5+s3+$0x0], $0xffff;
	vm13 =	vgt.f32 v10, v8  }
0x18f: {  	vm9 =	vgt.f32 v32, v62;
	v8 =	vsel vm13, v10, v8;
	v25 =	vld.idx.msk [tilespmem:v53+s17+$0x0], $0xffff;
	v27 =	vadd.f32 v27, v50  }
0x190: {  	v55 =	vadd.s32 $0xB4, v0;
	vm15 =	vgt.f32 v11, v8;
	v29 =	vld.idx.msk [tilespmem:v29+s17+$0x0], $0xffff;
	v28 =	vadd.f32 v28, v17  }
0x191: {  	v8 =	vsel vm15, v11, v8;
	v22 =	vadd.f32 v22, v48;
	v27 =	vmul.f32 $1.442695020e+00, v27  }
0x192: {  	v63 =	vld.idx.msk [tilespmem:v24+s13+$0x0], $0xffff;
	v9 =	vadd.f32 v18, v23;
	vm7 =	vgt.f32 v14, v8;
	v28 =	vmul.f32 $1.442695020e+00, v28  }
0x193: {  	v8 =	vsel vm7, v14, v8;
	v22 =	vmul.f32 $1.442695020e+00, v22;
	(erf) = vpow2.f32 v27  }
0x194: {  	v25 =	vadd.f32 v25, v49;
	v27 =	vadd.f32 v54, v33;
	(erf) = vpow2.f32 v28  }
0x195: {  	v12 =	vld.idx.msk [tilespmem:v7+s3+$0x0], $0xffff;
	v29 =	vadd.f32 v29, v6;
	(erf) = vpow2.f32 v22;
	v22 =	vsel vm9, v32, v62  }
0x196: {  	v56 =	vmul.f32 $1.442695020e+00, v25;
	v25 =	vadd.f32 v61, v37;
	v28 =	vld.idx.msk [tilespmem:v55+s17+$0x0], $0xffff;
	vm10 =	vgt.f32 v27, v22  }
0x197: {  	v13 =	vadd.f32 v63, v58;
	v40 =	vld.idx.msk [tilespmem:v2+s13+$0x0], $0xffff;
	vm8 =	vgt.f32 v9, v8;
	v22 =	vsel vm10, v27, v22  }
0x198: {  	v2 =	vld.idx.msk [tilespmem:v2+s14+$0x0], $0xffff;
	v29 =	vmul.f32 $1.442695020e+00, v29;
	(erf) = vpow2.f32 v56;
	vm12 =	vgt.f32 v25, v22  }
0x199: {  	v44 =	vld.idx.msk [tilespmem:v4+s13+$0x0], $0xffff;
	v27 =	vsel vm0, $0x6, v60;
	v22 =	vsel vm12, v25, v22;
	v25 =	vsel vm11, $0x1, v60  }
0x19a: {  	v4 =	vld.idx.msk [tilespmem:v4+s14+$0x0], $0xffff;
	(erf) = vpow2.f32 v29;
	v11 =	vsel vm9, $0xC, v27;
	v10 =	vsel vm13, $0x2, v25  }
0x19b: {  	v47 =	vld.idx.msk [tilespmem:v1+s13+$0x0], $0xffff;
	v19 =	vadd.f32 v28, v12;
	v11 =	vsel vm10, $0x12, v11;
	v10 =	vsel vm15, $0x3, v10  }
0x19c: {  	v1 =	vld.idx.msk [tilespmem:v1+s14+$0x0], $0xffff;
	vm14 =	vgt.f32 v13, v22;
	v28 =	vsel vm12, $0x18, v11;
	v10 =	vsel vm7, $0x4, v10  }
0x19d: {  	v16 =	vmovc v48;
	v48 =	vld.idx.msk [tilespmem:v3+s13+$0x0], $0xffff;
	v29 =	vmul.f32 $1.442695020e+00, v19;
	v8 =	vsel vm14, $0x1E, v28;
	v10 =	vsel vm8, $0x5, v10  }
0x19e: {  	v3 =	vld.idx.msk [tilespmem:v3+s14+$0x0], $0xffff;
	v8 =	vadd.s32 v8, v10  }
0x19f: {  	v15 =	vmov v49;
	v18 =	vld.idx.msk [tilespmem:v7+s13+$0x0], $0xffff;
	v49 =	vpop (erf);
	(erf) = vpow2.f32 v29;
	v30 =	vadd.s32 $0x24, v8  }
0x1a0: {  	v62 =	vld.idx.msk [tilespmem:v5+s13+$0x0], $0xffff;
	v43 =	vpop (erf);
	v32 =	vadd.s32 $0x48, v8  }
0x1a1: {  	v2 =	vadd.f32 v2, v34;
	v5 =	vld.idx.msk [tilespmem:v5+s14+$0x0], $0xffff;
	v31 =	vadd.f32 v43, v49  }
0x1a2: {  	v4 =	vadd.f32 v4, v41;
	v1 =	vadd.f32 v1, v42;
	v46 =	vpop (erf)  }
0x1a3: {  	v3 =	vadd.f32 v3, v26;
	v10 =	vadd.f32 v46, v31;
	v36 =	vld.idx.msk [tilespmem:v8+s17+$0x0], $0xffff  }
0x1a4: {  	v27 =	vadd.f32 v44, v59;
	vm11 =	vgt.f32 v4, v2;
	v35 =	vadd.s32 $0x6C, v8;
	v53 =	vpop (erf);
	v9 =	vld.idx.msk [tilespmem:v30+s17+$0x0], $0xffff  }
0x1a5: {  	v25 =	vadd.f32 v40, v21;
	v2 =	vsel vm11, v4, v2;
	v10 =	vadd.f32 v53, v10;
	v11 =	vld.idx.msk [tilespmem:v32+s17+$0x0], $0xffff  }
0x1a6: {  	v5 =	vadd.f32 v5, v20;
	v19 =	vadd.f32 v18, v58;
	v38 =	vadd.s32 $0x90, v8;
	v54 =	vpop (erf)  }
0x1a7: {  	vm13 =	vgt.f32 v1, v2;
	vm0 =	vgt.f32 v27, v25;
	v10 =	vadd.f32 v54, v10  }
0x1a8: {  	v1 =	vsel vm13, v1, v2;
	v63 =	vsel vm0, v27, v25;
	v39 =	vpop (erf);
	v22 =	vadd.f32 v36, v50  }
0x1a9: {  	v56 =	vadd.s32 $0xB4, v8;
	v14 =	vld.idx.msk [tilespmem:v35+s17+$0x0], $0xffff;
	v10 =	vadd.f32 v39, v10;
	v9 =	vadd.f32 v9, v17  }
0x1aa: {  	v45 =	vadd.f32 v11, v16;
	v11 =	vadd.f32 v47, v51;
	v22 =	vmul.f32 $1.442695020e+00, v22  }
0x1ab: {  	v27 =	vsel vm11, $0x1, v60;
	v24 =	vld.idx.msk [tilespmem:v38+s17+$0x0], $0xffff;
	(erf) = vrcp.f32 v10;
	v9 =	vmul.f32 $1.442695020e+00, v9  }
0x1ac: {  	vm9 =	vgt.f32 v11, v63;
	(erf) = vpow2.f32 v22;
	v22 =	vadd.f32 v48, v33  }
0x1ad: {  	vm15 =	vgt.f32 v3, v1;
	(erf) = vpow2.f32 v9;
	v9 =	vsel vm9, v11, v63  }
0x1ae: {  	v28 =	vsel vm0, $0x6, v60;
	v55 =	vadd.f32 v14, v15;
	v14 =	vld.idx.msk [tilespmem:v56+s17+$0x0], $0xffff;
	vm10 =	vgt.f32 v22, v9  }
0x1af: {  	v2 =	vsel vm13, $0x2, v27;
	v1 =	vsel vm15, v3, v1;
	v9 =	vsel vm10, v22, v9;
	v22 =	vld.idx.msk [tilespmem:v7+s14+$0x0], $0xffff  }
0x1b0: {  	vm7 =	vgt.f32 v5, v1;
	v2 =	vsel vm15, $0x3, v2;
	v24 =	vadd.f32 v24, v6  }
0x1b1: {  	v1 =	vsel vm7, v5, v1;
	v2 =	vsel vm7, $0x4, v2;
	v52 =	vmul.f32 $1.442695020e+00, v45  }
0x1b2: {  	v10 =	vadd.f32 v62, v37;
	v61 =	vmul.f32 $1.442695020e+00, v55;
	v24 =	vmul.f32 $1.442695020e+00, v24  }
0x1b3: {  	v3 =	vsel vm9, $0xC, v28;
	(erf) = vpow2.f32 v52;
	v25 =	vadd.f32 v14, v12  }
0x1b4: {  	(erf) = vpow2.f32 v61;
	vm12 =	vgt.f32 v10, v9;
	v4 =	vadd.f32 v22, v23  }
0x1b5: {  	v3 =	vsel vm10, $0x12, v3;
	(erf) = vpow2.f32 v24;
	v24 =	vsel vm12, v10, v9  }
0x1b6: {  	v29 =	vsel vm12, $0x18, v3;
	vm14 =	vgt.f32 v19, v24;
	vm8 =	vgt.f32 v4, v1  }
0x1b7: {  	v30 =	vmul.f32 $1.442695020e+00, v25;
	v1 =	vsel vm14, $0x1E, v29;
	v2 =	vsel vm8, $0x5, v2  }
0x1b8: {  	v31 =	vpop (erf);
	v1 =	vadd.s32 v1, v2  }
0x1b9: {  	v32 =	vpop (erf);
	(erf) = vpow2.f32 v30;
	v2 =	vadd.s32 $0x24, v1  }
0x1ba: {  	v35 =	vpop (erf)  }
0x1bb: {  	v3 =	vadd.f32 v35, v32;
	v36 =	vadd.s32 $0x48, v1  }
0x1bc: {  	v56 =	vpop (erf)  }
0x1bd: {  	[tilespmem:$0x1F610] =	vst v39;
	v3 =	vadd.f32 v56, v3;
	v39 =	vadd.s32 $0x6C, v1;
	v38 =	vld.idx.msk [tilespmem:v1+s17+$0x0], $0xffff  }
0x1be: {  	v61 =	vpop (erf);
	v2 =	vld.idx.msk [tilespmem:v2+s17+$0x0], $0xffff  }
0x1bf: {  	v40 =	vadd.s32 $0x90, v1;
	v3 =	vadd.f32 v61, v3  }
0x1c0: {  	v44 =	vpop (erf);
	v4 =	vld.idx.msk [tilespmem:v36+s17+$0x0], $0xffff  }
0x1c1: {  	v45 =	vadd.s32 $0xB4, v1;
	v3 =	vadd.f32 v44, v3  }
0x1c2: {  	v47 =	vpop (erf);
	v7 =	vld.idx.msk [tilespmem:v39+s17+$0x0], $0xffff;
	v5 =	vadd.f32 v38, v50  }
0x1c3: {  	v3 =	vadd.f32 v47, v3;
	v2 =	vadd.f32 v2, v17  }
0x1c4: {  	v9 =	vld.idx.msk [tilespmem:v40+s17+$0x0], $0xffff;
	v5 =	vmul.f32 $1.442695020e+00, v5  }
0x1c5: {  	(erf) = vrcp.f32 v3;
	v48 =	vadd.f32 v4, v16;
	v2 =	vmul.f32 $1.442695020e+00, v2  }
0x1c6: {  	v52 =	vld.idx.msk [tilespmem:v45+s17+$0x0], $0xffff;
	(erf) = vpow2.f32 v5  }
0x1c7: {  	v62 =	vadd.f32 v7, v15;
	v55 =	vmul.f32 $1.442695020e+00, v48;
	(erf) = vpow2.f32 v2;
	_ =	sdelay $0x1  }
0x1c8: {  	v7 =	vadd.f32 v9, v6;
	v63 =	vmul.f32 $1.442695020e+00, v62;
	(erf) = vpow2.f32 v55;
	_ =	sdelay $0x1  }
0x1c9: {  	v10 =	vadd.f32 v52, v12;
	v9 =	vmul.f32 $1.442695020e+00, v7;
	(erf) = vpow2.f32 v63;
	_ =	sdelay $0x1  }
0x1ca: {  	v11 =	vmul.f32 $1.442695020e+00, v10;
	(erf) = vpow2.f32 v9  }
0x1cb: {  	v14 =	vpop (erf)  }
0x1cc: {  	(erf) = vpow2.f32 v11;
	v18 =	vpop (erf)  }
0x1cd: {  	v19 =	vpop (erf)  }
0x1ce: {  	v28 =	vadd.s32 $0xD8, v8;
	[tilespmem:$0x1F5C0] =	vst v31;
	v2 =	vadd.f32 v19, v18  }
0x1cf: {  	v31 =	vor.u32 $0xA00, v57;
	[tilespmem:$0x1F5F0] =	vst v32;
	v1 =	vadd.s32 $0xD8, v1;
	v22 =	vpop (erf)  }
0x1d0: {  	[tilespmem:$0x1F600] =	vst v35;
	v32 =	vor.u32 s20, v31;
	v35 =	vor.u32 $0xA80, v57;
	v2 =	vadd.f32 v22, v2  }
0x1d1: {  	v36 =	vor.u32 s20, v35;
	v40 =	vor.u32 $0xB00, v57;
	v24 =	vpop (erf)  }
0x1d2: {  	[tilespmem:$0x1F620] =	vst v44;
	v44 =	vor.u32 s20, v40;
	v2 =	vadd.f32 v24, v2  }
0x1d3: {  	v3 =	vld.idx.msk [tilespmem:v28+s17+$0x0], $0xffff;
	v25 =	vpop (erf)  }
0x1d4: {  	v1 =	vld.idx.msk [tilespmem:v1+s17+$0x0], $0xffff;
	v2 =	vadd.f32 v25, v2  }
0x1d5: {  	v0 =	vadd.s32 $0xD8, v0;
	v30 =	vor.u32 $0x980, v57;
	[tilespmem:$0x1F630] =	vst v47;
	v47 =	vld.idx.msk [tilespmem:v32+s13+$0x0], $0xffff;
	v27 =	vpop (erf)  }
0x1d6: {  	v4 =	vor.u32 s20, v30;
	v52 =	vld.idx.msk [tilespmem:v36+s13+$0x0], $0xffff;
	v2 =	vadd.f32 v27, v2  }
0x1d7: {  	v29 =	vor.u32 $0x900, v57;
	v62 =	vld.idx.msk [tilespmem:v44+s13+$0x0], $0xffff  }
0x1d8: {  	[tilespmem:$0x1F5D0] =	vst v3;
	v3 =	vld.idx.msk [tilespmem:v36+s14+$0x0], $0xffff;
	(erf) = vrcp.f32 v2;
	v2 =	vor.u32 s20, v29  }
0x1d9: {  	[tilespmem:$0x1F640] =	vst v1;
	v1 =	vld.idx.msk [tilespmem:v44+s14+$0x0], $0xffff  }
0x1da: {  	v55 =	vld.idx.msk [tilespmem:v0+s17+$0x0], $0xffff  }
0x1db: {  	v39 =	vld.idx.msk [tilespmem:v4+s13+$0x0], $0xffff  }
0x1dc: {  	v48 =	vor.u32 $0xB80, v57;
	v4 =	vld.idx.msk [tilespmem:v4+s14+$0x0], $0xffff  }
0x1dd: {  	v9 =	vor.u32 s20, v48;
	v38 =	vld.idx.msk [tilespmem:v2+s13+$0x0], $0xffff  }
0x1de: {  	v2 =	vld.idx.msk [tilespmem:v2+s14+$0x0], $0xffff  }
0x1df: {  	v0 =	vld.idx.msk [tilespmem:v32+s14+$0x0], $0xffff  }
0x1e0: {  	v8 =	vadd.f32 v47, v51;
	v10 =	vadd.f32 v52, v33  }
0x1e1: {  	v30 =	vor.u32 $0xC00, v57;
	[tilespmem:$0x1F5E0] =	vst v14;
	v14 =	vadd.f32 v62, v37;
	v3 =	vadd.f32 v3, v26  }
0x1e2: {  	v36 =	vor.u32 $0xD00, v57;
	v7 =	vadd.f32 v39, v59;
	v4 =	vadd.f32 v4, v41;
	v63 =	vld.idx.msk [tilespmem:v9+s13+$0x0], $0xffff  }
0x1e3: {  	v44 =	vor.u32 $0xE00, v57;
	v5 =	vadd.f32 v38, v21;
	v2 =	vadd.f32 v2, v34  }
0x1e4: {  	v32 =	vor.u32 $0xC80, v57;
	v1 =	vadd.f32 v1, v20;
	v0 =	vadd.f32 v0, v42;
	[tilespmem:$0x1F660] =	vst v18;
	v18 =	vld.idx.msk [tilespmem:v9+s14+$0x0], $0xffff  }
0x1e5: {  	v9 =	vor.u32 s20, v36;
	vm0 =	vgt.f32 v7, v5;
	vm11 =	vgt.f32 v4, v2  }
0x1e6: {  	v38 =	vor.u32 $0xD80, v57;
	v5 =	vsel vm0, v7, v5;
	v2 =	vsel vm11, v4, v2  }
0x1e7: {  	v7 =	vadd.f32 v63, v58;
	vm9 =	vgt.f32 v8, v5;
	vm13 =	vgt.f32 v0, v2  }
0x1e8: {  	[tilespmem:$0x1F680] =	vst v22;
	v22 =	vsel vm0, $0x6, v60;
	v5 =	vsel vm9, v8, v5;
	v0 =	vsel vm13, v0, v2  }
0x1e9: {  	v4 =	vadd.f32 v18, v23;
	vm10 =	vgt.f32 v10, v5;
	vm15 =	vgt.f32 v3, v0  }
0x1ea: {  	v5 =	vsel vm10, v10, v5;
	v0 =	vsel vm15, v3, v0;
	v10 =	vor.u32 s20, v38  }
0x1eb: {  	v3 =	vsel vm9, $0xC, v22;
	v22 =	vor.u32 s20, v44;
	vm7 =	vgt.f32 v1, v0  }
0x1ec: {  	[tilespmem:$0x1F670] =	vst v19;
	v45 =	vpop (erf);
	v19 =	vsel vm11, $0x1, v60;
	vm12 =	vgt.f32 v14, v5;
	v0 =	vsel vm7, v1, v0  }
0x1ed: {  	[tilespmem:$0x1F650] =	vst v45;
	v45 =	vld.idx.msk [tilespmem:v9+s13+$0x0], $0xffff;
	v5 =	vsel vm12, v14, v5;
	vm8 =	vgt.f32 v4, v0;
	v4 =	vor.u32 s20, v30  }
0x1ee: {  	v9 =	vld.idx.msk [tilespmem:v9+s14+$0x0], $0xffff;
	v2 =	vsel vm13, $0x2, v19;
	vm14 =	vgt.f32 v7, v5;
	v7 =	vor.u32 s20, v32  }
0x1ef: {  	[tilespmem:$0x1F690] =	vst v24;
	v2 =	vsel vm15, $0x3, v2;
	v24 =	vsel vm10, $0x12, v3;
	v48 =	vld.idx.msk [tilespmem:v10+s13+$0x0], $0xffff  }
0x1f0: {  	v47 =	vor.u32 $0xE80, v57;
	[tilespmem:$0x1F6A0] =	vst v25;
	v2 =	vsel vm7, $0x4, v2;
	v25 =	vsel vm12, $0x18, v24;
	v19 =	vld.idx.msk [tilespmem:v22+s13+$0x0], $0xffff  }
0x1f1: {  	[tilespmem:$0x1F6B0] =	vst v27;
	v27 =	vsel vm8, $0x5, v2;
	v0 =	vsel vm14, $0x1E, v25;
	v25 =	vor.u32 s20, v47;
	v30 =	vld.idx.msk [tilespmem:v22+s14+$0x0], $0xffff  }
0x1f2: {  	v62 =	vadd.s32 v0, v27;
	v39 =	vld.idx.msk [tilespmem:v4+s13+$0x0], $0xffff  }
0x1f3: {  	v0 =	vadd.s32 $0x24, v62;
	v40 =	vld.idx.msk [tilespmem:v7+s13+$0x0], $0xffff  }
0x1f4: {  	v1 =	vadd.s32 $0x48, v62;
	v4 =	vld.idx.msk [tilespmem:v4+s14+$0x0], $0xffff  }
0x1f5: {  	v28 =	vadd.s32 $0x6C, v62;
	v7 =	vld.idx.msk [tilespmem:v7+s14+$0x0], $0xffff  }
0x1f6: {  	v29 =	vadd.s32 $0x90, v62;
	v32 =	vld.idx.msk [tilespmem:v25+s14+$0x0], $0xffff  }
0x1f7: {  	v35 =	vadd.s32 $0xB4, v62;
	v31 =	vld.idx.msk [tilespmem:v62+s17+$0x0], $0xffff  }
0x1f8: {  	v0 =	vld.idx.msk [tilespmem:v0+s17+$0x0], $0xffff  }
0x1f9: {  	v1 =	vld.idx.msk [tilespmem:v1+s17+$0x0], $0xffff  }
0x1fa: {  	v24 =	vadd.f32 v45, v51;
	v2 =	vld.idx.msk [tilespmem:v28+s17+$0x0], $0xffff  }
0x1fb: {  	v3 =	vld.idx.msk [tilespmem:v29+s17+$0x0], $0xffff;
	v28 =	vadd.f32 v48, v33;
	v52 =	vadd.f32 v39, v21  }
0x1fc: {  	v22 =	vor.u32 $0xF00, v57;
	v8 =	vld.idx.msk [tilespmem:v35+s17+$0x0], $0xffff;
	v63 =	vadd.f32 v40, v59;
	v4 =	vadd.f32 v4, v34  }
0x1fd: {  	v29 =	vld.idx.msk [tilespmem:v10+s14+$0x0], $0xffff;
	v7 =	vadd.f32 v7, v41;
	v40 =	vadd.f32 v30, v20;
	v30 =	vor.u32 $0x1000, v57  }
0x1fe: {  	v45 =	vadd.f32 v32, v23;
	v10 =	vor.u32 s20, v30;
	v5 =	vadd.f32 v31, v50  }
0x1ff: {  	vm9 =	vgt.f32 v63, v52;
	v31 =	vadd.f32 v9, v42;
	v0 =	vadd.f32 v0, v17  }
0x200: {  	vm12 =	vgt.f32 v7, v4;
	v1 =	vadd.f32 v1, v16;
	v2 =	vadd.f32 v2, v15  }
0x201: {  	v3 =	vadd.f32 v3, v6;
	v8 =	vadd.f32 v8, v12;
	v5 =	vmul.f32 $1.442695020e+00, v5  }
0x202: {  	v4 =	vsel vm12, v7, v4;
	v35 =	vadd.f32 v29, v26;
	v0 =	vmul.f32 $1.442695020e+00, v0  }
0x203: {  	v39 =	vsel vm12, $0x1, v60;
	v44 =	vsel vm9, $0x6, v60;
	(erf) = vpow2.f32 v5  }
0x204: {  	v27 =	vld.idx.msk [tilespmem:v25+s13+$0x0], $0xffff;
	vm14 =	vgt.f32 v31, v4;
	(erf) = vpow2.f32 v0;
	v0 =	vsel vm9, v63, v52  }
0x205: {  	v1 =	vmul.f32 $1.442695020e+00, v1;
	v18 =	vmul.f32 $1.442695020e+00, v2;
	vm10 =	vgt.f32 v24, v0  }
0x206: {  	v3 =	vmul.f32 $1.442695020e+00, v3;
	v2 =	vadd.f32 v19, v37;
	v0 =	vsel vm10, v24, v0  }
0x207: {  	v36 =	vmul.f32 $1.442695020e+00, v8;
	v38 =	vsel vm14, v31, v4;
	vm11 =	vgt.f32 v28, v0  }
0x208: {  	vm7 =	vgt.f32 v35, v38;
	v5 =	vor.u32 s20, v22;
	v0 =	vsel vm11, v28, v0  }
0x209: {  	(erf) = vpow2.f32 v1;
	v1 =	vadd.f32 v27, v58;
	vm13 =	vgt.f32 v2, v0  }
0x20a: {  	v27 =	vor.u32 $0xF80, v57;
	(erf) = vpow2.f32 v18;
	v0 =	vsel vm13, v2, v0  }
0x20b: {  	v8 =	vor.u32 s20, v27;
	vm15 =	vgt.f32 v1, v0;
	v0 =	vsel vm7, v35, v38  }
0x20c: {  	v2 =	vsel vm10, $0xC, v44;
	v1 =	vsel vm14, $0x2, v39;
	vm8 =	vgt.f32 v40, v0  }
0x20d: {  	v2 =	vsel vm11, $0x12, v2;
	v1 =	vsel vm7, $0x3, v1;
	v0 =	vsel vm8, v40, v0  }
0x20e: {  	v47 =	vsel vm13, $0x18, v2;
	v1 =	vsel vm8, $0x4, v1;
	vm9 =	vgt.f32 v45, v0  }
0x20f: {  	(erf) = vpow2.f32 v3;
	v35 =	vld.idx.msk [tilespmem:v5+s13+$0x0], $0xffff;
	v0 =	vsel vm15, $0x1E, v47;
	v1 =	vsel vm9, $0x5, v1  }
0x210: {  	(erf) = vpow2.f32 v36;
	v36 =	vld.idx.msk [tilespmem:v8+s13+$0x0], $0xffff;
	v44 =	vadd.s32 v0, v1  }
0x211: {  	v5 =	vld.idx.msk [tilespmem:v5+s14+$0x0], $0xffff;
	v63 =	vadd.s32 $0x24, v44  }
0x212: {  	v8 =	vld.idx.msk [tilespmem:v8+s14+$0x0], $0xffff;
	v48 =	vpop (erf);
	v18 =	vadd.s32 $0x48, v44  }
0x213: {  	v32 =	vor.u32 $0x1080, v57;
	v52 =	vpop (erf);
	v47 =	vld.idx.msk [tilespmem:v10+s13+$0x0], $0xffff;
	v19 =	vadd.s32 $0x6C, v44  }
0x214: {  	v11 =	vor.u32 s20, v32;
	v10 =	vld.idx.msk [tilespmem:v10+s14+$0x0], $0xffff;
	v0 =	vadd.f32 v52, v48  }
0x215: {  	v14 =	vpop (erf);
	v25 =	vld.idx.msk [tilespmem:v44+s17+$0x0], $0xffff  }
0x216: {  	v38 =	vor.u32 $0x1100, v57;
	v29 =	vadd.s32 $0x90, v44;
	v0 =	vadd.f32 v14, v0;
	v2 =	vld.idx.msk [tilespmem:v63+s17+$0x0], $0xffff  }
0x217: {  	[tilespmem:$0x1F6D0] =	vst v48;
	v45 =	vor.u32 s20, v38;
	v24 =	vpop (erf);
	v22 =	vadd.f32 v36, v59;
	v3 =	vld.idx.msk [tilespmem:v18+s17+$0x0], $0xffff  }
0x218: {  	[tilespmem:$0x1F6E0] =	vst v52;
	v48 =	vor.u32 $0x1180, v57;
	v36 =	vadd.f32 v5, v34;
	v0 =	vadd.f32 v24, v0;
	v4 =	vld.idx.msk [tilespmem:v19+s17+$0x0], $0xffff  }
0x219: {  	[tilespmem:$0x1F710] =	vst v14;
	v28 =	vpop (erf);
	v38 =	vadd.f32 v8, v41;
	v52 =	vor.u32 s20, v48;
	v14 =	vadd.f32 v35, v21;
	v63 =	vld.idx.msk [tilespmem:v11+s13+$0x0], $0xffff  }
0x21a: {  	v27 =	vor.u32 $0x1280, v57;
	v0 =	vadd.f32 v28, v0;
	v11 =	vld.idx.msk [tilespmem:v11+s14+$0x0], $0xffff  }
0x21b: {  	v31 =	vpop (erf);
	vm12 =	vgt.f32 v38, v36;
	vm10 =	vgt.f32 v22, v14;
	v40 =	vld.idx.msk [tilespmem:v29+s17+$0x0], $0xffff;
	v29 =	vadd.f32 v47, v51  }
0x21c: {  	[tilespmem:$0x1F730] =	vst v28;
	v30 =	vsel vm10, v22, v14;
	v18 =	vadd.s32 $0xB4, v44;
	v0 =	vadd.f32 v31, v0  }
0x21d: {  	v28 =	vld.idx.msk [tilespmem:v45+s13+$0x0], $0xffff;
	vm1 =	vgt.f32 v29, v30;
	v7 =	vadd.f32 v25, v50;
	v2 =	vadd.f32 v2, v17  }
0x21e: {  	[tilespmem:$0x1F760] =	vst v31;
	v31 =	vld.idx.msk [tilespmem:v52+s13+$0x0], $0xffff;
	(erf) = vrcp.f32 v0;
	v3 =	vadd.f32 v3, v16;
	v4 =	vadd.f32 v4, v15  }
0x21f: {  	v0 =	vld.idx.msk [tilespmem:v52+s14+$0x0], $0xffff;
	v32 =	vadd.f32 v63, v33;
	v47 =	vadd.f32 v11, v26;
	v63 =	vsel vm12, $0x1, v60  }
0x220: {  	v39 =	vmul.f32 $1.442695020e+00, v7;
	v7 =	vadd.f32 v40, v6;
	v40 =	vadd.f32 v10, v42  }
0x221: {  	v35 =	vld.idx.msk [tilespmem:v18+s17+$0x0], $0xffff;
	v10 =	vsel vm10, $0x6, v60;
	v2 =	vmul.f32 $1.442695020e+00, v2;
	v3 =	vmul.f32 $1.442695020e+00, v3  }
0x222: {  	v19 =	vmul.f32 $1.442695020e+00, v4;
	v4 =	vadd.f32 v28, v37;
	(erf) = vpow2.f32 v39  }
0x223: {  	v7 =	vmul.f32 $1.442695020e+00, v7;
	v39 =	vld.idx.msk [tilespmem:v45+s14+$0x0], $0xffff;
	v45 =	vadd.f32 v31, v58;
	v31 =	vor.u32 $0x1300, v57  }
0x224: {  	(erf) = vpow2.f32 v2;
	v2 =	vsel vm1, v29, v30;
	v0 =	vadd.f32 v0, v23  }
0x225: {  	v9 =	vor.u32 s20, v31;
	(erf) = vpow2.f32 v3;
	vm11 =	vgt.f32 v32, v2  }
0x226: {  	v3 =	vsel vm12, v38, v36;
	v48 =	vadd.f32 v35, v12;
	v2 =	vsel vm11, v32, v2  }
0x227: {  	v35 =	vor.u32 $0x1380, v57;
	vm14 =	vgt.f32 v40, v3;
	vm13 =	vgt.f32 v4, v2  }
0x228: {  	v52 =	vsel vm14, v40, v3;
	v3 =	vsel vm14, $0x2, v63;
	v2 =	vsel vm13, v4, v2  }
0x229: {  	vm9 =	vgt.f32 v47, v52;
	v8 =	vadd.f32 v39, v20;
	v4 =	vsel vm1, $0xC, v10  }
0x22a: {  	vm15 =	vgt.f32 v45, v2;
	v2 =	vsel vm9, v47, v52;
	v4 =	vsel vm11, $0x12, v4  }
0x22b: {  	vm10 =	vgt.f32 v8, v2;
	v11 =	vsel vm13, $0x18, v4;
	v4 =	vor.u32 s20, v27  }
0x22c: {  	(erf) = vpow2.f32 v19;
	v3 =	vsel vm9, $0x3, v3;
	v2 =	vsel vm10, v8, v2  }
0x22d: {  	vm11 =	vgt.f32 v0, v2;
	v0 =	vsel vm15, $0x1E, v11;
	v11 =	vor.u32 s20, v35  }
0x22e: {  	[tilespmem:$0x1F720] =	vst v24;
	v24 =	vor.u32 $0x1200, v57;
	(erf) = vpow2.f32 v7;
	v47 =	vld.idx.msk [tilespmem:v9+s13+$0x0], $0xffff;
	v3 =	vsel vm10, $0x4, v3  }
0x22f: {  	v14 =	vmul.f32 $1.442695020e+00, v48;
	v9 =	vld.idx.msk [tilespmem:v9+s14+$0x0], $0xffff;
	v2 =	vsel vm11, $0x5, v3;
	v3 =	vor.u32 s20, v24  }
0x230: {  	v40 =	vor.u32 $0x1400, v57;
	v18 =	vpop (erf);
	v39 =	vld.idx.msk [tilespmem:v4+s13+$0x0], $0xffff  }
0x231: {  	(erf) = vpow2.f32 v14;
	v22 =	vpop (erf);
	v24 =	vor.u32 s20, v40;
	v4 =	vld.idx.msk [tilespmem:v4+s14+$0x0], $0xffff  }
0x232: {  	v25 =	vpop (erf);
	v52 =	vadd.s32 v0, v2;
	v63 =	vld.idx.msk [tilespmem:v11+s13+$0x0], $0xffff  }
0x233: {  	v5 =	vadd.f32 v25, v22;
	v19 =	vadd.s32 $0x24, v52;
	v11 =	vld.idx.msk [tilespmem:v11+s14+$0x0], $0xffff  }
0x234: {  	v28 =	vpop (erf);
	v2 =	vadd.s32 $0x48, v52;
	v36 =	vld.idx.msk [tilespmem:v3+s13+$0x0], $0xffff  }
0x235: {  	v30 =	vadd.s32 $0x6C, v52;
	v5 =	vadd.f32 v28, v5;
	v3 =	vld.idx.msk [tilespmem:v3+s14+$0x0], $0xffff  }
0x236: {  	v32 =	vpop (erf);
	v40 =	vld.idx.msk [tilespmem:v24+s14+$0x0], $0xffff  }
0x237: {  	v48 =	vadd.s32 $0x90, v52;
	v5 =	vadd.f32 v32, v5;
	v29 =	vld.idx.msk [tilespmem:v52+s17+$0x0], $0xffff  }
0x238: {  	v9 =	vadd.f32 v9, v42;
	v38 =	vpop (erf);
	v0 =	vld.idx.msk [tilespmem:v19+s17+$0x0], $0xffff  }
0x239: {  	[tilespmem:$0x1F770] =	vst v22;
	v2 =	vld.idx.msk [tilespmem:v2+s17+$0x0], $0xffff;
	v5 =	vadd.f32 v38, v5;
	v22 =	vadd.f32 v39, v59  }
0x23a: {  	[tilespmem:$0x1F6C0] =	vst v18;
	v45 =	vpop (erf);
	v8 =	vld.idx.msk [tilespmem:v30+s17+$0x0], $0xffff;
	v30 =	vadd.f32 v47, v51;
	v4 =	vadd.f32 v4, v41  }
0x23b: {  	v18 =	vor.u32 $0x1480, v57;
	[tilespmem:$0x1F780] =	vst v25;
	v19 =	vld.idx.msk [tilespmem:v24+s13+$0x0], $0xffff;
	v5 =	vadd.f32 v45, v5;
	v35 =	vadd.f32 v63, v33  }
0x23c: {  	v25 =	vor.u32 $0x1600, v57;
	[tilespmem:$0x1F7A0] =	vst v32;
	v32 =	vld.idx.msk [tilespmem:v48+s17+$0x0], $0xffff;
	v11 =	vadd.f32 v11, v26;
	v14 =	vadd.f32 v36, v21  }
0x23d: {  	v36 =	vadd.s32 $0xB4, v52;
	v3 =	vadd.f32 v3, v34;
	v7 =	vadd.f32 v29, v50  }
0x23e: {  	v29 =	vor.u32 s20, v18;
	(erf) = vrcp.f32 v5;
	v5 =	vadd.f32 v40, v20  }
0x23f: {  	v18 =	vor.u32 $0x1580, v57;
	v0 =	vadd.f32 v0, v17;
	v2 =	vadd.f32 v2, v16  }
0x240: {  	[tilespmem:$0x1F740] =	vst v52;
	vm0 =	vgt.f32 v22, v14;
	v39 =	vadd.f32 v19, v37;
	vm12 =	vgt.f32 v4, v3  }
0x241: {  	[tilespmem:$0x1F7C0] =	vst v45;
	v45 =	vadd.f32 v8, v15;
	v52 =	vadd.f32 v32, v6;
	v7 =	vmul.f32 $1.442695020e+00, v7  }
0x242: {  	v31 =	vsel vm0, v22, v14;
	v3 =	vsel vm12, v4, v3;
	v14 =	vor.u32 $0x1500, v57  }
0x243: {  	v0 =	vmul.f32 $1.442695020e+00, v0;
	v2 =	vmul.f32 $1.442695020e+00, v2;
	vm1 =	vgt.f32 v30, v31  }
0x244: {  	[tilespmem:$0x1F7B0] =	vst v38;
	vm14 =	vgt.f32 v9, v3;
	v4 =	vmul.f32 $1.442695020e+00, v45;
	(erf) = vpow2.f32 v7;
	v38 =	vld.idx.msk [tilespmem:v29+s13+$0x0], $0xffff  }
0x245: {  	v3 =	vsel vm14, v9, v3;
	(erf) = vpow2.f32 v0;
	v0 =	vsel vm1, v30, v31  }
0x246: {  	v10 =	vmul.f32 $1.442695020e+00, v52;
	v48 =	vld.idx.msk [tilespmem:v36+s17+$0x0], $0xffff;
	vm15 =	vgt.f32 v11, v3;
	vm2 =	vgt.f32 v35, v0  }
0x247: {  	v47 =	vld.idx.msk [tilespmem:v29+s14+$0x0], $0xffff;
	(erf) = vpow2.f32 v2;
	v63 =	vsel vm15, v11, v3;
	v0 =	vsel vm2, v35, v0  }
0x248: {  	(erf) = vpow2.f32 v4;
	vm8 =	vgt.f32 v5, v63;
	v4 =	vor.u32 s20, v14  }
0x249: {  	vm13 =	vgt.f32 v39, v0;
	v7 =	vadd.f32 v38, v58;
	v38 =	vor.u32 $0x1700, v57  }
0x24a: {  	(erf) = vpow2.f32 v10;
	v0 =	vsel vm13, v39, v0;
	v14 =	vor.u32 s20, v38  }
0x24b: {  	v2 =	vadd.f32 v48, v12;
	vm7 =	vgt.f32 v7, v0;
	v7 =	vor.u32 s20, v18  }
0x24c: {  	v11 =	vadd.f32 v47, v23;
	v0 =	vsel vm8, v5, v63;
	v5 =	vor.u32 s20, v25  }
0x24d: {  	[tilespmem:$0x1F790] =	vst v28;
	v19 =	vsel vm12, $0x1, v60;
	v22 =	vsel vm0, $0x6, v60;
	v27 =	vpop (erf);
	v2 =	vmul.f32 $1.442695020e+00, v2;
	v28 =	vld.idx.msk [tilespmem:v4+s13+$0x0], $0xffff  }
0x24e: {  	v24 =	vsel vm14, $0x2, v19;
	v31 =	vor.u32 $0x1680, v57;
	v4 =	vld.idx.msk [tilespmem:v4+s14+$0x0], $0xffff;
	vm9 =	vgt.f32 v11, v0;
	v29 =	vpop (erf)  }
0x24f: {  	v0 =	vsel vm1, $0xC, v22;
	(erf) = vpow2.f32 v2;
	v2 =	vor.u32 s20, v31;
	v32 =	vpop (erf);
	v19 =	vld.idx.msk [tilespmem:v14+s13+$0x0], $0xffff  }
0x250: {  	v3 =	vsel vm15, $0x3, v24;
	v0 =	vsel vm2, $0x12, v0;
	v35 =	vadd.f32 v32, v29;
	v30 =	vld.idx.msk [tilespmem:v7+s13+$0x0], $0xffff  }
0x251: {  	v3 =	vsel vm8, $0x4, v3;
	v0 =	vsel vm13, $0x18, v0;
	v39 =	vpop (erf);
	v45 =	vld.idx.msk [tilespmem:v5+s13+$0x0], $0xffff  }
0x252: {  	v3 =	vsel vm9, $0x5, v3;
	v0 =	vsel vm7, $0x1E, v0;
	v9 =	vadd.f32 v39, v35;
	v7 =	vld.idx.msk [tilespmem:v7+s14+$0x0], $0xffff  }
0x253: {  	v38 =	vor.u32 $0x1880, v57;
	v48 =	vpop (erf);
	v47 =	vadd.s32 v0, v3;
	v5 =	vld.idx.msk [tilespmem:v5+s14+$0x0], $0xffff  }
0x254: {  	v8 =	vadd.f32 v28, v21;
	v36 =	vadd.s32 $0x24, v47;
	v63 =	vld.idx.msk [tilespmem:v2+s13+$0x0], $0xffff;
	v9 =	vadd.f32 v48, v9  }
0x255: {  	v10 =	vpop (erf);
	v35 =	vor.u32 $0x1780, v57;
	v4 =	vadd.f32 v4, v34;
	v40 =	vadd.s32 $0x48, v47;
	v2 =	vld.idx.msk [tilespmem:v2+s14+$0x0], $0xffff  }
0x256: {  	[tilespmem:$0x1F810] =	vst v48;
	v28 =	vor.u32 s20, v35;
	v48 =	vadd.s32 $0x90, v47;
	v18 =	vadd.f32 v10, v9  }
0x257: {  	[tilespmem:$0x1F820] =	vst v10;
	v9 =	vadd.f32 v19, v37;
	v10 =	vor.u32 $0x1B80, v57;
	v3 =	vadd.f32 v30, v59  }
0x258: {  	v52 =	vld.idx.msk [tilespmem:v47+s17+$0x0], $0xffff;
	v24 =	vadd.f32 v45, v51;
	v30 =	vor.u32 s20, v38;
	v45 =	vadd.s32 $0x6C, v47  }
0x259: {  	[tilespmem:$0x1F750] =	vst v27;
	v7 =	vadd.f32 v7, v41;
	v5 =	vadd.f32 v5, v42;
	v11 =	vld.idx.msk [tilespmem:v36+s17+$0x0], $0xffff;
	v36 =	vor.u32 $0x1800, v57  }
0x25a: {  	[tilespmem:$0x1F7E0] =	vst v29;
	v27 =	vadd.f32 v63, v33;
	v2 =	vadd.f32 v2, v26;
	vm2 =	vgt.f32 v3, v8  }
0x25b: {  	[tilespmem:$0x1F800] =	vst v39;
	v39 =	vpop (erf);
	v22 =	vld.idx.msk [tilespmem:v40+s17+$0x0], $0xffff;
	v29 =	vor.u32 s20, v36;
	v36 =	vor.u32 $0x1980, v57;
	vm7 =	vgt.f32 v7, v4  }
0x25c: {  	v3 =	vsel vm2, v3, v8;
	v8 =	vadd.f32 v39, v18;
	v18 =	vor.u32 $0x1900, v57  }
0x25d: {  	v4 =	vsel vm7, v7, v4;
	vm4 =	vgt.f32 v24, v3;
	v25 =	vadd.f32 v52, v50;
	v52 =	vld.idx.msk [tilespmem:v28+s13+$0x0], $0xffff  }
0x25e: {  	v31 =	vor.u32 s20, v18;
	vm8 =	vgt.f32 v5, v4;
	v3 =	vsel vm4, v24, v3;
	v19 =	vld.idx.msk [tilespmem:v30+s13+$0x0], $0xffff  }
0x25f: {  	(erf) = vrcp.f32 v8;
	v8 =	vld.idx.msk [tilespmem:v48+s17+$0x0], $0xffff;
	vm5 =	vgt.f32 v27, v3;
	v35 =	vadd.f32 v11, v17  }
0x260: {  	v14 =	vld.idx.msk [tilespmem:v14+s14+$0x0], $0xffff;
	v22 =	vadd.f32 v22, v16;
	v40 =	vmul.f32 $1.442695020e+00, v25;
	v3 =	vsel vm5, v27, v3  }
0x261: {  	v11 =	vor.u32 s20, v36;
	v63 =	vld.idx.msk [tilespmem:v29+s13+$0x0], $0xffff;
	vm6 =	vgt.f32 v9, v3;
	v38 =	vmul.f32 $1.442695020e+00, v35  }
0x262: {  	[tilespmem:$0x1F840] =	vst v39;
	v25 =	vld.idx.msk [tilespmem:v45+s17+$0x0], $0xffff;
	v39 =	vmul.f32 $1.442695020e+00, v22;
	v35 =	vor.u32 $0x1A00, v57;
	(erf) = vpow2.f32 v40  }
0x263: {  	v3 =	vsel vm6, v9, v3;
	v40 =	vadd.f32 v52, v58;
	v45 =	vadd.f32 v19, v59  }
0x264: {  	v48 =	vld.idx.msk [tilespmem:v31+s13+$0x0], $0xffff;
	(erf) = vpow2.f32 v38;
	v52 =	vsel vm8, v5, v4;
	v8 =	vadd.f32 v8, v6  }
0x265: {  	v38 =	vadd.s32 $0xB4, v47;
	(erf) = vpow2.f32 v39;
	vm9 =	vgt.f32 v2, v52  }
0x266: {  	v39 =	vsel vm7, $0x1, v60;
	v24 =	vadd.f32 v63, v21;
	vm0 =	vgt.f32 v40, v3  }
0x267: {  	v63 =	vld.idx.msk [tilespmem:v28+s14+$0x0], $0xffff;
	v2 =	vsel vm9, v2, v52;
	v27 =	vadd.f32 v25, v15;
	v28 =	vadd.f32 v14, v20  }
0x268: {  	v18 =	vld.idx.msk [tilespmem:v11+s13+$0x0], $0xffff;
	v14 =	vor.u32 s20, v35;
	v8 =	vmul.f32 $1.442695020e+00, v8;
	v35 =	vor.u32 $0x1C00, v57  }
0x269: {  	vm12 =	vgt.f32 v45, v24;
	v7 =	vmul.f32 $1.442695020e+00, v27;
	v36 =	vadd.f32 v48, v51  }
0x26a: {  	v52 =	vld.idx.msk [tilespmem:v29+s14+$0x0], $0xffff;
	vm10 =	vgt.f32 v28, v2;
	v48 =	vor.u32 $0x1B00, v57;
	v19 =	vsel vm12, v45, v24  }
0x26b: {  	v2 =	vsel vm10, v28, v2;
	v45 =	vor.u32 $0x1A80, v57;
	v24 =	vor.u32 s20, v10  }
0x26c: {  	v28 =	vor.u32 s20, v35;
	v35 =	vor.u32 $0x1D80, v57;
	vm3 =	vgt.f32 v36, v19  }
0x26d: {  	v5 =	vadd.f32 v18, v33;
	(erf) = vpow2.f32 v7;
	v7 =	vld.idx.msk [tilespmem:v38+s17+$0x0], $0xffff;
	v4 =	vadd.f32 v63, v23  }
0x26e: {  	v18 =	vld.idx.msk [tilespmem:v30+s14+$0x0], $0xffff;
	v3 =	vsel vm3, v36, v19;
	(erf) = vpow2.f32 v8;
	v8 =	vor.u32 s20, v48  }
0x26f: {  	v40 =	vld.idx.msk [tilespmem:v14+s13+$0x0], $0xffff;
	v63 =	vsel vm2, $0x6, v60;
	v9 =	vadd.f32 v52, v34;
	vm1 =	vgt.f32 v5, v3  }
0x270: {  	v19 =	vld.idx.msk [tilespmem:v31+s14+$0x0], $0xffff;
	v22 =	vsel vm4, $0xC, v63;
	v63 =	vor.u32 $0x1D00, v57;
	vm11 =	vgt.f32 v4, v2  }
0x271: {  	v36 =	vld.idx.msk [tilespmem:v11+s14+$0x0], $0xffff;
	v2 =	vsel vm1, v5, v3;
	v3 =	vsel vm8, $0x2, v39;
	v22 =	vsel vm5, $0x12, v22  }
0x272: {  	v14 =	vld.idx.msk [tilespmem:v14+s14+$0x0], $0xffff;
	v5 =	vor.u32 s20, v45;
	v3 =	vsel vm9, $0x3, v3;
	v22 =	vsel vm6, $0x18, v22  }
0x273: {  	v52 =	vld.idx.msk [tilespmem:v24+s13+$0x0], $0xffff;
	v3 =	vsel vm10, $0x4, v3;
	v38 =	vsel vm0, $0x1E, v22;
	v25 =	vadd.f32 v18, v41  }
0x274: {  	v18 =	vld.idx.msk [tilespmem:v28+s13+$0x0], $0xffff;
	v4 =	vadd.f32 v40, v37;
	v3 =	vsel vm11, $0x5, v3;
	v40 =	vor.u32 $0x1C80, v57  }
0x275: {  	v1 =	vadd.f32 v7, v12;
	v48 =	vld.idx.msk [tilespmem:v8+s13+$0x0], $0xffff;
	v45 =	vadd.s32 v38, v3;
	v3 =	vor.u32 s20, v40  }
0x276: {  	v7 =	vor.u32 s20, v63;
	v27 =	vadd.f32 v19, v42;
	v29 =	vadd.f32 v36, v26;
	v8 =	vld.idx.msk [tilespmem:v8+s14+$0x0], $0xffff  }
0x277: {  	v14 =	vadd.f32 v14, v20;
	vm15 =	vgt.f32 v25, v9;
	v39 =	vld.idx.msk [tilespmem:v5+s13+$0x0], $0xffff;
	vm8 =	vgt.f32 v4, v2  }
0x278: {  	v19 =	vpop (erf);
	v9 =	vsel vm15, v25, v9;
	v25 =	vor.u32 s20, v35;
	v5 =	vld.idx.msk [tilespmem:v5+s14+$0x0], $0xffff;
	v36 =	vadd.s32 $0x24, v45  }
0x279: {  	v38 =	vpop (erf);
	v2 =	vsel vm8, v4, v2;
	v4 =	vmul.f32 $1.442695020e+00, v1;
	vm6 =	vgt.f32 v27, v9  }
0x27a: {  	v31 =	vadd.f32 v52, v59;
	v27 =	vsel vm6, v27, v9;
	v30 =	vadd.f32 v48, v21;
	v48 =	vpop (erf);
	v35 =	vld.idx.msk [tilespmem:v3+s13+$0x0], $0xffff  }
0x27b: {  	v40 =	vadd.f32 v18, v51;
	[tilespmem:$0x1F860] =	vst v48;
	v63 =	vadd.f32 v48, v38;
	v48 =	vld.idx.msk [tilespmem:v45+s17+$0x0], $0xffff  }
0x27c: {  	(erf) = vpow2.f32 v4;
	vm0 =	vgt.f32 v29, v27;
	v22 =	vadd.f32 v39, v58;
	v39 =	vld.idx.msk [tilespmem:v7+s13+$0x0], $0xffff  }
0x27d: {  	v8 =	vadd.f32 v8, v34;
	vm2 =	vgt.f32 v31, v30;
	v18 =	vld.idx.msk [tilespmem:v25+s13+$0x0], $0xffff;
	v5 =	vadd.f32 v5, v23  }
0x27e: {  	[tilespmem:$0x1F850] =	vst v38;
	v38 =	vld.idx.msk [tilespmem:v36+s17+$0x0], $0xffff;
	v52 =	vsel vm2, v31, v30;
	v31 =	vor.u32 $0x1E80, v57;
	vm13 =	vgt.f32 v22, v2  }
0x27f: {  	[tilespmem:$0x1F7F0] =	vst v32;
	v2 =	vsel vm0, v29, v27;
	vm4 =	vgt.f32 v40, v52;
	v29 =	vor.u32 $0x1E00, v57  }
0x280: {  	[tilespmem:$0x1F7D0] =	vst v19;
	v32 =	vpop (erf);
	v9 =	vsel vm4, v40, v52;
	vm5 =	vgt.f32 v14, v2;
	v19 =	vadd.f32 v35, v33  }
0x281: {  	[tilespmem:$0x1F870] =	vst v32;
	v35 =	vadd.f32 v32, v63;
	v2 =	vsel vm5, v14, v2;
	v32 =	vor.u32 $0x1F00, v57  }
0x282: {  	v22 =	vadd.f32 v48, v50;
	v4 =	vadd.f32 v39, v37;
	v39 =	vpop (erf);
	vm7 =	vgt.f32 v5, v2  }
0x283: {  	v63 =	vld.idx.msk [tilespmem:v24+s14+$0x0], $0xffff;
	v52 =	vadd.f32 v18, v58;
	v2 =	vor.u32 s20, v29;
	v27 =	vadd.f32 v38, v17;
	[tilespmem:$0x1F880] =	vst v39;
	v11 =	vpop (erf)  }
0x284: {  	v24 =	vor.u32 s20, v32;
	vm10 =	vgt.f32 v19, v9;
	v40 =	vadd.f32 v39, v35;
	[tilespmem:$0x1F890] =	vst v11  }
0x285: {  	v38 =	vadd.s32 $0x48, v45;
	v35 =	vmul.f32 $1.442695020e+00, v22;
	v9 =	vsel vm10, v19, v9;
	v19 =	vld.idx.msk [tilespmem:v28+s14+$0x0], $0xffff  }
0x286: {  	v39 =	vor.u32 $0x2000, v57;
	vm9 =	vgt.f32 v4, v9;
	v18 =	vadd.f32 v11, v40;
	v3 =	vld.idx.msk [tilespmem:v3+s14+$0x0], $0xffff  }
0x287: {  	v36 =	vmul.f32 $1.442695020e+00, v27;
	v30 =	vpop (erf);
	v7 =	vld.idx.msk [tilespmem:v7+s14+$0x0], $0xffff;
	v40 =	vor.u32 $0x1F80, v57;
	v4 =	vsel vm9, v4, v9  }
0x288: {  	v25 =	vld.idx.msk [tilespmem:v25+s14+$0x0], $0xffff;
	v5 =	vadd.f32 v63, v41;
	vm11 =	vgt.f32 v52, v4;
	v9 =	vadd.f32 v30, v18  }
0x289: {  	v4 =	vor.u32 s20, v31;
	v28 =	vld.idx.msk [tilespmem:v2+s13+$0x0], $0xffff;
	v52 =	vsel vm15, $0x1, v60;
	v18 =	vadd.s32 $0x6C, v45  }
0x28a: {  	v63 =	vld.idx.msk [tilespmem:v24+s13+$0x0], $0xffff;
	v31 =	vor.u32 s20, v39;
	vm14 =	vgt.f32 v5, v8;
	v11 =	vsel vm6, $0x2, v52  }
0x28b: {  	v27 =	vld.idx.msk [tilespmem:v38+s17+$0x0], $0xffff;
	v52 =	vimm.s32 $0x0;
	(erf) = vrcp.f32 v9;
	v5 =	vsel vm14, v5, v8  }
0x28c: {  	v2 =	vld.idx.msk [tilespmem:v2+s14+$0x0], $0xffff;
	v8 =	vor.u32 s20, v40;
	v40 =	vor.u32 $0x2080, v57;
	v14 =	vadd.f32 v19, v42  }
0x28d: {  	v24 =	vld.idx.msk [tilespmem:v24+s14+$0x0], $0xffff;
	(erf) = vpow2.f32 v35;
	v19 =	vadd.s32 $0x90, v45;
	v3 =	vadd.f32 v3, v26  }
0x28e: {  	v32 =	vor.u32 s20, v40;
	v7 =	vadd.f32 v7, v20;
	v25 =	vadd.f32 v25, v23;
	v48 =	vld.idx.msk [tilespmem:v4+s13+$0x0], $0xffff  }
0x28f: {  	(erf) = vpow2.f32 v36;
	v36 =	vor.u32 $0x2100, v57;
	vm15 =	vgt.f32 v14, v5;
	v22 =	vld.idx.msk [tilespmem:v18+s17+$0x0], $0xffff  }
0x290: {  	v28 =	vadd.f32 v28, v21;
	v29 =	vadd.f32 v63, v51;
	v63 =	vadd.s32 $0xB4, v45  }
0x291: {  	v27 =	vadd.f32 v27, v16;
	v4 =	vld.idx.msk [tilespmem:v4+s14+$0x0], $0xffff;
	v2 =	vadd.f32 v2, v34;
	v5 =	vsel vm15, v14, v5  }
0x292: {  	v24 =	vadd.f32 v24, v42;
	v14 =	vsel vm0, $0x3, v11;
	vm0 =	vgt.f32 v3, v5;
	v19 =	vld.idx.msk [tilespmem:v19+s17+$0x0], $0xffff  }
0x293: {  	v14 =	vsel vm5, $0x4, v14;
	v27 =	vmul.f32 $1.442695020e+00, v27;
	v3 =	vsel vm0, v3, v5;
	v40 =	vld.idx.msk [tilespmem:v32+s13+$0x0], $0xffff  }
0x294: {  	vm6 =	vgt.f32 v7, v3;
	v9 =	vadd.f32 v48, v59;
	v48 =	vld.idx.msk [tilespmem:v8+s13+$0x0], $0xffff;
	v22 =	vadd.f32 v22, v15  }
0x295: {  	v38 =	vld.idx.msk [tilespmem:v31+s13+$0x0], $0xffff;
	(erf) = vpow2.f32 v27;
	v27 =	vor.u32 s20, v36;
	v3 =	vsel vm6, v7, v3  }
0x296: {  	v4 =	vadd.f32 v4, v41;
	v7 =	vld.idx.msk [tilespmem:v8+s14+$0x0], $0xffff;
	vm5 =	vgt.f32 v9, v28;
	v11 =	vmul.f32 $1.442695020e+00, v22  }
0x297: {  	v0 =	vsel vm5, $0xFFFFFFFF, v52;
	v18 =	vsel vm5, v9, v28;
	v9 =	vsel vm7, $0x5, v14  }
0x298: {  	v14 =	vadd.f32 v19, v6;
	v19 =	vadd.f32 v40, v58;
	vm7 =	vgt.f32 v29, v18  }
0x299: {  	(erf) = vpow2.f32 v11;
	v5 =	vsel vm7, v29, v18;
	v39 =	vadd.f32 v48, v33  }
0x29a: {  	v48 =	vsel vm12, $0x6, v60;
	v18 =	vadd.f32 v38, v37;
	v38 =	vor.u32 $0x2180, v57  }
0x29b: {  	[tilespmem:$0x1F8A0] =	vst v30;
	v40 =	vmul.f32 $1.442695020e+00, v14;
	v7 =	vadd.f32 v7, v26;
	v30 =	vsel vm3, $0xC, v48  }
0x29c: {  	vm3 =	vgt.f32 v25, v3;
	v22 =	vor.u32 s20, v38;
	v48 =	vor.u32 $0x2200, v57  }
0x29d: {  	v35 =	vld.idx.msk [tilespmem:v63+s17+$0x0], $0xffff;
	vm5 =	vgt.f32 v39, v5;
	v63 =	vsel vm1, $0x12, v30;
	v8 =	vor.u32 s20, v48  }
0x29e: {  	vm1 =	vgt.f32 v4, v2;
	(erf) = vpow2.f32 v40;
	v52 =	vsel vm5, v39, v5  }
0x29f: {  	v40 =	vor.u32 $0x2300, v57;
	v5 =	vsel vm8, $0x18, v63;
	vm12 =	vgt.f32 v18, v52  }
0x2a0: {  	v39 =	vimm.s32 $0x0;
	v63 =	vld.idx.msk [tilespmem:v31+s14+$0x0], $0xffff;
	v2 =	vsel vm1, v4, v2;
	v3 =	vsel vm12, v18, v52  }
0x2a1: {  	v4 =	vor.u32 s20, v40;
	v5 =	vsel vm13, $0x1E, v5;
	vm8 =	vgt.f32 v19, v3;
	v19 =	vld.idx.msk [tilespmem:v27+s13+$0x0], $0xffff  }
0x2a2: {  	v52 =	vadd.f32 v35, v12;
	v18 =	vsel vm14, $0x1, v60;
	v35 =	vor.u32 $0x2280, v57;
	v38 =	vld.idx.msk [tilespmem:v22+s13+$0x0], $0xffff  }
0x2a3: {  	[tilespmem:$0x1F540] =	vst v0;
	v14 =	vor.u32 s20, v35;
	v35 =	vimm.s32 $0x0;
	v22 =	vld.idx.msk [tilespmem:v22+s14+$0x0], $0xffff;
	v0 =	vsel vm8, $0xFFFFFFFF, v39  }
0x2a4: {  	v10 =	vmovc v20;
	v36 =	vmul.f32 $1.442695020e+00, v52;
	v39 =	vsel vm15, $0x2, v18;
	vm8 =	vgt.f32 v24, v2;
	v48 =	vld.idx.msk [tilespmem:v8+s13+$0x0], $0xffff  }
0x2a5: {  	v11 =	vpop (erf);
	v52 =	vor.u32 $0x2380, v57;
	v8 =	vld.idx.msk [tilespmem:v8+s14+$0x0], $0xffff;
	v2 =	vsel vm8, v24, v2;
	v3 =	vsel vm0, $0x3, v39  }
0x2a6: {  	v25 =	vadd.f32 v63, v20;
	v63 =	vld.idx.msk [tilespmem:v32+s14+$0x0], $0xffff;
	v28 =	vor.u32 s20, v52;
	v18 =	vpop (erf);
	vm15 =	vgt.f32 v7, v2  }
0x2a7: {  	v40 =	vld.idx.msk [tilespmem:v4+s13+$0x0], $0xffff;
	(erf) = vpow2.f32 v36;
	v3 =	vsel vm6, $0x4, v3;
	v20 =	vpop (erf);
	v2 =	vsel vm15, v7, v2  }
0x2a8: {  	v4 =	vld.idx.msk [tilespmem:v4+s14+$0x0], $0xffff;
	[tilespmem:$0x1F900] =	vst v20;
	v36 =	vadd.f32 v20, v18;
	v3 =	vsel vm3, $0x5, v3;
	v20 =	vimm.s32 $0x0  }
0x2a9: {  	v7 =	vld.idx.msk [tilespmem:v27+s14+$0x0], $0xffff;
	v29 =	vadd.f32 v19, v21;
	v30 =	vadd.f32 v38, v59;
	vm13 =	vgt.f32 v25, v2  }
0x2aa: {  	v39 =	vpop (erf);
	v19 =	vld.idx.msk [tilespmem:v14+s13+$0x0], $0xffff;
	v22 =	vadd.f32 v22, v41;
	v2 =	vsel vm13, v25, v2;
	v24 =	vadd.f32 v48, v51  }
0x2ab: {  	v27 =	vadd.f32 v39, v36;
	v8 =	vadd.f32 v8, v42;
	vm14 =	vgt.f32 v30, v29  }
0x2ac: {  	v14 =	vld.idx.msk [tilespmem:v14+s14+$0x0], $0xffff;
	v48 =	vadd.f32 v63, v23;
	v63 =	vimm.s32 $0x0;
	v38 =	vsel vm14, v30, v29  }
0x2ad: {  	[tilespmem:$0x1F830] =	vst v11;
	v4 =	vadd.f32 v4, v10;
	v11 =	vsel vm14, $0xFFFFFFFF, v35;
	vm0 =	vgt.f32 v24, v38  }
0x2ae: {  	[tilespmem:$0x1F570] =	vst v11;
	v11 =	vsel vm2, $0x6, v60;
	vm6 =	vgt.f32 v48, v2;
	v7 =	vadd.f32 v7, v34  }
0x2af: {  	[tilespmem:$0x1F560] =	vst v0;
	v52 =	vld.idx.msk [tilespmem:v28+s13+$0x0], $0xffff;
	v30 =	vpop (erf);
	v32 =	vadd.f32 v19, v33;
	v0 =	vsel vm0, $0xFFFFFFFF, v63;
	v25 =	vsel vm0, v24, v38  }
0x2b0: {  	v35 =	vsel vm4, $0xC, v11;
	v36 =	vadd.f32 v30, v27;
	v38 =	vadd.f32 v40, v37  }
0x2b1: {  	v63 =	vimm.s32 $0x0;
	v14 =	vadd.f32 v14, v26;
	[tilespmem:$0x1F580] =	vst v0;
	v0 =	vsel vm6, $0xFFFFFFFF, v20  }
0x2b2: {  	[tilespmem:$0x1F920] =	vst v39;
	v28 =	vld.idx.msk [tilespmem:v28+s14+$0x0], $0xffff;
	v39 =	vpop (erf);
	v20 =	vadd.s32 v5, v9;
	v5 =	vsel vm10, $0x12, v35;
	vm10 =	vgt.f32 v22, v7  }
0x2b3: {  	vm4 =	vgt.f32 v32, v25;
	v40 =	vadd.s32 $0x24, v20;
	v9 =	vadd.f32 v39, v36  }
0x2b4: {  	v48 =	vadd.f32 v52, v58;
	v5 =	vsel vm9, $0x18, v5;
	v1 =	vsel vm10, v22, v7  }
0x2b5: {  	[tilespmem:$0x1F8F0] =	vst v18;
	v18 =	vadd.s32 $0x48, v20;
	v35 =	vadd.s32 $0x6C, v20;
	v2 =	vsel vm4, v32, v25  }
0x2b6: {  	[tilespmem:$0x1F940] =	vst v39;
	v36 =	vor.u32 $0x2400, v57;
	v39 =	vsel vm1, $0x1, v60;
	vm3 =	vgt.f32 v38, v2  }
0x2b7: {  	v52 =	vpop (erf);
	v28 =	vadd.f32 v28, v23;
	v2 =	vsel vm3, v38, v2;
	v38 =	vor.u32 $0x2480, v57  }
0x2b8: {  	v9 =	vadd.f32 v52, v9;
	vm14 =	vgt.f32 v48, v2;
	v19 =	vld.idx.msk [tilespmem:v20+s17+$0x0], $0xffff;
	v27 =	vor.u32 s20, v38  }
0x2b9: {  	v2 =	vsel vm11, $0x1E, v5;
	vm11 =	vgt.f32 v8, v1;
	v48 =	vadd.s32 $0x90, v20;
	v7 =	vld.idx.msk [tilespmem:v40+s17+$0x0], $0xffff  }
0x2ba: {  	[tilespmem:$0x1F550] =	vst v0;
	v25 =	vor.u32 s20, v36;
	(erf) = vrcp.f32 v9;
	v5 =	vsel vm11, v8, v1;
	v9 =	vld.idx.msk [tilespmem:v18+s17+$0x0], $0xffff  }
0x2bb: {  	[tilespmem:$0x1F970] =	vst v52;
	v52 =	vadd.s32 $0xB4, v20;
	v0 =	vsel vm14, $0xFFFFFFFF, v63;
	v1 =	vld.idx.msk [tilespmem:v35+s17+$0x0], $0xffff;
	vm14 =	vgt.f32 v14, v5  }
0x2bc: {  	v40 =	vsel vm8, $0x2, v39;
	v63 =	vor.u32 $0x2500, v57;
	v5 =	vsel vm14, v14, v5  }
0x2bd: {  	v24 =	vor.u32 s20, v63;
	v8 =	vsel vm15, $0x3, v40;
	vm8 =	vgt.f32 v4, v5;
	v36 =	vld.idx.msk [tilespmem:v27+s13+$0x0], $0xffff  }
0x2be: {  	[tilespmem:$0x1F590] =	vst v0;
	v0 =	vadd.f32 v19, v50;
	v19 =	vor.u32 $0x2580, v57;
	v29 =	vld.idx.msk [tilespmem:v48+s17+$0x0], $0xffff;
	v4 =	vsel vm8, v4, v5  }
0x2bf: {  	v18 =	vld.idx.msk [tilespmem:v25+s13+$0x0], $0xffff;
	v7 =	vadd.f32 v7, v17;
	v32 =	vor.u32 s20, v19;
	v38 =	vadd.f32 v9, v16  }
0x2c0: {  	v48 =	vor.u32 $0x2600, v57;
	v40 =	vadd.f32 v1, v15;
	v14 =	vmul.f32 $1.442695020e+00, v0  }
0x2c1: {  	v39 =	vld.idx.msk [tilespmem:v52+s17+$0x0], $0xffff;
	vm2 =	vgt.f32 v28, v4;
	v7 =	vmul.f32 $1.442695020e+00, v7;
	v5 =	vmul.f32 $1.442695020e+00, v38  }
0x2c2: {  	v4 =	vld.idx.msk [tilespmem:v24+s13+$0x0], $0xffff;
	v19 =	vmul.f32 $1.442695020e+00, v40;
	(erf) = vpow2.f32 v14;
	v14 =	vor.u32 s20, v48  }
0x2c3: {  	(erf) = vpow2.f32 v7;
	v63 =	vadd.f32 v36, v59;
	v35 =	vadd.f32 v29, v6;
	v36 =	vld [tilespmem:$0x1F540]  }
0x2c4: {  	v52 =	vadd.f32 v18, v21;
	v18 =	vld.idx.msk [tilespmem:v32+s13+$0x0], $0xffff;
	(erf) = vpow2.f32 v5  }
0x2c5: {  	(erf) = vpow2.f32 v19;
	v7 =	vmul.f32 $1.442695020e+00, v35;
	v19 =	vor.u32 $0x2680, v57;
	v35 =	vld.idx.msk [tilespmem:v24+s14+$0x0], $0xffff  }
0x2c6: {  	v27 =	vld.idx.msk [tilespmem:v27+s14+$0x0], $0xffff;
	v9 =	vadd.f32 v39, v12;
	v5 =	vor.u32 s20, v19  }
0x2c7: {  	v40 =	vld.idx.msk [tilespmem:v25+s14+$0x0], $0xffff;
	vm6 =	vgt.f32 v63, v52;
	v4 =	vadd.f32 v4, v51  }
0x2c8: {  	v11 =	vor.u32 $0x2780, v57;
	v9 =	vmul.f32 $1.442695020e+00, v9;
	v39 =	vsel vm6, v63, v52;
	v63 =	vld.idx.msk [tilespmem:v14+s13+$0x0], $0xffff  }
0x2c9: {  	v19 =	vadd.s32 v2, v3;
	vm9 =	vgt.f32 v4, v39;
	(erf) = vpow2.f32 v7  }
0x2ca: {  	vm15 =	vnez.u8 v36;
	v52 =	vadd.f32 v18, v33;
	v7 =	vadd.f32 v35, v42;
	v35 =	vld [tilespmem:$0x1F560]  }
0x2cb: {  	v24 =	vadd.s32 $0x24, v19;
	v4 =	vsel vm9, v4, v39;
	v38 =	vsel vm15, $0x6, v60;
	v18 =	vld.idx.msk [tilespmem:v5+s13+$0x0], $0xffff  }
0x2cc: {  	v39 =	vadd.f32 v40, v34;
	v48 =	vsel vm7, $0xC, v38;
	vm7 =	vgt.f32 v52, v4;
	v5 =	vld.idx.msk [tilespmem:v5+s14+$0x0], $0xffff  }
0x2cd: {  	v40 =	vadd.f32 v27, v41;
	v2 =	vsel vm7, v52, v4;
	v52 =	vadd.f32 v63, v37;
	v63 =	vld.idx.msk [tilespmem:v32+s14+$0x0], $0xffff  }
0x2ce: {  	v8 =	vsel vm13, $0x4, v8;
	v1 =	vor.u32 $0x2A80, v57;
	v36 =	vsel vm5, $0x12, v48;
	v32 =	vld [tilespmem:$0x1F550]  }
0x2cf: {  	(erf) = vpow2.f32 v9;
	vm15 =	vgt.f32 v40, v39;
	v38 =	vsel vm12, $0x18, v36;
	v36 =	vld.idx.msk [tilespmem:v14+s14+$0x0], $0xffff  }
0x2d0: {  	v27 =	vor.u32 s20, v11;
	v48 =	vor.u32 $0x2700, v57;
	v9 =	vsel vm15, v40, v39;
	v24 =	vld.idx.msk [tilespmem:v24+s17+$0x0], $0xffff  }
0x2d1: {  	v39 =	vor.u32 $0x2800, v57;
	v22 =	vor.u32 s20, v48;
	vm1 =	vgt.f32 v7, v9  }
0x2d2: {  	v7 =	vsel vm1, v7, v9;
	v9 =	vor.u32 s20, v39;
	v39 =	vld.idx.msk [tilespmem:v19+s17+$0x0], $0xffff;
	vm12 =	vnez.u8 v35  }
0x2d3: {  	v28 =	vadd.f32 v18, v58;
	v18 =	vsel vm10, $0x1, v60;
	v5 =	vadd.f32 v5, v23  }
0x2d4: {  	vm5 =	vnez.u8 v32;
	v48 =	vadd.f32 v63, v26;
	v63 =	vor.u32 $0x2880, v57  }
0x2d5: {  	v4 =	vadd.f32 v36, v10;
	v24 =	vadd.f32 v24, v17;
	v3 =	vsel vm5, $0x5, v8  }
0x2d6: {  	v31 =	vld.idx.msk [tilespmem:v27+s13+$0x0], $0xffff;
	v8 =	vsel vm12, $0x1E, v38;
	vm12 =	vgt.f32 v52, v2;
	v38 =	vpop (erf);
	v29 =	vor.u32 s20, v63  }
0x2d7: {  	v25 =	vld.idx.msk [tilespmem:v22+s13+$0x0], $0xffff;
	v39 =	vadd.f32 v39, v50;
	v2 =	vsel vm12, v52, v2;
	v40 =	vpop (erf);
	vm0 =	vgt.f32 v48, v7  }
0x2d8: {  	v22 =	vld.idx.msk [tilespmem:v22+s14+$0x0], $0xffff;
	[tilespmem:$0x1F8E0] =	vst v38;
	v38 =	vsel vm11, $0x2, v18;
	v52 =	vpop (erf);
	v7 =	vsel vm0, v48, v7;
	vm13 =	vgt.f32 v28, v2  }
0x2d9: {  	v27 =	vld.idx.msk [tilespmem:v27+s14+$0x0], $0xffff;
	[tilespmem:$0x1F990] =	vst v40;
	v48 =	vsel vm14, $0x3, v38;
	v11 =	vadd.f32 v52, v40;
	v40 =	vimm.s32 $0x0  }
0x2da: {  	[tilespmem:$0x1F930] =	vst v30;
	v63 =	vld.idx.msk [tilespmem:v9+s13+$0x0], $0xffff;
	v36 =	vpop (erf);
	vm10 =	vgt.f32 v4, v7;
	v2 =	vsel vm8, $0x4, v48;
	v48 =	vor.u32 $0x2900, v57  }
0x2db: {  	[tilespmem:$0x1F9A0] =	vst v52;
	v4 =	vsel vm10, v4, v7;
	v7 =	vor.u32 s20, v48;
	v30 =	vadd.f32 v36, v11  }
0x2dc: {  	v18 =	vadd.f32 v31, v59;
	[tilespmem:$0x1F9B0] =	vst v36;
	v0 =	vsel vm13, $0xFFFFFFFF, v40;
	v52 =	vpop (erf);
	v25 =	vadd.f32 v25, v21;
	v36 =	vld.idx.msk [tilespmem:v29+s13+$0x0], $0xffff  }
0x2dd: {  	v9 =	vld.idx.msk [tilespmem:v9+s14+$0x0], $0xffff;
	v40 =	vimm.s32 $0x0;
	v22 =	vadd.f32 v22, v34;
	v11 =	vadd.f32 v52, v30  }
0x2de: {  	v48 =	vadd.f32 v27, v41;
	v35 =	vpop (erf);
	vm11 =	vgt.f32 v5, v4;
	v4 =	vsel vm2, $0x5, v2  }
0x2df: {  	[tilespmem:$0x1F5A0] =	vst v0;
	v14 =	vadd.f32 v63, v51;
	vm8 =	vgt.f32 v18, v25;
	v38 =	vadd.f32 v35, v11;
	v11 =	vld [tilespmem:$0x1F570]  }
0x2e0: {  	[tilespmem:$0x1F9C0] =	vst v52;
	v5 =	vmul.f32 $1.442695020e+00, v39;
	v39 =	vadd.s32 $0x48, v19;
	v0 =	vsel vm8, $0xFFFFFFFF, v40;
	v52 =	vpop (erf);
	v40 =	vld.idx.msk [tilespmem:v7+s13+$0x0], $0xffff  }
0x2e1: {  	[tilespmem:$0x1F9D0] =	vst v35;
	vm5 =	vgt.f32 v48, v22;
	v63 =	vadd.f32 v36, v33;
	v36 =	vld [tilespmem:$0x1F580];
	v2 =	vadd.f32 v52, v38  }
0x2e2: {  	v9 =	vadd.f32 v9, v42;
	v25 =	vsel vm8, v18, v25;
	v22 =	vsel vm5, v48, v22;
	[tilespmem:$0x1F5B0] =	vst v0  }
0x2e3: {  	[tilespmem:$0x1F9E0] =	vst v52;
	v0 =	vor.u32 $0x2A00, v57;
	v35 =	vmul.f32 $1.442695020e+00, v24;
	v52 =	vld.idx.msk [tilespmem:v29+s14+$0x0], $0xffff;
	(erf) = vrcp.f32 v2  }
0x2e4: {  	v29 =	vor.u32 s20, v0;
	vm13 =	vnez.u8 v11;
	(erf) = vpow2.f32 v5  }
0x2e5: {  	v24 =	vadd.f32 v40, v37;
	v11 =	vor.u32 $0x2B00, v57;
	v40 =	vsel vm15, $0x1, v60  }
0x2e6: {  	v18 =	vsel vm13, $0x6, v60;
	vm13 =	vgt.f32 v14, v25;
	vm14 =	vnez.u8 v36  }
0x2e7: {  	v30 =	vor.u32 s20, v11;
	v32 =	vsel vm13, v14, v25;
	v38 =	vsel vm14, $0xC, v18  }
0x2e8: {  	v31 =	vld.idx.msk [tilespmem:v7+s14+$0x0], $0xffff;
	v25 =	vor.u32 s20, v1;
	v27 =	vadd.f32 v52, v26;
	v18 =	vadd.s32 $0x6C, v19  }
0x2e9: {  	v52 =	vsel vm1, $0x2, v40;
	vm14 =	vgt.f32 v63, v32;
	v5 =	vsel vm4, $0x12, v38  }
0x2ea: {  	v14 =	vld.idx.msk [tilespmem:v39+s17+$0x0], $0xffff;
	vm4 =	vgt.f32 v9, v22;
	v1 =	vsel vm0, $0x3, v52;
	v52 =	vor.u32 $0x2C00, v57  }
0x2eb: {  	v2 =	vsel vm14, v63, v32;
	v63 =	vor.u32 $0x2980, v57;
	v9 =	vsel vm4, v9, v22;
	v22 =	vld.idx.msk [tilespmem:v29+s13+$0x0], $0xffff  }
0x2ec: {  	v36 =	vor.u32 s20, v52;
	v28 =	vor.u32 s20, v63;
	v63 =	vld [tilespmem:$0x1F590]  }
0x2ed: {  	v48 =	vor.u32 $0x2B80, v57;
	v31 =	vadd.f32 v31, v10;
	v39 =	vld.idx.msk [tilespmem:v30+s13+$0x0], $0xffff  }
0x2ee: {  	v5 =	vsel vm3, $0x18, v5;
	vm8 =	vgt.f32 v24, v2;
	vm3 =	vgt.f32 v27, v9;
	v30 =	vld.idx.msk [tilespmem:v30+s14+$0x0], $0xffff  }
0x2ef: {  	v2 =	vsel vm8, v24, v2;
	v24 =	vor.u32 s20, v48;
	v9 =	vsel vm3, v27, v9;
	v38 =	vld.idx.msk [tilespmem:v25+s13+$0x0], $0xffff  }
0x2f0: {  	v14 =	vadd.f32 v14, v16;
	v27 =	vld.idx.msk [tilespmem:v18+s17+$0x0], $0xffff;
	vm2 =	vgt.f32 v31, v9  }
0x2f1: {  	(erf) = vpow2.f32 v35;
	v40 =	vor.u32 $0x2C80, v57;
	v9 =	vsel vm2, v31, v9;
	v31 =	vld.idx.msk [tilespmem:v36+s13+$0x0], $0xffff  }
0x2f2: {  	v40 =	vor.u32 s20, v40;
	v18 =	vadd.s32 $0x90, v19;
	v14 =	vmul.f32 $1.442695020e+00, v14;
	v35 =	vld.idx.msk [tilespmem:v28+s13+$0x0], $0xffff  }
0x2f3: {  	v32 =	vadd.s32 $0xB4, v19;
	v22 =	vadd.f32 v22, v21;
	vm15 =	vnez.u8 v63;
	v28 =	vld.idx.msk [tilespmem:v28+s14+$0x0], $0xffff  }
0x2f4: {  	v63 =	vsel vm10, $0x4, v1;
	v7 =	vsel vm15, $0x1E, v5;
	v48 =	vld.idx.msk [tilespmem:v24+s13+$0x0], $0xffff;
	(erf) = vpow2.f32 v14  }
0x2f5: {  	v63 =	vsel vm11, $0x5, v63;
	v24 =	vld.idx.msk [tilespmem:v24+s14+$0x0], $0xffff;
	v38 =	vadd.f32 v38, v59;
	v0 =	vadd.f32 v27, v15  }
0x2f6: {  	v11 =	vadd.f32 v39, v51;
	v39 =	vimm.s32 $0x0;
	v30 =	vadd.f32 v30, v42  }
0x2f7: {  	v1 =	vld.idx.msk [tilespmem:v18+s17+$0x0], $0xffff;
	v18 =	vsel vm6, $0x6, v60;
	vm10 =	vgt.f32 v38, v22;
	v5 =	vmul.f32 $1.442695020e+00, v0  }
0x2f8: {  	v35 =	vadd.f32 v35, v58;
	v22 =	vsel vm10, v38, v22;
	v28 =	vadd.f32 v28, v23  }
0x2f9: {  	v52 =	vadd.f32 v48, v33;
	vm11 =	vgt.f32 v11, v22;
	(erf) = vpow2.f32 v5  }
0x2fa: {  	v48 =	vadd.f32 v31, v37;
	v24 =	vadd.f32 v24, v26;
	vm15 =	vgt.f32 v35, v2  }
0x2fb: {  	v35 =	vld.idx.msk [tilespmem:v40+s13+$0x0], $0xffff;
	vm6 =	vgt.f32 v28, v9;
	v27 =	vsel vm11, v11, v22;
	v28 =	vsel vm9, $0xC, v18  }
0x2fc: {  	v25 =	vld.idx.msk [tilespmem:v25+s14+$0x0], $0xffff;
	v14 =	vadd.f32 v1, v6;
	v18 =	vor.u32 $0x2D80, v57;
	vm9 =	vgt.f32 v52, v27  }
0x2fd: {  	v22 =	vld.idx.msk [tilespmem:v29+s14+$0x0], $0xffff;
	v2 =	vor.u32 $0x2D00, v57;
	v5 =	vsel vm9, v52, v27;
	v27 =	vor.u32 s20, v18  }
0x2fe: {  	v11 =	vimm.s32 $0x0;
	v1 =	vsel vm5, $0x1, v60;
	v9 =	vsel vm7, $0x12, v28;
	v28 =	vld.idx.msk [tilespmem:v32+s17+$0x0], $0xffff  }
0x2ff: {  	v31 =	vor.u32 s20, v2;
	v32 =	vimm.s32 $0x0;
	v2 =	vor.u32 $0x2F00, v57  }
0x300: {  	v0 =	vsel vm9, $0xFFFFFFFF, v39;
	vm0 =	vgt.f32 v48, v5;
	v52 =	vadd.f32 v35, v58;
	v35 =	vld [tilespmem:$0x1F5A0]  }
0x301: {  	[tilespmem:$0x1F6F0] =	vst v0;
	v0 =	vsel vm0, $0xFFFFFFFF, v11;
	v5 =	vsel vm0, v48, v5;
	v48 =	vor.u32 $0x2E00, v57  }
0x302: {  	v38 =	vadd.f32 v22, v34;
	v22 =	vor.u32 s20, v48;
	vm0 =	vgt.f32 v52, v5;
	v48 =	vld.idx.msk [tilespmem:v27+s13+$0x0], $0xffff  }
0x303: {  	v39 =	vadd.f32 v25, v41;
	[tilespmem:$0x1F700] =	vst v0;
	v52 =	vadd.f32 v28, v12;
	v27 =	vld.idx.msk [tilespmem:v27+s14+$0x0], $0xffff;
	v0 =	vsel vm0, $0xFFFFFFFF, v32  }
0x304: {  	v14 =	vmul.f32 $1.442695020e+00, v14;
	v9 =	vsel vm12, $0x18, v9;
	v11 =	vor.u32 $0x2E80, v57;
	[tilespmem:$0x1F8D0] =	vst v0;
	v0 =	vld.idx.msk [tilespmem:v36+s14+$0x0], $0xffff  }
0x305: {  	vm1 =	vgt.f32 v39, v38;
	v18 =	vmul.f32 $1.442695020e+00, v52;
	vm9 =	vnez.u8 v35  }
0x306: {  	v29 =	vor.u32 s20, v11;
	v32 =	vld.idx.msk [tilespmem:v31+s13+$0x0], $0xffff;
	v5 =	vsel vm9, $0x1E, v9;
	v9 =	vsel vm1, v39, v38  }
0x307: {  	(erf) = vpow2.f32 v14;
	v35 =	vsel vm4, $0x2, v1;
	v38 =	vld.idx.msk [tilespmem:v22+s13+$0x0], $0xffff;
	vm0 =	vgt.f32 v30, v9  }
0x308: {  	v25 =	vadd.f32 v48, v59;
	v9 =	vsel vm0, v30, v9;
	v30 =	vor.u32 s20, v2  }
0x309: {  	(erf) = vpow2.f32 v18;
	v27 =	vadd.f32 v27, v41;
	v18 =	vpop (erf);
	v28 =	vadd.f32 v0, v10  }
0x30a: {  	v14 =	vld.idx.msk [tilespmem:v40+s14+$0x0], $0xffff;
	vm7 =	vgt.f32 v24, v9;
	[tilespmem:$0x1F980] =	vst v18;
	v18 =	vadd.s32 v8, v3;
	v8 =	vsel vm3, $0x3, v35;
	v39 =	vpop (erf)  }
0x30b: {  	v36 =	vsel vm7, v24, v9;
	v9 =	vld.idx.msk [tilespmem:v29+s13+$0x0], $0xffff;
	v24 =	vadd.f32 v32, v21;
	v40 =	vpop (erf);
	v8 =	vsel vm2, $0x4, v8  }
0x30c: {  	[tilespmem:$0x1FA00] =	vst v39;
	vm9 =	vgt.f32 v28, v36;
	v48 =	vadd.f32 v40, v39;
	v38 =	vadd.f32 v38, v51  }
0x30d: {  	[tilespmem:$0x1FA10] =	vst v40;
	v39 =	vpop (erf);
	v40 =	vimm.s32 $0x0;
	v28 =	vsel vm9, v28, v36;
	vm2 =	vgt.f32 v25, v24;
	v32 =	vld.idx.msk [tilespmem:v30+s13+$0x0], $0xffff  }
0x30e: {  	v36 =	vor.u32 $0x2F80, v57;
	v24 =	vsel vm2, v25, v24;
	v25 =	vadd.f32 v39, v48;
	v48 =	vld [tilespmem:$0x1F5B0]  }
0x30f: {  	v31 =	vld.idx.msk [tilespmem:v31+s14+$0x0], $0xffff;
	v35 =	vor.u32 s20, v36;
	v36 =	vsel vm6, $0x5, v8;
	v8 =	vadd.f32 v14, v23  }
0x310: {  	v14 =	vld.idx.msk [tilespmem:v22+s14+$0x0], $0xffff;
	v22 =	vadd.s32 $0x24, v18;
	vm3 =	vgt.f32 v38, v24;
	v9 =	vadd.f32 v9, v33  }
0x311: {  	[tilespmem:$0x1F8C0] =	vst v41;
	v0 =	vsel vm3, $0xFFFFFFFF, v40;
	vm5 =	vgt.f32 v8, v28;
	v40 =	vsel vm3, v38, v24;
	v28 =	vld.idx.msk [tilespmem:v29+s14+$0x0], $0xffff;
	v29 =	vpop (erf)  }
0x312: {  	[tilespmem:$0x1FA20] =	vst v39;
	v39 =	vimm.s32 $0x0;
	v25 =	vadd.f32 v29, v25;
	vm3 =	vgt.f32 v9, v40  }
0x313: {  	[tilespmem:$0x1F950] =	vst v0;
	v41 =	vpop (erf);
	vm12 =	vnez.u8 v48;
	v32 =	vadd.f32 v32, v37;
	v0 =	vsel vm3, $0xFFFFFFFF, v39  }
0x314: {  	v38 =	vld.idx.msk [tilespmem:v35+s13+$0x0], $0xffff;
	v8 =	vsel vm3, v9, v40;
	v40 =	vadd.f32 v31, v34;
	v25 =	vadd.f32 v41, v25  }
0x315: {  	[tilespmem:$0x1FA30] =	vst v29;
	v29 =	vld.idx.msk [tilespmem:v22+s17+$0x0], $0xffff;
	v14 =	vadd.f32 v14, v42;
	v31 =	vadd.s32 $0x48, v18;
	v3 =	vsel vm12, $0x6, v60  }
0x316: {  	v48 =	vsel vm13, $0xC, v3;
	vm3 =	vgt.f32 v32, v8;
	vm12 =	vgt.f32 v27, v40;
	v3 =	vld.idx.msk [tilespmem:v18+s17+$0x0], $0xffff  }
0x317: {  	v39 =	vld [tilespmem:$0x1F5C0];
	v28 =	vadd.f32 v28, v26;
	v24 =	vsel vm14, $0x12, v48;
	v8 =	vsel vm3, v32, v8  }
0x318: {  	[tilespmem:$0x1F8B0] =	vst v34;
	v9 =	vsel vm12, v27, v40;
	v40 =	vsel vm1, $0x1, v60;
	v24 =	vsel vm8, $0x18, v24;
	v32 =	vmovc v42  }
0x319: {  	v30 =	vld.idx.msk [tilespmem:v30+s14+$0x0], $0xffff;
	[tilespmem:$0x1FA40] =	vst v41;
	vm4 =	vgt.f32 v14, v9;
	v48 =	vpop (erf);
	v22 =	vsel vm15, $0x1E, v24;
	v34 =	vadd.f32 v38, v58  }
0x31a: {  	v42 =	vld.idx.msk [tilespmem:v35+s14+$0x0], $0xffff;
	v41 =	vsel vm4, v14, v9;
	v38 =	vadd.f32 v29, v17;
	v25 =	vadd.f32 v48, v25  }
0x31b: {  	v31 =	vld.idx.msk [tilespmem:v31+s17+$0x0], $0xffff;
	[tilespmem:$0x1FA50] =	vst v48;
	v48 =	vadd.s32 $0x6C, v18;
	vm15 =	vgt.f32 v28, v41;
	v35 =	vadd.f32 v3, v50  }
0x31c: {  	vm8 =	vgt.f32 v34, v8;
	v8 =	vsel vm15, v28, v41;
	v28 =	vmul.f32 v39, v55  }
0x31d: {  	v34 =	vsel vm0, $0x2, v40;
	(erf) = vrcp.f32 v25;
	v25 =	vmul.f32 $1.442695020e+00, v35  }
0x31e: {  	v1 =	vmovc v55;
	v40 =	vadd.f32 v30, v10;
	v41 =	vadd.s32 $0x90, v18;
	v27 =	vmul.f32 $1.442695020e+00, v38;
	v55 =	vld [tilespmem:$0x1F5D0]  }
0x31f: {  	v24 =	vsel vm7, $0x3, v34;
	v9 =	vadd.f32 v42, v23;
	(erf) = vpow2.f32 v25;
	v25 =	vld [tilespmem:$0x1F5E0]  }
0x320: {  	v52 =	vmovc v26;
	v42 =	vadd.s32 $0xB4, v18;
	v26 =	vadd.f32 v31, v16;
	v31 =	vmul.f32 v28, v54;
	v54 =	vld [tilespmem:$0x1F610]  }
0x321: {  	vm7 =	vgt.f32 v40, v8;
	v14 =	vld.idx.msk [tilespmem:v48+s17+$0x0], $0xffff;
	v48 =	vmul.f32 v28, v49;
	v49 =	vmul.f32 v28, v43  }
0x322: {  	v8 =	vsel vm7, v40, v8;
	(erf) = vpow2.f32 v27;
	v27 =	vmul.f32 v28, v46;
	v46 =	vld [tilespmem:$0x1F5F0]  }
0x323: {  	vm1 =	vgt.f32 v9, v8;
	v9 =	vadd.f32 $0.0e+00, v49;
	v49 =	vld [tilespmem:$0x1F600]  }
0x324: {  	v38 =	vsel vm9, $0x4, v24;
	v24 =	vmul.f32 v25, v55;
	v25 =	vld.idx.msk [tilespmem:v41+s17+$0x0], $0xffff  }
0x325: {  	v30 =	vmul.f32 $1.442695020e+00, v26;
	v35 =	vld.idx.msk [tilespmem:v42+s17+$0x0], $0xffff  }
0x326: {  	v29 =	vmul.f32 v28, v53;
	v26 =	vadd.s32 v7, v4  }
0x327: {  	v39 =	vld [tilespmem:$0x1F620];
	v8 =	vadd.f32 $0.0e+00, v48;
	(erf) = vpow2.f32 v30;
	v14 =	vadd.f32 v14, v15  }
0x328: {  	v42 =	vadd.f32 $0.0e+00, v29;
	v28 =	vmul.f32 v28, v54;
	v48 =	vmul.f32 v24, v46  }
0x329: {  	v30 =	vld [tilespmem:$0x1F640];
	v53 =	vmul.f32 v24, v49;
	v14 =	vmul.f32 $1.442695020e+00, v14;
	v25 =	vadd.f32 v25, v6  }
0x32a: {  	[tilespmem:$0x1F910] =	vst v10;
	v41 =	vld [tilespmem:$0x1F630];
	v10 =	vmul.f32 v24, v56;
	v11 =	vmul.f32 v24, v61;
	v35 =	vadd.f32 v35, v12  }
0x32b: {  	v2 =	vmovc v6;
	v56 =	vld [tilespmem:$0x1F650];
	(erf) = vpow2.f32 v14;
	v6 =	vadd.f32 $0.0e+00, v27;
	v25 =	vmul.f32 $1.442695020e+00, v25  }
0x32c: {  	v40 =	vmul.f32 v24, v39;
	v46 =	vadd.f32 $0.0e+00, v31;
	v8 =	vadd.f32 v48, v8  }
0x32d: {  	v43 =	vmul.f32 $1.442695020e+00, v35;
	v14 =	vadd.f32 v10, v6;
	v10 =	vld [tilespmem:$0x1F660];
	(erf) = vpow2.f32 v25  }
0x32e: {  	v29 =	vld [tilespmem:$0x1F670];
	v49 =	vpop (erf);
	v9 =	vadd.f32 v53, v9;
	v4 =	vadd.f32 v40, v46;
	v46 =	vadd.s32 $0x6C, v26  }
0x32f: {  	v31 =	vadd.f32 v11, v42;
	v53 =	vadd.f32 $0.0e+00, v1;
	v54 =	vpop (erf);
	v42 =	vld [tilespmem:$0x1F680];
	(erf) = vpow2.f32 v43  }
0x330: {  	v48 =	vadd.f32 $0.0e+00, v28;
	v24 =	vmul.f32 v24, v41;
	v61 =	vpop (erf);
	v35 =	vmul.f32 v56, v30  }
0x331: {  	v39 =	vadd.f32 v55, v53;
	v6 =	vadd.f32 v61, v54;
	v25 =	vadd.s32 $0x24, v26  }
0x332: {  	v53 =	vadd.s32 $0x48, v26;
	v7 =	vadd.f32 v24, v48;
	v28 =	vpop (erf);
	v56 =	vld.idx.msk [tilespmem:v26+s17+$0x0], $0xffff;
	v11 =	vmul.f32 v35, v10  }
0x333: {  	v34 =	vmul.f32 v35, v29;
	v24 =	vadd.f32 v28, v6;
	v1 =	vld.idx.msk [tilespmem:v46+s17+$0x0], $0xffff;
	v46 =	vor.u32 $0x3100, v57  }
0x334: {  	v27 =	vld [tilespmem:$0x1F690];
	v43 =	vmul.f32 v35, v42;
	v55 =	vpop (erf);
	v10 =	vadd.f32 v11, v8;
	v8 =	vadd.s32 $0x90, v26  }
0x335: {  	v41 =	vor.u32 $0x3080, v57;
	[tilespmem:$0x1FA80] =	vst v61;
	v61 =	vor.u32 s20, v46;
	v46 =	vld [tilespmem:$0x1F6B0];
	v6 =	vadd.f32 v55, v24  }
0x336: {  	v11 =	vadd.f32 v34, v9;
	[tilespmem:$0x1FA90] =	vst v55;
	v34 =	vadd.f32 v43, v14;
	v42 =	vld.idx.msk [tilespmem:v25+s17+$0x0], $0xffff;
	v55 =	vor.u32 s20, v41;
	v25 =	vpop (erf)  }
0x337: {  	v48 =	vld.idx.msk [tilespmem:v53+s17+$0x0], $0xffff;
	v9 =	vor.u32 $0x3000, v57;
	v14 =	vadd.f32 v25, v6;
	v6 =	vadd.s32 $0xB4, v26  }
0x338: {  	[tilespmem:$0x1F9F0] =	vst v49;
	v56 =	vadd.f32 v56, v50;
	v43 =	vld [tilespmem:$0x1F6A0];
	v49 =	vor.u32 s20, v9;
	v24 =	vpop (erf)  }
0x339: {  	v29 =	vmul.f32 v35, v27;
	v27 =	vor.u32 $0x3180, v57;
	v8 =	vld.idx.msk [tilespmem:v8+s17+$0x0], $0xffff;
	v14 =	vadd.f32 v24, v14  }
0x33a: {  	v53 =	vmul.f32 $1.442695020e+00, v56;
	v56 =	vor.u32 s20, v27  }
0x33b: {  	[tilespmem:$0x1FA70] =	vst v54;
	v31 =	vadd.f32 v29, v31;
	v29 =	vadd.f32 v42, v17;
	v54 =	vld.idx.msk [tilespmem:v55+s13+$0x0], $0xffff;
	(erf) = vrcp.f32 v14  }
0x33c: {  	(erf) = vpow2.f32 v53;
	v53 =	vadd.f32 v48, v16;
	v48 =	vadd.s32 $0xD8, v62;
	v6 =	vld.idx.msk [tilespmem:v6+s17+$0x0], $0xffff  }
0x33d: {  	[tilespmem:$0x1F960] =	vst v0;
	v0 =	vmul.f32 v35, v43;
	v40 =	vld.idx.msk [tilespmem:v49+s13+$0x0], $0xffff;
	v14 =	vmul.f32 $1.442695020e+00, v29  }
0x33e: {  	v1 =	vadd.f32 v1, v15;
	v35 =	vmul.f32 v35, v46;
	v8 =	vadd.f32 v8, v2  }
0x33f: {  	v46 =	vld.idx.msk [tilespmem:v56+s13+$0x0], $0xffff;
	v9 =	vadd.f32 v0, v4;
	(erf) = vpow2.f32 v14;
	v4 =	vmul.f32 $1.442695020e+00, v53  }
0x340: {  	v41 =	vor.u32 $0x3200, v57;
	v1 =	vmul.f32 $1.442695020e+00, v1;
	v43 =	vmul.f32 $1.442695020e+00, v8;
	v8 =	vld [tilespmem:$0x1F6C0]  }
0x341: {  	v62 =	vor.u32 s20, v41;
	(erf) = vpow2.f32 v4;
	v42 =	vadd.f32 v6, v12;
	v6 =	vld.idx.msk [tilespmem:v48+s17+$0x0], $0xffff  }
0x342: {  	v0 =	vld.idx.msk [tilespmem:v61+s13+$0x0], $0xffff;
	v54 =	vadd.f32 v54, v59;
	v53 =	vadd.f32 v40, v21;
	(erf) = vpow2.f32 v1  }
0x343: {  	(erf) = vpow2.f32 v43;
	v43 =	vor.u32 $0x3280, v57;
	v4 =	vmul.f32 $1.442695020e+00, v42;
	v42 =	vld [tilespmem:$0x1F6E0]  }
0x344: {  	v35 =	vadd.f32 v35, v7;
	vm9 =	vgt.f32 v54, v53;
	v48 =	vor.u32 s20, v43  }
0x345: {  	v7 =	vadd.f32 v46, v33;
	v46 =	vsel vm10, $0x6, v60;
	v1 =	vsel vm9, v54, v53  }
0x346: {  	v60 =	vld [tilespmem:$0x1F6F0];
	v53 =	vpop (erf);
	(erf) = vpow2.f32 v4;
	v4 =	vadd.s32 $0xD8, v44;
	v44 =	vmul.f32 v8, v6  }
0x347: {  	v40 =	vsel vm5, $0x5, v38;
	v0 =	vadd.f32 v0, v51;
	v38 =	vld [tilespmem:$0x1F6D0];
	v54 =	vpop (erf)  }
0x348: {  	v13 =	vmov v12;
	v63 =	vadd.s32 v5, v63;
	v14 =	vld.idx.msk [tilespmem:v62+s13+$0x0], $0xffff;
	v12 =	vpop (erf);
	v43 =	vmul.f32 v44, v42  }
0x349: {  	v39 =	vadd.f32 v30, v39;
	vm10 =	vgt.f32 v0, v1;
	v30 =	vadd.f32 v12, v54;
	v3 =	vld.idx.msk [tilespmem:v48+s13+$0x0], $0xffff  }
0x34a: {  	v0 =	vsel vm10, v0, v1;
	v1 =	vsel vm11, $0xC, v46;
	v46 =	vpop (erf);
	v11 =	vadd.f32 v43, v11;
	v43 =	vld [tilespmem:$0x1F700]  }
0x34b: {  	[tilespmem:$0x1FAD0] =	vst v46;
	v30 =	vadd.f32 v46, v30;
	v46 =	vld [tilespmem:$0x1F710]  }
0x34c: {  	v29 =	vmov v2;
	v2 =	vadd.s32 $0x24, v63;
	vm5 =	vnez.u8 v60;
	v60 =	vld [tilespmem:$0x1F720]  }
0x34d: {  	vm11 =	vgt.f32 v7, v0;
	[tilespmem:$0x1FA60] =	vst v53;
	v5 =	vadd.f32 v14, v37;
	v14 =	vld [tilespmem:$0x1F730]  }
0x34e: {  	v1 =	vsel vm5, $0x12, v1;
	v0 =	vsel vm11, v7, v0;
	v53 =	vadd.s32 $0x48, v63;
	[tilespmem:$0x1FAB0] =	vst v54;
	v54 =	vld.idx.msk [tilespmem:v63+s17+$0x0], $0xffff  }
0x34f: {  	v41 =	vmul.f32 v44, v38;
	vm14 =	vgt.f32 v5, v0;
	v4 =	vld.idx.msk [tilespmem:v4+s17+$0x0], $0xffff;
	vm6 =	vnez.u8 v43  }
0x350: {  	v3 =	vadd.f32 v3, v58;
	v38 =	vsel vm6, $0x18, v1;
	v1 =	vmul.f32 v44, v46;
	v46 =	vld [tilespmem:$0x1F750]  }
0x351: {  	v2 =	vld.idx.msk [tilespmem:v2+s17+$0x0], $0xffff;
	v0 =	vsel vm14, v5, v0;
	v10 =	vadd.f32 v41, v10;
	v42 =	vpop (erf);
	v41 =	vmul.f32 v44, v60  }
0x352: {  	v5 =	vadd.f32 v42, v30;
	vm0 =	vgt.f32 v3, v0;
	v0 =	vadd.f32 v1, v34;
	v34 =	vld [tilespmem:$0x1F740]  }
0x353: {  	[tilespmem:$0x1FAC0] =	vst v12;
	v60 =	vadd.s32 $0x90, v63;
	v12 =	vpop (erf);
	v43 =	vadd.s32 $0x6C, v63  }
0x354: {  	v30 =	vmul.f32 v44, v14;
	v14 =	vadd.f32 v54, v50;
	v54 =	vld [tilespmem:$0x1F770];
	v5 =	vadd.f32 v12, v5  }
0x355: {  	v1 =	vadd.f32 v41, v31;
	v41 =	vpop (erf);
	v31 =	vmul.f32 v46, v4;
	v46 =	vadd.s32 $0xB4, v63  }
0x356: {  	v2 =	vadd.f32 v2, v17;
	v5 =	vadd.f32 v41, v5  }
0x357: {  	v53 =	vld.idx.msk [tilespmem:v53+s17+$0x0], $0xffff;
	v3 =	vadd.f32 v30, v9;
	v9 =	vadd.s32 $0xD8, v34;
	v34 =	vmul.f32 $1.442695020e+00, v14  }
0x358: {  	v2 =	vmul.f32 $1.442695020e+00, v2;
	(erf) = vrcp.f32 v5;
	v5 =	vld.idx.msk [tilespmem:v43+s17+$0x0], $0xffff  }
0x359: {  	v43 =	vmul.f32 v31, v54;
	v54 =	vld.idx.msk [tilespmem:v60+s17+$0x0], $0xffff;
	(erf) = vpow2.f32 v34  }
0x35a: {  	(erf) = vpow2.f32 v2;
	v2 =	vld.idx.msk [tilespmem:v46+s17+$0x0], $0xffff  }
0x35b: {  	v46 =	vld [tilespmem:$0x1F790]  }
0x35c: {  	v60 =	vld [tilespmem:$0x1F780];
	_ =	sdelay $0x1  }
0x35d: {  	v30 =	vld [tilespmem:$0x1F760];
	v53 =	vadd.f32 v53, v16  }
0x35e: {  	v34 =	vld [tilespmem:$0x1F7B0]  }
0x35f: {  	v6 =	vadd.f32 v6, v39;
	v39 =	vmul.f32 $1.442695020e+00, v53;
	v9 =	vld.idx.msk [tilespmem:v9+s17+$0x0], $0xffff;
	v53 =	vmul.f32 v31, v46  }
0x360: {  	v5 =	vadd.f32 v5, v15;
	v14 =	vmul.f32 v31, v60;
	v60 =	vld [tilespmem:$0x1F7A0]  }
0x361: {  	v6 =	vadd.f32 v4, v6;
	v46 =	vadd.f32 v53, v0;
	v53 =	vld [tilespmem:$0x1F7D0]  }
0x362: {  	v10 =	vadd.f32 v43, v10;
	(erf) = vpow2.f32 v39;
	v39 =	vld [tilespmem:$0x1F7C0];
	v5 =	vmul.f32 $1.442695020e+00, v5  }
0x363: {  	v4 =	vld [tilespmem:$0x1F7F0];
	v43 =	vadd.s32 $0xD8, v47;
	v11 =	vadd.f32 v14, v11;
	v14 =	vadd.f32 v54, v29  }
0x364: {  	v7 =	vadd.s32 v22, v36;
	v44 =	vmul.f32 v44, v30;
	(erf) = vpow2.f32 v5;
	v54 =	vld [tilespmem:$0x1F7E0]  }
0x365: {  	v36 =	vld [tilespmem:$0x1F800];
	v2 =	vadd.f32 v2, v13;
	v47 =	vmul.f32 $1.442695020e+00, v14;
	v8 =	vmul.f32 v31, v60  }
0x366: {  	v0 =	vmul.f32 v31, v34;
	v5 =	vmul.f32 v53, v9  }
0x367: {  	v35 =	vadd.f32 v44, v35;
	v31 =	vmul.f32 v31, v39;
	v2 =	vmul.f32 $1.442695020e+00, v2  }
0x368: {  	v43 =	vld.idx.msk [tilespmem:v43+s17+$0x0], $0xffff;
	(erf) = vpow2.f32 v47;
	v1 =	vadd.f32 v8, v1;
	v8 =	vmul.f32 v5, v4  }
0x369: {  	v47 =	vpop (erf);
	(erf) = vpow2.f32 v2;
	v2 =	vadd.s32 $0x24, v7;
	v60 =	vmul.f32 v5, v54;
	v4 =	vld [tilespmem:$0x1F840]  }
0x36a: {  	v44 =	vmul.f32 v5, v36;
	v36 =	vadd.f32 v8, v11;
	v8 =	vld [tilespmem:$0x1F820]  }
0x36b: {  	v31 =	vadd.f32 v31, v35;
	v35 =	vadd.f32 v60, v10;
	v10 =	vld [tilespmem:$0x1F830]  }
0x36c: {  	v53 =	vpop (erf)  }
0x36d: {  	v54 =	vpop (erf)  }
0x36e: {  	[tilespmem:$0x1FAF0] =	vst v53;
	v2 =	vld.idx.msk [tilespmem:v2+s17+$0x0], $0xffff;
	v22 =	vadd.f32 v44, v46;
	v44 =	vadd.s32 $0x48, v7;
	v46 =	vadd.f32 v54, v53  }
0x36f: {  	[tilespmem:$0x1FB00] =	vst v54;
	v34 =	vpop (erf);
	v60 =	vld [tilespmem:$0x1F810];
	v53 =	vmul.f32 v5, v8;
	v8 =	vmul.f32 v5, v4  }
0x370: {  	[tilespmem:$0x1FB10] =	vst v34;
	v54 =	vmul.f32 v10, v43;
	v10 =	vadd.f32 v34, v46;
	v34 =	vld [tilespmem:$0x1F850]  }
0x371: {  	[tilespmem:$0x1FAA0] =	vst v47;
	v47 =	vadd.s32 $0x6C, v7;
	v31 =	vadd.f32 v8, v31;
	v8 =	vld [tilespmem:$0x1F870]  }
0x372: {  	v4 =	vld [tilespmem:$0x1F860]  }
0x373: {  	v39 =	vadd.f32 v0, v3;
	v44 =	vld.idx.msk [tilespmem:v44+s17+$0x0], $0xffff  }
0x374: {  	v46 =	vld.idx.msk [tilespmem:v7+s17+$0x0], $0xffff  }
0x375: {  	v56 =	vld.idx.msk [tilespmem:v56+s14+$0x0], $0xffff;
	v11 =	vmul.f32 v5, v60;
	v39 =	vadd.f32 v53, v39;
	v53 =	vpop (erf)  }
0x376: {  	v47 =	vld.idx.msk [tilespmem:v47+s17+$0x0], $0xffff;
	v60 =	vadd.s32 $0x90, v7;
	v5 =	vadd.f32 v53, v10;
	v10 =	vmul.f32 v54, v8  }
0x377: {  	v2 =	vadd.f32 v2, v17;
	v11 =	vadd.f32 v11, v1;
	v1 =	vmul.f32 v54, v4;
	v4 =	vld [tilespmem:$0x1F880]  }
0x378: {  	v6 =	vadd.f32 v9, v6;
	v0 =	vmul.f32 v54, v34;
	[tilespmem:$0x1FB20] =	vst v53;
	v53 =	vpop (erf);
	v34 =	vld [tilespmem:$0x1F890];
	v44 =	vadd.f32 v44, v16  }
0x379: {  	v27 =	vmovc v15;
	v2 =	vmul.f32 $1.442695020e+00, v2;
	v5 =	vadd.f32 v53, v5;
	v8 =	vadd.f32 v46, v50;
	v46 =	vld [tilespmem:$0x1F8A0]  }
0x37a: {  	v49 =	vld.idx.msk [tilespmem:v49+s14+$0x0], $0xffff;
	v9 =	vadd.f32 v0, v35;
	v0 =	vadd.s32 $0xB4, v7;
	v3 =	vadd.f32 v10, v22;
	v10 =	vpop (erf)  }
0x37b: {  	v60 =	vld.idx.msk [tilespmem:v60+s17+$0x0], $0xffff;
	[tilespmem:$0x1FB30] =	vst v53;
	v53 =	vadd.f32 v47, v15;
	v15 =	vmul.f32 $1.442695020e+00, v44;
	v5 =	vadd.f32 v10, v5  }
0x37c: {  	v45 =	vadd.s32 $0xD8, v45;
	v47 =	vld.idx.msk [tilespmem:v55+s14+$0x0], $0xffff;
	v22 =	vmul.f32 $1.442695020e+00, v8;
	v35 =	vmul.f32 v54, v4  }
0x37d: {  	v36 =	vadd.f32 v1, v36;
	v8 =	vld [tilespmem:$0x1F8B0];
	v1 =	vmul.f32 v54, v34;
	(erf) = vrcp.f32 v5  }
0x37e: {  	[tilespmem:$0x1FB40] =	vst v10;
	v54 =	vmul.f32 v54, v46;
	v10 =	vld [tilespmem:$0x1F8C0];
	(erf) = vpow2.f32 v22  }
0x37f: {  	v0 =	vld.idx.msk [tilespmem:v0+s17+$0x0], $0xffff;
	v46 =	vmul.f32 $1.442695020e+00, v53;
	(erf) = vpow2.f32 v2  }
0x380: {  	v53 =	vld.idx.msk [tilespmem:v61+s14+$0x0], $0xffff;
	(erf) = vpow2.f32 v15  }
0x381: {  	v30 =	vmovc v16;
	v16 =	vadd.f32 v60, v29;
	v11 =	vadd.f32 v35, v11;
	(erf) = vpow2.f32 v46;
	v46 =	vld [tilespmem:$0x1F8D0]  }
0x382: {  	v45 =	vld.idx.msk [tilespmem:v45+s17+$0x0], $0xffff;
	v1 =	vadd.f32 v1, v39;
	v39 =	vadd.f32 v43, v6  }
0x383: {  	[tilespmem:$0x1FAE0] =	vst v12;
	v12 =	vimm.s32 $0x0;
	v60 =	vld [tilespmem:$0x1F920];
	v43 =	vadd.f32 v49, v8;
	v44 =	vadd.f32 v47, v10  }
0x384: {  	v55 =	vmul.f32 $1.442695020e+00, v16;
	v35 =	vadd.f32 v54, v31;
	v49 =	vld [tilespmem:$0x1F8E0];
	v2 =	vadd.f32 v56, v52  }
0x385: {  	v56 =	vld [tilespmem:$0x1F900];
	v0 =	vadd.f32 v0, v13;
	v5 =	vadd.f32 v53, v32;
	vm5 =	vgt.f32 v44, v43  }
0x386: {  	v14 =	vmovc v13;
	v53 =	vld [tilespmem:$0x1F8F0];
	v13 =	vsel vm12, $0x1, v12;
	v6 =	vsel vm5, v44, v43;
	vm13 =	vnez.u8 v46  }
0x387: {  	(erf) = vpow2.f32 v55;
	v55 =	vld.idx.msk [tilespmem:v62+s14+$0x0], $0xffff;
	vm12 =	vgt.f32 v5, v6;
	v47 =	vsel vm13, $0x1E, v38  }
0x388: {  	v0 =	vmul.f32 $1.442695020e+00, v0;
	v16 =	vsel vm12, v5, v6;
	v6 =	vld [tilespmem:$0x1F910];
	v61 =	vadd.s32 v47, v40;
	v40 =	vpop (erf)  }
0x389: {  	v15 =	vmov v52;
	v52 =	vsel vm4, $0x2, v13;
	v38 =	vmul.f32 v49, v45;
	v49 =	vpop (erf)  }
0x38a: {  	v5 =	vld.idx.msk [tilespmem:v48+s14+$0x0], $0xffff;
	vm13 =	vgt.f32 v2, v16;
	(erf) = vpow2.f32 v0;
	v44 =	vadd.s32 $0x24, v61;
	v62 =	vpop (erf)  }
0x38b: {  	v54 =	vmul.f32 v38, v53;
	v47 =	vadd.s32 $0x48, v61;
	v53 =	vadd.f32 v62, v49  }
0x38c: {  	v43 =	vmul.f32 v38, v56;
	v48 =	vmul.f32 v38, v60;
	v60 =	vadd.s32 $0x6C, v61;
	v56 =	vpop (erf)  }
0x38d: {  	v0 =	vsel vm13, v2, v16;
	v31 =	vadd.f32 v55, v6;
	v13 =	vadd.f32 v56, v53;
	v16 =	vld.idx.msk [tilespmem:v61+s17+$0x0], $0xffff  }
0x38e: {  	[tilespmem:$0x1FB60] =	vst v49;
	v55 =	vadd.s32 $0x90, v61;
	v22 =	vadd.f32 v54, v9;
	v49 =	vsel vm2, $0x6, v12;
	v12 =	vld [tilespmem:$0x1F930];
	v9 =	vpop (erf)  }
0x38f: {  	v2 =	vsel vm15, $0x3, v52;
	v5 =	vadd.f32 v5, v23;
	v44 =	vld.idx.msk [tilespmem:v44+s17+$0x0], $0xffff;
	v46 =	vadd.f32 v9, v13  }
0x390: {  	v36 =	vadd.f32 v43, v36;
	vm15 =	vgt.f32 v31, v0;
	v47 =	vld.idx.msk [tilespmem:v47+s17+$0x0], $0xffff;
	v13 =	vor.u32 $0x3300, v57  }
0x391: {  	v43 =	vadd.f32 v48, v3;
	v0 =	vsel vm15, v31, v0;
	v54 =	vld.idx.msk [tilespmem:v60+s17+$0x0], $0xffff;
	v53 =	vpop (erf);
	v60 =	vor.u32 s20, v13  }
0x392: {  	v4 =	vmovc v50;
	v31 =	vadd.f32 v53, v46;
	v16 =	vadd.f32 v16, v50;
	v50 =	vor.u32 $0x3380, v57  }
0x393: {  	vm6 =	vgt.f32 v5, v0;
	v55 =	vld.idx.msk [tilespmem:v55+s17+$0x0], $0xffff;
	v5 =	vmul.f32 v38, v12;
	v46 =	vpop (erf);
	v0 =	vor.u32 s20, v50  }
0x394: {  	v12 =	vor.u32 $0x3400, v57;
	v44 =	vadd.f32 v44, v17;
	v31 =	vadd.f32 v46, v31  }
0x395: {  	v3 =	vmovc v17;
	v11 =	vadd.f32 v5, v11;
	v17 =	vadd.f32 v47, v30;
	v48 =	vmul.f32 $1.442695020e+00, v16  }
0x396: {  	v52 =	vld [tilespmem:$0x1F940];
	v16 =	vadd.s32 $0xB4, v61;
	v13 =	vmul.f32 $1.442695020e+00, v44;
	(erf) = vrcp.f32 v31  }
0x397: {  	v44 =	vor.u32 s20, v12;
	v12 =	vadd.f32 v54, v27;
	(erf) = vpow2.f32 v48;
	v48 =	vld.idx.msk [tilespmem:v60+s13+$0x0], $0xffff  }
0x398: {  	v5 =	vmul.f32 $1.442695020e+00, v17;
	(erf) = vpow2.f32 v13;
	v13 =	vadd.f32 v55, v29;
	v54 =	vld.idx.msk [tilespmem:v0+s13+$0x0], $0xffff  }
0x399: {  	v47 =	vmul.f32 $1.442695020e+00, v12  }
0x39a: {  	v34 =	vmovc v29;
	v29 =	vor.u32 $0x3480, v57;
	(erf) = vpow2.f32 v5;
	v13 =	vmul.f32 $1.442695020e+00, v13  }
0x39b: {  	v55 =	vor.u32 s20, v29;
	(erf) = vpow2.f32 v47  }
0x39c: {  	v31 =	vmul.f32 v38, v52;
	v52 =	vor.u32 $0x3580, v57;
	v16 =	vld.idx.msk [tilespmem:v16+s17+$0x0], $0xffff;
	(erf) = vpow2.f32 v13  }
0x39d: {  	v5 =	vadd.f32 v48, v21;
	v13 =	vor.u32 s20, v52;
	v21 =	vadd.f32 v54, v59;
	v54 =	vld [tilespmem:$0x1F950]  }
0x39e: {  	v12 =	vor.u32 $0x3500, v57;
	v50 =	vld.idx.msk [tilespmem:v44+s13+$0x0], $0xffff  }
0x39f: {  	v17 =	vor.u32 s20, v12;
	v29 =	vadd.s32 $0xD8, v20;
	v20 =	vld [tilespmem:$0x1F960]  }
0x3a0: {  	v48 =	vld.idx.msk [tilespmem:v55+s13+$0x0], $0xffff  }
0x3a1: {  	v2 =	vsel vm7, $0x4, v2;
	v0 =	vld.idx.msk [tilespmem:v0+s14+$0x0], $0xffff  }
0x3a2: {  	v2 =	vsel vm1, $0x5, v2;
	v12 =	vld.idx.msk [tilespmem:v13+s13+$0x0], $0xffff;
	vm4 =	vnez.u8 v54  }
0x3a3: {  	vm1 =	vgt.f32 v21, v5;
	v59 =	vsel vm4, $0xC, v49;
	v49 =	vadd.f32 v50, v51;
	v51 =	vld [tilespmem:$0x1F970]  }
0x3a4: {  	vm7 =	vnez.u8 v20;
	v16 =	vadd.f32 v16, v14;
	v52 =	vsel vm1, v21, v5;
	v50 =	vld.idx.msk [tilespmem:v17+s13+$0x0], $0xffff  }
0x3a5: {  	v54 =	vld.idx.msk [tilespmem:v29+s17+$0x0], $0xffff;
	v33 =	vadd.f32 v48, v33;
	v47 =	vsel vm7, $0x12, v59;
	vm2 =	vgt.f32 v49, v52  }
0x3a6: {  	v47 =	vsel vm3, $0x18, v47;
	v20 =	vsel vm2, v49, v52;
	v52 =	vld [tilespmem:$0x1F980]  }
0x3a7: {  	v29 =	vmul.f32 $1.442695020e+00, v16;
	v47 =	vsel vm8, $0x1E, v47;
	vm3 =	vgt.f32 v33, v20  }
0x3a8: {  	v59 =	vpop (erf);
	v16 =	vmul.f32 v38, v51;
	v51 =	vadd.s32 v47, v2;
	v33 =	vsel vm3, v33, v20;
	v20 =	vld [tilespmem:$0x1F9A0]  }
0x3a9: {  	v31 =	vadd.f32 v31, v1;
	v21 =	vpop (erf);
	v37 =	vadd.f32 v50, v37;
	v50 =	vadd.s32 $0x6C, v51  }
0x3aa: {  	v0 =	vadd.f32 v0, v10;
	v2 =	vpop (erf);
	v38 =	vadd.f32 v12, v58;
	v58 =	vld [tilespmem:$0x1F990]  }
0x3ab: {  	(erf) = vpow2.f32 v29;
	[tilespmem:$0x1FB50] =	vst v59;
	v29 =	vadd.f32 v2, v21;
	v59 =	vmul.f32 v52, v54  }
0x3ac: {  	v10 =	vld.idx.msk [tilespmem:v55+s14+$0x0], $0xffff;
	v5 =	vadd.s32 $0x24, v51;
	v1 =	vpop (erf);
	v16 =	vadd.f32 v16, v35;
	vm4 =	vgt.f32 v37, v33  }
0x3ad: {  	v35 =	vadd.f32 v1, v29;
	v33 =	vsel vm4, v37, v33;
	v29 =	vmul.f32 v59, v20;
	v20 =	vld [tilespmem:$0x1F9C0]  }
0x3ae: {  	v48 =	vadd.s32 $0x48, v51;
	vm7 =	vgt.f32 v38, v33;
	v38 =	vld.idx.msk [tilespmem:v50+s17+$0x0], $0xffff  }
0x3af: {  	v47 =	vmul.f32 v59, v58;
	v50 =	vld [tilespmem:$0x1F9B0]  }
0x3b0: {  	v52 =	vadd.s32 $0x90, v51;
	v49 =	vld.idx.msk [tilespmem:v51+s17+$0x0], $0xffff  }
0x3b1: {  	v58 =	vld.idx.msk [tilespmem:v5+s17+$0x0], $0xffff;
	v5 =	vpop (erf)  }
0x3b2: {  	v35 =	vadd.f32 v5, v35;
	v36 =	vadd.f32 v29, v36;
	v29 =	vld [tilespmem:$0x1F9D0]  }
0x3b3: {  	v48 =	vld.idx.msk [tilespmem:v48+s17+$0x0], $0xffff;
	v22 =	vadd.f32 v47, v22;
	v47 =	vpop (erf)  }
0x3b4: {  	v35 =	vadd.f32 v47, v35;
	v37 =	vmul.f32 v59, v50;
	v50 =	vmul.f32 v59, v20;
	v20 =	vld [tilespmem:$0x1F9E0]  }
0x3b5: {  	v33 =	vadd.f32 v45, v39;
	v39 =	vld.idx.msk [tilespmem:v52+s17+$0x0], $0xffff;
	v52 =	vadd.s32 $0xB4, v51;
	v45 =	vpop (erf)  }
0x3b6: {  	v19 =	vadd.s32 $0xD8, v19;
	v49 =	vadd.f32 v49, v4;
	v35 =	vadd.f32 v45, v35  }
0x3b7: {  	v55 =	vadd.f32 v10, v15;
	v58 =	vadd.f32 v58, v3;
	v12 =	vmul.f32 v59, v29  }
0x3b8: {  	v48 =	vadd.f32 v48, v30;
	v49 =	vmul.f32 $1.442695020e+00, v49;
	(erf) = vrcp.f32 v35  }
0x3b9: {  	v38 =	vadd.f32 v38, v27;
	v59 =	vmul.f32 v59, v20;
	v20 =	vmul.f32 $1.442695020e+00, v58;
	v58 =	vld.idx.msk [tilespmem:v60+s14+$0x0], $0xffff  }
0x3ba: {  	v48 =	vmul.f32 $1.442695020e+00, v48;
	v39 =	vadd.f32 v39, v34;
	(erf) = vpow2.f32 v49;
	v49 =	vld.idx.msk [tilespmem:v52+s17+$0x0], $0xffff  }
0x3bb: {  	v43 =	vadd.f32 v37, v43;
	v29 =	vmul.f32 $1.442695020e+00, v38;
	v11 =	vadd.f32 v50, v11;
	v52 =	vld.idx.msk [tilespmem:v44+s14+$0x0], $0xffff  }
0x3bc: {  	v50 =	vmul.f32 $1.442695020e+00, v39;
	v60 =	vimm.s32 $0x0;
	(erf) = vpow2.f32 v20  }
0x3bd: {  	v16 =	vadd.f32 v59, v16;
	v59 =	vsel vm5, $0x1, v60;
	(erf) = vpow2.f32 v48  }
0x3be: {  	v35 =	vsel vm12, $0x2, v59;
	v58 =	vadd.f32 v58, v8;
	v8 =	vsel vm9, $0x6, v60  }
0x3bf: {  	v19 =	vld.idx.msk [tilespmem:v19+s17+$0x0], $0xffff;
	(erf) = vpow2.f32 v29;
	v37 =	vadd.f32 v49, v14;
	v38 =	vsel vm10, $0xC, v8  }
0x3c0: {  	v59 =	vld [tilespmem:$0x1F9F0];
	v39 =	vadd.f32 v52, v32;
	v35 =	vsel vm13, $0x3, v35;
	v38 =	vsel vm11, $0x12, v38  }
0x3c1: {  	v17 =	vld.idx.msk [tilespmem:v17+s14+$0x0], $0xffff;
	(erf) = vpow2.f32 v50;
	v35 =	vsel vm15, $0x4, v35;
	v38 =	vsel vm14, $0x18, v38  }
0x3c2: {  	v35 =	vsel vm6, $0x5, v35;
	v8 =	vld [tilespmem:$0x1FA00];
	v38 =	vsel vm0, $0x1E, v38;
	vm0 =	vgt.f32 v0, v58  }
0x3c3: {  	v13 =	vld.idx.msk [tilespmem:v13+s14+$0x0], $0xffff;
	v37 =	vmul.f32 $1.442695020e+00, v37;
	v44 =	vadd.s32 v38, v35;
	v52 =	vsel vm0, v0, v58  }
0x3c4: {  	v12 =	vadd.f32 v12, v31;
	v31 =	vpop (erf);
	vm12 =	vgt.f32 v39, v52;
	v38 =	vadd.s32 $0x24, v44  }
0x3c5: {  	v20 =	vld [tilespmem:$0x1FA10];
	(erf) = vpow2.f32 v37;
	v0 =	vpop (erf);
	v35 =	vsel vm12, v39, v52;
	v52 =	vmul.f32 v59, v19  }
0x3c6: {  	v17 =	vadd.f32 v17, v6;
	v48 =	vadd.f32 v54, v33;
	v33 =	vpop (erf);
	v39 =	vadd.s32 $0x48, v44  }
0x3c7: {  	v58 =	vadd.f32 v33, v0;
	vm13 =	vgt.f32 v55, v35;
	v10 =	vmul.f32 v52, v8;
	v8 =	vld [tilespmem:$0x1FA30]  }
0x3c8: {  	v23 =	vadd.f32 v13, v23;
	v37 =	vpop (erf);
	v35 =	vsel vm13, v55, v35;
	v54 =	vld.idx.msk [tilespmem:v44+s17+$0x0], $0xffff  }
0x3c9: {  	v50 =	vadd.s32 $0x6C, v44;
	v49 =	vadd.f32 v37, v58;
	vm14 =	vgt.f32 v17, v35;
	v38 =	vld.idx.msk [tilespmem:v38+s17+$0x0], $0xffff  }
0x3ca: {  	v13 =	vpop (erf);
	v55 =	vadd.s32 $0x90, v44;
	v29 =	vmul.f32 v52, v20;
	v17 =	vsel vm14, v17, v35;
	v35 =	vld [tilespmem:$0x1FA20]  }
0x3cb: {  	v18 =	vadd.s32 $0xD8, v18;
	v49 =	vadd.f32 v13, v49;
	v39 =	vld.idx.msk [tilespmem:v39+s17+$0x0], $0xffff  }
0x3cc: {  	v59 =	vld [tilespmem:$0x1FA40];
	vm15 =	vgt.f32 v23, v17;
	v23 =	vadd.f32 v29, v36;
	v36 =	vpop (erf)  }
0x3cd: {  	v15 =	vadd.s32 $0xB4, v44;
	v29 =	vld [tilespmem:$0x1FA50];
	v49 =	vadd.f32 v36, v49  }
0x3ce: {  	v17 =	vadd.f32 v10, v22;
	v22 =	vld.idx.msk [tilespmem:v50+s17+$0x0], $0xffff;
	v32 =	vpop (erf);
	v10 =	vmul.f32 v52, v8;
	v54 =	vadd.f32 v54, v4  }
0x3cf: {  	v55 =	vld.idx.msk [tilespmem:v55+s17+$0x0], $0xffff;
	v8 =	vsel vm0, $0x1, v60;
	v49 =	vadd.f32 v32, v49;
	v6 =	vmul.f32 v52, v35  }
0x3d0: {  	v18 =	vld.idx.msk [tilespmem:v18+s17+$0x0], $0xffff;
	v38 =	vadd.f32 v38, v3;
	v54 =	vmul.f32 $1.442695020e+00, v54;
	v39 =	vadd.f32 v39, v30  }
0x3d1: {  	(erf) = vrcp.f32 v49;
	v49 =	vld [tilespmem:$0x1FA60];
	v35 =	vadd.f32 v6, v43;
	v6 =	vmul.f32 v52, v59  }
0x3d2: {  	v11 =	vadd.f32 v10, v11;
	v52 =	vmul.f32 v52, v29;
	v38 =	vmul.f32 $1.442695020e+00, v38  }
0x3d3: {  	v22 =	vadd.f32 v22, v27;
	(erf) = vpow2.f32 v54;
	v39 =	vmul.f32 $1.442695020e+00, v39  }
0x3d4: {  	v59 =	vadd.s32 $0xD8, v26;
	v54 =	vadd.f32 v55, v34;
	(erf) = vpow2.f32 v38  }
0x3d5: {  	v10 =	vsel vm1, $0x6, v60;
	v22 =	vmul.f32 $1.442695020e+00, v22;
	(erf) = vpow2.f32 v39  }
0x3d6: {  	v26 =	vsel vm12, $0x2, v8;
	v55 =	vld.idx.msk [tilespmem:v15+s17+$0x0], $0xffff;
	v58 =	vmul.f32 $1.442695020e+00, v54;
	v43 =	vmul.f32 v49, v18  }
0x3d7: {  	v50 =	vld [tilespmem:$0x1FA70];
	v29 =	vsel vm2, $0xC, v10;
	(erf) = vpow2.f32 v22;
	v22 =	vsel vm13, $0x3, v26  }
0x3d8: {  	v54 =	vld [tilespmem:$0x1FA80];
	(erf) = vpow2.f32 v58;
	v22 =	vsel vm14, $0x4, v22;
	v58 =	vmul.f32 v43, v28  }
0x3d9: {  	v38 =	vsel vm3, $0x12, v29;
	v15 =	vld.idx.msk [tilespmem:v59+s17+$0x0], $0xffff;
	v22 =	vsel vm15, $0x5, v22  }
0x3da: {  	v38 =	vsel vm4, $0x18, v38;
	v35 =	vadd.f32 v58, v35;
	v58 =	vld [tilespmem:$0x1FAA0]  }
0x3db: {  	v19 =	vadd.f32 v19, v48;
	v38 =	vsel vm7, $0x1E, v38;
	v48 =	vadd.f32 v55, v14;
	v29 =	vpop (erf)  }
0x3dc: {  	v16 =	vadd.f32 v52, v16;
	v52 =	vmul.f32 v43, v50;
	v38 =	vadd.s32 v38, v22;
	v22 =	vpop (erf)  }
0x3dd: {  	v8 =	vld [tilespmem:$0x1FA90];
	v12 =	vadd.f32 v6, v12;
	v20 =	vmul.f32 v43, v25;
	v39 =	vmul.f32 $1.442695020e+00, v48;
	v28 =	vpop (erf)  }
0x3de: {  	v6 =	vld [tilespmem:$0x1FAD0];
	v55 =	vmul.f32 v43, v54;
	v50 =	vadd.s32 $0x24, v38;
	v59 =	vadd.f32 v28, v22  }
0x3df: {  	v12 =	vadd.f32 v20, v12;
	v20 =	vld [tilespmem:$0x1FAC0];
	v25 =	vpop (erf);
	v54 =	vmul.f32 v58, v15;
	v58 =	vadd.s32 $0x48, v38  }
0x3e0: {  	(erf) = vpow2.f32 v39;
	v39 =	vadd.f32 v25, v59;
	v59 =	vld [tilespmem:$0x1FAB0]  }
0x3e1: {  	v49 =	vld [tilespmem:$0x1FAE0];
	v17 =	vadd.f32 v52, v17;
	v52 =	vadd.s32 $0xD8, v63  }
0x3e2: {  	v7 =	vadd.s32 $0xD8, v7;
	v10 =	vmul.f32 v43, v8;
	v23 =	vadd.f32 v55, v23;
	v55 =	vld.idx.msk [tilespmem:v38+s17+$0x0], $0xffff  }
0x3e3: {  	v48 =	vld.idx.msk [tilespmem:v50+s17+$0x0], $0xffff;
	v50 =	vadd.s32 $0x6C, v38  }
0x3e4: {  	v18 =	vadd.f32 v18, v19;
	v11 =	vadd.f32 v10, v11;
	v43 =	vmul.f32 v43, v24;
	v58 =	vld.idx.msk [tilespmem:v58+s17+$0x0], $0xffff  }
0x3e5: {  	v24 =	vpop (erf);
	v26 =	vmul.f32 v54, v20;
	v63 =	vmul.f32 v54, v59;
	v59 =	vadd.s32 $0x90, v38  }
0x3e6: {  	v16 =	vadd.f32 v43, v16;
	v43 =	vld.idx.msk [tilespmem:v52+s17+$0x0], $0xffff;
	v39 =	vadd.f32 v24, v39  }
0x3e7: {  	v7 =	vld.idx.msk [tilespmem:v7+s17+$0x0], $0xffff;
	v8 =	vpop (erf);
	v10 =	vmul.f32 v54, v6;
	v19 =	vadd.f32 v26, v23;
	v23 =	vadd.f32 v55, v4  }
0x3e8: {  	v55 =	vadd.s32 $0xB4, v38;
	v39 =	vadd.f32 v8, v39;
	v50 =	vld.idx.msk [tilespmem:v50+s17+$0x0], $0xffff;
	v17 =	vadd.f32 v63, v17  }
0x3e9: {  	v26 =	vpop (erf);
	v63 =	vadd.f32 v48, v3;
	v48 =	vadd.f32 v58, v30;
	v58 =	vmul.f32 v54, v49;
	v49 =	vld [tilespmem:$0x1FB00]  }
0x3ea: {  	v42 =	vmul.f32 v54, v42;
	v41 =	vmul.f32 v54, v41;
	v39 =	vadd.f32 v26, v39;
	v59 =	vld.idx.msk [tilespmem:v59+s17+$0x0], $0xffff  }
0x3eb: {  	v40 =	vmul.f32 v40, v43;
	v23 =	vmul.f32 $1.442695020e+00, v23;
	v54 =	vld [tilespmem:$0x1FB10]  }
0x3ec: {  	(erf) = vrcp.f32 v39;
	v20 =	vmul.f32 $1.442695020e+00, v63;
	v12 =	vadd.f32 v58, v12;
	v58 =	vld [tilespmem:$0x1FB20]  }
0x3ed: {  	v15 =	vadd.f32 v15, v18;
	(erf) = vpow2.f32 v23;
	v23 =	vmul.f32 $1.442695020e+00, v48;
	v48 =	vld.idx.msk [tilespmem:v55+s17+$0x0], $0xffff  }
0x3ee: {  	v6 =	vld [tilespmem:$0x1FAF0];
	v35 =	vadd.f32 v10, v35;
	v63 =	vadd.f32 v50, v27;
	(erf) = vpow2.f32 v20  }
0x3ef: {  	v11 =	vadd.f32 v42, v11;
	v42 =	vld [tilespmem:$0x1FB30];
	v50 =	vmul.f32 v40, v49;
	v52 =	vadd.f32 v59, v34  }
0x3f0: {  	v16 =	vadd.f32 v41, v16;
	v20 =	vmul.f32 $1.442695020e+00, v63;
	(erf) = vpow2.f32 v23;
	v49 =	vld [tilespmem:$0x1FB40]  }
0x3f1: {  	v18 =	vadd.f32 v50, v19;
	v59 =	vmul.f32 v40, v58;
	v19 =	vmul.f32 $1.442695020e+00, v52;
	v52 =	vld [tilespmem:$0x1FB50]  }
0x3f2: {  	(erf) = vpow2.f32 v20;
	v55 =	vmul.f32 v40, v54;
	v41 =	vadd.f32 v48, v14  }
0x3f3: {  	v10 =	vmul.f32 v40, v6;
	v63 =	vadd.s32 $0xD8, v61;
	v11 =	vadd.f32 v59, v11;
	v59 =	vld [tilespmem:$0x1FB60]  }
0x3f4: {  	v20 =	vadd.f32 v55, v35;
	v55 =	vmul.f32 $1.442695020e+00, v41;
	(erf) = vpow2.f32 v19  }
0x3f5: {  	v15 =	vadd.f32 v43, v15;
	v48 =	vmul.f32 v40, v42;
	v23 =	vpop (erf);
	v50 =	vmul.f32 v40, v49  }
0x3f6: {  	v17 =	vadd.f32 v10, v17;
	v27 =	vpop (erf);
	(erf) = vpow2.f32 v55;
	v54 =	vmul.f32 v52, v7  }
0x3f7: {  	v42 =	vadd.s32 $0xD8, v51;
	v12 =	vadd.f32 v48, v12;
	v58 =	vadd.f32 v50, v16;
	v19 =	vpop (erf)  }
0x3f8: {  	v16 =	vld.idx.msk [tilespmem:v63+s17+$0x0], $0xffff;
	v50 =	vadd.s32 $0xD8, v44;
	v43 =	vadd.f32 v19, v27;
	v61 =	vmul.f32 v54, v59  }
0x3f9: {  	v48 =	vpop (erf);
	v7 =	vadd.f32 v7, v15;
	v63 =	vmul.f32 v54, v62;
	v3 =	vmul.f32 v54, v56  }
0x3fa: {  	v9 =	vmul.f32 v54, v9;
	v6 =	vadd.f32 v61, v17;
	v17 =	vadd.f32 v48, v43  }
0x3fb: {  	v51 =	vpop (erf);
	v49 =	vmul.f32 v54, v53;
	v52 =	vmul.f32 v54, v46;
	v18 =	vadd.f32 v63, v18  }
0x3fc: {  	v54 =	vld.idx.msk [tilespmem:v42+s17+$0x0], $0xffff;
	v56 =	vadd.s32 $0xD8, v38;
	v20 =	vadd.f32 v3, v20;
	v55 =	vadd.f32 v51, v17  }
0x3fd: {  	v9 =	vadd.f32 v9, v11;
	v53 =	vmul.f32 v31, v16;
	v4 =	vadd.f32 v49, v12;
	v59 =	vpop (erf)  }
0x3fe: {  	v3 =	vadd.f32 v52, v58;
	v12 =	vadd.f32 v59, v55  }
0x3ff: {  	v61 =	vld.idx.msk [tilespmem:v50+s17+$0x0], $0xffff;
	v7 =	vadd.f32 v16, v7;
	v58 =	vmul.f32 v53, v21;
	v2 =	vmul.f32 v53, v2;
	v62 =	vpop (erf)  }
0x400: {  	v1 =	vmul.f32 v53, v1;
	v5 =	vmul.f32 v53, v5;
	v12 =	vadd.f32 v62, v12  }
0x401: {  	v63 =	vmul.f32 v53, v47;
	v29 =	vmul.f32 v29, v54;
	v17 =	vld.idx.msk [tilespmem:v56+s17+$0x0], $0xffff;
	v7 =	vadd.f32 v54, v7  }
0x402: {  	v50 =	vld [tilespmem:$0x1FB70];
	v6 =	vadd.f32 v58, v6;
	v2 =	vadd.f32 v2, v18;
	(erf) = vrcp.f32 v12  }
0x403: {  	v10 =	vmul.f32 v53, v45;
	v1 =	vadd.f32 v1, v20;
	v5 =	vadd.f32 v5, v9  }
0x404: {  	v4 =	vadd.f32 v63, v4;
	v0 =	vmul.f32 v29, v0;
	v7 =	vadd.f32 v61, v7  }
0x405: {  	v3 =	vadd.f32 v10, v3;
	v30 =	vmul.f32 v29, v33;
	v31 =	vmul.f32 v29, v37  }
0x406: {  	v33 =	vmul.f32 v29, v13;
	v35 =	vmul.f32 v23, v61;
	v7 =	vadd.f32 v17, v7  }
0x407: {  	v37 =	vmul.f32 v29, v36;
	v38 =	vmul.f32 v29, v32;
	v11 =	vshll.u32 v50, $0x7  }
0x408: {  	v53 =	vor.u32 $0x2, v11;
	v0 =	vadd.f32 v0, v6;
	(erf) = vrcp.f32 v7  }
0x409: {  	v55 =	vor.u32 $0x3, v11;
	v2 =	vadd.f32 v30, v2;
	v1 =	vadd.f32 v31, v1  }
0x40a: {  	v40 =	vmul.f32 v35, v22;
	v5 =	vadd.f32 v33, v5;
	v41 =	vmul.f32 v35, v28  }
0x40b: {  	v4 =	vadd.f32 v37, v4;
	v42 =	vmul.f32 v35, v25;
	v44 =	vmul.f32 v35, v24;
	v43 =	vpop (erf)  }
0x40c: {  	v3 =	vadd.f32 v38, v3;
	v8 =	vmul.f32 v35, v8;
	v9 =	vmul.f32 v43, v17  }
0x40d: {  	v45 =	vmul.f32 v35, v26;
	v0 =	vadd.f32 v40, v0;
	v2 =	vadd.f32 v41, v2  }
0x40e: {  	v1 =	vadd.f32 v42, v1;
	v5 =	vadd.f32 v44, v5;
	v46 =	vmul.f32 v9, v27  }
0x40f: {  	v4 =	vadd.f32 v8, v4;
	v47 =	vmul.f32 v9, v19;
	v48 =	vmul.f32 v9, v48  }
0x410: {  	v49 =	vmul.f32 v9, v51;
	v51 =	vor.u32 $0x1, v11;
	v0 =	vadd.f32 v46, v0  }
0x411: {  	v56 =	vor.u32 $0x4, v11;
	v3 =	vadd.f32 v45, v3;
	v52 =	vpop (erf);
	v2 =	vadd.f32 v47, v2  }
0x412: {  	v54 =	vmul.f32 v9, v59;
	v1 =	vadd.f32 v48, v1;
	v0 =	vmul.f32 v0, v52  }
0x413: {  	v9 =	vmul.f32 v9, v62;
	v5 =	vadd.f32 v49, v5;
	v2 =	vmul.f32 v2, v52  }
0x414: {  	p0 =	sne.s32 s20, $0x70;
	v59 =	vor.u32 $0x5, v11;
	v4 =	vadd.f32 v54, v4;
	v58 =	vmul.f32 v1, v52;
	[tilespmem:v11+s18+$0x0] =	vst.idx.msk $0xffff, v0  }
.Ltmp0:
0x415: {  	v3 =	vadd.f32 v9, v3;
	v61 =	vmul.f32 v5, v52;
	[tilespmem:v51+s18+$0x0] =	vst.idx.msk $0xffff, v2;
	(pc) =	sbr.rel @p0 .LBB2_2-.Ltmp0, $4  }
0x416: {  	v62 =	vmul.f32 v4, v52;
	[tilespmem:v53+s18+$0x0] =	vst.idx.msk $0xffff, v58  }
0x417: {  	v63 =	vmul.f32 v3, v52;
	[tilespmem:v55+s18+$0x0] =	vst.idx.msk $0xffff, v61  }
0x418: {  	[tilespmem:v56+s18+$0x0] =	vst.idx.msk $0xffff, v62  }
0x419: {  	s20 =	sadd.s32 $0x10, s20;
	[tilespmem:v59+s18+$0x0] =	vst.idx.msk $0xffff, v63  }
0x41a: {  	s19 =	sadd.s32 $0x1, s19  }
0x41b: {  	p0 =	sne.s32 s19, s9  }
.Ltmp1:
0x41c: {  	_ = 	snop;
	(pc) =	sbr.rel @p0 .LBB2_1-.Ltmp1, $4  }
0x41d: {  	[hbm4b:s8+s3] =	stream.linear.scatter [tilespmem:s18], [sflag:$0x1], $0x4000, $0x38;
	[tilespmem:$0xC980] =	vst v63  }
0x41e: {  	_ =	swait.ge [sflag:s12], $0x4000  }
0x41f: {  	[sflag:s12] =	ssyncset.done $0x0  }
0x420: {  	[sflag:s12] =	ssyncadd.s32 $0xFFFFC000  }
0x421: {  	_ =	sfence.sel $0x180000  }
0x422: {  	[bflag:$0x0] =	sbarrier.arrive $0xFFFF  }
0x423: {  	p0 =	sne.s32 s0, $0x0;
	_ =	strace $0x90000047  }
0x424: {  	s0 =	sadd.s32 @!p0 $0x100000, s1;
	[bflag:$0x2] =	sbarrier.arrive $0xFFFF  }
0x425: {  	[sflag:s0] =	ssyncadd.tile.s32 @!p0 $0x1;
	_ =	shalt  }
.Lfunc_end2:
_tile_overlayer_lowered:
.L_overlay_start_2:
0x426: {  	(tag) =	ssettag $0x2  }
0x427: {  	s0 =	rddreg [dreg:$0x0];
	s2 =	stileid.u32  }
0x428: {  	s1 =	rddreg [dreg:$0x1];
	p0 =	sne.s32 s2, $0x0  }
0x429: {  	s3 =	rddreg [dreg:$0x2];
	[bflag:$0x3] =	sbarrier.arrive $0xFFFF;
	s2 =	simm.s32 @!p0 $0x1C01  }
0x42a: {  	[timem:s3], [sflag:s2] =	dma.local @!p0 [hbm:s0], s1  }
0x42b: {  	s0 =	simm.s32 @!p0 $0x1  }
0x42c: {  	_ =	swait.ge @!p0 [sflag:s0], s1  }
0x42d: {  	s1 =	ssub.s32 @!p0 $0x0, s1;
	[sflag:s0] =	ssyncset.done @!p0 $0x0  }
0x42e: {  	[sflag:s0] =	ssyncadd.s32 @!p0 s1  }
0x42f: {  	[bflag:$0x3] =	sbarrier.arrive $0xFFFF  }
0x430: {  	_ =	shalt  }

</sc_bundles>
